<compile_context>
chip_gen: v7x
topology: tpu7x:2x2x1
jax: 0.10.2.dev20260603
libtpu: 0.0.44.dev20260713+nightly
codegen_flags: <defaults>
</compile_context>

<pallas_src>
import functools

import jax
import jax.numpy as jnp
from jax import lax
from jax.experimental import pallas as pl
from jax.experimental.pallas import tpu as pltpu
from jax.experimental.pallas import tpu_sc as plsc

B, T, V, D = 4096, 200, 1000, 64
L = 16
NW = 32
BW = B // NW
NG = 4
NO = 2


def _sc_embed(xt, aug_table, pos_table):
    mesh = plsc.VectorSubcoreMesh(core_axis_name="c", subcore_axis_name="s")

    @functools.partial(
        pl.kernel,
        mesh=mesh,
        compiler_params=pltpu.CompilerParams(use_tc_tiling_on_sc=False, needs_layout_passes=False),
        out_type=jax.ShapeDtypeStruct((T, D // 8, NW, 8, BW), jnp.float32),
        scratch_types=(
            [pltpu.VMEM((T, BW), jnp.int32)]
            + [pltpu.VMEM((BW, D), jnp.float32) for _ in range(NG)]
            + [pltpu.VMEM((D // 8, 8, BW + 1), jnp.float32) for _ in range(NO)]
            + [pltpu.VMEM((T, D), jnp.float32)]
            + [pltpu.SemaphoreType.DMA for _ in range(NG + NO)]
        ),
    )
    def k(x_hbm, aug_hbm, pos_hbm, out_hbm, idx_v, r0, r1, r2, r3, o0, o1,
          pos_v, g0, g1, g2, g3, s0, s1):
        rows = (r0, r1, r2, r3)
        outs = (o0, o1)
        gsem = (g0, g1, g2, g3)
        osem = (s0, s1)
        wid = lax.axis_index("s") * 2 + lax.axis_index("c")
        b0 = wid * BW

        pltpu.sync_copy(pos_hbm, pos_v)
        pltpu.sync_copy(x_hbm.at[:, pl.ds(b0, BW)], idx_v)

        def remap(t, carry):
            for kk in range(BW // L):
                v = idx_v[t, pl.ds(kk * L, L)]
                idx_v[t, pl.ds(kk * L, L)] = jnp.where(v == 2, t + V, v)
            return carry

        lax.fori_loop(0, T, remap, 0, unroll=2)

        def g_desc(t, g):
            return pltpu.make_async_copy(
                aug_hbm.at[idx_v.at[t]], rows[g], gsem[g])

        def o_desc(t, o):
            return pltpu.make_async_copy(
                outs[o].at[:, :, pl.ds(0, BW)], out_hbm.at[t, :, wid],
                osem[o])

        for g in range(NG - 1):
            g_desc(g, g).start()

        iota = lax.iota(jnp.int32, L)
        dr_vec = jnp.where(iota >= 8, iota - 8, iota)
        dt_half = jnp.where(iota >= 8, 1, 0)

        def transpose_add(src, dst, t):
            pv = [pos_v[t, pl.ds(g * L, L)] for g in range(D // L)]
            dtv = [dt_half + 2 * g for g in range(D // L)]

            def per_j(j, jj):
                vs = [src[j, pl.ds(g * L, L)] for g in range(D // L)]
                ws = [vs[g] + pv[g] for g in range(D // L)]
                for g in range(D // L):
                    plsc.store_scatter(dst, [dtv[g], dr_vec, jj], ws[g])
                return jj + 1

            lax.fori_loop(0, BW, per_j, jnp.zeros((L,), jnp.int32), unroll=4)

        def step(t, g, o):
            g_desc(t, g).wait()
            @pl.when(t >= NO)
            def _():
                o_desc(t - NO, o).wait()
            transpose_add(rows[g], outs[o], t)
            o_desc(t, o).start()
            tn = t + NG - 1
            @pl.when(tn < T)
            def _():
                g_desc(tn, (g + NG - 1) % NG).start()

        def outer(u, carry):
            t0 = u * (NG * NO)
            for i in range(NG * NO):
                step(t0 + i, i % NG, i % NO)
            return carry

        lax.fori_loop(0, T // (NG * NO), outer, 0)
        for i in range(T - (T // (NG * NO)) * (NG * NO)):
            step((T // (NG * NO)) * (NG * NO) + i, i % NG, i % NO)

        for o in range(NO):
            o_desc(T - NO + o, (T - NO + o) % NO).wait()

    return k(xt, aug_table, pos_table)


def kernel(x, start_token, end_token, tok_table, pos_table):
    xt = jnp.swapaxes(x, 0, 1)
    aug_table = jnp.concatenate(
        [tok_table, jnp.float32(-5.0) - pos_table], axis=0)
    out5 = _sc_embed(xt, aug_table, pos_table)
    return jnp.transpose(out5, (2, 4, 0, 1, 3)).reshape(B, T, D)

# --- scband reference (transcript-rebuilt; emitter-appended) ---
"""Pipeline reference for scband-sentence-embedding-17798344475167 (READ-ONLY COPY).

The authoritative reference and input builder live on the scoring server;
editing this copy changes nothing except your own understanding.
"""

import jax, jax.numpy as jnp
import numpy as np

B, T, V, D = 4096, 200, 1000, 64

def setup_inputs(seed: int = 0):
    key = jax.random.key(seed)
    k1, k2, k3 = jax.random.split(key, 3)
    x = jax.random.randint(k1, (B, T), 0, V)
    tok_table = jax.random.normal(k2, (V, D), dtype=jnp.float32)
    pos_table = jax.random.normal(k3, (T, D), dtype=jnp.float32)
    return {"x": x, "start_token": 1, "end_token": 1, "tok_table": tok_table, "pos_table": pos_table}

def reference(x, start_token, end_token, tok_table, pos_table):
    # tokenize_batch is string preprocessing; we model forward on pre-tokenized
    # integer indices x of shape [B, T] (values already in [0, vocab_size)).
    Bx, Tx = x.shape
    mask = (x == 2)  # padding-token mask as in the original forward
    tok_emb = jnp.take(tok_table, x, axis=0)          # token embedding gather
    pos_emb = jnp.take(pos_table, jnp.arange(Tx), axis=0)  # positional embedding
    out = tok_emb + pos_emb[None, :, :]
    # dropout in eval mode -> identity
    out = jnp.where(mask[:, :, None], jnp.float32(-5.0), out)  # x[mask]=-5
    return out

if __name__ == "__main__":
    import jax
    _d = setup_inputs()
    print(jax.jit(kernel)(*tuple(_d.values())))

</pallas_src>

<mosaic_0001>
#map = affine_map<(d0, d1) -> (0, 0)>
#map1 = affine_map<(d0, d1) -> (0, 0, 0, 0, 0)>
module attributes {stable_mosaic.version = 14 : i64} {
  func.func @k(%arg0: i32, %arg1: i32, %arg2: memref<200x4096xi32, #tpu.memory_space<hbm>>, %arg3: memref<1200x64xf32, #tpu.memory_space<hbm>>, %arg4: memref<200x64xf32, #tpu.memory_space<hbm>>, %arg5: memref<200x8x32x8x128xf32, #tpu.memory_space<hbm>>, %arg6: memref<200x128xi32, #tpu.memory_space<vmem>>, %arg7: memref<128x64xf32, #tpu.memory_space<vmem>>, %arg8: memref<128x64xf32, #tpu.memory_space<vmem>>, %arg9: memref<128x64xf32, #tpu.memory_space<vmem>>, %arg10: memref<128x64xf32, #tpu.memory_space<vmem>>, %arg11: memref<8x8x129xf32, #tpu.memory_space<vmem>>, %arg12: memref<8x8x129xf32, #tpu.memory_space<vmem>>, %arg13: memref<200x64xf32, #tpu.memory_space<vmem>>, %arg14: memref<!tpu.dma_semaphore, #tpu.memory_space<semaphore_mem>>, %arg15: memref<!tpu.dma_semaphore, #tpu.memory_space<semaphore_mem>>, %arg16: memref<!tpu.dma_semaphore, #tpu.memory_space<semaphore_mem>>, %arg17: memref<!tpu.dma_semaphore, #tpu.memory_space<semaphore_mem>>, %arg18: memref<!tpu.dma_semaphore, #tpu.memory_space<semaphore_mem>>, %arg19: memref<!tpu.dma_semaphore, #tpu.memory_space<semaphore_mem>>) attributes {dimension_semantics = [#tpu.dimension_semantics<core_parallel>, #tpu.dimension_semantics<subcore_parallel>], iteration_bounds = array<i64: 2, 16>, scalar_prefetch = 0 : i64, scratch_operands = 14 : i64, tpu.core_type = #tpu.core_type<sc_vector_subcore>, window_params = [{transform_indices = #map}, {transform_indices = #map}, {transform_indices = #map}, {transform_indices = #map1}]} {
    %mul3A = arith.constant 2 : i32
    %mul3A_0 = arith.muli %arg1, %mul3A : i32
    %add3A = arith.addi %mul3A_0, %arg0 : i32
    %mul3A_1 = arith.constant 128 : i32
    %mul3A_2 = arith.muli %add3A, %mul3A_1 : i32
    "tpu.region"() ({
      %run_scoped3A = tpu.sem_alloc : memref<!tpu.dma_semaphore, #tpu.memory_space<semaphore_mem>>
      tpu.enqueue_dma source(%arg4 : memref<200x64xf32, #tpu.memory_space<hbm>>) target(%arg13 : memref<200x64xf32, #tpu.memory_space<vmem>>) target_semaphore(%run_scoped3A : memref<!tpu.dma_semaphore, #tpu.memory_space<semaphore_mem>>)
      tpu.wait_dma2 semaphore(%run_scoped3A : memref<!tpu.dma_semaphore, #tpu.memory_space<semaphore_mem>>) src(%arg4 : memref<200x64xf32, #tpu.memory_space<hbm>>) dst(%arg13 : memref<200x64xf32, #tpu.memory_space<vmem>>)
      tpu.yield
    }) : () -> ()
    "tpu.region"() ({
      %run_scoped3A = tpu.sem_alloc : memref<!tpu.dma_semaphore, #tpu.memory_space<semaphore_mem>>
      %dma_start3A_81 = arith.constant 0 : i32
      %dma_start3A_82 = tpu.memref_slice %arg2[%dma_start3A_81, %mul3A_2] : memref<200x4096xi32, #tpu.memory_space<hbm>> -> memref<200x128xi32, #tpu.memory_space<hbm>>
      %dma_start3A_83 = arith.constant 0 : i32
      %dma_start3A_84 = tpu.memref_slice %arg2[%dma_start3A_83, %mul3A_2] : memref<200x4096xi32, #tpu.memory_space<hbm>> -> memref<200x128xi32, #tpu.memory_space<hbm>>
      tpu.enqueue_dma source(%dma_start3A_84 : memref<200x128xi32, #tpu.memory_space<hbm>>) target(%arg6 : memref<200x128xi32, #tpu.memory_space<vmem>>) target_semaphore(%run_scoped3A : memref<!tpu.dma_semaphore, #tpu.memory_space<semaphore_mem>>)
      %dma_wait3A_85 = arith.constant 0 : i32
      %dma_wait3A_86 = tpu.memref_slice %arg2[%dma_wait3A_85, %mul3A_2] : memref<200x4096xi32, #tpu.memory_space<hbm>> -> memref<200x128xi32, #tpu.memory_space<hbm>>
      %dma_wait3A_87 = arith.constant 0 : i32
      %dma_wait3A_88 = tpu.memref_slice %arg2[%dma_wait3A_87, %mul3A_2] : memref<200x4096xi32, #tpu.memory_space<hbm>> -> memref<200x128xi32, #tpu.memory_space<hbm>>
      tpu.wait_dma2 semaphore(%run_scoped3A : memref<!tpu.dma_semaphore, #tpu.memory_space<semaphore_mem>>) src(%dma_wait3A_88 : memref<200x128xi32, #tpu.memory_space<hbm>>) dst(%arg6 : memref<200x128xi32, #tpu.memory_space<vmem>>)
      tpu.yield
    }) : () -> ()
    %scan3A = arith.constant 0 : i32
    %scan3A_3 = arith.constant 0 : i32
    %scan3A_4 = arith.constant 200 : i32
    %scan3A_5 = arith.addi %scan3A_3, %scan3A_4 : i32
    %scan3A_6 = arith.constant 2 : i32
    scf.for %scan3A_81 = %scan3A_3 to %scan3A_5 step %scan3A_6  : i32 {
      %get3A = arith.index_cast %scan3A_81 : i32 to index
      %get3A_82 = arith.constant 0 : index
      %get3A_83 = tpu.vector_load %arg6[%get3A, %get3A_82] {strides = array<i32>} : memref<200x128xi32, #tpu.memory_space<vmem>>, vector<16xi32>,
      %eq3A = arith.constant 2 : i32
      %eq3A_84 = vector.broadcast %eq3A : i32 to vector<16xi32>
      %eq3A_85 = arith.cmpi eq, %get3A_83, %eq3A_84 : vector<16xi32>
      %add3A_86 = arith.constant 1000 : i32
      %add3A_87 = arith.addi %scan3A_81, %add3A_86 : i32
      %broadcast_in_dim3A_88 = vector.broadcast %add3A_87 : i32 to vector<16xi32>
      %select_n3A_89 = arith.select %eq3A_85, %broadcast_in_dim3A_88, %get3A_83 : vector<16xi1>, vector<16xi32>
      %swap3A = arith.index_cast %scan3A_81 : i32 to index
      %swap3A_90 = arith.constant 0 : index
      %swap3A_91 = tpu.vector_load %arg6[%swap3A, %swap3A_90] {strides = array<i32>} : memref<200x128xi32, #tpu.memory_space<vmem>>, vector<16xi32>,
      tpu.vector_store %arg6[%swap3A, %swap3A_90], %select_n3A_89 {strides = array<i32>} : memref<200x128xi32, #tpu.memory_space<vmem>>, vector<16xi32>,
      %get3A_92 = arith.index_cast %scan3A_81 : i32 to index
      %get3A_93 = arith.constant 16 : index
      %get3A_94 = tpu.vector_load %arg6[%get3A_92, %get3A_93] {strides = array<i32>} : memref<200x128xi32, #tpu.memory_space<vmem>>, vector<16xi32>,
      %eq3A_95 = arith.constant 2 : i32
      %eq3A_96 = vector.broadcast %eq3A_95 : i32 to vector<16xi32>
      %eq3A_97 = arith.cmpi eq, %get3A_94, %eq3A_96 : vector<16xi32>
      %add3A_98 = arith.constant 1000 : i32
      %add3A_99 = arith.addi %scan3A_81, %add3A_98 : i32
      %broadcast_in_dim3A_100 = vector.broadcast %add3A_99 : i32 to vector<16xi32>
      %select_n3A_101 = arith.select %eq3A_97, %broadcast_in_dim3A_100, %get3A_94 : vector<16xi1>, vector<16xi32>
      %swap3A_102 = arith.index_cast %scan3A_81 : i32 to index
      %swap3A_103 = arith.constant 16 : index
      %swap3A_104 = tpu.vector_load %arg6[%swap3A_102, %swap3A_103] {strides = array<i32>} : memref<200x128xi32, #tpu.memory_space<vmem>>, vector<16xi32>,
      tpu.vector_store %arg6[%swap3A_102, %swap3A_103], %select_n3A_101 {strides = array<i32>} : memref<200x128xi32, #tpu.memory_space<vmem>>, vector<16xi32>,
      %get3A_105 = arith.index_cast %scan3A_81 : i32 to index
      %get3A_106 = arith.constant 32 : index
      %get3A_107 = tpu.vector_load %arg6[%get3A_105, %get3A_106] {strides = array<i32>} : memref<200x128xi32, #tpu.memory_space<vmem>>, vector<16xi32>,
      %eq3A_108 = arith.constant 2 : i32
      %eq3A_109 = vector.broadcast %eq3A_108 : i32 to vector<16xi32>
      %eq3A_110 = arith.cmpi eq, %get3A_107, %eq3A_109 : vector<16xi32>
      %add3A_111 = arith.constant 1000 : i32
      %add3A_112 = arith.addi %scan3A_81, %add3A_111 : i32
      %broadcast_in_dim3A_113 = vector.broadcast %add3A_112 : i32 to vector<16xi32>
      %select_n3A_114 = arith.select %eq3A_110, %broadcast_in_dim3A_113, %get3A_107 : vector<16xi1>, vector<16xi32>
      %swap3A_115 = arith.index_cast %scan3A_81 : i32 to index
      %swap3A_116 = arith.constant 32 : index
      %swap3A_117 = tpu.vector_load %arg6[%swap3A_115, %swap3A_116] {strides = array<i32>} : memref<200x128xi32, #tpu.memory_space<vmem>>, vector<16xi32>,
      tpu.vector_store %arg6[%swap3A_115, %swap3A_116], %select_n3A_114 {strides = array<i32>} : memref<200x128xi32, #tpu.memory_space<vmem>>, vector<16xi32>,
      %get3A_118 = arith.index_cast %scan3A_81 : i32 to index
      %get3A_119 = arith.constant 48 : index
      %get3A_120 = tpu.vector_load %arg6[%get3A_118, %get3A_119] {strides = array<i32>} : memref<200x128xi32, #tpu.memory_space<vmem>>, vector<16xi32>,
      %eq3A_121 = arith.constant 2 : i32
      %eq3A_122 = vector.broadcast %eq3A_121 : i32 to vector<16xi32>
      %eq3A_123 = arith.cmpi eq, %get3A_120, %eq3A_122 : vector<16xi32>
      %add3A_124 = arith.constant 1000 : i32
      %add3A_125 = arith.addi %scan3A_81, %add3A_124 : i32
      %broadcast_in_dim3A_126 = vector.broadcast %add3A_125 : i32 to vector<16xi32>
      %select_n3A_127 = arith.select %eq3A_123, %broadcast_in_dim3A_126, %get3A_120 : vector<16xi1>, vector<16xi32>
      %swap3A_128 = arith.index_cast %scan3A_81 : i32 to index
      %swap3A_129 = arith.constant 48 : index
      %swap3A_130 = tpu.vector_load %arg6[%swap3A_128, %swap3A_129] {strides = array<i32>} : memref<200x128xi32, #tpu.memory_space<vmem>>, vector<16xi32>,
      tpu.vector_store %arg6[%swap3A_128, %swap3A_129], %select_n3A_127 {strides = array<i32>} : memref<200x128xi32, #tpu.memory_space<vmem>>, vector<16xi32>,
      %get3A_131 = arith.index_cast %scan3A_81 : i32 to index
      %get3A_132 = arith.constant 64 : index
      %get3A_133 = tpu.vector_load %arg6[%get3A_131, %get3A_132] {strides = array<i32>} : memref<200x128xi32, #tpu.memory_space<vmem>>, vector<16xi32>,
      %eq3A_134 = arith.constant 2 : i32
      %eq3A_135 = vector.broadcast %eq3A_134 : i32 to vector<16xi32>
      %eq3A_136 = arith.cmpi eq, %get3A_133, %eq3A_135 : vector<16xi32>
      %add3A_137 = arith.constant 1000 : i32
      %add3A_138 = arith.addi %scan3A_81, %add3A_137 : i32
      %broadcast_in_dim3A_139 = vector.broadcast %add3A_138 : i32 to vector<16xi32>
      %select_n3A_140 = arith.select %eq3A_136, %broadcast_in_dim3A_139, %get3A_133 : vector<16xi1>, vector<16xi32>
      %swap3A_141 = arith.index_cast %scan3A_81 : i32 to index
      %swap3A_142 = arith.constant 64 : index
      %swap3A_143 = tpu.vector_load %arg6[%swap3A_141, %swap3A_142] {strides = array<i32>} : memref<200x128xi32, #tpu.memory_space<vmem>>, vector<16xi32>,
      tpu.vector_store %arg6[%swap3A_141, %swap3A_142], %select_n3A_140 {strides = array<i32>} : memref<200x128xi32, #tpu.memory_space<vmem>>, vector<16xi32>,
      %get3A_144 = arith.index_cast %scan3A_81 : i32 to index
      %get3A_145 = arith.constant 80 : index
      %get3A_146 = tpu.vector_load %arg6[%get3A_144, %get3A_145] {strides = array<i32>} : memref<200x128xi32, #tpu.memory_space<vmem>>, vector<16xi32>,
      %eq3A_147 = arith.constant 2 : i32
      %eq3A_148 = vector.broadcast %eq3A_147 : i32 to vector<16xi32>
      %eq3A_149 = arith.cmpi eq, %get3A_146, %eq3A_148 : vector<16xi32>
      %add3A_150 = arith.constant 1000 : i32
      %add3A_151 = arith.addi %scan3A_81, %add3A_150 : i32
      %broadcast_in_dim3A_152 = vector.broadcast %add3A_151 : i32 to vector<16xi32>
      %select_n3A_153 = arith.select %eq3A_149, %broadcast_in_dim3A_152, %get3A_146 : vector<16xi1>, vector<16xi32>
      %swap3A_154 = arith.index_cast %scan3A_81 : i32 to index
      %swap3A_155 = arith.constant 80 : index
      %swap3A_156 = tpu.vector_load %arg6[%swap3A_154, %swap3A_155] {strides = array<i32>} : memref<200x128xi32, #tpu.memory_space<vmem>>, vector<16xi32>,
      tpu.vector_store %arg6[%swap3A_154, %swap3A_155], %select_n3A_153 {strides = array<i32>} : memref<200x128xi32, #tpu.memory_space<vmem>>, vector<16xi32>,
      %get3A_157 = arith.index_cast %scan3A_81 : i32 to index
      %get3A_158 = arith.constant 96 : index
      %get3A_159 = tpu.vector_load %arg6[%get3A_157, %get3A_158] {strides = array<i32>} : memref<200x128xi32, #tpu.memory_space<vmem>>, vector<16xi32>,
      %eq3A_160 = arith.constant 2 : i32
      %eq3A_161 = vector.broadcast %eq3A_160 : i32 to vector<16xi32>
      %eq3A_162 = arith.cmpi eq, %get3A_159, %eq3A_161 : vector<16xi32>
      %add3A_163 = arith.constant 1000 : i32
      %add3A_164 = arith.addi %scan3A_81, %add3A_163 : i32
      %broadcast_in_dim3A_165 = vector.broadcast %add3A_164 : i32 to vector<16xi32>
      %select_n3A_166 = arith.select %eq3A_162, %broadcast_in_dim3A_165, %get3A_159 : vector<16xi1>, vector<16xi32>
      %swap3A_167 = arith.index_cast %scan3A_81 : i32 to index
      %swap3A_168 = arith.constant 96 : index
      %swap3A_169 = tpu.vector_load %arg6[%swap3A_167, %swap3A_168] {strides = array<i32>} : memref<200x128xi32, #tpu.memory_space<vmem>>, vector<16xi32>,
      tpu.vector_store %arg6[%swap3A_167, %swap3A_168], %select_n3A_166 {strides = array<i32>} : memref<200x128xi32, #tpu.memory_space<vmem>>, vector<16xi32>,
      %get3A_170 = arith.index_cast %scan3A_81 : i32 to index
      %get3A_171 = arith.constant 112 : index
      %get3A_172 = tpu.vector_load %arg6[%get3A_170, %get3A_171] {strides = array<i32>} : memref<200x128xi32, #tpu.memory_space<vmem>>, vector<16xi32>,
      %eq3A_173 = arith.constant 2 : i32
      %eq3A_174 = vector.broadcast %eq3A_173 : i32 to vector<16xi32>
      %eq3A_175 = arith.cmpi eq, %get3A_172, %eq3A_174 : vector<16xi32>
      %add3A_176 = arith.constant 1000 : i32
      %add3A_177 = arith.addi %scan3A_81, %add3A_176 : i32
      %broadcast_in_dim3A_178 = vector.broadcast %add3A_177 : i32 to vector<16xi32>
      %select_n3A_179 = arith.select %eq3A_175, %broadcast_in_dim3A_178, %get3A_172 : vector<16xi1>, vector<16xi32>
      %swap3A_180 = arith.index_cast %scan3A_81 : i32 to index
      %swap3A_181 = arith.constant 112 : index
      %swap3A_182 = tpu.vector_load %arg6[%swap3A_180, %swap3A_181] {strides = array<i32>} : memref<200x128xi32, #tpu.memory_space<vmem>>, vector<16xi32>,
      tpu.vector_store %arg6[%swap3A_180, %swap3A_181], %select_n3A_179 {strides = array<i32>} : memref<200x128xi32, #tpu.memory_space<vmem>>, vector<16xi32>,
      %scan3A_183 = arith.constant 1 : i32
      %scan3A_184 = arith.addi %scan3A_81, %scan3A_183 : i32
      %get3A_185 = arith.index_cast %scan3A_184 : i32 to index
      %get3A_186 = arith.constant 0 : index
      %get3A_187 = tpu.vector_load %arg6[%get3A_185, %get3A_186] {strides = array<i32>} : memref<200x128xi32, #tpu.memory_space<vmem>>, vector<16xi32>,
      %eq3A_188 = arith.constant 2 : i32
      %eq3A_189 = vector.broadcast %eq3A_188 : i32 to vector<16xi32>
      %eq3A_190 = arith.cmpi eq, %get3A_187, %eq3A_189 : vector<16xi32>
      %add3A_191 = arith.constant 1000 : i32
      %add3A_192 = arith.addi %scan3A_184, %add3A_191 : i32
      %broadcast_in_dim3A_193 = vector.broadcast %add3A_192 : i32 to vector<16xi32>
      %select_n3A_194 = arith.select %eq3A_190, %broadcast_in_dim3A_193, %get3A_187 : vector<16xi1>, vector<16xi32>
      %swap3A_195 = arith.index_cast %scan3A_184 : i32 to index
      %swap3A_196 = arith.constant 0 : index
      %swap3A_197 = tpu.vector_load %arg6[%swap3A_195, %swap3A_196] {strides = array<i32>} : memref<200x128xi32, #tpu.memory_space<vmem>>, vector<16xi32>,
      tpu.vector_store %arg6[%swap3A_195, %swap3A_196], %select_n3A_194 {strides = array<i32>} : memref<200x128xi32, #tpu.memory_space<vmem>>, vector<16xi32>,
      %get3A_198 = arith.index_cast %scan3A_184 : i32 to index
      %get3A_199 = arith.constant 16 : index
      %get3A_200 = tpu.vector_load %arg6[%get3A_198, %get3A_199] {strides = array<i32>} : memref<200x128xi32, #tpu.memory_space<vmem>>, vector<16xi32>,
      %eq3A_201 = arith.constant 2 : i32
      %eq3A_202 = vector.broadcast %eq3A_201 : i32 to vector<16xi32>
      %eq3A_203 = arith.cmpi eq, %get3A_200, %eq3A_202 : vector<16xi32>
      %add3A_204 = arith.constant 1000 : i32
      %add3A_205 = arith.addi %scan3A_184, %add3A_204 : i32
      %broadcast_in_dim3A_206 = vector.broadcast %add3A_205 : i32 to vector<16xi32>
      %select_n3A_207 = arith.select %eq3A_203, %broadcast_in_dim3A_206, %get3A_200 : vector<16xi1>, vector<16xi32>
      %swap3A_208 = arith.index_cast %scan3A_184 : i32 to index
      %swap3A_209 = arith.constant 16 : index
      %swap3A_210 = tpu.vector_load %arg6[%swap3A_208, %swap3A_209] {strides = array<i32>} : memref<200x128xi32, #tpu.memory_space<vmem>>, vector<16xi32>,
      tpu.vector_store %arg6[%swap3A_208, %swap3A_209], %select_n3A_207 {strides = array<i32>} : memref<200x128xi32, #tpu.memory_space<vmem>>, vector<16xi32>,
      %get3A_211 = arith.index_cast %scan3A_184 : i32 to index
      %get3A_212 = arith.constant 32 : index
      %get3A_213 = tpu.vector_load %arg6[%get3A_211, %get3A_212] {strides = array<i32>} : memref<200x128xi32, #tpu.memory_space<vmem>>, vector<16xi32>,
      %eq3A_214 = arith.constant 2 : i32
      %eq3A_215 = vector.broadcast %eq3A_214 : i32 to vector<16xi32>
      %eq3A_216 = arith.cmpi eq, %get3A_213, %eq3A_215 : vector<16xi32>
      %add3A_217 = arith.constant 1000 : i32
      %add3A_218 = arith.addi %scan3A_184, %add3A_217 : i32
      %broadcast_in_dim3A_219 = vector.broadcast %add3A_218 : i32 to vector<16xi32>
      %select_n3A_220 = arith.select %eq3A_216, %broadcast_in_dim3A_219, %get3A_213 : vector<16xi1>, vector<16xi32>
      %swap3A_221 = arith.index_cast %scan3A_184 : i32 to index
      %swap3A_222 = arith.constant 32 : index
      %swap3A_223 = tpu.vector_load %arg6[%swap3A_221, %swap3A_222] {strides = array<i32>} : memref<200x128xi32, #tpu.memory_space<vmem>>, vector<16xi32>,
      tpu.vector_store %arg6[%swap3A_221, %swap3A_222], %select_n3A_220 {strides = array<i32>} : memref<200x128xi32, #tpu.memory_space<vmem>>, vector<16xi32>,
      %get3A_224 = arith.index_cast %scan3A_184 : i32 to index
      %get3A_225 = arith.constant 48 : index
      %get3A_226 = tpu.vector_load %arg6[%get3A_224, %get3A_225] {strides = array<i32>} : memref<200x128xi32, #tpu.memory_space<vmem>>, vector<16xi32>,
      %eq3A_227 = arith.constant 2 : i32
      %eq3A_228 = vector.broadcast %eq3A_227 : i32 to vector<16xi32>
      %eq3A_229 = arith.cmpi eq, %get3A_226, %eq3A_228 : vector<16xi32>
      %add3A_230 = arith.constant 1000 : i32
      %add3A_231 = arith.addi %scan3A_184, %add3A_230 : i32
      %broadcast_in_dim3A_232 = vector.broadcast %add3A_231 : i32 to vector<16xi32>
      %select_n3A_233 = arith.select %eq3A_229, %broadcast_in_dim3A_232, %get3A_226 : vector<16xi1>, vector<16xi32>
      %swap3A_234 = arith.index_cast %scan3A_184 : i32 to index
      %swap3A_235 = arith.constant 48 : index
      %swap3A_236 = tpu.vector_load %arg6[%swap3A_234, %swap3A_235] {strides = array<i32>} : memref<200x128xi32, #tpu.memory_space<vmem>>, vector<16xi32>,
      tpu.vector_store %arg6[%swap3A_234, %swap3A_235], %select_n3A_233 {strides = array<i32>} : memref<200x128xi32, #tpu.memory_space<vmem>>, vector<16xi32>,
      %get3A_237 = arith.index_cast %scan3A_184 : i32 to index
      %get3A_238 = arith.constant 64 : index
      %get3A_239 = tpu.vector_load %arg6[%get3A_237, %get3A_238] {strides = array<i32>} : memref<200x128xi32, #tpu.memory_space<vmem>>, vector<16xi32>,
      %eq3A_240 = arith.constant 2 : i32
      %eq3A_241 = vector.broadcast %eq3A_240 : i32 to vector<16xi32>
      %eq3A_242 = arith.cmpi eq, %get3A_239, %eq3A_241 : vector<16xi32>
      %add3A_243 = arith.constant 1000 : i32
      %add3A_244 = arith.addi %scan3A_184, %add3A_243 : i32
      %broadcast_in_dim3A_245 = vector.broadcast %add3A_244 : i32 to vector<16xi32>
      %select_n3A_246 = arith.select %eq3A_242, %broadcast_in_dim3A_245, %get3A_239 : vector<16xi1>, vector<16xi32>
      %swap3A_247 = arith.index_cast %scan3A_184 : i32 to index
      %swap3A_248 = arith.constant 64 : index
      %swap3A_249 = tpu.vector_load %arg6[%swap3A_247, %swap3A_248] {strides = array<i32>} : memref<200x128xi32, #tpu.memory_space<vmem>>, vector<16xi32>,
      tpu.vector_store %arg6[%swap3A_247, %swap3A_248], %select_n3A_246 {strides = array<i32>} : memref<200x128xi32, #tpu.memory_space<vmem>>, vector<16xi32>,
      %get3A_250 = arith.index_cast %scan3A_184 : i32 to index
      %get3A_251 = arith.constant 80 : index
      %get3A_252 = tpu.vector_load %arg6[%get3A_250, %get3A_251] {strides = array<i32>} : memref<200x128xi32, #tpu.memory_space<vmem>>, vector<16xi32>,
      %eq3A_253 = arith.constant 2 : i32
      %eq3A_254 = vector.broadcast %eq3A_253 : i32 to vector<16xi32>
      %eq3A_255 = arith.cmpi eq, %get3A_252, %eq3A_254 : vector<16xi32>
      %add3A_256 = arith.constant 1000 : i32
      %add3A_257 = arith.addi %scan3A_184, %add3A_256 : i32
      %broadcast_in_dim3A_258 = vector.broadcast %add3A_257 : i32 to vector<16xi32>
      %select_n3A_259 = arith.select %eq3A_255, %broadcast_in_dim3A_258, %get3A_252 : vector<16xi1>, vector<16xi32>
      %swap3A_260 = arith.index_cast %scan3A_184 : i32 to index
      %swap3A_261 = arith.constant 80 : index
      %swap3A_262 = tpu.vector_load %arg6[%swap3A_260, %swap3A_261] {strides = array<i32>} : memref<200x128xi32, #tpu.memory_space<vmem>>, vector<16xi32>,
      tpu.vector_store %arg6[%swap3A_260, %swap3A_261], %select_n3A_259 {strides = array<i32>} : memref<200x128xi32, #tpu.memory_space<vmem>>, vector<16xi32>,
      %get3A_263 = arith.index_cast %scan3A_184 : i32 to index
      %get3A_264 = arith.constant 96 : index
      %get3A_265 = tpu.vector_load %arg6[%get3A_263, %get3A_264] {strides = array<i32>} : memref<200x128xi32, #tpu.memory_space<vmem>>, vector<16xi32>,
      %eq3A_266 = arith.constant 2 : i32
      %eq3A_267 = vector.broadcast %eq3A_266 : i32 to vector<16xi32>
      %eq3A_268 = arith.cmpi eq, %get3A_265, %eq3A_267 : vector<16xi32>
      %add3A_269 = arith.constant 1000 : i32
      %add3A_270 = arith.addi %scan3A_184, %add3A_269 : i32
      %broadcast_in_dim3A_271 = vector.broadcast %add3A_270 : i32 to vector<16xi32>
      %select_n3A_272 = arith.select %eq3A_268, %broadcast_in_dim3A_271, %get3A_265 : vector<16xi1>, vector<16xi32>
      %swap3A_273 = arith.index_cast %scan3A_184 : i32 to index
      %swap3A_274 = arith.constant 96 : index
      %swap3A_275 = tpu.vector_load %arg6[%swap3A_273, %swap3A_274] {strides = array<i32>} : memref<200x128xi32, #tpu.memory_space<vmem>>, vector<16xi32>,
      tpu.vector_store %arg6[%swap3A_273, %swap3A_274], %select_n3A_272 {strides = array<i32>} : memref<200x128xi32, #tpu.memory_space<vmem>>, vector<16xi32>,
      %get3A_276 = arith.index_cast %scan3A_184 : i32 to index
      %get3A_277 = arith.constant 112 : index
      %get3A_278 = tpu.vector_load %arg6[%get3A_276, %get3A_277] {strides = array<i32>} : memref<200x128xi32, #tpu.memory_space<vmem>>, vector<16xi32>,
      %eq3A_279 = arith.constant 2 : i32
      %eq3A_280 = vector.broadcast %eq3A_279 : i32 to vector<16xi32>
      %eq3A_281 = arith.cmpi eq, %get3A_278, %eq3A_280 : vector<16xi32>
      %add3A_282 = arith.constant 1000 : i32
      %add3A_283 = arith.addi %scan3A_184, %add3A_282 : i32
      %broadcast_in_dim3A_284 = vector.broadcast %add3A_283 : i32 to vector<16xi32>
      %select_n3A_285 = arith.select %eq3A_281, %broadcast_in_dim3A_284, %get3A_278 : vector<16xi1>, vector<16xi32>
      %swap3A_286 = arith.index_cast %scan3A_184 : i32 to index
      %swap3A_287 = arith.constant 112 : index
      %swap3A_288 = tpu.vector_load %arg6[%swap3A_286, %swap3A_287] {strides = array<i32>} : memref<200x128xi32, #tpu.memory_space<vmem>>, vector<16xi32>,
      tpu.vector_store %arg6[%swap3A_286, %swap3A_287], %select_n3A_285 {strides = array<i32>} : memref<200x128xi32, #tpu.memory_space<vmem>>, vector<16xi32>,
    }
    %scan3A_7 = arith.constant 200 : i32
    %dma_start3A = arith.constant 0 : i32
    %dma_start3A_8 = arith.constant 0 : i32
    %dma_start3A_9 = tpu.memref_slice %arg6[%dma_start3A, %dma_start3A_8] : memref<200x128xi32, #tpu.memory_space<vmem>> -> memref<1x128xi32, #tpu.memory_space<vmem>>
    %dma_start3A_10 = tpu.memref_squeeze %dma_start3A_9 : memref<1x128xi32, #tpu.memory_space<vmem>> -> memref<128xi32, #tpu.memory_space<vmem>>
    %dma_start3A_11 = arith.constant 0 : i32
    %dma_start3A_12 = arith.constant 0 : i32
    %dma_start3A_13 = tpu.memref_slice %arg3[%dma_start3A_11, %dma_start3A_12] : memref<1200x64xf32, #tpu.memory_space<hbm>> -> memref<1200x64xf32, #tpu.memory_space<hbm>>
    tpu.enqueue_indirect_dma source(%dma_start3A_13 : memref<1200x64xf32, #tpu.memory_space<hbm>>) target(%arg7 : memref<128x64xf32, #tpu.memory_space<vmem>>) offsets(%dma_start3A_10 : memref<128xi32, #tpu.memory_space<vmem>>) semaphore(%arg14 : memref<!tpu.dma_semaphore, #tpu.memory_space<semaphore_mem>>)
    %dma_start3A_14 = arith.constant 1 : i32
    %dma_start3A_15 = arith.constant 0 : i32
    %dma_start3A_16 = tpu.memref_slice %arg6[%dma_start3A_14, %dma_start3A_15] : memref<200x128xi32, #tpu.memory_space<vmem>> -> memref<1x128xi32, #tpu.memory_space<vmem>>
    %dma_start3A_17 = tpu.memref_squeeze %dma_start3A_16 : memref<1x128xi32, #tpu.memory_space<vmem>> -> memref<128xi32, #tpu.memory_space<vmem>>
    %dma_start3A_18 = arith.constant 0 : i32
    %dma_start3A_19 = arith.constant 0 : i32
    %dma_start3A_20 = tpu.memref_slice %arg3[%dma_start3A_18, %dma_start3A_19] : memref<1200x64xf32, #tpu.memory_space<hbm>> -> memref<1200x64xf32, #tpu.memory_space<hbm>>
    tpu.enqueue_indirect_dma source(%dma_start3A_20 : memref<1200x64xf32, #tpu.memory_space<hbm>>) target(%arg8 : memref<128x64xf32, #tpu.memory_space<vmem>>) offsets(%dma_start3A_17 : memref<128xi32, #tpu.memory_space<vmem>>) semaphore(%arg15 : memref<!tpu.dma_semaphore, #tpu.memory_space<semaphore_mem>>)
    %dma_start3A_21 = arith.constant 2 : i32
    %dma_start3A_22 = arith.constant 0 : i32
    %dma_start3A_23 = tpu.memref_slice %arg6[%dma_start3A_21, %dma_start3A_22] : memref<200x128xi32, #tpu.memory_space<vmem>> -> memref<1x128xi32, #tpu.memory_space<vmem>>
    %dma_start3A_24 = tpu.memref_squeeze %dma_start3A_23 : memref<1x128xi32, #tpu.memory_space<vmem>> -> memref<128xi32, #tpu.memory_space<vmem>>
    %dma_start3A_25 = arith.constant 0 : i32
    %dma_start3A_26 = arith.constant 0 : i32
    %dma_start3A_27 = tpu.memref_slice %arg3[%dma_start3A_25, %dma_start3A_26] : memref<1200x64xf32, #tpu.memory_space<hbm>> -> memref<1200x64xf32, #tpu.memory_space<hbm>>
    tpu.enqueue_indirect_dma source(%dma_start3A_27 : memref<1200x64xf32, #tpu.memory_space<hbm>>) target(%arg9 : memref<128x64xf32, #tpu.memory_space<vmem>>) offsets(%dma_start3A_24 : memref<128xi32, #tpu.memory_space<vmem>>) semaphore(%arg16 : memref<!tpu.dma_semaphore, #tpu.memory_space<semaphore_mem>>)
    %iota3A = tpu.iota {dimensions = array<i32: 0>} : vector<16xi32>
    %ge3A = arith.constant 8 : i32
    %ge3A_28 = vector.broadcast %ge3A : i32 to vector<16xi32>
    %ge3A_29 = arith.cmpi sge, %iota3A, %ge3A_28 : vector<16xi32>
    %sub3A = arith.constant 8 : i32
    %sub3A_30 = vector.broadcast %sub3A : i32 to vector<16xi32>
    %sub3A_31 = arith.subi %iota3A, %sub3A_30 : vector<16xi32>
    %select_n3A = arith.select %ge3A_29, %sub3A_31, %iota3A : vector<16xi1>, vector<16xi32>
    %ge3A_32 = arith.constant 8 : i32
    %ge3A_33 = vector.broadcast %ge3A_32 : i32 to vector<16xi32>
    %ge3A_34 = arith.cmpi sge, %iota3A, %ge3A_33 : vector<16xi32>
    %jit3A = arith.constant 1 : i32
    %jit3A_35 = arith.constant 0 : i32
    %broadcast_in_dim3A = vector.broadcast %jit3A : i32 to vector<16xi32>
    %broadcast_in_dim3A_36 = vector.broadcast %jit3A_35 : i32 to vector<16xi32>
    %select_n3A_37 = arith.select %ge3A_34, %broadcast_in_dim3A, %broadcast_in_dim3A_36 : vector<16xi1>, vector<16xi32>
    %scan3A_38 = arith.constant 0 : i32
    %scan3A_39 = arith.constant 0 : i32
    %scan3A_40 = arith.constant 25 : i32
    %scan3A_41 = arith.addi %scan3A_39, %scan3A_40 : i32
    %scan3A_42 = arith.constant 1 : i32
    scf.for %scan3A_81 = %scan3A_39 to %scan3A_41 step %scan3A_42  : i32 {
      %mul3A_82 = arith.constant 8 : i32
      %mul3A_83 = arith.muli %scan3A_81, %mul3A_82 : i32
      %add3A_84 = arith.constant 0 : i32
      %add3A_85 = arith.addi %mul3A_83, %add3A_84 : i32
      %dma_wait3A_86 = arith.constant 0 : i32
      %dma_wait3A_87 = tpu.memref_slice %arg6[%add3A_85, %dma_wait3A_86] : memref<200x128xi32, #tpu.memory_space<vmem>> -> memref<1x128xi32, #tpu.memory_space<vmem>>
      %dma_wait3A_88 = tpu.memref_squeeze %dma_wait3A_87 : memref<1x128xi32, #tpu.memory_space<vmem>> -> memref<128xi32, #tpu.memory_space<vmem>>
      %dma_wait3A_89 = arith.constant 0 : i32
      %dma_wait3A_90 = arith.constant 0 : i32
      %dma_wait3A_91 = tpu.memref_slice %arg3[%dma_wait3A_89, %dma_wait3A_90] : memref<1200x64xf32, #tpu.memory_space<hbm>> -> memref<1200x64xf32, #tpu.memory_space<hbm>>
      tpu.wait_indirect_dma semaphore(%arg14 : memref<!tpu.dma_semaphore, #tpu.memory_space<semaphore_mem>>) src(%dma_wait3A_91 : memref<1200x64xf32, #tpu.memory_space<hbm>>) dst(%arg7 : memref<128x64xf32, #tpu.memory_space<vmem>>)
      %ge3A_92 = arith.constant 2 : i32
      %ge3A_93 = arith.cmpi sge, %add3A_85, %ge3A_92 : i32
      %convert_element_type3A = arith.extui %ge3A_93 : i1 to i32
      %cond3A = arith.constant 0 : i32
      %cond3A_94 = arith.cmpi ne, %convert_element_type3A, %cond3A : i32
      scf.if %cond3A_94 {
        %sub3A_656 = arith.constant 2 : i32
        %sub3A_657 = arith.subi %add3A_85, %sub3A_656 : i32
        %dma_wait3A_658 = arith.constant 0 : i32
        %dma_wait3A_659 = arith.constant 0 : i32
        %dma_wait3A_660 = arith.constant 0 : i32
        %dma_wait3A_661 = tpu.memref_slice %arg11[%dma_wait3A_658, %dma_wait3A_659, %dma_wait3A_660] : memref<8x8x129xf32, #tpu.memory_space<vmem>> -> memref<8x8x128xf32, #tpu.memory_space<vmem>>
        %dma_wait3A_662 = arith.constant 0 : i32
        %dma_wait3A_663 = arith.constant 0 : i32
        %dma_wait3A_664 = arith.constant 0 : i32
        %dma_wait3A_665 = tpu.memref_slice %arg5[%sub3A_657, %dma_wait3A_662, %add3A, %dma_wait3A_663, %dma_wait3A_664] : memref<200x8x32x8x128xf32, #tpu.memory_space<hbm>> -> memref<1x8x1x8x128xf32, #tpu.memory_space<hbm>>
        %dma_wait3A_666 = tpu.memref_squeeze %dma_wait3A_665 : memref<1x8x1x8x128xf32, #tpu.memory_space<hbm>> -> memref<8x8x128xf32, #tpu.memory_space<hbm>>
        %dma_wait3A_667 = arith.constant 0 : i32
        %dma_wait3A_668 = arith.constant 0 : i32
        %dma_wait3A_669 = arith.constant 0 : i32
        %dma_wait3A_670 = tpu.memref_slice %arg5[%sub3A_657, %dma_wait3A_667, %add3A, %dma_wait3A_668, %dma_wait3A_669] : memref<200x8x32x8x128xf32, #tpu.memory_space<hbm>> -> memref<1x8x1x8x128xf32, #tpu.memory_space<hbm>>
        %dma_wait3A_671 = tpu.memref_squeeze %dma_wait3A_670 : memref<1x8x1x8x128xf32, #tpu.memory_space<hbm>> -> memref<8x8x128xf32, #tpu.memory_space<hbm>>
        %dma_wait3A_672 = arith.constant 0 : i32
        %dma_wait3A_673 = arith.constant 0 : i32
        %dma_wait3A_674 = arith.constant 0 : i32
        %dma_wait3A_675 = tpu.memref_slice %arg11[%dma_wait3A_672, %dma_wait3A_673, %dma_wait3A_674] : memref<8x8x129xf32, #tpu.memory_space<vmem>> -> memref<8x8x128xf32, #tpu.memory_space<vmem>>
        tpu.wait_dma2 semaphore(%arg18 : memref<!tpu.dma_semaphore, #tpu.memory_space<semaphore_mem>>) src(%dma_wait3A_675 : memref<8x8x128xf32, #tpu.memory_space<vmem>>) dst(%dma_wait3A_671 : memref<8x8x128xf32, #tpu.memory_space<hbm>>)
      } else {
      }
      %get3A = arith.index_cast %add3A_85 : i32 to index
      %get3A_95 = arith.constant 0 : index
      %get3A_96 = tpu.vector_load %arg13[%get3A, %get3A_95] {strides = array<i32>} : memref<200x64xf32, #tpu.memory_space<vmem>>, vector<16xf32>,
      %get3A_97 = arith.index_cast %add3A_85 : i32 to index
      %get3A_98 = arith.constant 16 : index
      %get3A_99 = tpu.vector_load %arg13[%get3A_97, %get3A_98] {strides = array<i32>} : memref<200x64xf32, #tpu.memory_space<vmem>>, vector<16xf32>,
      %get3A_100 = arith.index_cast %add3A_85 : i32 to index
      %get3A_101 = arith.constant 32 : index
      %get3A_102 = tpu.vector_load %arg13[%get3A_100, %get3A_101] {strides = array<i32>} : memref<200x64xf32, #tpu.memory_space<vmem>>, vector<16xf32>,
      %get3A_103 = arith.index_cast %add3A_85 : i32 to index
      %get3A_104 = arith.constant 48 : index
      %get3A_105 = tpu.vector_load %arg13[%get3A_103, %get3A_104] {strides = array<i32>} : memref<200x64xf32, #tpu.memory_space<vmem>>, vector<16xf32>,
      %add3A_106 = arith.constant 0 : i32
      %add3A_107 = vector.broadcast %add3A_106 : i32 to vector<16xi32>
      %add3A_108 = arith.addi %select_n3A_37, %add3A_107 : vector<16xi32>
      %add3A_109 = arith.constant 2 : i32
      %add3A_110 = vector.broadcast %add3A_109 : i32 to vector<16xi32>
      %add3A_111 = arith.addi %select_n3A_37, %add3A_110 : vector<16xi32>
      %add3A_112 = arith.constant 4 : i32
      %add3A_113 = vector.broadcast %add3A_112 : i32 to vector<16xi32>
      %add3A_114 = arith.addi %select_n3A_37, %add3A_113 : vector<16xi32>
      %add3A_115 = arith.constant 6 : i32
      %add3A_116 = vector.broadcast %add3A_115 : i32 to vector<16xi32>
      %add3A_117 = arith.addi %select_n3A_37, %add3A_116 : vector<16xi32>
      %broadcast_in_dim3A_118 = arith.constant 0 : i32
      %broadcast_in_dim3A_119 = vector.broadcast %broadcast_in_dim3A_118 : i32 to vector<16xi32>
      %scan3A_120 = arith.constant 0 : i32
      %scan3A_121 = arith.constant 128 : i32
      %scan3A_122 = arith.addi %scan3A_120, %scan3A_121 : i32
      %scan3A_123 = arith.constant 4 : i32
      %scan3A_124 = scf.for %scan3A_656 = %scan3A_120 to %scan3A_122 step %scan3A_123 iter_args(%scan3A_657 = %broadcast_in_dim3A_119) -> (vector<16xi32>)  : i32 {
        %get3A_658 = arith.index_cast %scan3A_656 : i32 to index
        %get3A_659 = arith.constant 0 : index
        %get3A_660 = tpu.vector_load %arg7[%get3A_658, %get3A_659] {strides = array<i32>} : memref<128x64xf32, #tpu.memory_space<vmem>>, vector<16xf32>,
        %get3A_661 = arith.index_cast %scan3A_656 : i32 to index
        %get3A_662 = arith.constant 16 : index
        %get3A_663 = tpu.vector_load %arg7[%get3A_661, %get3A_662] {strides = array<i32>} : memref<128x64xf32, #tpu.memory_space<vmem>>, vector<16xf32>,
        %get3A_664 = arith.index_cast %scan3A_656 : i32 to index
        %get3A_665 = arith.constant 32 : index
        %get3A_666 = tpu.vector_load %arg7[%get3A_664, %get3A_665] {strides = array<i32>} : memref<128x64xf32, #tpu.memory_space<vmem>>, vector<16xf32>,
        %get3A_667 = arith.index_cast %scan3A_656 : i32 to index
        %get3A_668 = arith.constant 48 : index
        %get3A_669 = tpu.vector_load %arg7[%get3A_667, %get3A_668] {strides = array<i32>} : memref<128x64xf32, #tpu.memory_space<vmem>>, vector<16xf32>,
        %add3A_670 = arith.addf %get3A_660, %get3A_96 : vector<16xf32>
        %add3A_671 = arith.addf %get3A_663, %get3A_99 : vector<16xf32>
        %add3A_672 = arith.addf %get3A_666, %get3A_102 : vector<16xf32>
        %add3A_673 = arith.addf %get3A_669, %get3A_105 : vector<16xf32>
        tpu.vector_store_idx %arg11[%add3A_108, %select_n3A, %scan3A_657], %add3A_670 : memref<8x8x129xf32, #tpu.memory_space<vmem>>[vector<16xi32>, vector<16xi32>, vector<16xi32>], vector<16xf32>,
        tpu.vector_store_idx %arg11[%add3A_111, %select_n3A, %scan3A_657], %add3A_671 : memref<8x8x129xf32, #tpu.memory_space<vmem>>[vector<16xi32>, vector<16xi32>, vector<16xi32>], vector<16xf32>,
        tpu.vector_store_idx %arg11[%add3A_114, %select_n3A, %scan3A_657], %add3A_672 : memref<8x8x129xf32, #tpu.memory_space<vmem>>[vector<16xi32>, vector<16xi32>, vector<16xi32>], vector<16xf32>,
        tpu.vector_store_idx %arg11[%add3A_117, %select_n3A, %scan3A_657], %add3A_673 : memref<8x8x129xf32, #tpu.memory_space<vmem>>[vector<16xi32>, vector<16xi32>, vector<16xi32>], vector<16xf32>,
        %add3A_674 = arith.constant 1 : i32
        %add3A_675 = vector.broadcast %add3A_674 : i32 to vector<16xi32>
        %add3A_676 = arith.addi %scan3A_657, %add3A_675 : vector<16xi32>
        %scan3A_677 = arith.constant 1 : i32
        %scan3A_678 = arith.addi %scan3A_656, %scan3A_677 : i32
        %get3A_679 = arith.index_cast %scan3A_678 : i32 to index
        %get3A_680 = arith.constant 0 : index
        %get3A_681 = tpu.vector_load %arg7[%get3A_679, %get3A_680] {strides = array<i32>} : memref<128x64xf32, #tpu.memory_space<vmem>>, vector<16xf32>,
        %get3A_682 = arith.index_cast %scan3A_678 : i32 to index
        %get3A_683 = arith.constant 16 : index
        %get3A_684 = tpu.vector_load %arg7[%get3A_682, %get3A_683] {strides = array<i32>} : memref<128x64xf32, #tpu.memory_space<vmem>>, vector<16xf32>,
        %get3A_685 = arith.index_cast %scan3A_678 : i32 to index
        %get3A_686 = arith.constant 32 : index
        %get3A_687 = tpu.vector_load %arg7[%get3A_685, %get3A_686] {strides = array<i32>} : memref<128x64xf32, #tpu.memory_space<vmem>>, vector<16xf32>,
        %get3A_688 = arith.index_cast %scan3A_678 : i32 to index
        %get3A_689 = arith.constant 48 : index
        %get3A_690 = tpu.vector_load %arg7[%get3A_688, %get3A_689] {strides = array<i32>} : memref<128x64xf32, #tpu.memory_space<vmem>>, vector<16xf32>,
        %add3A_691 = arith.addf %get3A_681, %get3A_96 : vector<16xf32>
        %add3A_692 = arith.addf %get3A_684, %get3A_99 : vector<16xf32>
        %add3A_693 = arith.addf %get3A_687, %get3A_102 : vector<16xf32>
        %add3A_694 = arith.addf %get3A_690, %get3A_105 : vector<16xf32>
        tpu.vector_store_idx %arg11[%add3A_108, %select_n3A, %add3A_676], %add3A_691 : memref<8x8x129xf32, #tpu.memory_space<vmem>>[vector<16xi32>, vector<16xi32>, vector<16xi32>], vector<16xf32>,
        tpu.vector_store_idx %arg11[%add3A_111, %select_n3A, %add3A_676], %add3A_692 : memref<8x8x129xf32, #tpu.memory_space<vmem>>[vector<16xi32>, vector<16xi32>, vector<16xi32>], vector<16xf32>,
        tpu.vector_store_idx %arg11[%add3A_114, %select_n3A, %add3A_676], %add3A_693 : memref<8x8x129xf32, #tpu.memory_space<vmem>>[vector<16xi32>, vector<16xi32>, vector<16xi32>], vector<16xf32>,
        tpu.vector_store_idx %arg11[%add3A_117, %select_n3A, %add3A_676], %add3A_694 : memref<8x8x129xf32, #tpu.memory_space<vmem>>[vector<16xi32>, vector<16xi32>, vector<16xi32>], vector<16xf32>,
        %add3A_695 = arith.constant 1 : i32
        %add3A_696 = vector.broadcast %add3A_695 : i32 to vector<16xi32>
        %add3A_697 = arith.addi %add3A_676, %add3A_696 : vector<16xi32>
        %scan3A_698 = arith.constant 2 : i32
        %scan3A_699 = arith.addi %scan3A_656, %scan3A_698 : i32
        %get3A_700 = arith.index_cast %scan3A_699 : i32 to index
        %get3A_701 = arith.constant 0 : index
        %get3A_702 = tpu.vector_load %arg7[%get3A_700, %get3A_701] {strides = array<i32>} : memref<128x64xf32, #tpu.memory_space<vmem>>, vector<16xf32>,
        %get3A_703 = arith.index_cast %scan3A_699 : i32 to index
        %get3A_704 = arith.constant 16 : index
        %get3A_705 = tpu.vector_load %arg7[%get3A_703, %get3A_704] {strides = array<i32>} : memref<128x64xf32, #tpu.memory_space<vmem>>, vector<16xf32>,
        %get3A_706 = arith.index_cast %scan3A_699 : i32 to index
        %get3A_707 = arith.constant 32 : index
        %get3A_708 = tpu.vector_load %arg7[%get3A_706, %get3A_707] {strides = array<i32>} : memref<128x64xf32, #tpu.memory_space<vmem>>, vector<16xf32>,
        %get3A_709 = arith.index_cast %scan3A_699 : i32 to index
        %get3A_710 = arith.constant 48 : index
        %get3A_711 = tpu.vector_load %arg7[%get3A_709, %get3A_710] {strides = array<i32>} : memref<128x64xf32, #tpu.memory_space<vmem>>, vector<16xf32>,
        %add3A_712 = arith.addf %get3A_702, %get3A_96 : vector<16xf32>
        %add3A_713 = arith.addf %get3A_705, %get3A_99 : vector<16xf32>
        %add3A_714 = arith.addf %get3A_708, %get3A_102 : vector<16xf32>
        %add3A_715 = arith.addf %get3A_711, %get3A_105 : vector<16xf32>
        tpu.vector_store_idx %arg11[%add3A_108, %select_n3A, %add3A_697], %add3A_712 : memref<8x8x129xf32, #tpu.memory_space<vmem>>[vector<16xi32>, vector<16xi32>, vector<16xi32>], vector<16xf32>,
        tpu.vector_store_idx %arg11[%add3A_111, %select_n3A, %add3A_697], %add3A_713 : memref<8x8x129xf32, #tpu.memory_space<vmem>>[vector<16xi32>, vector<16xi32>, vector<16xi32>], vector<16xf32>,
        tpu.vector_store_idx %arg11[%add3A_114, %select_n3A, %add3A_697], %add3A_714 : memref<8x8x129xf32, #tpu.memory_space<vmem>>[vector<16xi32>, vector<16xi32>, vector<16xi32>], vector<16xf32>,
        tpu.vector_store_idx %arg11[%add3A_117, %select_n3A, %add3A_697], %add3A_715 : memref<8x8x129xf32, #tpu.memory_space<vmem>>[vector<16xi32>, vector<16xi32>, vector<16xi32>], vector<16xf32>,
        %add3A_716 = arith.constant 1 : i32
        %add3A_717 = vector.broadcast %add3A_716 : i32 to vector<16xi32>
        %add3A_718 = arith.addi %add3A_697, %add3A_717 : vector<16xi32>
        %scan3A_719 = arith.constant 3 : i32
        %scan3A_720 = arith.addi %scan3A_656, %scan3A_719 : i32
        %get3A_721 = arith.index_cast %scan3A_720 : i32 to index
        %get3A_722 = arith.constant 0 : index
        %get3A_723 = tpu.vector_load %arg7[%get3A_721, %get3A_722] {strides = array<i32>} : memref<128x64xf32, #tpu.memory_space<vmem>>, vector<16xf32>,
        %get3A_724 = arith.index_cast %scan3A_720 : i32 to index
        %get3A_725 = arith.constant 16 : index
        %get3A_726 = tpu.vector_load %arg7[%get3A_724, %get3A_725] {strides = array<i32>} : memref<128x64xf32, #tpu.memory_space<vmem>>, vector<16xf32>,
        %get3A_727 = arith.index_cast %scan3A_720 : i32 to index
        %get3A_728 = arith.constant 32 : index
        %get3A_729 = tpu.vector_load %arg7[%get3A_727, %get3A_728] {strides = array<i32>} : memref<128x64xf32, #tpu.memory_space<vmem>>, vector<16xf32>,
        %get3A_730 = arith.index_cast %scan3A_720 : i32 to index
        %get3A_731 = arith.constant 48 : index
        %get3A_732 = tpu.vector_load %arg7[%get3A_730, %get3A_731] {strides = array<i32>} : memref<128x64xf32, #tpu.memory_space<vmem>>, vector<16xf32>,
        %add3A_733 = arith.addf %get3A_723, %get3A_96 : vector<16xf32>
        %add3A_734 = arith.addf %get3A_726, %get3A_99 : vector<16xf32>
        %add3A_735 = arith.addf %get3A_729, %get3A_102 : vector<16xf32>
        %add3A_736 = arith.addf %get3A_732, %get3A_105 : vector<16xf32>
        tpu.vector_store_idx %arg11[%add3A_108, %select_n3A, %add3A_718], %add3A_733 : memref<8x8x129xf32, #tpu.memory_space<vmem>>[vector<16xi32>, vector<16xi32>, vector<16xi32>], vector<16xf32>,
        tpu.vector_store_idx %arg11[%add3A_111, %select_n3A, %add3A_718], %add3A_734 : memref<8x8x129xf32, #tpu.memory_space<vmem>>[vector<16xi32>, vector<16xi32>, vector<16xi32>], vector<16xf32>,
        tpu.vector_store_idx %arg11[%add3A_114, %select_n3A, %add3A_718], %add3A_735 : memref<8x8x129xf32, #tpu.memory_space<vmem>>[vector<16xi32>, vector<16xi32>, vector<16xi32>], vector<16xf32>,
        tpu.vector_store_idx %arg11[%add3A_117, %select_n3A, %add3A_718], %add3A_736 : memref<8x8x129xf32, #tpu.memory_space<vmem>>[vector<16xi32>, vector<16xi32>, vector<16xi32>], vector<16xf32>,
        %add3A_737 = arith.constant 1 : i32
        %add3A_738 = vector.broadcast %add3A_737 : i32 to vector<16xi32>
        %add3A_739 = arith.addi %add3A_718, %add3A_738 : vector<16xi32>
        scf.yield %add3A_739 : vector<16xi32>
      }
      %scan3A_125 = arith.constant 128 : i32
      %dma_start3A_126 = arith.constant 0 : i32
      %dma_start3A_127 = arith.constant 0 : i32
      %dma_start3A_128 = arith.constant 0 : i32
      %dma_start3A_129 = tpu.memref_slice %arg11[%dma_start3A_126, %dma_start3A_127, %dma_start3A_128] : memref<8x8x129xf32, #tpu.memory_space<vmem>> -> memref<8x8x128xf32, #tpu.memory_space<vmem>>
      %dma_start3A_130 = arith.constant 0 : i32
      %dma_start3A_131 = arith.constant 0 : i32
      %dma_start3A_132 = arith.constant 0 : i32
      %dma_start3A_133 = tpu.memref_slice %arg5[%add3A_85, %dma_start3A_130, %add3A, %dma_start3A_131, %dma_start3A_132] : memref<200x8x32x8x128xf32, #tpu.memory_space<hbm>> -> memref<1x8x1x8x128xf32, #tpu.memory_space<hbm>>
      %dma_start3A_134 = tpu.memref_squeeze %dma_start3A_133 : memref<1x8x1x8x128xf32, #tpu.memory_space<hbm>> -> memref<8x8x128xf32, #tpu.memory_space<hbm>>
      %dma_start3A_135 = arith.constant 0 : i32
      %dma_start3A_136 = arith.constant 0 : i32
      %dma_start3A_137 = arith.constant 0 : i32
      %dma_start3A_138 = tpu.memref_slice %arg5[%add3A_85, %dma_start3A_135, %add3A, %dma_start3A_136, %dma_start3A_137] : memref<200x8x32x8x128xf32, #tpu.memory_space<hbm>> -> memref<1x8x1x8x128xf32, #tpu.memory_space<hbm>>
      %dma_start3A_139 = tpu.memref_squeeze %dma_start3A_138 : memref<1x8x1x8x128xf32, #tpu.memory_space<hbm>> -> memref<8x8x128xf32, #tpu.memory_space<hbm>>
      %dma_start3A_140 = arith.constant 0 : i32
      %dma_start3A_141 = arith.constant 0 : i32
      %dma_start3A_142 = arith.constant 0 : i32
      %dma_start3A_143 = tpu.memref_slice %arg11[%dma_start3A_140, %dma_start3A_141, %dma_start3A_142] : memref<8x8x129xf32, #tpu.memory_space<vmem>> -> memref<8x8x128xf32, #tpu.memory_space<vmem>>
      tpu.enqueue_dma source(%dma_start3A_143 : memref<8x8x128xf32, #tpu.memory_space<vmem>>) target(%dma_start3A_139 : memref<8x8x128xf32, #tpu.memory_space<hbm>>) target_semaphore(%arg18 : memref<!tpu.dma_semaphore, #tpu.memory_space<semaphore_mem>>)
      %add3A_144 = arith.constant 4 : i32
      %add3A_145 = arith.addi %add3A_85, %add3A_144 : i32
      %sub3A_146 = arith.constant 1 : i32
      %sub3A_147 = arith.subi %add3A_145, %sub3A_146 : i32
      %lt3A = arith.constant 200 : i32
      %lt3A_148 = arith.cmpi slt, %sub3A_147, %lt3A : i32
      %convert_element_type3A_149 = arith.extui %lt3A_148 : i1 to i32
      %cond3A_150 = arith.constant 0 : i32
      %cond3A_151 = arith.cmpi ne, %convert_element_type3A_149, %cond3A_150 : i32
      scf.if %cond3A_151 {
        %dma_start3A_656 = arith.constant 0 : i32
        %dma_start3A_657 = tpu.memref_slice %arg6[%sub3A_147, %dma_start3A_656] : memref<200x128xi32, #tpu.memory_space<vmem>> -> memref<1x128xi32, #tpu.memory_space<vmem>>
        %dma_start3A_658 = tpu.memref_squeeze %dma_start3A_657 : memref<1x128xi32, #tpu.memory_space<vmem>> -> memref<128xi32, #tpu.memory_space<vmem>>
        %dma_start3A_659 = arith.constant 0 : i32
        %dma_start3A_660 = arith.constant 0 : i32
        %dma_start3A_661 = tpu.memref_slice %arg3[%dma_start3A_659, %dma_start3A_660] : memref<1200x64xf32, #tpu.memory_space<hbm>> -> memref<1200x64xf32, #tpu.memory_space<hbm>>
        tpu.enqueue_indirect_dma source(%dma_start3A_661 : memref<1200x64xf32, #tpu.memory_space<hbm>>) target(%arg10 : memref<128x64xf32, #tpu.memory_space<vmem>>) offsets(%dma_start3A_658 : memref<128xi32, #tpu.memory_space<vmem>>) semaphore(%arg17 : memref<!tpu.dma_semaphore, #tpu.memory_space<semaphore_mem>>)
      } else {
      }
      %add3A_152 = arith.constant 1 : i32
      %add3A_153 = arith.addi %mul3A_83, %add3A_152 : i32
      %dma_wait3A_154 = arith.constant 0 : i32
      %dma_wait3A_155 = tpu.memref_slice %arg6[%add3A_153, %dma_wait3A_154] : memref<200x128xi32, #tpu.memory_space<vmem>> -> memref<1x128xi32, #tpu.memory_space<vmem>>
      %dma_wait3A_156 = tpu.memref_squeeze %dma_wait3A_155 : memref<1x128xi32, #tpu.memory_space<vmem>> -> memref<128xi32, #tpu.memory_space<vmem>>
      %dma_wait3A_157 = arith.constant 0 : i32
      %dma_wait3A_158 = arith.constant 0 : i32
      %dma_wait3A_159 = tpu.memref_slice %arg3[%dma_wait3A_157, %dma_wait3A_158] : memref<1200x64xf32, #tpu.memory_space<hbm>> -> memref<1200x64xf32, #tpu.memory_space<hbm>>
      tpu.wait_indirect_dma semaphore(%arg15 : memref<!tpu.dma_semaphore, #tpu.memory_space<semaphore_mem>>) src(%dma_wait3A_159 : memref<1200x64xf32, #tpu.memory_space<hbm>>) dst(%arg8 : memref<128x64xf32, #tpu.memory_space<vmem>>)
      %ge3A_160 = arith.constant 2 : i32
      %ge3A_161 = arith.cmpi sge, %add3A_153, %ge3A_160 : i32
      %convert_element_type3A_162 = arith.extui %ge3A_161 : i1 to i32
      %cond3A_163 = arith.constant 0 : i32
      %cond3A_164 = arith.cmpi ne, %convert_element_type3A_162, %cond3A_163 : i32
      scf.if %cond3A_164 {
        %sub3A_656 = arith.constant 2 : i32
        %sub3A_657 = arith.subi %add3A_153, %sub3A_656 : i32
        %dma_wait3A_658 = arith.constant 0 : i32
        %dma_wait3A_659 = arith.constant 0 : i32
        %dma_wait3A_660 = arith.constant 0 : i32
        %dma_wait3A_661 = tpu.memref_slice %arg12[%dma_wait3A_658, %dma_wait3A_659, %dma_wait3A_660] : memref<8x8x129xf32, #tpu.memory_space<vmem>> -> memref<8x8x128xf32, #tpu.memory_space<vmem>>
        %dma_wait3A_662 = arith.constant 0 : i32
        %dma_wait3A_663 = arith.constant 0 : i32
        %dma_wait3A_664 = arith.constant 0 : i32
        %dma_wait3A_665 = tpu.memref_slice %arg5[%sub3A_657, %dma_wait3A_662, %add3A, %dma_wait3A_663, %dma_wait3A_664] : memref<200x8x32x8x128xf32, #tpu.memory_space<hbm>> -> memref<1x8x1x8x128xf32, #tpu.memory_space<hbm>>
        %dma_wait3A_666 = tpu.memref_squeeze %dma_wait3A_665 : memref<1x8x1x8x128xf32, #tpu.memory_space<hbm>> -> memref<8x8x128xf32, #tpu.memory_space<hbm>>
        %dma_wait3A_667 = arith.constant 0 : i32
        %dma_wait3A_668 = arith.constant 0 : i32
        %dma_wait3A_669 = arith.constant 0 : i32
        %dma_wait3A_670 = tpu.memref_slice %arg5[%sub3A_657, %dma_wait3A_667, %add3A, %dma_wait3A_668, %dma_wait3A_669] : memref<200x8x32x8x128xf32, #tpu.memory_space<hbm>> -> memref<1x8x1x8x128xf32, #tpu.memory_space<hbm>>
        %dma_wait3A_671 = tpu.memref_squeeze %dma_wait3A_670 : memref<1x8x1x8x128xf32, #tpu.memory_space<hbm>> -> memref<8x8x128xf32, #tpu.memory_space<hbm>>
        %dma_wait3A_672 = arith.constant 0 : i32
        %dma_wait3A_673 = arith.constant 0 : i32
        %dma_wait3A_674 = arith.constant 0 : i32
        %dma_wait3A_675 = tpu.memref_slice %arg12[%dma_wait3A_672, %dma_wait3A_673, %dma_wait3A_674] : memref<8x8x129xf32, #tpu.memory_space<vmem>> -> memref<8x8x128xf32, #tpu.memory_space<vmem>>
        tpu.wait_dma2 semaphore(%arg19 : memref<!tpu.dma_semaphore, #tpu.memory_space<semaphore_mem>>) src(%dma_wait3A_675 : memref<8x8x128xf32, #tpu.memory_space<vmem>>) dst(%dma_wait3A_671 : memref<8x8x128xf32, #tpu.memory_space<hbm>>)
      } else {
      }
      %get3A_165 = arith.index_cast %add3A_153 : i32 to index
      %get3A_166 = arith.constant 0 : index
      %get3A_167 = tpu.vector_load %arg13[%get3A_165, %get3A_166] {strides = array<i32>} : memref<200x64xf32, #tpu.memory_space<vmem>>, vector<16xf32>,
      %get3A_168 = arith.index_cast %add3A_153 : i32 to index
      %get3A_169 = arith.constant 16 : index
      %get3A_170 = tpu.vector_load %arg13[%get3A_168, %get3A_169] {strides = array<i32>} : memref<200x64xf32, #tpu.memory_space<vmem>>, vector<16xf32>,
      %get3A_171 = arith.index_cast %add3A_153 : i32 to index
      %get3A_172 = arith.constant 32 : index
      %get3A_173 = tpu.vector_load %arg13[%get3A_171, %get3A_172] {strides = array<i32>} : memref<200x64xf32, #tpu.memory_space<vmem>>, vector<16xf32>,
      %get3A_174 = arith.index_cast %add3A_153 : i32 to index
      %get3A_175 = arith.constant 48 : index
      %get3A_176 = tpu.vector_load %arg13[%get3A_174, %get3A_175] {strides = array<i32>} : memref<200x64xf32, #tpu.memory_space<vmem>>, vector<16xf32>,
      %add3A_177 = arith.constant 0 : i32
      %add3A_178 = vector.broadcast %add3A_177 : i32 to vector<16xi32>
      %add3A_179 = arith.addi %select_n3A_37, %add3A_178 : vector<16xi32>
      %add3A_180 = arith.constant 2 : i32
      %add3A_181 = vector.broadcast %add3A_180 : i32 to vector<16xi32>
      %add3A_182 = arith.addi %select_n3A_37, %add3A_181 : vector<16xi32>
      %add3A_183 = arith.constant 4 : i32
      %add3A_184 = vector.broadcast %add3A_183 : i32 to vector<16xi32>
      %add3A_185 = arith.addi %select_n3A_37, %add3A_184 : vector<16xi32>
      %add3A_186 = arith.constant 6 : i32
      %add3A_187 = vector.broadcast %add3A_186 : i32 to vector<16xi32>
      %add3A_188 = arith.addi %select_n3A_37, %add3A_187 : vector<16xi32>
      %broadcast_in_dim3A_189 = arith.constant 0 : i32
      %broadcast_in_dim3A_190 = vector.broadcast %broadcast_in_dim3A_189 : i32 to vector<16xi32>
      %scan3A_191 = arith.constant 0 : i32
      %scan3A_192 = arith.constant 128 : i32
      %scan3A_193 = arith.addi %scan3A_191, %scan3A_192 : i32
      %scan3A_194 = arith.constant 4 : i32
      %scan3A_195 = scf.for %scan3A_656 = %scan3A_191 to %scan3A_193 step %scan3A_194 iter_args(%scan3A_657 = %broadcast_in_dim3A_190) -> (vector<16xi32>)  : i32 {
        %get3A_658 = arith.index_cast %scan3A_656 : i32 to index
        %get3A_659 = arith.constant 0 : index
        %get3A_660 = tpu.vector_load %arg8[%get3A_658, %get3A_659] {strides = array<i32>} : memref<128x64xf32, #tpu.memory_space<vmem>>, vector<16xf32>,
        %get3A_661 = arith.index_cast %scan3A_656 : i32 to index
        %get3A_662 = arith.constant 16 : index
        %get3A_663 = tpu.vector_load %arg8[%get3A_661, %get3A_662] {strides = array<i32>} : memref<128x64xf32, #tpu.memory_space<vmem>>, vector<16xf32>,
        %get3A_664 = arith.index_cast %scan3A_656 : i32 to index
        %get3A_665 = arith.constant 32 : index
        %get3A_666 = tpu.vector_load %arg8[%get3A_664, %get3A_665] {strides = array<i32>} : memref<128x64xf32, #tpu.memory_space<vmem>>, vector<16xf32>,
        %get3A_667 = arith.index_cast %scan3A_656 : i32 to index
        %get3A_668 = arith.constant 48 : index
        %get3A_669 = tpu.vector_load %arg8[%get3A_667, %get3A_668] {strides = array<i32>} : memref<128x64xf32, #tpu.memory_space<vmem>>, vector<16xf32>,
        %add3A_670 = arith.addf %get3A_660, %get3A_167 : vector<16xf32>
        %add3A_671 = arith.addf %get3A_663, %get3A_170 : vector<16xf32>
        %add3A_672 = arith.addf %get3A_666, %get3A_173 : vector<16xf32>
        %add3A_673 = arith.addf %get3A_669, %get3A_176 : vector<16xf32>
        tpu.vector_store_idx %arg12[%add3A_179, %select_n3A, %scan3A_657], %add3A_670 : memref<8x8x129xf32, #tpu.memory_space<vmem>>[vector<16xi32>, vector<16xi32>, vector<16xi32>], vector<16xf32>,
        tpu.vector_store_idx %arg12[%add3A_182, %select_n3A, %scan3A_657], %add3A_671 : memref<8x8x129xf32, #tpu.memory_space<vmem>>[vector<16xi32>, vector<16xi32>, vector<16xi32>], vector<16xf32>,
        tpu.vector_store_idx %arg12[%add3A_185, %select_n3A, %scan3A_657], %add3A_672 : memref<8x8x129xf32, #tpu.memory_space<vmem>>[vector<16xi32>, vector<16xi32>, vector<16xi32>], vector<16xf32>,
        tpu.vector_store_idx %arg12[%add3A_188, %select_n3A, %scan3A_657], %add3A_673 : memref<8x8x129xf32, #tpu.memory_space<vmem>>[vector<16xi32>, vector<16xi32>, vector<16xi32>], vector<16xf32>,
        %add3A_674 = arith.constant 1 : i32
        %add3A_675 = vector.broadcast %add3A_674 : i32 to vector<16xi32>
        %add3A_676 = arith.addi %scan3A_657, %add3A_675 : vector<16xi32>
        %scan3A_677 = arith.constant 1 : i32
        %scan3A_678 = arith.addi %scan3A_656, %scan3A_677 : i32
        %get3A_679 = arith.index_cast %scan3A_678 : i32 to index
        %get3A_680 = arith.constant 0 : index
        %get3A_681 = tpu.vector_load %arg8[%get3A_679, %get3A_680] {strides = array<i32>} : memref<128x64xf32, #tpu.memory_space<vmem>>, vector<16xf32>,
        %get3A_682 = arith.index_cast %scan3A_678 : i32 to index
        %get3A_683 = arith.constant 16 : index
        %get3A_684 = tpu.vector_load %arg8[%get3A_682, %get3A_683] {strides = array<i32>} : memref<128x64xf32, #tpu.memory_space<vmem>>, vector<16xf32>,
        %get3A_685 = arith.index_cast %scan3A_678 : i32 to index
        %get3A_686 = arith.constant 32 : index
        %get3A_687 = tpu.vector_load %arg8[%get3A_685, %get3A_686] {strides = array<i32>} : memref<128x64xf32, #tpu.memory_space<vmem>>, vector<16xf32>,
        %get3A_688 = arith.index_cast %scan3A_678 : i32 to index
        %get3A_689 = arith.constant 48 : index
        %get3A_690 = tpu.vector_load %arg8[%get3A_688, %get3A_689] {strides = array<i32>} : memref<128x64xf32, #tpu.memory_space<vmem>>, vector<16xf32>,
        %add3A_691 = arith.addf %get3A_681, %get3A_167 : vector<16xf32>
        %add3A_692 = arith.addf %get3A_684, %get3A_170 : vector<16xf32>
        %add3A_693 = arith.addf %get3A_687, %get3A_173 : vector<16xf32>
        %add3A_694 = arith.addf %get3A_690, %get3A_176 : vector<16xf32>
        tpu.vector_store_idx %arg12[%add3A_179, %select_n3A, %add3A_676], %add3A_691 : memref<8x8x129xf32, #tpu.memory_space<vmem>>[vector<16xi32>, vector<16xi32>, vector<16xi32>], vector<16xf32>,
        tpu.vector_store_idx %arg12[%add3A_182, %select_n3A, %add3A_676], %add3A_692 : memref<8x8x129xf32, #tpu.memory_space<vmem>>[vector<16xi32>, vector<16xi32>, vector<16xi32>], vector<16xf32>,
        tpu.vector_store_idx %arg12[%add3A_185, %select_n3A, %add3A_676], %add3A_693 : memref<8x8x129xf32, #tpu.memory_space<vmem>>[vector<16xi32>, vector<16xi32>, vector<16xi32>], vector<16xf32>,
        tpu.vector_store_idx %arg12[%add3A_188, %select_n3A, %add3A_676], %add3A_694 : memref<8x8x129xf32, #tpu.memory_space<vmem>>[vector<16xi32>, vector<16xi32>, vector<16xi32>], vector<16xf32>,
        %add3A_695 = arith.constant 1 : i32
        %add3A_696 = vector.broadcast %add3A_695 : i32 to vector<16xi32>
        %add3A_697 = arith.addi %add3A_676, %add3A_696 : vector<16xi32>
        %scan3A_698 = arith.constant 2 : i32
        %scan3A_699 = arith.addi %scan3A_656, %scan3A_698 : i32
        %get3A_700 = arith.index_cast %scan3A_699 : i32 to index
        %get3A_701 = arith.constant 0 : index
        %get3A_702 = tpu.vector_load %arg8[%get3A_700, %get3A_701] {strides = array<i32>} : memref<128x64xf32, #tpu.memory_space<vmem>>, vector<16xf32>,
        %get3A_703 = arith.index_cast %scan3A_699 : i32 to index
        %get3A_704 = arith.constant 16 : index
        %get3A_705 = tpu.vector_load %arg8[%get3A_703, %get3A_704] {strides = array<i32>} : memref<128x64xf32, #tpu.memory_space<vmem>>, vector<16xf32>,
        %get3A_706 = arith.index_cast %scan3A_699 : i32 to index
        %get3A_707 = arith.constant 32 : index
        %get3A_708 = tpu.vector_load %arg8[%get3A_706, %get3A_707] {strides = array<i32>} : memref<128x64xf32, #tpu.memory_space<vmem>>, vector<16xf32>,
        %get3A_709 = arith.index_cast %scan3A_699 : i32 to index
        %get3A_710 = arith.constant 48 : index
        %get3A_711 = tpu.vector_load %arg8[%get3A_709, %get3A_710] {strides = array<i32>} : memref<128x64xf32, #tpu.memory_space<vmem>>, vector<16xf32>,
        %add3A_712 = arith.addf %get3A_702, %get3A_167 : vector<16xf32>
        %add3A_713 = arith.addf %get3A_705, %get3A_170 : vector<16xf32>
        %add3A_714 = arith.addf %get3A_708, %get3A_173 : vector<16xf32>
        %add3A_715 = arith.addf %get3A_711, %get3A_176 : vector<16xf32>
        tpu.vector_store_idx %arg12[%add3A_179, %select_n3A, %add3A_697], %add3A_712 : memref<8x8x129xf32, #tpu.memory_space<vmem>>[vector<16xi32>, vector<16xi32>, vector<16xi32>], vector<16xf32>,
        tpu.vector_store_idx %arg12[%add3A_182, %select_n3A, %add3A_697], %add3A_713 : memref<8x8x129xf32, #tpu.memory_space<vmem>>[vector<16xi32>, vector<16xi32>, vector<16xi32>], vector<16xf32>,
        tpu.vector_store_idx %arg12[%add3A_185, %select_n3A, %add3A_697], %add3A_714 : memref<8x8x129xf32, #tpu.memory_space<vmem>>[vector<16xi32>, vector<16xi32>, vector<16xi32>], vector<16xf32>,
        tpu.vector_store_idx %arg12[%add3A_188, %select_n3A, %add3A_697], %add3A_715 : memref<8x8x129xf32, #tpu.memory_space<vmem>>[vector<16xi32>, vector<16xi32>, vector<16xi32>], vector<16xf32>,
        %add3A_716 = arith.constant 1 : i32
        %add3A_717 = vector.broadcast %add3A_716 : i32 to vector<16xi32>
        %add3A_718 = arith.addi %add3A_697, %add3A_717 : vector<16xi32>
        %scan3A_719 = arith.constant 3 : i32
        %scan3A_720 = arith.addi %scan3A_656, %scan3A_719 : i32
        %get3A_721 = arith.index_cast %scan3A_720 : i32 to index
        %get3A_722 = arith.constant 0 : index
        %get3A_723 = tpu.vector_load %arg8[%get3A_721, %get3A_722] {strides = array<i32>} : memref<128x64xf32, #tpu.memory_space<vmem>>, vector<16xf32>,
        %get3A_724 = arith.index_cast %scan3A_720 : i32 to index
        %get3A_725 = arith.constant 16 : index
        %get3A_726 = tpu.vector_load %arg8[%get3A_724, %get3A_725] {strides = array<i32>} : memref<128x64xf32, #tpu.memory_space<vmem>>, vector<16xf32>,
        %get3A_727 = arith.index_cast %scan3A_720 : i32 to index
        %get3A_728 = arith.constant 32 : index
        %get3A_729 = tpu.vector_load %arg8[%get3A_727, %get3A_728] {strides = array<i32>} : memref<128x64xf32, #tpu.memory_space<vmem>>, vector<16xf32>,
        %get3A_730 = arith.index_cast %scan3A_720 : i32 to index
        %get3A_731 = arith.constant 48 : index
        %get3A_732 = tpu.vector_load %arg8[%get3A_730, %get3A_731] {strides = array<i32>} : memref<128x64xf32, #tpu.memory_space<vmem>>, vector<16xf32>,
        %add3A_733 = arith.addf %get3A_723, %get3A_167 : vector<16xf32>
        %add3A_734 = arith.addf %get3A_726, %get3A_170 : vector<16xf32>
        %add3A_735 = arith.addf %get3A_729, %get3A_173 : vector<16xf32>
        %add3A_736 = arith.addf %get3A_732, %get3A_176 : vector<16xf32>
        tpu.vector_store_idx %arg12[%add3A_179, %select_n3A, %add3A_718], %add3A_733 : memref<8x8x129xf32, #tpu.memory_space<vmem>>[vector<16xi32>, vector<16xi32>, vector<16xi32>], vector<16xf32>,
        tpu.vector_store_idx %arg12[%add3A_182, %select_n3A, %add3A_718], %add3A_734 : memref<8x8x129xf32, #tpu.memory_space<vmem>>[vector<16xi32>, vector<16xi32>, vector<16xi32>], vector<16xf32>,
        tpu.vector_store_idx %arg12[%add3A_185, %select_n3A, %add3A_718], %add3A_735 : memref<8x8x129xf32, #tpu.memory_space<vmem>>[vector<16xi32>, vector<16xi32>, vector<16xi32>], vector<16xf32>,
        tpu.vector_store_idx %arg12[%add3A_188, %select_n3A, %add3A_718], %add3A_736 : memref<8x8x129xf32, #tpu.memory_space<vmem>>[vector<16xi32>, vector<16xi32>, vector<16xi32>], vector<16xf32>,
        %add3A_737 = arith.constant 1 : i32
        %add3A_738 = vector.broadcast %add3A_737 : i32 to vector<16xi32>
        %add3A_739 = arith.addi %add3A_718, %add3A_738 : vector<16xi32>
        scf.yield %add3A_739 : vector<16xi32>
      }
      %scan3A_196 = arith.constant 128 : i32
      %dma_start3A_197 = arith.constant 0 : i32
      %dma_start3A_198 = arith.constant 0 : i32
      %dma_start3A_199 = arith.constant 0 : i32
      %dma_start3A_200 = tpu.memref_slice %arg12[%dma_start3A_197, %dma_start3A_198, %dma_start3A_199] : memref<8x8x129xf32, #tpu.memory_space<vmem>> -> memref<8x8x128xf32, #tpu.memory_space<vmem>>
      %dma_start3A_201 = arith.constant 0 : i32
      %dma_start3A_202 = arith.constant 0 : i32
      %dma_start3A_203 = arith.constant 0 : i32
      %dma_start3A_204 = tpu.memref_slice %arg5[%add3A_153, %dma_start3A_201, %add3A, %dma_start3A_202, %dma_start3A_203] : memref<200x8x32x8x128xf32, #tpu.memory_space<hbm>> -> memref<1x8x1x8x128xf32, #tpu.memory_space<hbm>>
      %dma_start3A_205 = tpu.memref_squeeze %dma_start3A_204 : memref<1x8x1x8x128xf32, #tpu.memory_space<hbm>> -> memref<8x8x128xf32, #tpu.memory_space<hbm>>
      %dma_start3A_206 = arith.constant 0 : i32
      %dma_start3A_207 = arith.constant 0 : i32
      %dma_start3A_208 = arith.constant 0 : i32
      %dma_start3A_209 = tpu.memref_slice %arg5[%add3A_153, %dma_start3A_206, %add3A, %dma_start3A_207, %dma_start3A_208] : memref<200x8x32x8x128xf32, #tpu.memory_space<hbm>> -> memref<1x8x1x8x128xf32, #tpu.memory_space<hbm>>
      %dma_start3A_210 = tpu.memref_squeeze %dma_start3A_209 : memref<1x8x1x8x128xf32, #tpu.memory_space<hbm>> -> memref<8x8x128xf32, #tpu.memory_space<hbm>>
      %dma_start3A_211 = arith.constant 0 : i32
      %dma_start3A_212 = arith.constant 0 : i32
      %dma_start3A_213 = arith.constant 0 : i32
      %dma_start3A_214 = tpu.memref_slice %arg12[%dma_start3A_211, %dma_start3A_212, %dma_start3A_213] : memref<8x8x129xf32, #tpu.memory_space<vmem>> -> memref<8x8x128xf32, #tpu.memory_space<vmem>>
      tpu.enqueue_dma source(%dma_start3A_214 : memref<8x8x128xf32, #tpu.memory_space<vmem>>) target(%dma_start3A_210 : memref<8x8x128xf32, #tpu.memory_space<hbm>>) target_semaphore(%arg19 : memref<!tpu.dma_semaphore, #tpu.memory_space<semaphore_mem>>)
      %add3A_215 = arith.constant 4 : i32
      %add3A_216 = arith.addi %add3A_153, %add3A_215 : i32
      %sub3A_217 = arith.constant 1 : i32
      %sub3A_218 = arith.subi %add3A_216, %sub3A_217 : i32
      %lt3A_219 = arith.constant 200 : i32
      %lt3A_220 = arith.cmpi slt, %sub3A_218, %lt3A_219 : i32
      %convert_element_type3A_221 = arith.extui %lt3A_220 : i1 to i32
      %cond3A_222 = arith.constant 0 : i32
      %cond3A_223 = arith.cmpi ne, %convert_element_type3A_221, %cond3A_222 : i32
      scf.if %cond3A_223 {
        %dma_start3A_656 = arith.constant 0 : i32
        %dma_start3A_657 = tpu.memref_slice %arg6[%sub3A_218, %dma_start3A_656] : memref<200x128xi32, #tpu.memory_space<vmem>> -> memref<1x128xi32, #tpu.memory_space<vmem>>
        %dma_start3A_658 = tpu.memref_squeeze %dma_start3A_657 : memref<1x128xi32, #tpu.memory_space<vmem>> -> memref<128xi32, #tpu.memory_space<vmem>>
        %dma_start3A_659 = arith.constant 0 : i32
        %dma_start3A_660 = arith.constant 0 : i32
        %dma_start3A_661 = tpu.memref_slice %arg3[%dma_start3A_659, %dma_start3A_660] : memref<1200x64xf32, #tpu.memory_space<hbm>> -> memref<1200x64xf32, #tpu.memory_space<hbm>>
        tpu.enqueue_indirect_dma source(%dma_start3A_661 : memref<1200x64xf32, #tpu.memory_space<hbm>>) target(%arg7 : memref<128x64xf32, #tpu.memory_space<vmem>>) offsets(%dma_start3A_658 : memref<128xi32, #tpu.memory_space<vmem>>) semaphore(%arg14 : memref<!tpu.dma_semaphore, #tpu.memory_space<semaphore_mem>>)
      } else {
      }
      %add3A_224 = arith.constant 2 : i32
      %add3A_225 = arith.addi %mul3A_83, %add3A_224 : i32
      %dma_wait3A_226 = arith.constant 0 : i32
      %dma_wait3A_227 = tpu.memref_slice %arg6[%add3A_225, %dma_wait3A_226] : memref<200x128xi32, #tpu.memory_space<vmem>> -> memref<1x128xi32, #tpu.memory_space<vmem>>
      %dma_wait3A_228 = tpu.memref_squeeze %dma_wait3A_227 : memref<1x128xi32, #tpu.memory_space<vmem>> -> memref<128xi32, #tpu.memory_space<vmem>>
      %dma_wait3A_229 = arith.constant 0 : i32
      %dma_wait3A_230 = arith.constant 0 : i32
      %dma_wait3A_231 = tpu.memref_slice %arg3[%dma_wait3A_229, %dma_wait3A_230] : memref<1200x64xf32, #tpu.memory_space<hbm>> -> memref<1200x64xf32, #tpu.memory_space<hbm>>
      tpu.wait_indirect_dma semaphore(%arg16 : memref<!tpu.dma_semaphore, #tpu.memory_space<semaphore_mem>>) src(%dma_wait3A_231 : memref<1200x64xf32, #tpu.memory_space<hbm>>) dst(%arg9 : memref<128x64xf32, #tpu.memory_space<vmem>>)
      %ge3A_232 = arith.constant 2 : i32
      %ge3A_233 = arith.cmpi sge, %add3A_225, %ge3A_232 : i32
      %convert_element_type3A_234 = arith.extui %ge3A_233 : i1 to i32
      %cond3A_235 = arith.constant 0 : i32
      %cond3A_236 = arith.cmpi ne, %convert_element_type3A_234, %cond3A_235 : i32
      scf.if %cond3A_236 {
        %sub3A_656 = arith.constant 2 : i32
        %sub3A_657 = arith.subi %add3A_225, %sub3A_656 : i32
        %dma_wait3A_658 = arith.constant 0 : i32
        %dma_wait3A_659 = arith.constant 0 : i32
        %dma_wait3A_660 = arith.constant 0 : i32
        %dma_wait3A_661 = tpu.memref_slice %arg11[%dma_wait3A_658, %dma_wait3A_659, %dma_wait3A_660] : memref<8x8x129xf32, #tpu.memory_space<vmem>> -> memref<8x8x128xf32, #tpu.memory_space<vmem>>
        %dma_wait3A_662 = arith.constant 0 : i32
        %dma_wait3A_663 = arith.constant 0 : i32
        %dma_wait3A_664 = arith.constant 0 : i32
        %dma_wait3A_665 = tpu.memref_slice %arg5[%sub3A_657, %dma_wait3A_662, %add3A, %dma_wait3A_663, %dma_wait3A_664] : memref<200x8x32x8x128xf32, #tpu.memory_space<hbm>> -> memref<1x8x1x8x128xf32, #tpu.memory_space<hbm>>
        %dma_wait3A_666 = tpu.memref_squeeze %dma_wait3A_665 : memref<1x8x1x8x128xf32, #tpu.memory_space<hbm>> -> memref<8x8x128xf32, #tpu.memory_space<hbm>>
        %dma_wait3A_667 = arith.constant 0 : i32
        %dma_wait3A_668 = arith.constant 0 : i32
        %dma_wait3A_669 = arith.constant 0 : i32
        %dma_wait3A_670 = tpu.memref_slice %arg5[%sub3A_657, %dma_wait3A_667, %add3A, %dma_wait3A_668, %dma_wait3A_669] : memref<200x8x32x8x128xf32, #tpu.memory_space<hbm>> -> memref<1x8x1x8x128xf32, #tpu.memory_space<hbm>>
        %dma_wait3A_671 = tpu.memref_squeeze %dma_wait3A_670 : memref<1x8x1x8x128xf32, #tpu.memory_space<hbm>> -> memref<8x8x128xf32, #tpu.memory_space<hbm>>
        %dma_wait3A_672 = arith.constant 0 : i32
        %dma_wait3A_673 = arith.constant 0 : i32
        %dma_wait3A_674 = arith.constant 0 : i32
        %dma_wait3A_675 = tpu.memref_slice %arg11[%dma_wait3A_672, %dma_wait3A_673, %dma_wait3A_674] : memref<8x8x129xf32, #tpu.memory_space<vmem>> -> memref<8x8x128xf32, #tpu.memory_space<vmem>>
        tpu.wait_dma2 semaphore(%arg18 : memref<!tpu.dma_semaphore, #tpu.memory_space<semaphore_mem>>) src(%dma_wait3A_675 : memref<8x8x128xf32, #tpu.memory_space<vmem>>) dst(%dma_wait3A_671 : memref<8x8x128xf32, #tpu.memory_space<hbm>>)
      } else {
      }
      %get3A_237 = arith.index_cast %add3A_225 : i32 to index
      %get3A_238 = arith.constant 0 : index
      %get3A_239 = tpu.vector_load %arg13[%get3A_237, %get3A_238] {strides = array<i32>} : memref<200x64xf32, #tpu.memory_space<vmem>>, vector<16xf32>,
      %get3A_240 = arith.index_cast %add3A_225 : i32 to index
      %get3A_241 = arith.constant 16 : index
      %get3A_242 = tpu.vector_load %arg13[%get3A_240, %get3A_241] {strides = array<i32>} : memref<200x64xf32, #tpu.memory_space<vmem>>, vector<16xf32>,
      %get3A_243 = arith.index_cast %add3A_225 : i32 to index
      %get3A_244 = arith.constant 32 : index
      %get3A_245 = tpu.vector_load %arg13[%get3A_243, %get3A_244] {strides = array<i32>} : memref<200x64xf32, #tpu.memory_space<vmem>>, vector<16xf32>,
      %get3A_246 = arith.index_cast %add3A_225 : i32 to index
      %get3A_247 = arith.constant 48 : index
      %get3A_248 = tpu.vector_load %arg13[%get3A_246, %get3A_247] {strides = array<i32>} : memref<200x64xf32, #tpu.memory_space<vmem>>, vector<16xf32>,
      %add3A_249 = arith.constant 0 : i32
      %add3A_250 = vector.broadcast %add3A_249 : i32 to vector<16xi32>
      %add3A_251 = arith.addi %select_n3A_37, %add3A_250 : vector<16xi32>
      %add3A_252 = arith.constant 2 : i32
      %add3A_253 = vector.broadcast %add3A_252 : i32 to vector<16xi32>
      %add3A_254 = arith.addi %select_n3A_37, %add3A_253 : vector<16xi32>
      %add3A_255 = arith.constant 4 : i32
      %add3A_256 = vector.broadcast %add3A_255 : i32 to vector<16xi32>
      %add3A_257 = arith.addi %select_n3A_37, %add3A_256 : vector<16xi32>
      %add3A_258 = arith.constant 6 : i32
      %add3A_259 = vector.broadcast %add3A_258 : i32 to vector<16xi32>
      %add3A_260 = arith.addi %select_n3A_37, %add3A_259 : vector<16xi32>
      %broadcast_in_dim3A_261 = arith.constant 0 : i32
      %broadcast_in_dim3A_262 = vector.broadcast %broadcast_in_dim3A_261 : i32 to vector<16xi32>
      %scan3A_263 = arith.constant 0 : i32
      %scan3A_264 = arith.constant 128 : i32
      %scan3A_265 = arith.addi %scan3A_263, %scan3A_264 : i32
      %scan3A_266 = arith.constant 4 : i32
      %scan3A_267 = scf.for %scan3A_656 = %scan3A_263 to %scan3A_265 step %scan3A_266 iter_args(%scan3A_657 = %broadcast_in_dim3A_262) -> (vector<16xi32>)  : i32 {
        %get3A_658 = arith.index_cast %scan3A_656 : i32 to index
        %get3A_659 = arith.constant 0 : index
        %get3A_660 = tpu.vector_load %arg9[%get3A_658, %get3A_659] {strides = array<i32>} : memref<128x64xf32, #tpu.memory_space<vmem>>, vector<16xf32>,
        %get3A_661 = arith.index_cast %scan3A_656 : i32 to index
        %get3A_662 = arith.constant 16 : index
        %get3A_663 = tpu.vector_load %arg9[%get3A_661, %get3A_662] {strides = array<i32>} : memref<128x64xf32, #tpu.memory_space<vmem>>, vector<16xf32>,
        %get3A_664 = arith.index_cast %scan3A_656 : i32 to index
        %get3A_665 = arith.constant 32 : index
        %get3A_666 = tpu.vector_load %arg9[%get3A_664, %get3A_665] {strides = array<i32>} : memref<128x64xf32, #tpu.memory_space<vmem>>, vector<16xf32>,
        %get3A_667 = arith.index_cast %scan3A_656 : i32 to index
        %get3A_668 = arith.constant 48 : index
        %get3A_669 = tpu.vector_load %arg9[%get3A_667, %get3A_668] {strides = array<i32>} : memref<128x64xf32, #tpu.memory_space<vmem>>, vector<16xf32>,
        %add3A_670 = arith.addf %get3A_660, %get3A_239 : vector<16xf32>
        %add3A_671 = arith.addf %get3A_663, %get3A_242 : vector<16xf32>
        %add3A_672 = arith.addf %get3A_666, %get3A_245 : vector<16xf32>
        %add3A_673 = arith.addf %get3A_669, %get3A_248 : vector<16xf32>
        tpu.vector_store_idx %arg11[%add3A_251, %select_n3A, %scan3A_657], %add3A_670 : memref<8x8x129xf32, #tpu.memory_space<vmem>>[vector<16xi32>, vector<16xi32>, vector<16xi32>], vector<16xf32>,
        tpu.vector_store_idx %arg11[%add3A_254, %select_n3A, %scan3A_657], %add3A_671 : memref<8x8x129xf32, #tpu.memory_space<vmem>>[vector<16xi32>, vector<16xi32>, vector<16xi32>], vector<16xf32>,
        tpu.vector_store_idx %arg11[%add3A_257, %select_n3A, %scan3A_657], %add3A_672 : memref<8x8x129xf32, #tpu.memory_space<vmem>>[vector<16xi32>, vector<16xi32>, vector<16xi32>], vector<16xf32>,
        tpu.vector_store_idx %arg11[%add3A_260, %select_n3A, %scan3A_657], %add3A_673 : memref<8x8x129xf32, #tpu.memory_space<vmem>>[vector<16xi32>, vector<16xi32>, vector<16xi32>], vector<16xf32>,
        %add3A_674 = arith.constant 1 : i32
        %add3A_675 = vector.broadcast %add3A_674 : i32 to vector<16xi32>
        %add3A_676 = arith.addi %scan3A_657, %add3A_675 : vector<16xi32>
        %scan3A_677 = arith.constant 1 : i32
        %scan3A_678 = arith.addi %scan3A_656, %scan3A_677 : i32
        %get3A_679 = arith.index_cast %scan3A_678 : i32 to index
        %get3A_680 = arith.constant 0 : index
        %get3A_681 = tpu.vector_load %arg9[%get3A_679, %get3A_680] {strides = array<i32>} : memref<128x64xf32, #tpu.memory_space<vmem>>, vector<16xf32>,
        %get3A_682 = arith.index_cast %scan3A_678 : i32 to index
        %get3A_683 = arith.constant 16 : index
        %get3A_684 = tpu.vector_load %arg9[%get3A_682, %get3A_683] {strides = array<i32>} : memref<128x64xf32, #tpu.memory_space<vmem>>, vector<16xf32>,
        %get3A_685 = arith.index_cast %scan3A_678 : i32 to index
        %get3A_686 = arith.constant 32 : index
        %get3A_687 = tpu.vector_load %arg9[%get3A_685, %get3A_686] {strides = array<i32>} : memref<128x64xf32, #tpu.memory_space<vmem>>, vector<16xf32>,
        %get3A_688 = arith.index_cast %scan3A_678 : i32 to index
        %get3A_689 = arith.constant 48 : index
        %get3A_690 = tpu.vector_load %arg9[%get3A_688, %get3A_689] {strides = array<i32>} : memref<128x64xf32, #tpu.memory_space<vmem>>, vector<16xf32>,
        %add3A_691 = arith.addf %get3A_681, %get3A_239 : vector<16xf32>
        %add3A_692 = arith.addf %get3A_684, %get3A_242 : vector<16xf32>
        %add3A_693 = arith.addf %get3A_687, %get3A_245 : vector<16xf32>
        %add3A_694 = arith.addf %get3A_690, %get3A_248 : vector<16xf32>
        tpu.vector_store_idx %arg11[%add3A_251, %select_n3A, %add3A_676], %add3A_691 : memref<8x8x129xf32, #tpu.memory_space<vmem>>[vector<16xi32>, vector<16xi32>, vector<16xi32>], vector<16xf32>,
        tpu.vector_store_idx %arg11[%add3A_254, %select_n3A, %add3A_676], %add3A_692 : memref<8x8x129xf32, #tpu.memory_space<vmem>>[vector<16xi32>, vector<16xi32>, vector<16xi32>], vector<16xf32>,
        tpu.vector_store_idx %arg11[%add3A_257, %select_n3A, %add3A_676], %add3A_693 : memref<8x8x129xf32, #tpu.memory_space<vmem>>[vector<16xi32>, vector<16xi32>, vector<16xi32>], vector<16xf32>,
        tpu.vector_store_idx %arg11[%add3A_260, %select_n3A, %add3A_676], %add3A_694 : memref<8x8x129xf32, #tpu.memory_space<vmem>>[vector<16xi32>, vector<16xi32>, vector<16xi32>], vector<16xf32>,
        %add3A_695 = arith.constant 1 : i32
        %add3A_696 = vector.broadcast %add3A_695 : i32 to vector<16xi32>
        %add3A_697 = arith.addi %add3A_676, %add3A_696 : vector<16xi32>
        %scan3A_698 = arith.constant 2 : i32
        %scan3A_699 = arith.addi %scan3A_656, %scan3A_698 : i32
        %get3A_700 = arith.index_cast %scan3A_699 : i32 to index
        %get3A_701 = arith.constant 0 : index
        %get3A_702 = tpu.vector_load %arg9[%get3A_700, %get3A_701] {strides = array<i32>} : memref<128x64xf32, #tpu.memory_space<vmem>>, vector<16xf32>,
        %get3A_703 = arith.index_cast %scan3A_699 : i32 to index
        %get3A_704 = arith.constant 16 : index
        %get3A_705 = tpu.vector_load %arg9[%get3A_703, %get3A_704] {strides = array<i32>} : memref<128x64xf32, #tpu.memory_space<vmem>>, vector<16xf32>,
        %get3A_706 = arith.index_cast %scan3A_699 : i32 to index
        %get3A_707 = arith.constant 32 : index
        %get3A_708 = tpu.vector_load %arg9[%get3A_706, %get3A_707] {strides = array<i32>} : memref<128x64xf32, #tpu.memory_space<vmem>>, vector<16xf32>,
        %get3A_709 = arith.index_cast %scan3A_699 : i32 to index
        %get3A_710 = arith.constant 48 : index
        %get3A_711 = tpu.vector_load %arg9[%get3A_709, %get3A_710] {strides = array<i32>} : memref<128x64xf32, #tpu.memory_space<vmem>>, vector<16xf32>,
        %add3A_712 = arith.addf %get3A_702, %get3A_239 : vector<16xf32>
        %add3A_713 = arith.addf %get3A_705, %get3A_242 : vector<16xf32>
        %add3A_714 = arith.addf %get3A_708, %get3A_245 : vector<16xf32>
        %add3A_715 = arith.addf %get3A_711, %get3A_248 : vector<16xf32>
        tpu.vector_store_idx %arg11[%add3A_251, %select_n3A, %add3A_697], %add3A_712 : memref<8x8x129xf32, #tpu.memory_space<vmem>>[vector<16xi32>, vector<16xi32>, vector<16xi32>], vector<16xf32>,
        tpu.vector_store_idx %arg11[%add3A_254, %select_n3A, %add3A_697], %add3A_713 : memref<8x8x129xf32, #tpu.memory_space<vmem>>[vector<16xi32>, vector<16xi32>, vector<16xi32>], vector<16xf32>,
        tpu.vector_store_idx %arg11[%add3A_257, %select_n3A, %add3A_697], %add3A_714 : memref<8x8x129xf32, #tpu.memory_space<vmem>>[vector<16xi32>, vector<16xi32>, vector<16xi32>], vector<16xf32>,
        tpu.vector_store_idx %arg11[%add3A_260, %select_n3A, %add3A_697], %add3A_715 : memref<8x8x129xf32, #tpu.memory_space<vmem>>[vector<16xi32>, vector<16xi32>, vector<16xi32>], vector<16xf32>,
        %add3A_716 = arith.constant 1 : i32
        %add3A_717 = vector.broadcast %add3A_716 : i32 to vector<16xi32>
        %add3A_718 = arith.addi %add3A_697, %add3A_717 : vector<16xi32>
        %scan3A_719 = arith.constant 3 : i32
        %scan3A_720 = arith.addi %scan3A_656, %scan3A_719 : i32
        %get3A_721 = arith.index_cast %scan3A_720 : i32 to index
        %get3A_722 = arith.constant 0 : index
        %get3A_723 = tpu.vector_load %arg9[%get3A_721, %get3A_722] {strides = array<i32>} : memref<128x64xf32, #tpu.memory_space<vmem>>, vector<16xf32>,
        %get3A_724 = arith.index_cast %scan3A_720 : i32 to index
        %get3A_725 = arith.constant 16 : index
        %get3A_726 = tpu.vector_load %arg9[%get3A_724, %get3A_725] {strides = array<i32>} : memref<128x64xf32, #tpu.memory_space<vmem>>, vector<16xf32>,
        %get3A_727 = arith.index_cast %scan3A_720 : i32 to index
        %get3A_728 = arith.constant 32 : index
        %get3A_729 = tpu.vector_load %arg9[%get3A_727, %get3A_728] {strides = array<i32>} : memref<128x64xf32, #tpu.memory_space<vmem>>, vector<16xf32>,
        %get3A_730 = arith.index_cast %scan3A_720 : i32 to index
        %get3A_731 = arith.constant 48 : index
        %get3A_732 = tpu.vector_load %arg9[%get3A_730, %get3A_731] {strides = array<i32>} : memref<128x64xf32, #tpu.memory_space<vmem>>, vector<16xf32>,
        %add3A_733 = arith.addf %get3A_723, %get3A_239 : vector<16xf32>
        %add3A_734 = arith.addf %get3A_726, %get3A_242 : vector<16xf32>
        %add3A_735 = arith.addf %get3A_729, %get3A_245 : vector<16xf32>
        %add3A_736 = arith.addf %get3A_732, %get3A_248 : vector<16xf32>
        tpu.vector_store_idx %arg11[%add3A_251, %select_n3A, %add3A_718], %add3A_733 : memref<8x8x129xf32, #tpu.memory_space<vmem>>[vector<16xi32>, vector<16xi32>, vector<16xi32>], vector<16xf32>,
        tpu.vector_store_idx %arg11[%add3A_254, %select_n3A, %add3A_718], %add3A_734 : memref<8x8x129xf32, #tpu.memory_space<vmem>>[vector<16xi32>, vector<16xi32>, vector<16xi32>], vector<16xf32>,
        tpu.vector_store_idx %arg11[%add3A_257, %select_n3A, %add3A_718], %add3A_735 : memref<8x8x129xf32, #tpu.memory_space<vmem>>[vector<16xi32>, vector<16xi32>, vector<16xi32>], vector<16xf32>,
        tpu.vector_store_idx %arg11[%add3A_260, %select_n3A, %add3A_718], %add3A_736 : memref<8x8x129xf32, #tpu.memory_space<vmem>>[vector<16xi32>, vector<16xi32>, vector<16xi32>], vector<16xf32>,
        %add3A_737 = arith.constant 1 : i32
        %add3A_738 = vector.broadcast %add3A_737 : i32 to vector<16xi32>
        %add3A_739 = arith.addi %add3A_718, %add3A_738 : vector<16xi32>
        scf.yield %add3A_739 : vector<16xi32>
      }
      %scan3A_268 = arith.constant 128 : i32
      %dma_start3A_269 = arith.constant 0 : i32
      %dma_start3A_270 = arith.constant 0 : i32
      %dma_start3A_271 = arith.constant 0 : i32
      %dma_start3A_272 = tpu.memref_slice %arg11[%dma_start3A_269, %dma_start3A_270, %dma_start3A_271] : memref<8x8x129xf32, #tpu.memory_space<vmem>> -> memref<8x8x128xf32, #tpu.memory_space<vmem>>
      %dma_start3A_273 = arith.constant 0 : i32
      %dma_start3A_274 = arith.constant 0 : i32
      %dma_start3A_275 = arith.constant 0 : i32
      %dma_start3A_276 = tpu.memref_slice %arg5[%add3A_225, %dma_start3A_273, %add3A, %dma_start3A_274, %dma_start3A_275] : memref<200x8x32x8x128xf32, #tpu.memory_space<hbm>> -> memref<1x8x1x8x128xf32, #tpu.memory_space<hbm>>
      %dma_start3A_277 = tpu.memref_squeeze %dma_start3A_276 : memref<1x8x1x8x128xf32, #tpu.memory_space<hbm>> -> memref<8x8x128xf32, #tpu.memory_space<hbm>>
      %dma_start3A_278 = arith.constant 0 : i32
      %dma_start3A_279 = arith.constant 0 : i32
      %dma_start3A_280 = arith.constant 0 : i32
      %dma_start3A_281 = tpu.memref_slice %arg5[%add3A_225, %dma_start3A_278, %add3A, %dma_start3A_279, %dma_start3A_280] : memref<200x8x32x8x128xf32, #tpu.memory_space<hbm>> -> memref<1x8x1x8x128xf32, #tpu.memory_space<hbm>>
      %dma_start3A_282 = tpu.memref_squeeze %dma_start3A_281 : memref<1x8x1x8x128xf32, #tpu.memory_space<hbm>> -> memref<8x8x128xf32, #tpu.memory_space<hbm>>
      %dma_start3A_283 = arith.constant 0 : i32
      %dma_start3A_284 = arith.constant 0 : i32
      %dma_start3A_285 = arith.constant 0 : i32
      %dma_start3A_286 = tpu.memref_slice %arg11[%dma_start3A_283, %dma_start3A_284, %dma_start3A_285] : memref<8x8x129xf32, #tpu.memory_space<vmem>> -> memref<8x8x128xf32, #tpu.memory_space<vmem>>
      tpu.enqueue_dma source(%dma_start3A_286 : memref<8x8x128xf32, #tpu.memory_space<vmem>>) target(%dma_start3A_282 : memref<8x8x128xf32, #tpu.memory_space<hbm>>) target_semaphore(%arg18 : memref<!tpu.dma_semaphore, #tpu.memory_space<semaphore_mem>>)
      %add3A_287 = arith.constant 4 : i32
      %add3A_288 = arith.addi %add3A_225, %add3A_287 : i32
      %sub3A_289 = arith.constant 1 : i32
      %sub3A_290 = arith.subi %add3A_288, %sub3A_289 : i32
      %lt3A_291 = arith.constant 200 : i32
      %lt3A_292 = arith.cmpi slt, %sub3A_290, %lt3A_291 : i32
      %convert_element_type3A_293 = arith.extui %lt3A_292 : i1 to i32
      %cond3A_294 = arith.constant 0 : i32
      %cond3A_295 = arith.cmpi ne, %convert_element_type3A_293, %cond3A_294 : i32
      scf.if %cond3A_295 {
        %dma_start3A_656 = arith.constant 0 : i32
        %dma_start3A_657 = tpu.memref_slice %arg6[%sub3A_290, %dma_start3A_656] : memref<200x128xi32, #tpu.memory_space<vmem>> -> memref<1x128xi32, #tpu.memory_space<vmem>>
        %dma_start3A_658 = tpu.memref_squeeze %dma_start3A_657 : memref<1x128xi32, #tpu.memory_space<vmem>> -> memref<128xi32, #tpu.memory_space<vmem>>
        %dma_start3A_659 = arith.constant 0 : i32
        %dma_start3A_660 = arith.constant 0 : i32
        %dma_start3A_661 = tpu.memref_slice %arg3[%dma_start3A_659, %dma_start3A_660] : memref<1200x64xf32, #tpu.memory_space<hbm>> -> memref<1200x64xf32, #tpu.memory_space<hbm>>
        tpu.enqueue_indirect_dma source(%dma_start3A_661 : memref<1200x64xf32, #tpu.memory_space<hbm>>) target(%arg8 : memref<128x64xf32, #tpu.memory_space<vmem>>) offsets(%dma_start3A_658 : memref<128xi32, #tpu.memory_space<vmem>>) semaphore(%arg15 : memref<!tpu.dma_semaphore, #tpu.memory_space<semaphore_mem>>)
      } else {
      }
      %add3A_296 = arith.constant 3 : i32
      %add3A_297 = arith.addi %mul3A_83, %add3A_296 : i32
      %dma_wait3A_298 = arith.constant 0 : i32
      %dma_wait3A_299 = tpu.memref_slice %arg6[%add3A_297, %dma_wait3A_298] : memref<200x128xi32, #tpu.memory_space<vmem>> -> memref<1x128xi32, #tpu.memory_space<vmem>>
      %dma_wait3A_300 = tpu.memref_squeeze %dma_wait3A_299 : memref<1x128xi32, #tpu.memory_space<vmem>> -> memref<128xi32, #tpu.memory_space<vmem>>
      %dma_wait3A_301 = arith.constant 0 : i32
      %dma_wait3A_302 = arith.constant 0 : i32
      %dma_wait3A_303 = tpu.memref_slice %arg3[%dma_wait3A_301, %dma_wait3A_302] : memref<1200x64xf32, #tpu.memory_space<hbm>> -> memref<1200x64xf32, #tpu.memory_space<hbm>>
      tpu.wait_indirect_dma semaphore(%arg17 : memref<!tpu.dma_semaphore, #tpu.memory_space<semaphore_mem>>) src(%dma_wait3A_303 : memref<1200x64xf32, #tpu.memory_space<hbm>>) dst(%arg10 : memref<128x64xf32, #tpu.memory_space<vmem>>)
      %ge3A_304 = arith.constant 2 : i32
      %ge3A_305 = arith.cmpi sge, %add3A_297, %ge3A_304 : i32
      %convert_element_type3A_306 = arith.extui %ge3A_305 : i1 to i32
      %cond3A_307 = arith.constant 0 : i32
      %cond3A_308 = arith.cmpi ne, %convert_element_type3A_306, %cond3A_307 : i32
      scf.if %cond3A_308 {
        %sub3A_656 = arith.constant 2 : i32
        %sub3A_657 = arith.subi %add3A_297, %sub3A_656 : i32
        %dma_wait3A_658 = arith.constant 0 : i32
        %dma_wait3A_659 = arith.constant 0 : i32
        %dma_wait3A_660 = arith.constant 0 : i32
        %dma_wait3A_661 = tpu.memref_slice %arg12[%dma_wait3A_658, %dma_wait3A_659, %dma_wait3A_660] : memref<8x8x129xf32, #tpu.memory_space<vmem>> -> memref<8x8x128xf32, #tpu.memory_space<vmem>>
        %dma_wait3A_662 = arith.constant 0 : i32
        %dma_wait3A_663 = arith.constant 0 : i32
        %dma_wait3A_664 = arith.constant 0 : i32
        %dma_wait3A_665 = tpu.memref_slice %arg5[%sub3A_657, %dma_wait3A_662, %add3A, %dma_wait3A_663, %dma_wait3A_664] : memref<200x8x32x8x128xf32, #tpu.memory_space<hbm>> -> memref<1x8x1x8x128xf32, #tpu.memory_space<hbm>>
        %dma_wait3A_666 = tpu.memref_squeeze %dma_wait3A_665 : memref<1x8x1x8x128xf32, #tpu.memory_space<hbm>> -> memref<8x8x128xf32, #tpu.memory_space<hbm>>
        %dma_wait3A_667 = arith.constant 0 : i32
        %dma_wait3A_668 = arith.constant 0 : i32
        %dma_wait3A_669 = arith.constant 0 : i32
        %dma_wait3A_670 = tpu.memref_slice %arg5[%sub3A_657, %dma_wait3A_667, %add3A, %dma_wait3A_668, %dma_wait3A_669] : memref<200x8x32x8x128xf32, #tpu.memory_space<hbm>> -> memref<1x8x1x8x128xf32, #tpu.memory_space<hbm>>
        %dma_wait3A_671 = tpu.memref_squeeze %dma_wait3A_670 : memref<1x8x1x8x128xf32, #tpu.memory_space<hbm>> -> memref<8x8x128xf32, #tpu.memory_space<hbm>>
        %dma_wait3A_672 = arith.constant 0 : i32
        %dma_wait3A_673 = arith.constant 0 : i32
        %dma_wait3A_674 = arith.constant 0 : i32
        %dma_wait3A_675 = tpu.memref_slice %arg12[%dma_wait3A_672, %dma_wait3A_673, %dma_wait3A_674] : memref<8x8x129xf32, #tpu.memory_space<vmem>> -> memref<8x8x128xf32, #tpu.memory_space<vmem>>
        tpu.wait_dma2 semaphore(%arg19 : memref<!tpu.dma_semaphore, #tpu.memory_space<semaphore_mem>>) src(%dma_wait3A_675 : memref<8x8x128xf32, #tpu.memory_space<vmem>>) dst(%dma_wait3A_671 : memref<8x8x128xf32, #tpu.memory_space<hbm>>)
      } else {
      }
      %get3A_309 = arith.index_cast %add3A_297 : i32 to index
      %get3A_310 = arith.constant 0 : index
      %get3A_311 = tpu.vector_load %arg13[%get3A_309, %get3A_310] {strides = array<i32>} : memref<200x64xf32, #tpu.memory_space<vmem>>, vector<16xf32>,
      %get3A_312 = arith.index_cast %add3A_297 : i32 to index
      %get3A_313 = arith.constant 16 : index
      %get3A_314 = tpu.vector_load %arg13[%get3A_312, %get3A_313] {strides = array<i32>} : memref<200x64xf32, #tpu.memory_space<vmem>>, vector<16xf32>,
      %get3A_315 = arith.index_cast %add3A_297 : i32 to index
      %get3A_316 = arith.constant 32 : index
      %get3A_317 = tpu.vector_load %arg13[%get3A_315, %get3A_316] {strides = array<i32>} : memref<200x64xf32, #tpu.memory_space<vmem>>, vector<16xf32>,
      %get3A_318 = arith.index_cast %add3A_297 : i32 to index
      %get3A_319 = arith.constant 48 : index
      %get3A_320 = tpu.vector_load %arg13[%get3A_318, %get3A_319] {strides = array<i32>} : memref<200x64xf32, #tpu.memory_space<vmem>>, vector<16xf32>,
      %add3A_321 = arith.constant 0 : i32
      %add3A_322 = vector.broadcast %add3A_321 : i32 to vector<16xi32>
      %add3A_323 = arith.addi %select_n3A_37, %add3A_322 : vector<16xi32>
      %add3A_324 = arith.constant 2 : i32
      %add3A_325 = vector.broadcast %add3A_324 : i32 to vector<16xi32>
      %add3A_326 = arith.addi %select_n3A_37, %add3A_325 : vector<16xi32>
      %add3A_327 = arith.constant 4 : i32
      %add3A_328 = vector.broadcast %add3A_327 : i32 to vector<16xi32>
      %add3A_329 = arith.addi %select_n3A_37, %add3A_328 : vector<16xi32>
      %add3A_330 = arith.constant 6 : i32
      %add3A_331 = vector.broadcast %add3A_330 : i32 to vector<16xi32>
      %add3A_332 = arith.addi %select_n3A_37, %add3A_331 : vector<16xi32>
      %broadcast_in_dim3A_333 = arith.constant 0 : i32
      %broadcast_in_dim3A_334 = vector.broadcast %broadcast_in_dim3A_333 : i32 to vector<16xi32>
      %scan3A_335 = arith.constant 0 : i32
      %scan3A_336 = arith.constant 128 : i32
      %scan3A_337 = arith.addi %scan3A_335, %scan3A_336 : i32
      %scan3A_338 = arith.constant 4 : i32
      %scan3A_339 = scf.for %scan3A_656 = %scan3A_335 to %scan3A_337 step %scan3A_338 iter_args(%scan3A_657 = %broadcast_in_dim3A_334) -> (vector<16xi32>)  : i32 {
        %get3A_658 = arith.index_cast %scan3A_656 : i32 to index
        %get3A_659 = arith.constant 0 : index
        %get3A_660 = tpu.vector_load %arg10[%get3A_658, %get3A_659] {strides = array<i32>} : memref<128x64xf32, #tpu.memory_space<vmem>>, vector<16xf32>,
        %get3A_661 = arith.index_cast %scan3A_656 : i32 to index
        %get3A_662 = arith.constant 16 : index
        %get3A_663 = tpu.vector_load %arg10[%get3A_661, %get3A_662] {strides = array<i32>} : memref<128x64xf32, #tpu.memory_space<vmem>>, vector<16xf32>,
        %get3A_664 = arith.index_cast %scan3A_656 : i32 to index
        %get3A_665 = arith.constant 32 : index
        %get3A_666 = tpu.vector_load %arg10[%get3A_664, %get3A_665] {strides = array<i32>} : memref<128x64xf32, #tpu.memory_space<vmem>>, vector<16xf32>,
        %get3A_667 = arith.index_cast %scan3A_656 : i32 to index
        %get3A_668 = arith.constant 48 : index
        %get3A_669 = tpu.vector_load %arg10[%get3A_667, %get3A_668] {strides = array<i32>} : memref<128x64xf32, #tpu.memory_space<vmem>>, vector<16xf32>,
        %add3A_670 = arith.addf %get3A_660, %get3A_311 : vector<16xf32>
        %add3A_671 = arith.addf %get3A_663, %get3A_314 : vector<16xf32>
        %add3A_672 = arith.addf %get3A_666, %get3A_317 : vector<16xf32>
        %add3A_673 = arith.addf %get3A_669, %get3A_320 : vector<16xf32>
        tpu.vector_store_idx %arg12[%add3A_323, %select_n3A, %scan3A_657], %add3A_670 : memref<8x8x129xf32, #tpu.memory_space<vmem>>[vector<16xi32>, vector<16xi32>, vector<16xi32>], vector<16xf32>,
        tpu.vector_store_idx %arg12[%add3A_326, %select_n3A, %scan3A_657], %add3A_671 : memref<8x8x129xf32, #tpu.memory_space<vmem>>[vector<16xi32>, vector<16xi32>, vector<16xi32>], vector<16xf32>,
        tpu.vector_store_idx %arg12[%add3A_329, %select_n3A, %scan3A_657], %add3A_672 : memref<8x8x129xf32, #tpu.memory_space<vmem>>[vector<16xi32>, vector<16xi32>, vector<16xi32>], vector<16xf32>,
        tpu.vector_store_idx %arg12[%add3A_332, %select_n3A, %scan3A_657], %add3A_673 : memref<8x8x129xf32, #tpu.memory_space<vmem>>[vector<16xi32>, vector<16xi32>, vector<16xi32>], vector<16xf32>,
        %add3A_674 = arith.constant 1 : i32
        %add3A_675 = vector.broadcast %add3A_674 : i32 to vector<16xi32>
        %add3A_676 = arith.addi %scan3A_657, %add3A_675 : vector<16xi32>
        %scan3A_677 = arith.constant 1 : i32
        %scan3A_678 = arith.addi %scan3A_656, %scan3A_677 : i32
        %get3A_679 = arith.index_cast %scan3A_678 : i32 to index
        %get3A_680 = arith.constant 0 : index
        %get3A_681 = tpu.vector_load %arg10[%get3A_679, %get3A_680] {strides = array<i32>} : memref<128x64xf32, #tpu.memory_space<vmem>>, vector<16xf32>,
        %get3A_682 = arith.index_cast %scan3A_678 : i32 to index
        %get3A_683 = arith.constant 16 : index
        %get3A_684 = tpu.vector_load %arg10[%get3A_682, %get3A_683] {strides = array<i32>} : memref<128x64xf32, #tpu.memory_space<vmem>>, vector<16xf32>,
        %get3A_685 = arith.index_cast %scan3A_678 : i32 to index
        %get3A_686 = arith.constant 32 : index
        %get3A_687 = tpu.vector_load %arg10[%get3A_685, %get3A_686] {strides = array<i32>} : memref<128x64xf32, #tpu.memory_space<vmem>>, vector<16xf32>,
        %get3A_688 = arith.index_cast %scan3A_678 : i32 to index
        %get3A_689 = arith.constant 48 : index
        %get3A_690 = tpu.vector_load %arg10[%get3A_688, %get3A_689] {strides = array<i32>} : memref<128x64xf32, #tpu.memory_space<vmem>>, vector<16xf32>,
        %add3A_691 = arith.addf %get3A_681, %get3A_311 : vector<16xf32>
        %add3A_692 = arith.addf %get3A_684, %get3A_314 : vector<16xf32>
        %add3A_693 = arith.addf %get3A_687, %get3A_317 : vector<16xf32>
        %add3A_694 = arith.addf %get3A_690, %get3A_320 : vector<16xf32>
        tpu.vector_store_idx %arg12[%add3A_323, %select_n3A, %add3A_676], %add3A_691 : memref<8x8x129xf32, #tpu.memory_space<vmem>>[vector<16xi32>, vector<16xi32>, vector<16xi32>], vector<16xf32>,
        tpu.vector_store_idx %arg12[%add3A_326, %select_n3A, %add3A_676], %add3A_692 : memref<8x8x129xf32, #tpu.memory_space<vmem>>[vector<16xi32>, vector<16xi32>, vector<16xi32>], vector<16xf32>,
        tpu.vector_store_idx %arg12[%add3A_329, %select_n3A, %add3A_676], %add3A_693 : memref<8x8x129xf32, #tpu.memory_space<vmem>>[vector<16xi32>, vector<16xi32>, vector<16xi32>], vector<16xf32>,
        tpu.vector_store_idx %arg12[%add3A_332, %select_n3A, %add3A_676], %add3A_694 : memref<8x8x129xf32, #tpu.memory_space<vmem>>[vector<16xi32>, vector<16xi32>, vector<16xi32>], vector<16xf32>,
        %add3A_695 = arith.constant 1 : i32
        %add3A_696 = vector.broadcast %add3A_695 : i32 to vector<16xi32>
        %add3A_697 = arith.addi %add3A_676, %add3A_696 : vector<16xi32>
        %scan3A_698 = arith.constant 2 : i32
        %scan3A_699 = arith.addi %scan3A_656, %scan3A_698 : i32
        %get3A_700 = arith.index_cast %scan3A_699 : i32 to index
        %get3A_701 = arith.constant 0 : index
        %get3A_702 = tpu.vector_load %arg10[%get3A_700, %get3A_701] {strides = array<i32>} : memref<128x64xf32, #tpu.memory_space<vmem>>, vector<16xf32>,
        %get3A_703 = arith.index_cast %scan3A_699 : i32 to index
        %get3A_704 = arith.constant 16 : index
        %get3A_705 = tpu.vector_load %arg10[%get3A_703, %get3A_704] {strides = array<i32>} : memref<128x64xf32, #tpu.memory_space<vmem>>, vector<16xf32>,
        %get3A_706 = arith.index_cast %scan3A_699 : i32 to index
        %get3A_707 = arith.constant 32 : index
        %get3A_708 = tpu.vector_load %arg10[%get3A_706, %get3A_707] {strides = array<i32>} : memref<128x64xf32, #tpu.memory_space<vmem>>, vector<16xf32>,
        %get3A_709 = arith.index_cast %scan3A_699 : i32 to index
        %get3A_710 = arith.constant 48 : index
        %get3A_711 = tpu.vector_load %arg10[%get3A_709, %get3A_710] {strides = array<i32>} : memref<128x64xf32, #tpu.memory_space<vmem>>, vector<16xf32>,
        %add3A_712 = arith.addf %get3A_702, %get3A_311 : vector<16xf32>
        %add3A_713 = arith.addf %get3A_705, %get3A_314 : vector<16xf32>
        %add3A_714 = arith.addf %get3A_708, %get3A_317 : vector<16xf32>
        %add3A_715 = arith.addf %get3A_711, %get3A_320 : vector<16xf32>
        tpu.vector_store_idx %arg12[%add3A_323, %select_n3A, %add3A_697], %add3A_712 : memref<8x8x129xf32, #tpu.memory_space<vmem>>[vector<16xi32>, vector<16xi32>, vector<16xi32>], vector<16xf32>,
        tpu.vector_store_idx %arg12[%add3A_326, %select_n3A, %add3A_697], %add3A_713 : memref<8x8x129xf32, #tpu.memory_space<vmem>>[vector<16xi32>, vector<16xi32>, vector<16xi32>], vector<16xf32>,
        tpu.vector_store_idx %arg12[%add3A_329, %select_n3A, %add3A_697], %add3A_714 : memref<8x8x129xf32, #tpu.memory_space<vmem>>[vector<16xi32>, vector<16xi32>, vector<16xi32>], vector<16xf32>,
        tpu.vector_store_idx %arg12[%add3A_332, %select_n3A, %add3A_697], %add3A_715 : memref<8x8x129xf32, #tpu.memory_space<vmem>>[vector<16xi32>, vector<16xi32>, vector<16xi32>], vector<16xf32>,
        %add3A_716 = arith.constant 1 : i32
        %add3A_717 = vector.broadcast %add3A_716 : i32 to vector<16xi32>
        %add3A_718 = arith.addi %add3A_697, %add3A_717 : vector<16xi32>
        %scan3A_719 = arith.constant 3 : i32
        %scan3A_720 = arith.addi %scan3A_656, %scan3A_719 : i32
        %get3A_721 = arith.index_cast %scan3A_720 : i32 to index
        %get3A_722 = arith.constant 0 : index
        %get3A_723 = tpu.vector_load %arg10[%get3A_721, %get3A_722] {strides = array<i32>} : memref<128x64xf32, #tpu.memory_space<vmem>>, vector<16xf32>,
        %get3A_724 = arith.index_cast %scan3A_720 : i32 to index
        %get3A_725 = arith.constant 16 : index
        %get3A_726 = tpu.vector_load %arg10[%get3A_724, %get3A_725] {strides = array<i32>} : memref<128x64xf32, #tpu.memory_space<vmem>>, vector<16xf32>,
        %get3A_727 = arith.index_cast %scan3A_720 : i32 to index
        %get3A_728 = arith.constant 32 : index
        %get3A_729 = tpu.vector_load %arg10[%get3A_727, %get3A_728] {strides = array<i32>} : memref<128x64xf32, #tpu.memory_space<vmem>>, vector<16xf32>,
        %get3A_730 = arith.index_cast %scan3A_720 : i32 to index
        %get3A_731 = arith.constant 48 : index
        %get3A_732 = tpu.vector_load %arg10[%get3A_730, %get3A_731] {strides = array<i32>} : memref<128x64xf32, #tpu.memory_space<vmem>>, vector<16xf32>,
        %add3A_733 = arith.addf %get3A_723, %get3A_311 : vector<16xf32>
        %add3A_734 = arith.addf %get3A_726, %get3A_314 : vector<16xf32>
        %add3A_735 = arith.addf %get3A_729, %get3A_317 : vector<16xf32>
        %add3A_736 = arith.addf %get3A_732, %get3A_320 : vector<16xf32>
        tpu.vector_store_idx %arg12[%add3A_323, %select_n3A, %add3A_718], %add3A_733 : memref<8x8x129xf32, #tpu.memory_space<vmem>>[vector<16xi32>, vector<16xi32>, vector<16xi32>], vector<16xf32>,
        tpu.vector_store_idx %arg12[%add3A_326, %select_n3A, %add3A_718], %add3A_734 : memref<8x8x129xf32, #tpu.memory_space<vmem>>[vector<16xi32>, vector<16xi32>, vector<16xi32>], vector<16xf32>,
        tpu.vector_store_idx %arg12[%add3A_329, %select_n3A, %add3A_718], %add3A_735 : memref<8x8x129xf32, #tpu.memory_space<vmem>>[vector<16xi32>, vector<16xi32>, vector<16xi32>], vector<16xf32>,
        tpu.vector_store_idx %arg12[%add3A_332, %select_n3A, %add3A_718], %add3A_736 : memref<8x8x129xf32, #tpu.memory_space<vmem>>[vector<16xi32>, vector<16xi32>, vector<16xi32>], vector<16xf32>,
        %add3A_737 = arith.constant 1 : i32
        %add3A_738 = vector.broadcast %add3A_737 : i32 to vector<16xi32>
        %add3A_739 = arith.addi %add3A_718, %add3A_738 : vector<16xi32>
        scf.yield %add3A_739 : vector<16xi32>
      }
      %scan3A_340 = arith.constant 128 : i32
      %dma_start3A_341 = arith.constant 0 : i32
      %dma_start3A_342 = arith.constant 0 : i32
      %dma_start3A_343 = arith.constant 0 : i32
      %dma_start3A_344 = tpu.memref_slice %arg12[%dma_start3A_341, %dma_start3A_342, %dma_start3A_343] : memref<8x8x129xf32, #tpu.memory_space<vmem>> -> memref<8x8x128xf32, #tpu.memory_space<vmem>>
      %dma_start3A_345 = arith.constant 0 : i32
      %dma_start3A_346 = arith.constant 0 : i32
      %dma_start3A_347 = arith.constant 0 : i32
      %dma_start3A_348 = tpu.memref_slice %arg5[%add3A_297, %dma_start3A_345, %add3A, %dma_start3A_346, %dma_start3A_347] : memref<200x8x32x8x128xf32, #tpu.memory_space<hbm>> -> memref<1x8x1x8x128xf32, #tpu.memory_space<hbm>>
      %dma_start3A_349 = tpu.memref_squeeze %dma_start3A_348 : memref<1x8x1x8x128xf32, #tpu.memory_space<hbm>> -> memref<8x8x128xf32, #tpu.memory_space<hbm>>
      %dma_start3A_350 = arith.constant 0 : i32
      %dma_start3A_351 = arith.constant 0 : i32
      %dma_start3A_352 = arith.constant 0 : i32
      %dma_start3A_353 = tpu.memref_slice %arg5[%add3A_297, %dma_start3A_350, %add3A, %dma_start3A_351, %dma_start3A_352] : memref<200x8x32x8x128xf32, #tpu.memory_space<hbm>> -> memref<1x8x1x8x128xf32, #tpu.memory_space<hbm>>
      %dma_start3A_354 = tpu.memref_squeeze %dma_start3A_353 : memref<1x8x1x8x128xf32, #tpu.memory_space<hbm>> -> memref<8x8x128xf32, #tpu.memory_space<hbm>>
      %dma_start3A_355 = arith.constant 0 : i32
      %dma_start3A_356 = arith.constant 0 : i32
      %dma_start3A_357 = arith.constant 0 : i32
      %dma_start3A_358 = tpu.memref_slice %arg12[%dma_start3A_355, %dma_start3A_356, %dma_start3A_357] : memref<8x8x129xf32, #tpu.memory_space<vmem>> -> memref<8x8x128xf32, #tpu.memory_space<vmem>>
      tpu.enqueue_dma source(%dma_start3A_358 : memref<8x8x128xf32, #tpu.memory_space<vmem>>) target(%dma_start3A_354 : memref<8x8x128xf32, #tpu.memory_space<hbm>>) target_semaphore(%arg19 : memref<!tpu.dma_semaphore, #tpu.memory_space<semaphore_mem>>)
      %add3A_359 = arith.constant 4 : i32
      %add3A_360 = arith.addi %add3A_297, %add3A_359 : i32
      %sub3A_361 = arith.constant 1 : i32
      %sub3A_362 = arith.subi %add3A_360, %sub3A_361 : i32
      %lt3A_363 = arith.constant 200 : i32
      %lt3A_364 = arith.cmpi slt, %sub3A_362, %lt3A_363 : i32
      %convert_element_type3A_365 = arith.extui %lt3A_364 : i1 to i32
      %cond3A_366 = arith.constant 0 : i32
      %cond3A_367 = arith.cmpi ne, %convert_element_type3A_365, %cond3A_366 : i32
      scf.if %cond3A_367 {
        %dma_start3A_656 = arith.constant 0 : i32
        %dma_start3A_657 = tpu.memref_slice %arg6[%sub3A_362, %dma_start3A_656] : memref<200x128xi32, #tpu.memory_space<vmem>> -> memref<1x128xi32, #tpu.memory_space<vmem>>
        %dma_start3A_658 = tpu.memref_squeeze %dma_start3A_657 : memref<1x128xi32, #tpu.memory_space<vmem>> -> memref<128xi32, #tpu.memory_space<vmem>>
        %dma_start3A_659 = arith.constant 0 : i32
        %dma_start3A_660 = arith.constant 0 : i32
        %dma_start3A_661 = tpu.memref_slice %arg3[%dma_start3A_659, %dma_start3A_660] : memref<1200x64xf32, #tpu.memory_space<hbm>> -> memref<1200x64xf32, #tpu.memory_space<hbm>>
        tpu.enqueue_indirect_dma source(%dma_start3A_661 : memref<1200x64xf32, #tpu.memory_space<hbm>>) target(%arg9 : memref<128x64xf32, #tpu.memory_space<vmem>>) offsets(%dma_start3A_658 : memref<128xi32, #tpu.memory_space<vmem>>) semaphore(%arg16 : memref<!tpu.dma_semaphore, #tpu.memory_space<semaphore_mem>>)
      } else {
      }
      %add3A_368 = arith.constant 4 : i32
      %add3A_369 = arith.addi %mul3A_83, %add3A_368 : i32
      %dma_wait3A_370 = arith.constant 0 : i32
      %dma_wait3A_371 = tpu.memref_slice %arg6[%add3A_369, %dma_wait3A_370] : memref<200x128xi32, #tpu.memory_space<vmem>> -> memref<1x128xi32, #tpu.memory_space<vmem>>
      %dma_wait3A_372 = tpu.memref_squeeze %dma_wait3A_371 : memref<1x128xi32, #tpu.memory_space<vmem>> -> memref<128xi32, #tpu.memory_space<vmem>>
      %dma_wait3A_373 = arith.constant 0 : i32
      %dma_wait3A_374 = arith.constant 0 : i32
      %dma_wait3A_375 = tpu.memref_slice %arg3[%dma_wait3A_373, %dma_wait3A_374] : memref<1200x64xf32, #tpu.memory_space<hbm>> -> memref<1200x64xf32, #tpu.memory_space<hbm>>
      tpu.wait_indirect_dma semaphore(%arg14 : memref<!tpu.dma_semaphore, #tpu.memory_space<semaphore_mem>>) src(%dma_wait3A_375 : memref<1200x64xf32, #tpu.memory_space<hbm>>) dst(%arg7 : memref<128x64xf32, #tpu.memory_space<vmem>>)
      %ge3A_376 = arith.constant 2 : i32
      %ge3A_377 = arith.cmpi sge, %add3A_369, %ge3A_376 : i32
      %convert_element_type3A_378 = arith.extui %ge3A_377 : i1 to i32
      %cond3A_379 = arith.constant 0 : i32
      %cond3A_380 = arith.cmpi ne, %convert_element_type3A_378, %cond3A_379 : i32
      scf.if %cond3A_380 {
        %sub3A_656 = arith.constant 2 : i32
        %sub3A_657 = arith.subi %add3A_369, %sub3A_656 : i32
        %dma_wait3A_658 = arith.constant 0 : i32
        %dma_wait3A_659 = arith.constant 0 : i32
        %dma_wait3A_660 = arith.constant 0 : i32
        %dma_wait3A_661 = tpu.memref_slice %arg11[%dma_wait3A_658, %dma_wait3A_659, %dma_wait3A_660] : memref<8x8x129xf32, #tpu.memory_space<vmem>> -> memref<8x8x128xf32, #tpu.memory_space<vmem>>
        %dma_wait3A_662 = arith.constant 0 : i32
        %dma_wait3A_663 = arith.constant 0 : i32
        %dma_wait3A_664 = arith.constant 0 : i32
        %dma_wait3A_665 = tpu.memref_slice %arg5[%sub3A_657, %dma_wait3A_662, %add3A, %dma_wait3A_663, %dma_wait3A_664] : memref<200x8x32x8x128xf32, #tpu.memory_space<hbm>> -> memref<1x8x1x8x128xf32, #tpu.memory_space<hbm>>
        %dma_wait3A_666 = tpu.memref_squeeze %dma_wait3A_665 : memref<1x8x1x8x128xf32, #tpu.memory_space<hbm>> -> memref<8x8x128xf32, #tpu.memory_space<hbm>>
        %dma_wait3A_667 = arith.constant 0 : i32
        %dma_wait3A_668 = arith.constant 0 : i32
        %dma_wait3A_669 = arith.constant 0 : i32
        %dma_wait3A_670 = tpu.memref_slice %arg5[%sub3A_657, %dma_wait3A_667, %add3A, %dma_wait3A_668, %dma_wait3A_669] : memref<200x8x32x8x128xf32, #tpu.memory_space<hbm>> -> memref<1x8x1x8x128xf32, #tpu.memory_space<hbm>>
        %dma_wait3A_671 = tpu.memref_squeeze %dma_wait3A_670 : memref<1x8x1x8x128xf32, #tpu.memory_space<hbm>> -> memref<8x8x128xf32, #tpu.memory_space<hbm>>
        %dma_wait3A_672 = arith.constant 0 : i32
        %dma_wait3A_673 = arith.constant 0 : i32
        %dma_wait3A_674 = arith.constant 0 : i32
        %dma_wait3A_675 = tpu.memref_slice %arg11[%dma_wait3A_672, %dma_wait3A_673, %dma_wait3A_674] : memref<8x8x129xf32, #tpu.memory_space<vmem>> -> memref<8x8x128xf32, #tpu.memory_space<vmem>>
        tpu.wait_dma2 semaphore(%arg18 : memref<!tpu.dma_semaphore, #tpu.memory_space<semaphore_mem>>) src(%dma_wait3A_675 : memref<8x8x128xf32, #tpu.memory_space<vmem>>) dst(%dma_wait3A_671 : memref<8x8x128xf32, #tpu.memory_space<hbm>>)
      } else {
      }
      %get3A_381 = arith.index_cast %add3A_369 : i32 to index
      %get3A_382 = arith.constant 0 : index
      %get3A_383 = tpu.vector_load %arg13[%get3A_381, %get3A_382] {strides = array<i32>} : memref<200x64xf32, #tpu.memory_space<vmem>>, vector<16xf32>,
      %get3A_384 = arith.index_cast %add3A_369 : i32 to index
      %get3A_385 = arith.constant 16 : index
      %get3A_386 = tpu.vector_load %arg13[%get3A_384, %get3A_385] {strides = array<i32>} : memref<200x64xf32, #tpu.memory_space<vmem>>, vector<16xf32>,
      %get3A_387 = arith.index_cast %add3A_369 : i32 to index
      %get3A_388 = arith.constant 32 : index
      %get3A_389 = tpu.vector_load %arg13[%get3A_387, %get3A_388] {strides = array<i32>} : memref<200x64xf32, #tpu.memory_space<vmem>>, vector<16xf32>,
      %get3A_390 = arith.index_cast %add3A_369 : i32 to index
      %get3A_391 = arith.constant 48 : index
      %get3A_392 = tpu.vector_load %arg13[%get3A_390, %get3A_391] {strides = array<i32>} : memref<200x64xf32, #tpu.memory_space<vmem>>, vector<16xf32>,
      %add3A_393 = arith.constant 0 : i32
      %add3A_394 = vector.broadcast %add3A_393 : i32 to vector<16xi32>
      %add3A_395 = arith.addi %select_n3A_37, %add3A_394 : vector<16xi32>
      %add3A_396 = arith.constant 2 : i32
      %add3A_397 = vector.broadcast %add3A_396 : i32 to vector<16xi32>
      %add3A_398 = arith.addi %select_n3A_37, %add3A_397 : vector<16xi32>
      %add3A_399 = arith.constant 4 : i32
      %add3A_400 = vector.broadcast %add3A_399 : i32 to vector<16xi32>
      %add3A_401 = arith.addi %select_n3A_37, %add3A_400 : vector<16xi32>
      %add3A_402 = arith.constant 6 : i32
      %add3A_403 = vector.broadcast %add3A_402 : i32 to vector<16xi32>
      %add3A_404 = arith.addi %select_n3A_37, %add3A_403 : vector<16xi32>
      %broadcast_in_dim3A_405 = arith.constant 0 : i32
      %broadcast_in_dim3A_406 = vector.broadcast %broadcast_in_dim3A_405 : i32 to vector<16xi32>
      %scan3A_407 = arith.constant 0 : i32
      %scan3A_408 = arith.constant 128 : i32
      %scan3A_409 = arith.addi %scan3A_407, %scan3A_408 : i32
      %scan3A_410 = arith.constant 4 : i32
      %scan3A_411 = scf.for %scan3A_656 = %scan3A_407 to %scan3A_409 step %scan3A_410 iter_args(%scan3A_657 = %broadcast_in_dim3A_406) -> (vector<16xi32>)  : i32 {
        %get3A_658 = arith.index_cast %scan3A_656 : i32 to index
        %get3A_659 = arith.constant 0 : index
        %get3A_660 = tpu.vector_load %arg7[%get3A_658, %get3A_659] {strides = array<i32>} : memref<128x64xf32, #tpu.memory_space<vmem>>, vector<16xf32>,
        %get3A_661 = arith.index_cast %scan3A_656 : i32 to index
        %get3A_662 = arith.constant 16 : index
        %get3A_663 = tpu.vector_load %arg7[%get3A_661, %get3A_662] {strides = array<i32>} : memref<128x64xf32, #tpu.memory_space<vmem>>, vector<16xf32>,
        %get3A_664 = arith.index_cast %scan3A_656 : i32 to index
        %get3A_665 = arith.constant 32 : index
        %get3A_666 = tpu.vector_load %arg7[%get3A_664, %get3A_665] {strides = array<i32>} : memref<128x64xf32, #tpu.memory_space<vmem>>, vector<16xf32>,
        %get3A_667 = arith.index_cast %scan3A_656 : i32 to index
        %get3A_668 = arith.constant 48 : index
        %get3A_669 = tpu.vector_load %arg7[%get3A_667, %get3A_668] {strides = array<i32>} : memref<128x64xf32, #tpu.memory_space<vmem>>, vector<16xf32>,
        %add3A_670 = arith.addf %get3A_660, %get3A_383 : vector<16xf32>
        %add3A_671 = arith.addf %get3A_663, %get3A_386 : vector<16xf32>
        %add3A_672 = arith.addf %get3A_666, %get3A_389 : vector<16xf32>
        %add3A_673 = arith.addf %get3A_669, %get3A_392 : vector<16xf32>
        tpu.vector_store_idx %arg11[%add3A_395, %select_n3A, %scan3A_657], %add3A_670 : memref<8x8x129xf32, #tpu.memory_space<vmem>>[vector<16xi32>, vector<16xi32>, vector<16xi32>], vector<16xf32>,
        tpu.vector_store_idx %arg11[%add3A_398, %select_n3A, %scan3A_657], %add3A_671 : memref<8x8x129xf32, #tpu.memory_space<vmem>>[vector<16xi32>, vector<16xi32>, vector<16xi32>], vector<16xf32>,
        tpu.vector_store_idx %arg11[%add3A_401, %select_n3A, %scan3A_657], %add3A_672 : memref<8x8x129xf32, #tpu.memory_space<vmem>>[vector<16xi32>, vector<16xi32>, vector<16xi32>], vector<16xf32>,
        tpu.vector_store_idx %arg11[%add3A_404, %select_n3A, %scan3A_657], %add3A_673 : memref<8x8x129xf32, #tpu.memory_space<vmem>>[vector<16xi32>, vector<16xi32>, vector<16xi32>], vector<16xf32>,
        %add3A_674 = arith.constant 1 : i32
        %add3A_675 = vector.broadcast %add3A_674 : i32 to vector<16xi32>
        %add3A_676 = arith.addi %scan3A_657, %add3A_675 : vector<16xi32>
        %scan3A_677 = arith.constant 1 : i32
        %scan3A_678 = arith.addi %scan3A_656, %scan3A_677 : i32
        %get3A_679 = arith.index_cast %scan3A_678 : i32 to index
        %get3A_680 = arith.constant 0 : index
        %get3A_681 = tpu.vector_load %arg7[%get3A_679, %get3A_680] {strides = array<i32>} : memref<128x64xf32, #tpu.memory_space<vmem>>, vector<16xf32>,
        %get3A_682 = arith.index_cast %scan3A_678 : i32 to index
        %get3A_683 = arith.constant 16 : index
        %get3A_684 = tpu.vector_load %arg7[%get3A_682, %get3A_683] {strides = array<i32>} : memref<128x64xf32, #tpu.memory_space<vmem>>, vector<16xf32>,
        %get3A_685 = arith.index_cast %scan3A_678 : i32 to index
        %get3A_686 = arith.constant 32 : index
        %get3A_687 = tpu.vector_load %arg7[%get3A_685, %get3A_686] {strides = array<i32>} : memref<128x64xf32, #tpu.memory_space<vmem>>, vector<16xf32>,
        %get3A_688 = arith.index_cast %scan3A_678 : i32 to index
        %get3A_689 = arith.constant 48 : index
        %get3A_690 = tpu.vector_load %arg7[%get3A_688, %get3A_689] {strides = array<i32>} : memref<128x64xf32, #tpu.memory_space<vmem>>, vector<16xf32>,
        %add3A_691 = arith.addf %get3A_681, %get3A_383 : vector<16xf32>
        %add3A_692 = arith.addf %get3A_684, %get3A_386 : vector<16xf32>
        %add3A_693 = arith.addf %get3A_687, %get3A_389 : vector<16xf32>
        %add3A_694 = arith.addf %get3A_690, %get3A_392 : vector<16xf32>
        tpu.vector_store_idx %arg11[%add3A_395, %select_n3A, %add3A_676], %add3A_691 : memref<8x8x129xf32, #tpu.memory_space<vmem>>[vector<16xi32>, vector<16xi32>, vector<16xi32>], vector<16xf32>,
        tpu.vector_store_idx %arg11[%add3A_398, %select_n3A, %add3A_676], %add3A_692 : memref<8x8x129xf32, #tpu.memory_space<vmem>>[vector<16xi32>, vector<16xi32>, vector<16xi32>], vector<16xf32>,
        tpu.vector_store_idx %arg11[%add3A_401, %select_n3A, %add3A_676], %add3A_693 : memref<8x8x129xf32, #tpu.memory_space<vmem>>[vector<16xi32>, vector<16xi32>, vector<16xi32>], vector<16xf32>,
        tpu.vector_store_idx %arg11[%add3A_404, %select_n3A, %add3A_676], %add3A_694 : memref<8x8x129xf32, #tpu.memory_space<vmem>>[vector<16xi32>, vector<16xi32>, vector<16xi32>], vector<16xf32>,
        %add3A_695 = arith.constant 1 : i32
        %add3A_696 = vector.broadcast %add3A_695 : i32 to vector<16xi32>
        %add3A_697 = arith.addi %add3A_676, %add3A_696 : vector<16xi32>
        %scan3A_698 = arith.constant 2 : i32
        %scan3A_699 = arith.addi %scan3A_656, %scan3A_698 : i32
        %get3A_700 = arith.index_cast %scan3A_699 : i32 to index
        %get3A_701 = arith.constant 0 : index
        %get3A_702 = tpu.vector_load %arg7[%get3A_700, %get3A_701] {strides = array<i32>} : memref<128x64xf32, #tpu.memory_space<vmem>>, vector<16xf32>,
        %get3A_703 = arith.index_cast %scan3A_699 : i32 to index
        %get3A_704 = arith.constant 16 : index
        %get3A_705 = tpu.vector_load %arg7[%get3A_703, %get3A_704] {strides = array<i32>} : memref<128x64xf32, #tpu.memory_space<vmem>>, vector<16xf32>,
        %get3A_706 = arith.index_cast %scan3A_699 : i32 to index
        %get3A_707 = arith.constant 32 : index
        %get3A_708 = tpu.vector_load %arg7[%get3A_706, %get3A_707] {strides = array<i32>} : memref<128x64xf32, #tpu.memory_space<vmem>>, vector<16xf32>,
        %get3A_709 = arith.index_cast %scan3A_699 : i32 to index
        %get3A_710 = arith.constant 48 : index
        %get3A_711 = tpu.vector_load %arg7[%get3A_709, %get3A_710] {strides = array<i32>} : memref<128x64xf32, #tpu.memory_space<vmem>>, vector<16xf32>,
        %add3A_712 = arith.addf %get3A_702, %get3A_383 : vector<16xf32>
        %add3A_713 = arith.addf %get3A_705, %get3A_386 : vector<16xf32>
        %add3A_714 = arith.addf %get3A_708, %get3A_389 : vector<16xf32>
        %add3A_715 = arith.addf %get3A_711, %get3A_392 : vector<16xf32>
        tpu.vector_store_idx %arg11[%add3A_395, %select_n3A, %add3A_697], %add3A_712 : memref<8x8x129xf32, #tpu.memory_space<vmem>>[vector<16xi32>, vector<16xi32>, vector<16xi32>], vector<16xf32>,
        tpu.vector_store_idx %arg11[%add3A_398, %select_n3A, %add3A_697], %add3A_713 : memref<8x8x129xf32, #tpu.memory_space<vmem>>[vector<16xi32>, vector<16xi32>, vector<16xi32>], vector<16xf32>,
        tpu.vector_store_idx %arg11[%add3A_401, %select_n3A, %add3A_697], %add3A_714 : memref<8x8x129xf32, #tpu.memory_space<vmem>>[vector<16xi32>, vector<16xi32>, vector<16xi32>], vector<16xf32>,
        tpu.vector_store_idx %arg11[%add3A_404, %select_n3A, %add3A_697], %add3A_715 : memref<8x8x129xf32, #tpu.memory_space<vmem>>[vector<16xi32>, vector<16xi32>, vector<16xi32>], vector<16xf32>,
        %add3A_716 = arith.constant 1 : i32
        %add3A_717 = vector.broadcast %add3A_716 : i32 to vector<16xi32>
        %add3A_718 = arith.addi %add3A_697, %add3A_717 : vector<16xi32>
        %scan3A_719 = arith.constant 3 : i32
        %scan3A_720 = arith.addi %scan3A_656, %scan3A_719 : i32
        %get3A_721 = arith.index_cast %scan3A_720 : i32 to index
        %get3A_722 = arith.constant 0 : index
        %get3A_723 = tpu.vector_load %arg7[%get3A_721, %get3A_722] {strides = array<i32>} : memref<128x64xf32, #tpu.memory_space<vmem>>, vector<16xf32>,
        %get3A_724 = arith.index_cast %scan3A_720 : i32 to index
        %get3A_725 = arith.constant 16 : index
        %get3A_726 = tpu.vector_load %arg7[%get3A_724, %get3A_725] {strides = array<i32>} : memref<128x64xf32, #tpu.memory_space<vmem>>, vector<16xf32>,
        %get3A_727 = arith.index_cast %scan3A_720 : i32 to index
        %get3A_728 = arith.constant 32 : index
        %get3A_729 = tpu.vector_load %arg7[%get3A_727, %get3A_728] {strides = array<i32>} : memref<128x64xf32, #tpu.memory_space<vmem>>, vector<16xf32>,
        %get3A_730 = arith.index_cast %scan3A_720 : i32 to index
        %get3A_731 = arith.constant 48 : index
        %get3A_732 = tpu.vector_load %arg7[%get3A_730, %get3A_731] {strides = array<i32>} : memref<128x64xf32, #tpu.memory_space<vmem>>, vector<16xf32>,
        %add3A_733 = arith.addf %get3A_723, %get3A_383 : vector<16xf32>
        %add3A_734 = arith.addf %get3A_726, %get3A_386 : vector<16xf32>
        %add3A_735 = arith.addf %get3A_729, %get3A_389 : vector<16xf32>
        %add3A_736 = arith.addf %get3A_732, %get3A_392 : vector<16xf32>
        tpu.vector_store_idx %arg11[%add3A_395, %select_n3A, %add3A_718], %add3A_733 : memref<8x8x129xf32, #tpu.memory_space<vmem>>[vector<16xi32>, vector<16xi32>, vector<16xi32>], vector<16xf32>,
        tpu.vector_store_idx %arg11[%add3A_398, %select_n3A, %add3A_718], %add3A_734 : memref<8x8x129xf32, #tpu.memory_space<vmem>>[vector<16xi32>, vector<16xi32>, vector<16xi32>], vector<16xf32>,
        tpu.vector_store_idx %arg11[%add3A_401, %select_n3A, %add3A_718], %add3A_735 : memref<8x8x129xf32, #tpu.memory_space<vmem>>[vector<16xi32>, vector<16xi32>, vector<16xi32>], vector<16xf32>,
        tpu.vector_store_idx %arg11[%add3A_404, %select_n3A, %add3A_718], %add3A_736 : memref<8x8x129xf32, #tpu.memory_space<vmem>>[vector<16xi32>, vector<16xi32>, vector<16xi32>], vector<16xf32>,
        %add3A_737 = arith.constant 1 : i32
        %add3A_738 = vector.broadcast %add3A_737 : i32 to vector<16xi32>
        %add3A_739 = arith.addi %add3A_718, %add3A_738 : vector<16xi32>
        scf.yield %add3A_739 : vector<16xi32>
      }
      %scan3A_412 = arith.constant 128 : i32
      %dma_start3A_413 = arith.constant 0 : i32
      %dma_start3A_414 = arith.constant 0 : i32
      %dma_start3A_415 = arith.constant 0 : i32
      %dma_start3A_416 = tpu.memref_slice %arg11[%dma_start3A_413, %dma_start3A_414, %dma_start3A_415] : memref<8x8x129xf32, #tpu.memory_space<vmem>> -> memref<8x8x128xf32, #tpu.memory_space<vmem>>
      %dma_start3A_417 = arith.constant 0 : i32
      %dma_start3A_418 = arith.constant 0 : i32
      %dma_start3A_419 = arith.constant 0 : i32
      %dma_start3A_420 = tpu.memref_slice %arg5[%add3A_369, %dma_start3A_417, %add3A, %dma_start3A_418, %dma_start3A_419] : memref<200x8x32x8x128xf32, #tpu.memory_space<hbm>> -> memref<1x8x1x8x128xf32, #tpu.memory_space<hbm>>
      %dma_start3A_421 = tpu.memref_squeeze %dma_start3A_420 : memref<1x8x1x8x128xf32, #tpu.memory_space<hbm>> -> memref<8x8x128xf32, #tpu.memory_space<hbm>>
      %dma_start3A_422 = arith.constant 0 : i32
      %dma_start3A_423 = arith.constant 0 : i32
      %dma_start3A_424 = arith.constant 0 : i32
      %dma_start3A_425 = tpu.memref_slice %arg5[%add3A_369, %dma_start3A_422, %add3A, %dma_start3A_423, %dma_start3A_424] : memref<200x8x32x8x128xf32, #tpu.memory_space<hbm>> -> memref<1x8x1x8x128xf32, #tpu.memory_space<hbm>>
      %dma_start3A_426 = tpu.memref_squeeze %dma_start3A_425 : memref<1x8x1x8x128xf32, #tpu.memory_space<hbm>> -> memref<8x8x128xf32, #tpu.memory_space<hbm>>
      %dma_start3A_427 = arith.constant 0 : i32
      %dma_start3A_428 = arith.constant 0 : i32
      %dma_start3A_429 = arith.constant 0 : i32
      %dma_start3A_430 = tpu.memref_slice %arg11[%dma_start3A_427, %dma_start3A_428, %dma_start3A_429] : memref<8x8x129xf32, #tpu.memory_space<vmem>> -> memref<8x8x128xf32, #tpu.memory_space<vmem>>
      tpu.enqueue_dma source(%dma_start3A_430 : memref<8x8x128xf32, #tpu.memory_space<vmem>>) target(%dma_start3A_426 : memref<8x8x128xf32, #tpu.memory_space<hbm>>) target_semaphore(%arg18 : memref<!tpu.dma_semaphore, #tpu.memory_space<semaphore_mem>>)
      %add3A_431 = arith.constant 4 : i32
      %add3A_432 = arith.addi %add3A_369, %add3A_431 : i32
      %sub3A_433 = arith.constant 1 : i32
      %sub3A_434 = arith.subi %add3A_432, %sub3A_433 : i32
      %lt3A_435 = arith.constant 200 : i32
      %lt3A_436 = arith.cmpi slt, %sub3A_434, %lt3A_435 : i32
      %convert_element_type3A_437 = arith.extui %lt3A_436 : i1 to i32
      %cond3A_438 = arith.constant 0 : i32
      %cond3A_439 = arith.cmpi ne, %convert_element_type3A_437, %cond3A_438 : i32
      scf.if %cond3A_439 {
        %dma_start3A_656 = arith.constant 0 : i32
        %dma_start3A_657 = tpu.memref_slice %arg6[%sub3A_434, %dma_start3A_656] : memref<200x128xi32, #tpu.memory_space<vmem>> -> memref<1x128xi32, #tpu.memory_space<vmem>>
        %dma_start3A_658 = tpu.memref_squeeze %dma_start3A_657 : memref<1x128xi32, #tpu.memory_space<vmem>> -> memref<128xi32, #tpu.memory_space<vmem>>
        %dma_start3A_659 = arith.constant 0 : i32
        %dma_start3A_660 = arith.constant 0 : i32
        %dma_start3A_661 = tpu.memref_slice %arg3[%dma_start3A_659, %dma_start3A_660] : memref<1200x64xf32, #tpu.memory_space<hbm>> -> memref<1200x64xf32, #tpu.memory_space<hbm>>
        tpu.enqueue_indirect_dma source(%dma_start3A_661 : memref<1200x64xf32, #tpu.memory_space<hbm>>) target(%arg10 : memref<128x64xf32, #tpu.memory_space<vmem>>) offsets(%dma_start3A_658 : memref<128xi32, #tpu.memory_space<vmem>>) semaphore(%arg17 : memref<!tpu.dma_semaphore, #tpu.memory_space<semaphore_mem>>)
      } else {
      }
      %add3A_440 = arith.constant 5 : i32
      %add3A_441 = arith.addi %mul3A_83, %add3A_440 : i32
      %dma_wait3A_442 = arith.constant 0 : i32
      %dma_wait3A_443 = tpu.memref_slice %arg6[%add3A_441, %dma_wait3A_442] : memref<200x128xi32, #tpu.memory_space<vmem>> -> memref<1x128xi32, #tpu.memory_space<vmem>>
      %dma_wait3A_444 = tpu.memref_squeeze %dma_wait3A_443 : memref<1x128xi32, #tpu.memory_space<vmem>> -> memref<128xi32, #tpu.memory_space<vmem>>
      %dma_wait3A_445 = arith.constant 0 : i32
      %dma_wait3A_446 = arith.constant 0 : i32
      %dma_wait3A_447 = tpu.memref_slice %arg3[%dma_wait3A_445, %dma_wait3A_446] : memref<1200x64xf32, #tpu.memory_space<hbm>> -> memref<1200x64xf32, #tpu.memory_space<hbm>>
      tpu.wait_indirect_dma semaphore(%arg15 : memref<!tpu.dma_semaphore, #tpu.memory_space<semaphore_mem>>) src(%dma_wait3A_447 : memref<1200x64xf32, #tpu.memory_space<hbm>>) dst(%arg8 : memref<128x64xf32, #tpu.memory_space<vmem>>)
      %ge3A_448 = arith.constant 2 : i32
      %ge3A_449 = arith.cmpi sge, %add3A_441, %ge3A_448 : i32
      %convert_element_type3A_450 = arith.extui %ge3A_449 : i1 to i32
      %cond3A_451 = arith.constant 0 : i32
      %cond3A_452 = arith.cmpi ne, %convert_element_type3A_450, %cond3A_451 : i32
      scf.if %cond3A_452 {
        %sub3A_656 = arith.constant 2 : i32
        %sub3A_657 = arith.subi %add3A_441, %sub3A_656 : i32
        %dma_wait3A_658 = arith.constant 0 : i32
        %dma_wait3A_659 = arith.constant 0 : i32
        %dma_wait3A_660 = arith.constant 0 : i32
        %dma_wait3A_661 = tpu.memref_slice %arg12[%dma_wait3A_658, %dma_wait3A_659, %dma_wait3A_660] : memref<8x8x129xf32, #tpu.memory_space<vmem>> -> memref<8x8x128xf32, #tpu.memory_space<vmem>>
        %dma_wait3A_662 = arith.constant 0 : i32
        %dma_wait3A_663 = arith.constant 0 : i32
        %dma_wait3A_664 = arith.constant 0 : i32
        %dma_wait3A_665 = tpu.memref_slice %arg5[%sub3A_657, %dma_wait3A_662, %add3A, %dma_wait3A_663, %dma_wait3A_664] : memref<200x8x32x8x128xf32, #tpu.memory_space<hbm>> -> memref<1x8x1x8x128xf32, #tpu.memory_space<hbm>>
        %dma_wait3A_666 = tpu.memref_squeeze %dma_wait3A_665 : memref<1x8x1x8x128xf32, #tpu.memory_space<hbm>> -> memref<8x8x128xf32, #tpu.memory_space<hbm>>
        %dma_wait3A_667 = arith.constant 0 : i32
        %dma_wait3A_668 = arith.constant 0 : i32
        %dma_wait3A_669 = arith.constant 0 : i32
        %dma_wait3A_670 = tpu.memref_slice %arg5[%sub3A_657, %dma_wait3A_667, %add3A, %dma_wait3A_668, %dma_wait3A_669] : memref<200x8x32x8x128xf32, #tpu.memory_space<hbm>> -> memref<1x8x1x8x128xf32, #tpu.memory_space<hbm>>
        %dma_wait3A_671 = tpu.memref_squeeze %dma_wait3A_670 : memref<1x8x1x8x128xf32, #tpu.memory_space<hbm>> -> memref<8x8x128xf32, #tpu.memory_space<hbm>>
        %dma_wait3A_672 = arith.constant 0 : i32
        %dma_wait3A_673 = arith.constant 0 : i32
        %dma_wait3A_674 = arith.constant 0 : i32
        %dma_wait3A_675 = tpu.memref_slice %arg12[%dma_wait3A_672, %dma_wait3A_673, %dma_wait3A_674] : memref<8x8x129xf32, #tpu.memory_space<vmem>> -> memref<8x8x128xf32, #tpu.memory_space<vmem>>
        tpu.wait_dma2 semaphore(%arg19 : memref<!tpu.dma_semaphore, #tpu.memory_space<semaphore_mem>>) src(%dma_wait3A_675 : memref<8x8x128xf32, #tpu.memory_space<vmem>>) dst(%dma_wait3A_671 : memref<8x8x128xf32, #tpu.memory_space<hbm>>)
      } else {
      }
      %get3A_453 = arith.index_cast %add3A_441 : i32 to index
      %get3A_454 = arith.constant 0 : index
      %get3A_455 = tpu.vector_load %arg13[%get3A_453, %get3A_454] {strides = array<i32>} : memref<200x64xf32, #tpu.memory_space<vmem>>, vector<16xf32>,
      %get3A_456 = arith.index_cast %add3A_441 : i32 to index
      %get3A_457 = arith.constant 16 : index
      %get3A_458 = tpu.vector_load %arg13[%get3A_456, %get3A_457] {strides = array<i32>} : memref<200x64xf32, #tpu.memory_space<vmem>>, vector<16xf32>,
      %get3A_459 = arith.index_cast %add3A_441 : i32 to index
      %get3A_460 = arith.constant 32 : index
      %get3A_461 = tpu.vector_load %arg13[%get3A_459, %get3A_460] {strides = array<i32>} : memref<200x64xf32, #tpu.memory_space<vmem>>, vector<16xf32>,
      %get3A_462 = arith.index_cast %add3A_441 : i32 to index
      %get3A_463 = arith.constant 48 : index
      %get3A_464 = tpu.vector_load %arg13[%get3A_462, %get3A_463] {strides = array<i32>} : memref<200x64xf32, #tpu.memory_space<vmem>>, vector<16xf32>,
      %add3A_465 = arith.constant 0 : i32
      %add3A_466 = vector.broadcast %add3A_465 : i32 to vector<16xi32>
      %add3A_467 = arith.addi %select_n3A_37, %add3A_466 : vector<16xi32>
      %add3A_468 = arith.constant 2 : i32
      %add3A_469 = vector.broadcast %add3A_468 : i32 to vector<16xi32>
      %add3A_470 = arith.addi %select_n3A_37, %add3A_469 : vector<16xi32>
      %add3A_471 = arith.constant 4 : i32
      %add3A_472 = vector.broadcast %add3A_471 : i32 to vector<16xi32>
      %add3A_473 = arith.addi %select_n3A_37, %add3A_472 : vector<16xi32>
      %add3A_474 = arith.constant 6 : i32
      %add3A_475 = vector.broadcast %add3A_474 : i32 to vector<16xi32>
      %add3A_476 = arith.addi %select_n3A_37, %add3A_475 : vector<16xi32>
      %broadcast_in_dim3A_477 = arith.constant 0 : i32
      %broadcast_in_dim3A_478 = vector.broadcast %broadcast_in_dim3A_477 : i32 to vector<16xi32>
      %scan3A_479 = arith.constant 0 : i32
      %scan3A_480 = arith.constant 128 : i32
      %scan3A_481 = arith.addi %scan3A_479, %scan3A_480 : i32
      %scan3A_482 = arith.constant 4 : i32
      %scan3A_483 = scf.for %scan3A_656 = %scan3A_479 to %scan3A_481 step %scan3A_482 iter_args(%scan3A_657 = %broadcast_in_dim3A_478) -> (vector<16xi32>)  : i32 {
        %get3A_658 = arith.index_cast %scan3A_656 : i32 to index
        %get3A_659 = arith.constant 0 : index
        %get3A_660 = tpu.vector_load %arg8[%get3A_658, %get3A_659] {strides = array<i32>} : memref<128x64xf32, #tpu.memory_space<vmem>>, vector<16xf32>,
        %get3A_661 = arith.index_cast %scan3A_656 : i32 to index
        %get3A_662 = arith.constant 16 : index
        %get3A_663 = tpu.vector_load %arg8[%get3A_661, %get3A_662] {strides = array<i32>} : memref<128x64xf32, #tpu.memory_space<vmem>>, vector<16xf32>,
        %get3A_664 = arith.index_cast %scan3A_656 : i32 to index
        %get3A_665 = arith.constant 32 : index
        %get3A_666 = tpu.vector_load %arg8[%get3A_664, %get3A_665] {strides = array<i32>} : memref<128x64xf32, #tpu.memory_space<vmem>>, vector<16xf32>,
        %get3A_667 = arith.index_cast %scan3A_656 : i32 to index
        %get3A_668 = arith.constant 48 : index
        %get3A_669 = tpu.vector_load %arg8[%get3A_667, %get3A_668] {strides = array<i32>} : memref<128x64xf32, #tpu.memory_space<vmem>>, vector<16xf32>,
        %add3A_670 = arith.addf %get3A_660, %get3A_455 : vector<16xf32>
        %add3A_671 = arith.addf %get3A_663, %get3A_458 : vector<16xf32>
        %add3A_672 = arith.addf %get3A_666, %get3A_461 : vector<16xf32>
        %add3A_673 = arith.addf %get3A_669, %get3A_464 : vector<16xf32>
        tpu.vector_store_idx %arg12[%add3A_467, %select_n3A, %scan3A_657], %add3A_670 : memref<8x8x129xf32, #tpu.memory_space<vmem>>[vector<16xi32>, vector<16xi32>, vector<16xi32>], vector<16xf32>,
        tpu.vector_store_idx %arg12[%add3A_470, %select_n3A, %scan3A_657], %add3A_671 : memref<8x8x129xf32, #tpu.memory_space<vmem>>[vector<16xi32>, vector<16xi32>, vector<16xi32>], vector<16xf32>,
        tpu.vector_store_idx %arg12[%add3A_473, %select_n3A, %scan3A_657], %add3A_672 : memref<8x8x129xf32, #tpu.memory_space<vmem>>[vector<16xi32>, vector<16xi32>, vector<16xi32>], vector<16xf32>,
        tpu.vector_store_idx %arg12[%add3A_476, %select_n3A, %scan3A_657], %add3A_673 : memref<8x8x129xf32, #tpu.memory_space<vmem>>[vector<16xi32>, vector<16xi32>, vector<16xi32>], vector<16xf32>,
        %add3A_674 = arith.constant 1 : i32
        %add3A_675 = vector.broadcast %add3A_674 : i32 to vector<16xi32>
        %add3A_676 = arith.addi %scan3A_657, %add3A_675 : vector<16xi32>
        %scan3A_677 = arith.constant 1 : i32
        %scan3A_678 = arith.addi %scan3A_656, %scan3A_677 : i32
        %get3A_679 = arith.index_cast %scan3A_678 : i32 to index
        %get3A_680 = arith.constant 0 : index
        %get3A_681 = tpu.vector_load %arg8[%get3A_679, %get3A_680] {strides = array<i32>} : memref<128x64xf32, #tpu.memory_space<vmem>>, vector<16xf32>,
        %get3A_682 = arith.index_cast %scan3A_678 : i32 to index
        %get3A_683 = arith.constant 16 : index
        %get3A_684 = tpu.vector_load %arg8[%get3A_682, %get3A_683] {strides = array<i32>} : memref<128x64xf32, #tpu.memory_space<vmem>>, vector<16xf32>,
        %get3A_685 = arith.index_cast %scan3A_678 : i32 to index
        %get3A_686 = arith.constant 32 : index
        %get3A_687 = tpu.vector_load %arg8[%get3A_685, %get3A_686] {strides = array<i32>} : memref<128x64xf32, #tpu.memory_space<vmem>>, vector<16xf32>,
        %get3A_688 = arith.index_cast %scan3A_678 : i32 to index
        %get3A_689 = arith.constant 48 : index
        %get3A_690 = tpu.vector_load %arg8[%get3A_688, %get3A_689] {strides = array<i32>} : memref<128x64xf32, #tpu.memory_space<vmem>>, vector<16xf32>,
        %add3A_691 = arith.addf %get3A_681, %get3A_455 : vector<16xf32>
        %add3A_692 = arith.addf %get3A_684, %get3A_458 : vector<16xf32>
        %add3A_693 = arith.addf %get3A_687, %get3A_461 : vector<16xf32>
        %add3A_694 = arith.addf %get3A_690, %get3A_464 : vector<16xf32>
        tpu.vector_store_idx %arg12[%add3A_467, %select_n3A, %add3A_676], %add3A_691 : memref<8x8x129xf32, #tpu.memory_space<vmem>>[vector<16xi32>, vector<16xi32>, vector<16xi32>], vector<16xf32>,
        tpu.vector_store_idx %arg12[%add3A_470, %select_n3A, %add3A_676], %add3A_692 : memref<8x8x129xf32, #tpu.memory_space<vmem>>[vector<16xi32>, vector<16xi32>, vector<16xi32>], vector<16xf32>,
        tpu.vector_store_idx %arg12[%add3A_473, %select_n3A, %add3A_676], %add3A_693 : memref<8x8x129xf32, #tpu.memory_space<vmem>>[vector<16xi32>, vector<16xi32>, vector<16xi32>], vector<16xf32>,
        tpu.vector_store_idx %arg12[%add3A_476, %select_n3A, %add3A_676], %add3A_694 : memref<8x8x129xf32, #tpu.memory_space<vmem>>[vector<16xi32>, vector<16xi32>, vector<16xi32>], vector<16xf32>,
        %add3A_695 = arith.constant 1 : i32
        %add3A_696 = vector.broadcast %add3A_695 : i32 to vector<16xi32>
        %add3A_697 = arith.addi %add3A_676, %add3A_696 : vector<16xi32>
        %scan3A_698 = arith.constant 2 : i32
        %scan3A_699 = arith.addi %scan3A_656, %scan3A_698 : i32
        %get3A_700 = arith.index_cast %scan3A_699 : i32 to index
        %get3A_701 = arith.constant 0 : index
        %get3A_702 = tpu.vector_load %arg8[%get3A_700, %get3A_701] {strides = array<i32>} : memref<128x64xf32, #tpu.memory_space<vmem>>, vector<16xf32>,
        %get3A_703 = arith.index_cast %scan3A_699 : i32 to index
        %get3A_704 = arith.constant 16 : index
        %get3A_705 = tpu.vector_load %arg8[%get3A_703, %get3A_704] {strides = array<i32>} : memref<128x64xf32, #tpu.memory_space<vmem>>, vector<16xf32>,
        %get3A_706 = arith.index_cast %scan3A_699 : i32 to index
        %get3A_707 = arith.constant 32 : index
        %get3A_708 = tpu.vector_load %arg8[%get3A_706, %get3A_707] {strides = array<i32>} : memref<128x64xf32, #tpu.memory_space<vmem>>, vector<16xf32>,
        %get3A_709 = arith.index_cast %scan3A_699 : i32 to index
        %get3A_710 = arith.constant 48 : index
        %get3A_711 = tpu.vector_load %arg8[%get3A_709, %get3A_710] {strides = array<i32>} : memref<128x64xf32, #tpu.memory_space<vmem>>, vector<16xf32>,
        %add3A_712 = arith.addf %get3A_702, %get3A_455 : vector<16xf32>
        %add3A_713 = arith.addf %get3A_705, %get3A_458 : vector<16xf32>
        %add3A_714 = arith.addf %get3A_708, %get3A_461 : vector<16xf32>
        %add3A_715 = arith.addf %get3A_711, %get3A_464 : vector<16xf32>
        tpu.vector_store_idx %arg12[%add3A_467, %select_n3A, %add3A_697], %add3A_712 : memref<8x8x129xf32, #tpu.memory_space<vmem>>[vector<16xi32>, vector<16xi32>, vector<16xi32>], vector<16xf32>,
        tpu.vector_store_idx %arg12[%add3A_470, %select_n3A, %add3A_697], %add3A_713 : memref<8x8x129xf32, #tpu.memory_space<vmem>>[vector<16xi32>, vector<16xi32>, vector<16xi32>], vector<16xf32>,
        tpu.vector_store_idx %arg12[%add3A_473, %select_n3A, %add3A_697], %add3A_714 : memref<8x8x129xf32, #tpu.memory_space<vmem>>[vector<16xi32>, vector<16xi32>, vector<16xi32>], vector<16xf32>,
        tpu.vector_store_idx %arg12[%add3A_476, %select_n3A, %add3A_697], %add3A_715 : memref<8x8x129xf32, #tpu.memory_space<vmem>>[vector<16xi32>, vector<16xi32>, vector<16xi32>], vector<16xf32>,
        %add3A_716 = arith.constant 1 : i32
        %add3A_717 = vector.broadcast %add3A_716 : i32 to vector<16xi32>
        %add3A_718 = arith.addi %add3A_697, %add3A_717 : vector<16xi32>
        %scan3A_719 = arith.constant 3 : i32
        %scan3A_720 = arith.addi %scan3A_656, %scan3A_719 : i32
        %get3A_721 = arith.index_cast %scan3A_720 : i32 to index
        %get3A_722 = arith.constant 0 : index
        %get3A_723 = tpu.vector_load %arg8[%get3A_721, %get3A_722] {strides = array<i32>} : memref<128x64xf32, #tpu.memory_space<vmem>>, vector<16xf32>,
        %get3A_724 = arith.index_cast %scan3A_720 : i32 to index
        %get3A_725 = arith.constant 16 : index
        %get3A_726 = tpu.vector_load %arg8[%get3A_724, %get3A_725] {strides = array<i32>} : memref<128x64xf32, #tpu.memory_space<vmem>>, vector<16xf32>,
        %get3A_727 = arith.index_cast %scan3A_720 : i32 to index
        %get3A_728 = arith.constant 32 : index
        %get3A_729 = tpu.vector_load %arg8[%get3A_727, %get3A_728] {strides = array<i32>} : memref<128x64xf32, #tpu.memory_space<vmem>>, vector<16xf32>,
        %get3A_730 = arith.index_cast %scan3A_720 : i32 to index
        %get3A_731 = arith.constant 48 : index
        %get3A_732 = tpu.vector_load %arg8[%get3A_730, %get3A_731] {strides = array<i32>} : memref<128x64xf32, #tpu.memory_space<vmem>>, vector<16xf32>,
        %add3A_733 = arith.addf %get3A_723, %get3A_455 : vector<16xf32>
        %add3A_734 = arith.addf %get3A_726, %get3A_458 : vector<16xf32>
        %add3A_735 = arith.addf %get3A_729, %get3A_461 : vector<16xf32>
        %add3A_736 = arith.addf %get3A_732, %get3A_464 : vector<16xf32>
        tpu.vector_store_idx %arg12[%add3A_467, %select_n3A, %add3A_718], %add3A_733 : memref<8x8x129xf32, #tpu.memory_space<vmem>>[vector<16xi32>, vector<16xi32>, vector<16xi32>], vector<16xf32>,
        tpu.vector_store_idx %arg12[%add3A_470, %select_n3A, %add3A_718], %add3A_734 : memref<8x8x129xf32, #tpu.memory_space<vmem>>[vector<16xi32>, vector<16xi32>, vector<16xi32>], vector<16xf32>,
        tpu.vector_store_idx %arg12[%add3A_473, %select_n3A, %add3A_718], %add3A_735 : memref<8x8x129xf32, #tpu.memory_space<vmem>>[vector<16xi32>, vector<16xi32>, vector<16xi32>], vector<16xf32>,
        tpu.vector_store_idx %arg12[%add3A_476, %select_n3A, %add3A_718], %add3A_736 : memref<8x8x129xf32, #tpu.memory_space<vmem>>[vector<16xi32>, vector<16xi32>, vector<16xi32>], vector<16xf32>,
        %add3A_737 = arith.constant 1 : i32
        %add3A_738 = vector.broadcast %add3A_737 : i32 to vector<16xi32>
        %add3A_739 = arith.addi %add3A_718, %add3A_738 : vector<16xi32>
        scf.yield %add3A_739 : vector<16xi32>
      }
      %scan3A_484 = arith.constant 128 : i32
      %dma_start3A_485 = arith.constant 0 : i32
      %dma_start3A_486 = arith.constant 0 : i32
      %dma_start3A_487 = arith.constant 0 : i32
      %dma_start3A_488 = tpu.memref_slice %arg12[%dma_start3A_485, %dma_start3A_486, %dma_start3A_487] : memref<8x8x129xf32, #tpu.memory_space<vmem>> -> memref<8x8x128xf32, #tpu.memory_space<vmem>>
      %dma_start3A_489 = arith.constant 0 : i32
      %dma_start3A_490 = arith.constant 0 : i32
      %dma_start3A_491 = arith.constant 0 : i32
      %dma_start3A_492 = tpu.memref_slice %arg5[%add3A_441, %dma_start3A_489, %add3A, %dma_start3A_490, %dma_start3A_491] : memref<200x8x32x8x128xf32, #tpu.memory_space<hbm>> -> memref<1x8x1x8x128xf32, #tpu.memory_space<hbm>>
      %dma_start3A_493 = tpu.memref_squeeze %dma_start3A_492 : memref<1x8x1x8x128xf32, #tpu.memory_space<hbm>> -> memref<8x8x128xf32, #tpu.memory_space<hbm>>
      %dma_start3A_494 = arith.constant 0 : i32
      %dma_start3A_495 = arith.constant 0 : i32
      %dma_start3A_496 = arith.constant 0 : i32
      %dma_start3A_497 = tpu.memref_slice %arg5[%add3A_441, %dma_start3A_494, %add3A, %dma_start3A_495, %dma_start3A_496] : memref<200x8x32x8x128xf32, #tpu.memory_space<hbm>> -> memref<1x8x1x8x128xf32, #tpu.memory_space<hbm>>
      %dma_start3A_498 = tpu.memref_squeeze %dma_start3A_497 : memref<1x8x1x8x128xf32, #tpu.memory_space<hbm>> -> memref<8x8x128xf32, #tpu.memory_space<hbm>>
      %dma_start3A_499 = arith.constant 0 : i32
      %dma_start3A_500 = arith.constant 0 : i32
      %dma_start3A_501 = arith.constant 0 : i32
      %dma_start3A_502 = tpu.memref_slice %arg12[%dma_start3A_499, %dma_start3A_500, %dma_start3A_501] : memref<8x8x129xf32, #tpu.memory_space<vmem>> -> memref<8x8x128xf32, #tpu.memory_space<vmem>>
      tpu.enqueue_dma source(%dma_start3A_502 : memref<8x8x128xf32, #tpu.memory_space<vmem>>) target(%dma_start3A_498 : memref<8x8x128xf32, #tpu.memory_space<hbm>>) target_semaphore(%arg19 : memref<!tpu.dma_semaphore, #tpu.memory_space<semaphore_mem>>)
      %add3A_503 = arith.constant 4 : i32
      %add3A_504 = arith.addi %add3A_441, %add3A_503 : i32
      %sub3A_505 = arith.constant 1 : i32
      %sub3A_506 = arith.subi %add3A_504, %sub3A_505 : i32
      %lt3A_507 = arith.constant 200 : i32
      %lt3A_508 = arith.cmpi slt, %sub3A_506, %lt3A_507 : i32
      %convert_element_type3A_509 = arith.extui %lt3A_508 : i1 to i32
      %cond3A_510 = arith.constant 0 : i32
      %cond3A_511 = arith.cmpi ne, %convert_element_type3A_509, %cond3A_510 : i32
      scf.if %cond3A_511 {
        %dma_start3A_656 = arith.constant 0 : i32
        %dma_start3A_657 = tpu.memref_slice %arg6[%sub3A_506, %dma_start3A_656] : memref<200x128xi32, #tpu.memory_space<vmem>> -> memref<1x128xi32, #tpu.memory_space<vmem>>
        %dma_start3A_658 = tpu.memref_squeeze %dma_start3A_657 : memref<1x128xi32, #tpu.memory_space<vmem>> -> memref<128xi32, #tpu.memory_space<vmem>>
        %dma_start3A_659 = arith.constant 0 : i32
        %dma_start3A_660 = arith.constant 0 : i32
        %dma_start3A_661 = tpu.memref_slice %arg3[%dma_start3A_659, %dma_start3A_660] : memref<1200x64xf32, #tpu.memory_space<hbm>> -> memref<1200x64xf32, #tpu.memory_space<hbm>>
        tpu.enqueue_indirect_dma source(%dma_start3A_661 : memref<1200x64xf32, #tpu.memory_space<hbm>>) target(%arg7 : memref<128x64xf32, #tpu.memory_space<vmem>>) offsets(%dma_start3A_658 : memref<128xi32, #tpu.memory_space<vmem>>) semaphore(%arg14 : memref<!tpu.dma_semaphore, #tpu.memory_space<semaphore_mem>>)
      } else {
      }
      %add3A_512 = arith.constant 6 : i32
      %add3A_513 = arith.addi %mul3A_83, %add3A_512 : i32
      %dma_wait3A_514 = arith.constant 0 : i32
      %dma_wait3A_515 = tpu.memref_slice %arg6[%add3A_513, %dma_wait3A_514] : memref<200x128xi32, #tpu.memory_space<vmem>> -> memref<1x128xi32, #tpu.memory_space<vmem>>
      %dma_wait3A_516 = tpu.memref_squeeze %dma_wait3A_515 : memref<1x128xi32, #tpu.memory_space<vmem>> -> memref<128xi32, #tpu.memory_space<vmem>>
      %dma_wait3A_517 = arith.constant 0 : i32
      %dma_wait3A_518 = arith.constant 0 : i32
      %dma_wait3A_519 = tpu.memref_slice %arg3[%dma_wait3A_517, %dma_wait3A_518] : memref<1200x64xf32, #tpu.memory_space<hbm>> -> memref<1200x64xf32, #tpu.memory_space<hbm>>
      tpu.wait_indirect_dma semaphore(%arg16 : memref<!tpu.dma_semaphore, #tpu.memory_space<semaphore_mem>>) src(%dma_wait3A_519 : memref<1200x64xf32, #tpu.memory_space<hbm>>) dst(%arg9 : memref<128x64xf32, #tpu.memory_space<vmem>>)
      %ge3A_520 = arith.constant 2 : i32
      %ge3A_521 = arith.cmpi sge, %add3A_513, %ge3A_520 : i32
      %convert_element_type3A_522 = arith.extui %ge3A_521 : i1 to i32
      %cond3A_523 = arith.constant 0 : i32
      %cond3A_524 = arith.cmpi ne, %convert_element_type3A_522, %cond3A_523 : i32
      scf.if %cond3A_524 {
        %sub3A_656 = arith.constant 2 : i32
        %sub3A_657 = arith.subi %add3A_513, %sub3A_656 : i32
        %dma_wait3A_658 = arith.constant 0 : i32
        %dma_wait3A_659 = arith.constant 0 : i32
        %dma_wait3A_660 = arith.constant 0 : i32
        %dma_wait3A_661 = tpu.memref_slice %arg11[%dma_wait3A_658, %dma_wait3A_659, %dma_wait3A_660] : memref<8x8x129xf32, #tpu.memory_space<vmem>> -> memref<8x8x128xf32, #tpu.memory_space<vmem>>
        %dma_wait3A_662 = arith.constant 0 : i32
        %dma_wait3A_663 = arith.constant 0 : i32
        %dma_wait3A_664 = arith.constant 0 : i32
        %dma_wait3A_665 = tpu.memref_slice %arg5[%sub3A_657, %dma_wait3A_662, %add3A, %dma_wait3A_663, %dma_wait3A_664] : memref<200x8x32x8x128xf32, #tpu.memory_space<hbm>> -> memref<1x8x1x8x128xf32, #tpu.memory_space<hbm>>
        %dma_wait3A_666 = tpu.memref_squeeze %dma_wait3A_665 : memref<1x8x1x8x128xf32, #tpu.memory_space<hbm>> -> memref<8x8x128xf32, #tpu.memory_space<hbm>>
        %dma_wait3A_667 = arith.constant 0 : i32
        %dma_wait3A_668 = arith.constant 0 : i32
        %dma_wait3A_669 = arith.constant 0 : i32
        %dma_wait3A_670 = tpu.memref_slice %arg5[%sub3A_657, %dma_wait3A_667, %add3A, %dma_wait3A_668, %dma_wait3A_669] : memref<200x8x32x8x128xf32, #tpu.memory_space<hbm>> -> memref<1x8x1x8x128xf32, #tpu.memory_space<hbm>>
        %dma_wait3A_671 = tpu.memref_squeeze %dma_wait3A_670 : memref<1x8x1x8x128xf32, #tpu.memory_space<hbm>> -> memref<8x8x128xf32, #tpu.memory_space<hbm>>
        %dma_wait3A_672 = arith.constant 0 : i32
        %dma_wait3A_673 = arith.constant 0 : i32
        %dma_wait3A_674 = arith.constant 0 : i32
        %dma_wait3A_675 = tpu.memref_slice %arg11[%dma_wait3A_672, %dma_wait3A_673, %dma_wait3A_674] : memref<8x8x129xf32, #tpu.memory_space<vmem>> -> memref<8x8x128xf32, #tpu.memory_space<vmem>>
        tpu.wait_dma2 semaphore(%arg18 : memref<!tpu.dma_semaphore, #tpu.memory_space<semaphore_mem>>) src(%dma_wait3A_675 : memref<8x8x128xf32, #tpu.memory_space<vmem>>) dst(%dma_wait3A_671 : memref<8x8x128xf32, #tpu.memory_space<hbm>>)
      } else {
      }
      %get3A_525 = arith.index_cast %add3A_513 : i32 to index
      %get3A_526 = arith.constant 0 : index
      %get3A_527 = tpu.vector_load %arg13[%get3A_525, %get3A_526] {strides = array<i32>} : memref<200x64xf32, #tpu.memory_space<vmem>>, vector<16xf32>,
      %get3A_528 = arith.index_cast %add3A_513 : i32 to index
      %get3A_529 = arith.constant 16 : index
      %get3A_530 = tpu.vector_load %arg13[%get3A_528, %get3A_529] {strides = array<i32>} : memref<200x64xf32, #tpu.memory_space<vmem>>, vector<16xf32>,
      %get3A_531 = arith.index_cast %add3A_513 : i32 to index
      %get3A_532 = arith.constant 32 : index
      %get3A_533 = tpu.vector_load %arg13[%get3A_531, %get3A_532] {strides = array<i32>} : memref<200x64xf32, #tpu.memory_space<vmem>>, vector<16xf32>,
      %get3A_534 = arith.index_cast %add3A_513 : i32 to index
      %get3A_535 = arith.constant 48 : index
      %get3A_536 = tpu.vector_load %arg13[%get3A_534, %get3A_535] {strides = array<i32>} : memref<200x64xf32, #tpu.memory_space<vmem>>, vector<16xf32>,
      %add3A_537 = arith.constant 0 : i32
      %add3A_538 = vector.broadcast %add3A_537 : i32 to vector<16xi32>
      %add3A_539 = arith.addi %select_n3A_37, %add3A_538 : vector<16xi32>
      %add3A_540 = arith.constant 2 : i32
      %add3A_541 = vector.broadcast %add3A_540 : i32 to vector<16xi32>
      %add3A_542 = arith.addi %select_n3A_37, %add3A_541 : vector<16xi32>
      %add3A_543 = arith.constant 4 : i32
      %add3A_544 = vector.broadcast %add3A_543 : i32 to vector<16xi32>
      %add3A_545 = arith.addi %select_n3A_37, %add3A_544 : vector<16xi32>
      %add3A_546 = arith.constant 6 : i32
      %add3A_547 = vector.broadcast %add3A_546 : i32 to vector<16xi32>
      %add3A_548 = arith.addi %select_n3A_37, %add3A_547 : vector<16xi32>
      %broadcast_in_dim3A_549 = arith.constant 0 : i32
      %broadcast_in_dim3A_550 = vector.broadcast %broadcast_in_dim3A_549 : i32 to vector<16xi32>
      %scan3A_551 = arith.constant 0 : i32
      %scan3A_552 = arith.constant 128 : i32
      %scan3A_553 = arith.addi %scan3A_551, %scan3A_552 : i32
      %scan3A_554 = arith.constant 4 : i32
      %scan3A_555 = scf.for %scan3A_656 = %scan3A_551 to %scan3A_553 step %scan3A_554 iter_args(%scan3A_657 = %broadcast_in_dim3A_550) -> (vector<16xi32>)  : i32 {
        %get3A_658 = arith.index_cast %scan3A_656 : i32 to index
        %get3A_659 = arith.constant 0 : index
        %get3A_660 = tpu.vector_load %arg9[%get3A_658, %get3A_659] {strides = array<i32>} : memref<128x64xf32, #tpu.memory_space<vmem>>, vector<16xf32>,
        %get3A_661 = arith.index_cast %scan3A_656 : i32 to index
        %get3A_662 = arith.constant 16 : index
        %get3A_663 = tpu.vector_load %arg9[%get3A_661, %get3A_662] {strides = array<i32>} : memref<128x64xf32, #tpu.memory_space<vmem>>, vector<16xf32>,
        %get3A_664 = arith.index_cast %scan3A_656 : i32 to index
        %get3A_665 = arith.constant 32 : index
        %get3A_666 = tpu.vector_load %arg9[%get3A_664, %get3A_665] {strides = array<i32>} : memref<128x64xf32, #tpu.memory_space<vmem>>, vector<16xf32>,
        %get3A_667 = arith.index_cast %scan3A_656 : i32 to index
        %get3A_668 = arith.constant 48 : index
        %get3A_669 = tpu.vector_load %arg9[%get3A_667, %get3A_668] {strides = array<i32>} : memref<128x64xf32, #tpu.memory_space<vmem>>, vector<16xf32>,
        %add3A_670 = arith.addf %get3A_660, %get3A_527 : vector<16xf32>
        %add3A_671 = arith.addf %get3A_663, %get3A_530 : vector<16xf32>
        %add3A_672 = arith.addf %get3A_666, %get3A_533 : vector<16xf32>
        %add3A_673 = arith.addf %get3A_669, %get3A_536 : vector<16xf32>
        tpu.vector_store_idx %arg11[%add3A_539, %select_n3A, %scan3A_657], %add3A_670 : memref<8x8x129xf32, #tpu.memory_space<vmem>>[vector<16xi32>, vector<16xi32>, vector<16xi32>], vector<16xf32>,
        tpu.vector_store_idx %arg11[%add3A_542, %select_n3A, %scan3A_657], %add3A_671 : memref<8x8x129xf32, #tpu.memory_space<vmem>>[vector<16xi32>, vector<16xi32>, vector<16xi32>], vector<16xf32>,
        tpu.vector_store_idx %arg11[%add3A_545, %select_n3A, %scan3A_657], %add3A_672 : memref<8x8x129xf32, #tpu.memory_space<vmem>>[vector<16xi32>, vector<16xi32>, vector<16xi32>], vector<16xf32>,
        tpu.vector_store_idx %arg11[%add3A_548, %select_n3A, %scan3A_657], %add3A_673 : memref<8x8x129xf32, #tpu.memory_space<vmem>>[vector<16xi32>, vector<16xi32>, vector<16xi32>], vector<16xf32>,
        %add3A_674 = arith.constant 1 : i32
        %add3A_675 = vector.broadcast %add3A_674 : i32 to vector<16xi32>
        %add3A_676 = arith.addi %scan3A_657, %add3A_675 : vector<16xi32>
        %scan3A_677 = arith.constant 1 : i32
        %scan3A_678 = arith.addi %scan3A_656, %scan3A_677 : i32
        %get3A_679 = arith.index_cast %scan3A_678 : i32 to index
        %get3A_680 = arith.constant 0 : index
        %get3A_681 = tpu.vector_load %arg9[%get3A_679, %get3A_680] {strides = array<i32>} : memref<128x64xf32, #tpu.memory_space<vmem>>, vector<16xf32>,
        %get3A_682 = arith.index_cast %scan3A_678 : i32 to index
        %get3A_683 = arith.constant 16 : index
        %get3A_684 = tpu.vector_load %arg9[%get3A_682, %get3A_683] {strides = array<i32>} : memref<128x64xf32, #tpu.memory_space<vmem>>, vector<16xf32>,
        %get3A_685 = arith.index_cast %scan3A_678 : i32 to index
        %get3A_686 = arith.constant 32 : index
        %get3A_687 = tpu.vector_load %arg9[%get3A_685, %get3A_686] {strides = array<i32>} : memref<128x64xf32, #tpu.memory_space<vmem>>, vector<16xf32>,
        %get3A_688 = arith.index_cast %scan3A_678 : i32 to index
        %get3A_689 = arith.constant 48 : index
        %get3A_690 = tpu.vector_load %arg9[%get3A_688, %get3A_689] {strides = array<i32>} : memref<128x64xf32, #tpu.memory_space<vmem>>, vector<16xf32>,
        %add3A_691 = arith.addf %get3A_681, %get3A_527 : vector<16xf32>
        %add3A_692 = arith.addf %get3A_684, %get3A_530 : vector<16xf32>
        %add3A_693 = arith.addf %get3A_687, %get3A_533 : vector<16xf32>
        %add3A_694 = arith.addf %get3A_690, %get3A_536 : vector<16xf32>
        tpu.vector_store_idx %arg11[%add3A_539, %select_n3A, %add3A_676], %add3A_691 : memref<8x8x129xf32, #tpu.memory_space<vmem>>[vector<16xi32>, vector<16xi32>, vector<16xi32>], vector<16xf32>,
        tpu.vector_store_idx %arg11[%add3A_542, %select_n3A, %add3A_676], %add3A_692 : memref<8x8x129xf32, #tpu.memory_space<vmem>>[vector<16xi32>, vector<16xi32>, vector<16xi32>], vector<16xf32>,
        tpu.vector_store_idx %arg11[%add3A_545, %select_n3A, %add3A_676], %add3A_693 : memref<8x8x129xf32, #tpu.memory_space<vmem>>[vector<16xi32>, vector<16xi32>, vector<16xi32>], vector<16xf32>,
        tpu.vector_store_idx %arg11[%add3A_548, %select_n3A, %add3A_676], %add3A_694 : memref<8x8x129xf32, #tpu.memory_space<vmem>>[vector<16xi32>, vector<16xi32>, vector<16xi32>], vector<16xf32>,
        %add3A_695 = arith.constant 1 : i32
        %add3A_696 = vector.broadcast %add3A_695 : i32 to vector<16xi32>
        %add3A_697 = arith.addi %add3A_676, %add3A_696 : vector<16xi32>
        %scan3A_698 = arith.constant 2 : i32
        %scan3A_699 = arith.addi %scan3A_656, %scan3A_698 : i32
        %get3A_700 = arith.index_cast %scan3A_699 : i32 to index
        %get3A_701 = arith.constant 0 : index
        %get3A_702 = tpu.vector_load %arg9[%get3A_700, %get3A_701] {strides = array<i32>} : memref<128x64xf32, #tpu.memory_space<vmem>>, vector<16xf32>,
        %get3A_703 = arith.index_cast %scan3A_699 : i32 to index
        %get3A_704 = arith.constant 16 : index
        %get3A_705 = tpu.vector_load %arg9[%get3A_703, %get3A_704] {strides = array<i32>} : memref<128x64xf32, #tpu.memory_space<vmem>>, vector<16xf32>,
        %get3A_706 = arith.index_cast %scan3A_699 : i32 to index
        %get3A_707 = arith.constant 32 : index
        %get3A_708 = tpu.vector_load %arg9[%get3A_706, %get3A_707] {strides = array<i32>} : memref<128x64xf32, #tpu.memory_space<vmem>>, vector<16xf32>,
        %get3A_709 = arith.index_cast %scan3A_699 : i32 to index
        %get3A_710 = arith.constant 48 : index
        %get3A_711 = tpu.vector_load %arg9[%get3A_709, %get3A_710] {strides = array<i32>} : memref<128x64xf32, #tpu.memory_space<vmem>>, vector<16xf32>,
        %add3A_712 = arith.addf %get3A_702, %get3A_527 : vector<16xf32>
        %add3A_713 = arith.addf %get3A_705, %get3A_530 : vector<16xf32>
        %add3A_714 = arith.addf %get3A_708, %get3A_533 : vector<16xf32>
        %add3A_715 = arith.addf %get3A_711, %get3A_536 : vector<16xf32>
        tpu.vector_store_idx %arg11[%add3A_539, %select_n3A, %add3A_697], %add3A_712 : memref<8x8x129xf32, #tpu.memory_space<vmem>>[vector<16xi32>, vector<16xi32>, vector<16xi32>], vector<16xf32>,
        tpu.vector_store_idx %arg11[%add3A_542, %select_n3A, %add3A_697], %add3A_713 : memref<8x8x129xf32, #tpu.memory_space<vmem>>[vector<16xi32>, vector<16xi32>, vector<16xi32>], vector<16xf32>,
        tpu.vector_store_idx %arg11[%add3A_545, %select_n3A, %add3A_697], %add3A_714 : memref<8x8x129xf32, #tpu.memory_space<vmem>>[vector<16xi32>, vector<16xi32>, vector<16xi32>], vector<16xf32>,
        tpu.vector_store_idx %arg11[%add3A_548, %select_n3A, %add3A_697], %add3A_715 : memref<8x8x129xf32, #tpu.memory_space<vmem>>[vector<16xi32>, vector<16xi32>, vector<16xi32>], vector<16xf32>,
        %add3A_716 = arith.constant 1 : i32
        %add3A_717 = vector.broadcast %add3A_716 : i32 to vector<16xi32>
        %add3A_718 = arith.addi %add3A_697, %add3A_717 : vector<16xi32>
        %scan3A_719 = arith.constant 3 : i32
        %scan3A_720 = arith.addi %scan3A_656, %scan3A_719 : i32
        %get3A_721 = arith.index_cast %scan3A_720 : i32 to index
        %get3A_722 = arith.constant 0 : index
        %get3A_723 = tpu.vector_load %arg9[%get3A_721, %get3A_722] {strides = array<i32>} : memref<128x64xf32, #tpu.memory_space<vmem>>, vector<16xf32>,
        %get3A_724 = arith.index_cast %scan3A_720 : i32 to index
        %get3A_725 = arith.constant 16 : index
        %get3A_726 = tpu.vector_load %arg9[%get3A_724, %get3A_725] {strides = array<i32>} : memref<128x64xf32, #tpu.memory_space<vmem>>, vector<16xf32>,
        %get3A_727 = arith.index_cast %scan3A_720 : i32 to index
        %get3A_728 = arith.constant 32 : index
        %get3A_729 = tpu.vector_load %arg9[%get3A_727, %get3A_728] {strides = array<i32>} : memref<128x64xf32, #tpu.memory_space<vmem>>, vector<16xf32>,
        %get3A_730 = arith.index_cast %scan3A_720 : i32 to index
        %get3A_731 = arith.constant 48 : index
        %get3A_732 = tpu.vector_load %arg9[%get3A_730, %get3A_731] {strides = array<i32>} : memref<128x64xf32, #tpu.memory_space<vmem>>, vector<16xf32>,
        %add3A_733 = arith.addf %get3A_723, %get3A_527 : vector<16xf32>
        %add3A_734 = arith.addf %get3A_726, %get3A_530 : vector<16xf32>
        %add3A_735 = arith.addf %get3A_729, %get3A_533 : vector<16xf32>
        %add3A_736 = arith.addf %get3A_732, %get3A_536 : vector<16xf32>
        tpu.vector_store_idx %arg11[%add3A_539, %select_n3A, %add3A_718], %add3A_733 : memref<8x8x129xf32, #tpu.memory_space<vmem>>[vector<16xi32>, vector<16xi32>, vector<16xi32>], vector<16xf32>,
        tpu.vector_store_idx %arg11[%add3A_542, %select_n3A, %add3A_718], %add3A_734 : memref<8x8x129xf32, #tpu.memory_space<vmem>>[vector<16xi32>, vector<16xi32>, vector<16xi32>], vector<16xf32>,
        tpu.vector_store_idx %arg11[%add3A_545, %select_n3A, %add3A_718], %add3A_735 : memref<8x8x129xf32, #tpu.memory_space<vmem>>[vector<16xi32>, vector<16xi32>, vector<16xi32>], vector<16xf32>,
        tpu.vector_store_idx %arg11[%add3A_548, %select_n3A, %add3A_718], %add3A_736 : memref<8x8x129xf32, #tpu.memory_space<vmem>>[vector<16xi32>, vector<16xi32>, vector<16xi32>], vector<16xf32>,
        %add3A_737 = arith.constant 1 : i32
        %add3A_738 = vector.broadcast %add3A_737 : i32 to vector<16xi32>
        %add3A_739 = arith.addi %add3A_718, %add3A_738 : vector<16xi32>
        scf.yield %add3A_739 : vector<16xi32>
      }
      %scan3A_556 = arith.constant 128 : i32
      %dma_start3A_557 = arith.constant 0 : i32
      %dma_start3A_558 = arith.constant 0 : i32
      %dma_start3A_559 = arith.constant 0 : i32
      %dma_start3A_560 = tpu.memref_slice %arg11[%dma_start3A_557, %dma_start3A_558, %dma_start3A_559] : memref<8x8x129xf32, #tpu.memory_space<vmem>> -> memref<8x8x128xf32, #tpu.memory_space<vmem>>
      %dma_start3A_561 = arith.constant 0 : i32
      %dma_start3A_562 = arith.constant 0 : i32
      %dma_start3A_563 = arith.constant 0 : i32
      %dma_start3A_564 = tpu.memref_slice %arg5[%add3A_513, %dma_start3A_561, %add3A, %dma_start3A_562, %dma_start3A_563] : memref<200x8x32x8x128xf32, #tpu.memory_space<hbm>> -> memref<1x8x1x8x128xf32, #tpu.memory_space<hbm>>
      %dma_start3A_565 = tpu.memref_squeeze %dma_start3A_564 : memref<1x8x1x8x128xf32, #tpu.memory_space<hbm>> -> memref<8x8x128xf32, #tpu.memory_space<hbm>>
      %dma_start3A_566 = arith.constant 0 : i32
      %dma_start3A_567 = arith.constant 0 : i32
      %dma_start3A_568 = arith.constant 0 : i32
      %dma_start3A_569 = tpu.memref_slice %arg5[%add3A_513, %dma_start3A_566, %add3A, %dma_start3A_567, %dma_start3A_568] : memref<200x8x32x8x128xf32, #tpu.memory_space<hbm>> -> memref<1x8x1x8x128xf32, #tpu.memory_space<hbm>>
      %dma_start3A_570 = tpu.memref_squeeze %dma_start3A_569 : memref<1x8x1x8x128xf32, #tpu.memory_space<hbm>> -> memref<8x8x128xf32, #tpu.memory_space<hbm>>
      %dma_start3A_571 = arith.constant 0 : i32
      %dma_start3A_572 = arith.constant 0 : i32
      %dma_start3A_573 = arith.constant 0 : i32
      %dma_start3A_574 = tpu.memref_slice %arg11[%dma_start3A_571, %dma_start3A_572, %dma_start3A_573] : memref<8x8x129xf32, #tpu.memory_space<vmem>> -> memref<8x8x128xf32, #tpu.memory_space<vmem>>
      tpu.enqueue_dma source(%dma_start3A_574 : memref<8x8x128xf32, #tpu.memory_space<vmem>>) target(%dma_start3A_570 : memref<8x8x128xf32, #tpu.memory_space<hbm>>) target_semaphore(%arg18 : memref<!tpu.dma_semaphore, #tpu.memory_space<semaphore_mem>>)
      %add3A_575 = arith.constant 4 : i32
      %add3A_576 = arith.addi %add3A_513, %add3A_575 : i32
      %sub3A_577 = arith.constant 1 : i32
      %sub3A_578 = arith.subi %add3A_576, %sub3A_577 : i32
      %lt3A_579 = arith.constant 200 : i32
      %lt3A_580 = arith.cmpi slt, %sub3A_578, %lt3A_579 : i32
      %convert_element_type3A_581 = arith.extui %lt3A_580 : i1 to i32
      %cond3A_582 = arith.constant 0 : i32
      %cond3A_583 = arith.cmpi ne, %convert_element_type3A_581, %cond3A_582 : i32
      scf.if %cond3A_583 {
        %dma_start3A_656 = arith.constant 0 : i32
        %dma_start3A_657 = tpu.memref_slice %arg6[%sub3A_578, %dma_start3A_656] : memref<200x128xi32, #tpu.memory_space<vmem>> -> memref<1x128xi32, #tpu.memory_space<vmem>>
        %dma_start3A_658 = tpu.memref_squeeze %dma_start3A_657 : memref<1x128xi32, #tpu.memory_space<vmem>> -> memref<128xi32, #tpu.memory_space<vmem>>
        %dma_start3A_659 = arith.constant 0 : i32
        %dma_start3A_660 = arith.constant 0 : i32
        %dma_start3A_661 = tpu.memref_slice %arg3[%dma_start3A_659, %dma_start3A_660] : memref<1200x64xf32, #tpu.memory_space<hbm>> -> memref<1200x64xf32, #tpu.memory_space<hbm>>
        tpu.enqueue_indirect_dma source(%dma_start3A_661 : memref<1200x64xf32, #tpu.memory_space<hbm>>) target(%arg8 : memref<128x64xf32, #tpu.memory_space<vmem>>) offsets(%dma_start3A_658 : memref<128xi32, #tpu.memory_space<vmem>>) semaphore(%arg15 : memref<!tpu.dma_semaphore, #tpu.memory_space<semaphore_mem>>)
      } else {
      }
      %add3A_584 = arith.constant 7 : i32
      %add3A_585 = arith.addi %mul3A_83, %add3A_584 : i32
      %dma_wait3A_586 = arith.constant 0 : i32
      %dma_wait3A_587 = tpu.memref_slice %arg6[%add3A_585, %dma_wait3A_586] : memref<200x128xi32, #tpu.memory_space<vmem>> -> memref<1x128xi32, #tpu.memory_space<vmem>>
      %dma_wait3A_588 = tpu.memref_squeeze %dma_wait3A_587 : memref<1x128xi32, #tpu.memory_space<vmem>> -> memref<128xi32, #tpu.memory_space<vmem>>
      %dma_wait3A_589 = arith.constant 0 : i32
      %dma_wait3A_590 = arith.constant 0 : i32
      %dma_wait3A_591 = tpu.memref_slice %arg3[%dma_wait3A_589, %dma_wait3A_590] : memref<1200x64xf32, #tpu.memory_space<hbm>> -> memref<1200x64xf32, #tpu.memory_space<hbm>>
      tpu.wait_indirect_dma semaphore(%arg17 : memref<!tpu.dma_semaphore, #tpu.memory_space<semaphore_mem>>) src(%dma_wait3A_591 : memref<1200x64xf32, #tpu.memory_space<hbm>>) dst(%arg10 : memref<128x64xf32, #tpu.memory_space<vmem>>)
      %ge3A_592 = arith.constant 2 : i32
      %ge3A_593 = arith.cmpi sge, %add3A_585, %ge3A_592 : i32
      %convert_element_type3A_594 = arith.extui %ge3A_593 : i1 to i32
      %cond3A_595 = arith.constant 0 : i32
      %cond3A_596 = arith.cmpi ne, %convert_element_type3A_594, %cond3A_595 : i32
      scf.if %cond3A_596 {
        %sub3A_656 = arith.constant 2 : i32
        %sub3A_657 = arith.subi %add3A_585, %sub3A_656 : i32
        %dma_wait3A_658 = arith.constant 0 : i32
        %dma_wait3A_659 = arith.constant 0 : i32
        %dma_wait3A_660 = arith.constant 0 : i32
        %dma_wait3A_661 = tpu.memref_slice %arg12[%dma_wait3A_658, %dma_wait3A_659, %dma_wait3A_660] : memref<8x8x129xf32, #tpu.memory_space<vmem>> -> memref<8x8x128xf32, #tpu.memory_space<vmem>>
        %dma_wait3A_662 = arith.constant 0 : i32
        %dma_wait3A_663 = arith.constant 0 : i32
        %dma_wait3A_664 = arith.constant 0 : i32
        %dma_wait3A_665 = tpu.memref_slice %arg5[%sub3A_657, %dma_wait3A_662, %add3A, %dma_wait3A_663, %dma_wait3A_664] : memref<200x8x32x8x128xf32, #tpu.memory_space<hbm>> -> memref<1x8x1x8x128xf32, #tpu.memory_space<hbm>>
        %dma_wait3A_666 = tpu.memref_squeeze %dma_wait3A_665 : memref<1x8x1x8x128xf32, #tpu.memory_space<hbm>> -> memref<8x8x128xf32, #tpu.memory_space<hbm>>
        %dma_wait3A_667 = arith.constant 0 : i32
        %dma_wait3A_668 = arith.constant 0 : i32
        %dma_wait3A_669 = arith.constant 0 : i32
        %dma_wait3A_670 = tpu.memref_slice %arg5[%sub3A_657, %dma_wait3A_667, %add3A, %dma_wait3A_668, %dma_wait3A_669] : memref<200x8x32x8x128xf32, #tpu.memory_space<hbm>> -> memref<1x8x1x8x128xf32, #tpu.memory_space<hbm>>
        %dma_wait3A_671 = tpu.memref_squeeze %dma_wait3A_670 : memref<1x8x1x8x128xf32, #tpu.memory_space<hbm>> -> memref<8x8x128xf32, #tpu.memory_space<hbm>>
        %dma_wait3A_672 = arith.constant 0 : i32
        %dma_wait3A_673 = arith.constant 0 : i32
        %dma_wait3A_674 = arith.constant 0 : i32
        %dma_wait3A_675 = tpu.memref_slice %arg12[%dma_wait3A_672, %dma_wait3A_673, %dma_wait3A_674] : memref<8x8x129xf32, #tpu.memory_space<vmem>> -> memref<8x8x128xf32, #tpu.memory_space<vmem>>
        tpu.wait_dma2 semaphore(%arg19 : memref<!tpu.dma_semaphore, #tpu.memory_space<semaphore_mem>>) src(%dma_wait3A_675 : memref<8x8x128xf32, #tpu.memory_space<vmem>>) dst(%dma_wait3A_671 : memref<8x8x128xf32, #tpu.memory_space<hbm>>)
      } else {
      }
      %get3A_597 = arith.index_cast %add3A_585 : i32 to index
      %get3A_598 = arith.constant 0 : index
      %get3A_599 = tpu.vector_load %arg13[%get3A_597, %get3A_598] {strides = array<i32>} : memref<200x64xf32, #tpu.memory_space<vmem>>, vector<16xf32>,
      %get3A_600 = arith.index_cast %add3A_585 : i32 to index
      %get3A_601 = arith.constant 16 : index
      %get3A_602 = tpu.vector_load %arg13[%get3A_600, %get3A_601] {strides = array<i32>} : memref<200x64xf32, #tpu.memory_space<vmem>>, vector<16xf32>,
      %get3A_603 = arith.index_cast %add3A_585 : i32 to index
      %get3A_604 = arith.constant 32 : index
      %get3A_605 = tpu.vector_load %arg13[%get3A_603, %get3A_604] {strides = array<i32>} : memref<200x64xf32, #tpu.memory_space<vmem>>, vector<16xf32>,
      %get3A_606 = arith.index_cast %add3A_585 : i32 to index
      %get3A_607 = arith.constant 48 : index
      %get3A_608 = tpu.vector_load %arg13[%get3A_606, %get3A_607] {strides = array<i32>} : memref<200x64xf32, #tpu.memory_space<vmem>>, vector<16xf32>,
      %add3A_609 = arith.constant 0 : i32
      %add3A_610 = vector.broadcast %add3A_609 : i32 to vector<16xi32>
      %add3A_611 = arith.addi %select_n3A_37, %add3A_610 : vector<16xi32>
      %add3A_612 = arith.constant 2 : i32
      %add3A_613 = vector.broadcast %add3A_612 : i32 to vector<16xi32>
      %add3A_614 = arith.addi %select_n3A_37, %add3A_613 : vector<16xi32>
      %add3A_615 = arith.constant 4 : i32
      %add3A_616 = vector.broadcast %add3A_615 : i32 to vector<16xi32>
      %add3A_617 = arith.addi %select_n3A_37, %add3A_616 : vector<16xi32>
      %add3A_618 = arith.constant 6 : i32
      %add3A_619 = vector.broadcast %add3A_618 : i32 to vector<16xi32>
      %add3A_620 = arith.addi %select_n3A_37, %add3A_619 : vector<16xi32>
      %broadcast_in_dim3A_621 = arith.constant 0 : i32
      %broadcast_in_dim3A_622 = vector.broadcast %broadcast_in_dim3A_621 : i32 to vector<16xi32>
      %scan3A_623 = arith.constant 0 : i32
      %scan3A_624 = arith.constant 128 : i32
      %scan3A_625 = arith.addi %scan3A_623, %scan3A_624 : i32
      %scan3A_626 = arith.constant 4 : i32
      %scan3A_627 = scf.for %scan3A_656 = %scan3A_623 to %scan3A_625 step %scan3A_626 iter_args(%scan3A_657 = %broadcast_in_dim3A_622) -> (vector<16xi32>)  : i32 {
        %get3A_658 = arith.index_cast %scan3A_656 : i32 to index
        %get3A_659 = arith.constant 0 : index
        %get3A_660 = tpu.vector_load %arg10[%get3A_658, %get3A_659] {strides = array<i32>} : memref<128x64xf32, #tpu.memory_space<vmem>>, vector<16xf32>,
        %get3A_661 = arith.index_cast %scan3A_656 : i32 to index
        %get3A_662 = arith.constant 16 : index
        %get3A_663 = tpu.vector_load %arg10[%get3A_661, %get3A_662] {strides = array<i32>} : memref<128x64xf32, #tpu.memory_space<vmem>>, vector<16xf32>,
        %get3A_664 = arith.index_cast %scan3A_656 : i32 to index
        %get3A_665 = arith.constant 32 : index
        %get3A_666 = tpu.vector_load %arg10[%get3A_664, %get3A_665] {strides = array<i32>} : memref<128x64xf32, #tpu.memory_space<vmem>>, vector<16xf32>,
        %get3A_667 = arith.index_cast %scan3A_656 : i32 to index
        %get3A_668 = arith.constant 48 : index
        %get3A_669 = tpu.vector_load %arg10[%get3A_667, %get3A_668] {strides = array<i32>} : memref<128x64xf32, #tpu.memory_space<vmem>>, vector<16xf32>,
        %add3A_670 = arith.addf %get3A_660, %get3A_599 : vector<16xf32>
        %add3A_671 = arith.addf %get3A_663, %get3A_602 : vector<16xf32>
        %add3A_672 = arith.addf %get3A_666, %get3A_605 : vector<16xf32>
        %add3A_673 = arith.addf %get3A_669, %get3A_608 : vector<16xf32>
        tpu.vector_store_idx %arg12[%add3A_611, %select_n3A, %scan3A_657], %add3A_670 : memref<8x8x129xf32, #tpu.memory_space<vmem>>[vector<16xi32>, vector<16xi32>, vector<16xi32>], vector<16xf32>,
        tpu.vector_store_idx %arg12[%add3A_614, %select_n3A, %scan3A_657], %add3A_671 : memref<8x8x129xf32, #tpu.memory_space<vmem>>[vector<16xi32>, vector<16xi32>, vector<16xi32>], vector<16xf32>,
        tpu.vector_store_idx %arg12[%add3A_617, %select_n3A, %scan3A_657], %add3A_672 : memref<8x8x129xf32, #tpu.memory_space<vmem>>[vector<16xi32>, vector<16xi32>, vector<16xi32>], vector<16xf32>,
        tpu.vector_store_idx %arg12[%add3A_620, %select_n3A, %scan3A_657], %add3A_673 : memref<8x8x129xf32, #tpu.memory_space<vmem>>[vector<16xi32>, vector<16xi32>, vector<16xi32>], vector<16xf32>,
        %add3A_674 = arith.constant 1 : i32
        %add3A_675 = vector.broadcast %add3A_674 : i32 to vector<16xi32>
        %add3A_676 = arith.addi %scan3A_657, %add3A_675 : vector<16xi32>
        %scan3A_677 = arith.constant 1 : i32
        %scan3A_678 = arith.addi %scan3A_656, %scan3A_677 : i32
        %get3A_679 = arith.index_cast %scan3A_678 : i32 to index
        %get3A_680 = arith.constant 0 : index
        %get3A_681 = tpu.vector_load %arg10[%get3A_679, %get3A_680] {strides = array<i32>} : memref<128x64xf32, #tpu.memory_space<vmem>>, vector<16xf32>,
        %get3A_682 = arith.index_cast %scan3A_678 : i32 to index
        %get3A_683 = arith.constant 16 : index
        %get3A_684 = tpu.vector_load %arg10[%get3A_682, %get3A_683] {strides = array<i32>} : memref<128x64xf32, #tpu.memory_space<vmem>>, vector<16xf32>,
        %get3A_685 = arith.index_cast %scan3A_678 : i32 to index
        %get3A_686 = arith.constant 32 : index
        %get3A_687 = tpu.vector_load %arg10[%get3A_685, %get3A_686] {strides = array<i32>} : memref<128x64xf32, #tpu.memory_space<vmem>>, vector<16xf32>,
        %get3A_688 = arith.index_cast %scan3A_678 : i32 to index
        %get3A_689 = arith.constant 48 : index
        %get3A_690 = tpu.vector_load %arg10[%get3A_688, %get3A_689] {strides = array<i32>} : memref<128x64xf32, #tpu.memory_space<vmem>>, vector<16xf32>,
        %add3A_691 = arith.addf %get3A_681, %get3A_599 : vector<16xf32>
        %add3A_692 = arith.addf %get3A_684, %get3A_602 : vector<16xf32>
        %add3A_693 = arith.addf %get3A_687, %get3A_605 : vector<16xf32>
        %add3A_694 = arith.addf %get3A_690, %get3A_608 : vector<16xf32>
        tpu.vector_store_idx %arg12[%add3A_611, %select_n3A, %add3A_676], %add3A_691 : memref<8x8x129xf32, #tpu.memory_space<vmem>>[vector<16xi32>, vector<16xi32>, vector<16xi32>], vector<16xf32>,
        tpu.vector_store_idx %arg12[%add3A_614, %select_n3A, %add3A_676], %add3A_692 : memref<8x8x129xf32, #tpu.memory_space<vmem>>[vector<16xi32>, vector<16xi32>, vector<16xi32>], vector<16xf32>,
        tpu.vector_store_idx %arg12[%add3A_617, %select_n3A, %add3A_676], %add3A_693 : memref<8x8x129xf32, #tpu.memory_space<vmem>>[vector<16xi32>, vector<16xi32>, vector<16xi32>], vector<16xf32>,
        tpu.vector_store_idx %arg12[%add3A_620, %select_n3A, %add3A_676], %add3A_694 : memref<8x8x129xf32, #tpu.memory_space<vmem>>[vector<16xi32>, vector<16xi32>, vector<16xi32>], vector<16xf32>,
        %add3A_695 = arith.constant 1 : i32
        %add3A_696 = vector.broadcast %add3A_695 : i32 to vector<16xi32>
        %add3A_697 = arith.addi %add3A_676, %add3A_696 : vector<16xi32>
        %scan3A_698 = arith.constant 2 : i32
        %scan3A_699 = arith.addi %scan3A_656, %scan3A_698 : i32
        %get3A_700 = arith.index_cast %scan3A_699 : i32 to index
        %get3A_701 = arith.constant 0 : index
        %get3A_702 = tpu.vector_load %arg10[%get3A_700, %get3A_701] {strides = array<i32>} : memref<128x64xf32, #tpu.memory_space<vmem>>, vector<16xf32>,
        %get3A_703 = arith.index_cast %scan3A_699 : i32 to index
        %get3A_704 = arith.constant 16 : index
        %get3A_705 = tpu.vector_load %arg10[%get3A_703, %get3A_704] {strides = array<i32>} : memref<128x64xf32, #tpu.memory_space<vmem>>, vector<16xf32>,
        %get3A_706 = arith.index_cast %scan3A_699 : i32 to index
        %get3A_707 = arith.constant 32 : index
        %get3A_708 = tpu.vector_load %arg10[%get3A_706, %get3A_707] {strides = array<i32>} : memref<128x64xf32, #tpu.memory_space<vmem>>, vector<16xf32>,
        %get3A_709 = arith.index_cast %scan3A_699 : i32 to index
        %get3A_710 = arith.constant 48 : index
        %get3A_711 = tpu.vector_load %arg10[%get3A_709, %get3A_710] {strides = array<i32>} : memref<128x64xf32, #tpu.memory_space<vmem>>, vector<16xf32>,
        %add3A_712 = arith.addf %get3A_702, %get3A_599 : vector<16xf32>
        %add3A_713 = arith.addf %get3A_705, %get3A_602 : vector<16xf32>
        %add3A_714 = arith.addf %get3A_708, %get3A_605 : vector<16xf32>
        %add3A_715 = arith.addf %get3A_711, %get3A_608 : vector<16xf32>
        tpu.vector_store_idx %arg12[%add3A_611, %select_n3A, %add3A_697], %add3A_712 : memref<8x8x129xf32, #tpu.memory_space<vmem>>[vector<16xi32>, vector<16xi32>, vector<16xi32>], vector<16xf32>,
        tpu.vector_store_idx %arg12[%add3A_614, %select_n3A, %add3A_697], %add3A_713 : memref<8x8x129xf32, #tpu.memory_space<vmem>>[vector<16xi32>, vector<16xi32>, vector<16xi32>], vector<16xf32>,
        tpu.vector_store_idx %arg12[%add3A_617, %select_n3A, %add3A_697], %add3A_714 : memref<8x8x129xf32, #tpu.memory_space<vmem>>[vector<16xi32>, vector<16xi32>, vector<16xi32>], vector<16xf32>,
        tpu.vector_store_idx %arg12[%add3A_620, %select_n3A, %add3A_697], %add3A_715 : memref<8x8x129xf32, #tpu.memory_space<vmem>>[vector<16xi32>, vector<16xi32>, vector<16xi32>], vector<16xf32>,
        %add3A_716 = arith.constant 1 : i32
        %add3A_717 = vector.broadcast %add3A_716 : i32 to vector<16xi32>
        %add3A_718 = arith.addi %add3A_697, %add3A_717 : vector<16xi32>
        %scan3A_719 = arith.constant 3 : i32
        %scan3A_720 = arith.addi %scan3A_656, %scan3A_719 : i32
        %get3A_721 = arith.index_cast %scan3A_720 : i32 to index
        %get3A_722 = arith.constant 0 : index
        %get3A_723 = tpu.vector_load %arg10[%get3A_721, %get3A_722] {strides = array<i32>} : memref<128x64xf32, #tpu.memory_space<vmem>>, vector<16xf32>,
        %get3A_724 = arith.index_cast %scan3A_720 : i32 to index
        %get3A_725 = arith.constant 16 : index
        %get3A_726 = tpu.vector_load %arg10[%get3A_724, %get3A_725] {strides = array<i32>} : memref<128x64xf32, #tpu.memory_space<vmem>>, vector<16xf32>,
        %get3A_727 = arith.index_cast %scan3A_720 : i32 to index
        %get3A_728 = arith.constant 32 : index
        %get3A_729 = tpu.vector_load %arg10[%get3A_727, %get3A_728] {strides = array<i32>} : memref<128x64xf32, #tpu.memory_space<vmem>>, vector<16xf32>,
        %get3A_730 = arith.index_cast %scan3A_720 : i32 to index
        %get3A_731 = arith.constant 48 : index
        %get3A_732 = tpu.vector_load %arg10[%get3A_730, %get3A_731] {strides = array<i32>} : memref<128x64xf32, #tpu.memory_space<vmem>>, vector<16xf32>,
        %add3A_733 = arith.addf %get3A_723, %get3A_599 : vector<16xf32>
        %add3A_734 = arith.addf %get3A_726, %get3A_602 : vector<16xf32>
        %add3A_735 = arith.addf %get3A_729, %get3A_605 : vector<16xf32>
        %add3A_736 = arith.addf %get3A_732, %get3A_608 : vector<16xf32>
        tpu.vector_store_idx %arg12[%add3A_611, %select_n3A, %add3A_718], %add3A_733 : memref<8x8x129xf32, #tpu.memory_space<vmem>>[vector<16xi32>, vector<16xi32>, vector<16xi32>], vector<16xf32>,
        tpu.vector_store_idx %arg12[%add3A_614, %select_n3A, %add3A_718], %add3A_734 : memref<8x8x129xf32, #tpu.memory_space<vmem>>[vector<16xi32>, vector<16xi32>, vector<16xi32>], vector<16xf32>,
        tpu.vector_store_idx %arg12[%add3A_617, %select_n3A, %add3A_718], %add3A_735 : memref<8x8x129xf32, #tpu.memory_space<vmem>>[vector<16xi32>, vector<16xi32>, vector<16xi32>], vector<16xf32>,
        tpu.vector_store_idx %arg12[%add3A_620, %select_n3A, %add3A_718], %add3A_736 : memref<8x8x129xf32, #tpu.memory_space<vmem>>[vector<16xi32>, vector<16xi32>, vector<16xi32>], vector<16xf32>,
        %add3A_737 = arith.constant 1 : i32
        %add3A_738 = vector.broadcast %add3A_737 : i32 to vector<16xi32>
        %add3A_739 = arith.addi %add3A_718, %add3A_738 : vector<16xi32>
        scf.yield %add3A_739 : vector<16xi32>
      }
      %scan3A_628 = arith.constant 128 : i32
      %dma_start3A_629 = arith.constant 0 : i32
      %dma_start3A_630 = arith.constant 0 : i32
      %dma_start3A_631 = arith.constant 0 : i32
      %dma_start3A_632 = tpu.memref_slice %arg12[%dma_start3A_629, %dma_start3A_630, %dma_start3A_631] : memref<8x8x129xf32, #tpu.memory_space<vmem>> -> memref<8x8x128xf32, #tpu.memory_space<vmem>>
      %dma_start3A_633 = arith.constant 0 : i32
      %dma_start3A_634 = arith.constant 0 : i32
      %dma_start3A_635 = arith.constant 0 : i32
      %dma_start3A_636 = tpu.memref_slice %arg5[%add3A_585, %dma_start3A_633, %add3A, %dma_start3A_634, %dma_start3A_635] : memref<200x8x32x8x128xf32, #tpu.memory_space<hbm>> -> memref<1x8x1x8x128xf32, #tpu.memory_space<hbm>>
      %dma_start3A_637 = tpu.memref_squeeze %dma_start3A_636 : memref<1x8x1x8x128xf32, #tpu.memory_space<hbm>> -> memref<8x8x128xf32, #tpu.memory_space<hbm>>
      %dma_start3A_638 = arith.constant 0 : i32
      %dma_start3A_639 = arith.constant 0 : i32
      %dma_start3A_640 = arith.constant 0 : i32
      %dma_start3A_641 = tpu.memref_slice %arg5[%add3A_585, %dma_start3A_638, %add3A, %dma_start3A_639, %dma_start3A_640] : memref<200x8x32x8x128xf32, #tpu.memory_space<hbm>> -> memref<1x8x1x8x128xf32, #tpu.memory_space<hbm>>
      %dma_start3A_642 = tpu.memref_squeeze %dma_start3A_641 : memref<1x8x1x8x128xf32, #tpu.memory_space<hbm>> -> memref<8x8x128xf32, #tpu.memory_space<hbm>>
      %dma_start3A_643 = arith.constant 0 : i32
      %dma_start3A_644 = arith.constant 0 : i32
      %dma_start3A_645 = arith.constant 0 : i32
      %dma_start3A_646 = tpu.memref_slice %arg12[%dma_start3A_643, %dma_start3A_644, %dma_start3A_645] : memref<8x8x129xf32, #tpu.memory_space<vmem>> -> memref<8x8x128xf32, #tpu.memory_space<vmem>>
      tpu.enqueue_dma source(%dma_start3A_646 : memref<8x8x128xf32, #tpu.memory_space<vmem>>) target(%dma_start3A_642 : memref<8x8x128xf32, #tpu.memory_space<hbm>>) target_semaphore(%arg19 : memref<!tpu.dma_semaphore, #tpu.memory_space<semaphore_mem>>)
      %add3A_647 = arith.constant 4 : i32
      %add3A_648 = arith.addi %add3A_585, %add3A_647 : i32
      %sub3A_649 = arith.constant 1 : i32
      %sub3A_650 = arith.subi %add3A_648, %sub3A_649 : i32
      %lt3A_651 = arith.constant 200 : i32
      %lt3A_652 = arith.cmpi slt, %sub3A_650, %lt3A_651 : i32
      %convert_element_type3A_653 = arith.extui %lt3A_652 : i1 to i32
      %cond3A_654 = arith.constant 0 : i32
      %cond3A_655 = arith.cmpi ne, %convert_element_type3A_653, %cond3A_654 : i32
      scf.if %cond3A_655 {
        %dma_start3A_656 = arith.constant 0 : i32
        %dma_start3A_657 = tpu.memref_slice %arg6[%sub3A_650, %dma_start3A_656] : memref<200x128xi32, #tpu.memory_space<vmem>> -> memref<1x128xi32, #tpu.memory_space<vmem>>
        %dma_start3A_658 = tpu.memref_squeeze %dma_start3A_657 : memref<1x128xi32, #tpu.memory_space<vmem>> -> memref<128xi32, #tpu.memory_space<vmem>>
        %dma_start3A_659 = arith.constant 0 : i32
        %dma_start3A_660 = arith.constant 0 : i32
        %dma_start3A_661 = tpu.memref_slice %arg3[%dma_start3A_659, %dma_start3A_660] : memref<1200x64xf32, #tpu.memory_space<hbm>> -> memref<1200x64xf32, #tpu.memory_space<hbm>>
        tpu.enqueue_indirect_dma source(%dma_start3A_661 : memref<1200x64xf32, #tpu.memory_space<hbm>>) target(%arg9 : memref<128x64xf32, #tpu.memory_space<vmem>>) offsets(%dma_start3A_658 : memref<128xi32, #tpu.memory_space<vmem>>) semaphore(%arg16 : memref<!tpu.dma_semaphore, #tpu.memory_space<semaphore_mem>>)
      } else {
      }
    }
    %scan3A_43 = arith.constant 25 : i32
    %dma_wait3A = arith.constant 198 : i32
    %dma_wait3A_44 = arith.constant 0 : i32
    %dma_wait3A_45 = arith.constant 0 : i32
    %dma_wait3A_46 = arith.constant 0 : i32
    %dma_wait3A_47 = tpu.memref_slice %arg11[%dma_wait3A_44, %dma_wait3A_45, %dma_wait3A_46] : memref<8x8x129xf32, #tpu.memory_space<vmem>> -> memref<8x8x128xf32, #tpu.memory_space<vmem>>
    %dma_wait3A_48 = arith.constant 0 : i32
    %dma_wait3A_49 = arith.constant 0 : i32
    %dma_wait3A_50 = arith.constant 0 : i32
    %dma_wait3A_51 = tpu.memref_slice %arg5[%dma_wait3A, %dma_wait3A_48, %add3A, %dma_wait3A_49, %dma_wait3A_50] : memref<200x8x32x8x128xf32, #tpu.memory_space<hbm>> -> memref<1x8x1x8x128xf32, #tpu.memory_space<hbm>>
    %dma_wait3A_52 = tpu.memref_squeeze %dma_wait3A_51 : memref<1x8x1x8x128xf32, #tpu.memory_space<hbm>> -> memref<8x8x128xf32, #tpu.memory_space<hbm>>
    %dma_wait3A_53 = arith.constant 0 : i32
    %dma_wait3A_54 = arith.constant 0 : i32
    %dma_wait3A_55 = arith.constant 0 : i32
    %dma_wait3A_56 = tpu.memref_slice %arg5[%dma_wait3A, %dma_wait3A_53, %add3A, %dma_wait3A_54, %dma_wait3A_55] : memref<200x8x32x8x128xf32, #tpu.memory_space<hbm>> -> memref<1x8x1x8x128xf32, #tpu.memory_space<hbm>>
    %dma_wait3A_57 = tpu.memref_squeeze %dma_wait3A_56 : memref<1x8x1x8x128xf32, #tpu.memory_space<hbm>> -> memref<8x8x128xf32, #tpu.memory_space<hbm>>
    %dma_wait3A_58 = arith.constant 0 : i32
    %dma_wait3A_59 = arith.constant 0 : i32
    %dma_wait3A_60 = arith.constant 0 : i32
    %dma_wait3A_61 = tpu.memref_slice %arg11[%dma_wait3A_58, %dma_wait3A_59, %dma_wait3A_60] : memref<8x8x129xf32, #tpu.memory_space<vmem>> -> memref<8x8x128xf32, #tpu.memory_space<vmem>>
    tpu.wait_dma2 semaphore(%arg18 : memref<!tpu.dma_semaphore, #tpu.memory_space<semaphore_mem>>) src(%dma_wait3A_61 : memref<8x8x128xf32, #tpu.memory_space<vmem>>) dst(%dma_wait3A_57 : memref<8x8x128xf32, #tpu.memory_space<hbm>>)
    %dma_wait3A_62 = arith.constant 199 : i32
    %dma_wait3A_63 = arith.constant 0 : i32
    %dma_wait3A_64 = arith.constant 0 : i32
    %dma_wait3A_65 = arith.constant 0 : i32
    %dma_wait3A_66 = tpu.memref_slice %arg12[%dma_wait3A_63, %dma_wait3A_64, %dma_wait3A_65] : memref<8x8x129xf32, #tpu.memory_space<vmem>> -> memref<8x8x128xf32, #tpu.memory_space<vmem>>
    %dma_wait3A_67 = arith.constant 0 : i32
    %dma_wait3A_68 = arith.constant 0 : i32
    %dma_wait3A_69 = arith.constant 0 : i32
    %dma_wait3A_70 = tpu.memref_slice %arg5[%dma_wait3A_62, %dma_wait3A_67, %add3A, %dma_wait3A_68, %dma_wait3A_69] : memref<200x8x32x8x128xf32, #tpu.memory_space<hbm>> -> memref<1x8x1x8x128xf32, #tpu.memory_space<hbm>>
    %dma_wait3A_71 = tpu.memref_squeeze %dma_wait3A_70 : memref<1x8x1x8x128xf32, #tpu.memory_space<hbm>> -> memref<8x8x128xf32, #tpu.memory_space<hbm>>
    %dma_wait3A_72 = arith.constant 0 : i32
    %dma_wait3A_73 = arith.constant 0 : i32
    %dma_wait3A_74 = arith.constant 0 : i32
    %dma_wait3A_75 = tpu.memref_slice %arg5[%dma_wait3A_62, %dma_wait3A_72, %add3A, %dma_wait3A_73, %dma_wait3A_74] : memref<200x8x32x8x128xf32, #tpu.memory_space<hbm>> -> memref<1x8x1x8x128xf32, #tpu.memory_space<hbm>>
    %dma_wait3A_76 = tpu.memref_squeeze %dma_wait3A_75 : memref<1x8x1x8x128xf32, #tpu.memory_space<hbm>> -> memref<8x8x128xf32, #tpu.memory_space<hbm>>
    %dma_wait3A_77 = arith.constant 0 : i32
    %dma_wait3A_78 = arith.constant 0 : i32
    %dma_wait3A_79 = arith.constant 0 : i32
    %dma_wait3A_80 = tpu.memref_slice %arg12[%dma_wait3A_77, %dma_wait3A_78, %dma_wait3A_79] : memref<8x8x129xf32, #tpu.memory_space<vmem>> -> memref<8x8x128xf32, #tpu.memory_space<vmem>>
    tpu.wait_dma2 semaphore(%arg19 : memref<!tpu.dma_semaphore, #tpu.memory_space<semaphore_mem>>) src(%dma_wait3A_80 : memref<8x8x128xf32, #tpu.memory_space<vmem>>) dst(%dma_wait3A_76 : memref<8x8x128xf32, #tpu.memory_space<hbm>>)
    return
  }
}

</mosaic_0001>

<sc_bundles>
// kernel: kernel.3.cloned.1.call-start
scs
__scs_entry_jumppad:
0x0: {  	(pc) =	sbr.rel $0x88, $3  }
0x1: {  	(tag) =	ssettag $0x0;
	lr =	simm.s32 $0x1  }
0x2: {  	[smem:$0x3F9E] =	sst lr;
	_ =	strace $0xD0000000  }
0x3: {  	_ = 	snop  }
0x4: {  	_ = 	snop  }
0x5: {  	_ = 	snop  }
0x6: {  	_ = 	snop  }
0x7: {  	_ = 	snop  }
__scs_overlays_trampoline_lowered:
0x8: {  	[smem:$0x3FAD] =	sst s0  }
0x9: {  	[smem:$0x3FAE] =	sst s1  }
0xa: {  	[smem:$0x3FAF] =	sst s2  }
0xb: {  	[smem:$0x3FB0] =	sst s3  }
0xc: {  	[smem:$0x3FB1] =	sst s4  }
0xd: {  	[smem:$0x3FB2] =	sst s5  }
0xe: {  	[smem:$0x3FB3] =	sst s6  }
0xf: {  	[smem:$0x3FB4] =	sst s7  }
0x10: {  	[smem:$0x3FB5] =	sst s8  }
0x11: {  	[smem:$0x3FB6] =	sst s9;
	s0 =	simm.s32 @!p0 $0x0  }
0x12: {  	s1 =	sld [smem:$0x3F9C];
	s0 =	simm.s32 @p0 $0x1  }
0x13: {  	[smem:$0x3FB7] =	sst s0;
	s0 =	simm.s32 @!p1 $0x0  }
0x14: {  	s2 =	sld [smem:$0x3F9B];
	s0 =	simm.s32 @p1 $0x1  }
0x15: {  	[smem:$0x3FB8] =	sst s0;
	s0 =	simm.s32 @!p2 $0x0  }
0x16: {  	s3 =	sld [smem:$0x3FDB];
	s0 =	simm.s32 @p2 $0x1  }
0x17: {  	s4 =	simm.s32 $0x1BF5;
	[smem:$0x3FBA] =	sst s0  }
0x18: {  	s0 =	sld [smem:$0x3F9D];
	_ =	swait.ge [sflag:s4], $0x0  }
0x19: {  	s7 =	sld [smem:$0x3F9E]  }
0x1a: {  	s8 =	sadd.s32 $0xFFFFE003, lr  }
0x1b: {  	s9 =	sadd.s32 $0xFFFFFEF7, lr;
	s5 =	simm.s32 $0xFFFFFFFF;
	p2 =	slt.u32 s8, $0xFFFFF086  }
0x1c: {  	p1 =	slt.u32 s9, $0xF7A;
	s5 =	simm.s32 @!p2 $0x0  }
0x1d: {  	s5 =	simm.s32 @p1 $0x1;
	p0 =	seq.s32 s7, s2  }
0x1e: {  	s7 =	smul.u32 @!p0 $0xF7A, s2;
	p2 =	seq.s32 @!p0 s5, $0x0  }
0x1f: {  	s9 =	smul.u32 $0xF7A, s1;
	s8 =	simm.s32 @!p0 $0x1BF5;
	p2 =	por !p2, p0  }
0x20: {  	[sflag:s8] =	ssyncset.s32 @!p0 $0xFFFFF086;
	s6 =	sadd.s32 @!p0 s3, s7;
	s7 =	simm.s32 @!p0 $0x108  }
0x21: {  	s3 =	sadd.s32 s3, s9;
	s6 =	sadd.s32 @!p0 $0x88, s6;
	s7 =	simm.s32 @p2 $0x1082  }
0x22: {  	[simem:s7], [sflag:s8] =	dma.local @!p0 [hbm:s6], $0xF7A  }
0x23: {  	s9 =	sor.u32 $0xD0000000, s2;
	s6 =	simm.s32 $0x108;
	_ =	swait.ge @!p0 [sflag:s8], $0x0  }
0x24: {  	s3 =	sadd.s32 $0x88, s3;
	s6 =	simm.s32 @!p1 $0x1082;
	[sflag:s4] =	ssyncset.s32 $0xFFFFF086  }
0x25: {  	[simem:s6], [sflag:s4] =	dma.local [hbm:s3], $0xF7A  }
0x26: {  	[smem:$0x3F9E] =	sst s1;
	(tag) =	ssettag s2;
	_ =	strace s9  }
0x27: {  	s1 =	sld [smem:$0x3FAE]  }
0x28: {  	s2 =	sld [smem:$0x3FAF]  }
0x29: {  	s4 =	sld [smem:$0x3FB1]  }
0x2a: {  	p0 =	seq.s32 s5, $0x0;
	s5 =	sld [smem:$0x3FB2]  }
0x2b: {  	s6 =	sld [smem:$0x3FB3]  }
0x2c: {  	s7 =	sld [smem:$0x3FB4]  }
0x2d: {  	s3 =	simm.s32 $0x108;
	s8 =	sld [smem:$0x3FB5]  }
0x2e: {  	s3 =	simm.s32 @!p0 $0x1082;
	s9 =	sld [smem:$0x3FB6]  }
0x2f: {  	lr =	sadd.s32 s0, s3;
	s0 =	sld [smem:$0x3FAD]  }
0x30: {  	s3 =	sld [smem:$0x3FB0]  }
0x31: {  	[smem:$0x3FB9] =	sst s10  }
0x32: {  	s10 =	sld [smem:$0x3FB7];
	_ =	sdelay $0x3  }
0x33: {  	p0 =	seq.s32 s10, $0x1;
	s10 =	sld [smem:$0x3FB9];
	_ =	sdelay $0x3  }
0x34: {  	[smem:$0x3FB9] =	sst s10  }
0x35: {  	s10 =	sld [smem:$0x3FB8];
	_ =	sdelay $0x3  }
0x36: {  	p1 =	seq.s32 s10, $0x1;
	s10 =	sld [smem:$0x3FB9];
	_ =	sdelay $0x3  }
0x37: {  	[smem:$0x3FB9] =	sst s10  }
0x38: {  	s10 =	sld [smem:$0x3FBA]  }
0x39: {  	_ = 	snop;
	(pc) =	sbr.ind lr, $3  }
0x3a: {  	_ = 	snop  }
0x3b: {  	_ = 	snop  }
0x3c: {  	p2 =	seq.s32 s10, $0x1;
	s10 =	sld [smem:$0x3FB9]  }
0x3d: {  	_ =	shalt  }
0x3e: {  	_ =	shalt  }
0x3f: {  	_ =	shalt  }
0x40: {  	_ =	shalt  }
0x41: {  	_ =	shalt  }
0x42: {  	_ =	shalt  }
0x43: {  	_ =	shalt  }
0x44: {  	_ =	shalt  }
0x45: {  	_ =	shalt  }
0x46: {  	_ =	shalt  }
0x47: {  	_ =	shalt  }
0x48: {  	_ =	shalt  }
0x49: {  	_ =	shalt  }
0x4a: {  	_ =	shalt  }
0x4b: {  	_ =	shalt  }
0x4c: {  	_ =	shalt  }
0x4d: {  	_ =	shalt  }
0x4e: {  	_ =	shalt  }
0x4f: {  	_ =	shalt  }
0x50: {  	_ =	shalt  }
0x51: {  	_ =	shalt  }
0x52: {  	_ =	shalt  }
0x53: {  	_ =	shalt  }
0x54: {  	_ =	shalt  }
0x55: {  	_ =	shalt  }
0x56: {  	_ =	shalt  }
0x57: {  	_ =	shalt  }
0x58: {  	_ =	shalt  }
0x59: {  	_ =	shalt  }
0x5a: {  	_ =	shalt  }
0x5b: {  	_ =	shalt  }
0x5c: {  	_ =	shalt  }
0x5d: {  	_ =	shalt  }
0x5e: {  	_ =	shalt  }
0x5f: {  	_ =	shalt  }
0x60: {  	_ =	shalt  }
0x61: {  	_ =	shalt  }
0x62: {  	_ =	shalt  }
0x63: {  	_ =	shalt  }
0x64: {  	_ =	shalt  }
0x65: {  	_ =	shalt  }
0x66: {  	_ =	shalt  }
0x67: {  	_ =	shalt  }
0x68: {  	_ =	shalt  }
0x69: {  	_ =	shalt  }
0x6a: {  	_ =	shalt  }
0x6b: {  	_ =	shalt  }
0x6c: {  	_ =	shalt  }
0x6d: {  	_ =	shalt  }
0x6e: {  	_ =	shalt  }
0x6f: {  	_ =	shalt  }
0x70: {  	_ =	shalt  }
0x71: {  	_ =	shalt  }
0x72: {  	_ =	shalt  }
0x73: {  	_ =	shalt  }
0x74: {  	_ =	shalt  }
0x75: {  	_ =	shalt  }
0x76: {  	_ =	shalt  }
0x77: {  	_ =	shalt  }
0x78: {  	_ =	shalt  }
0x79: {  	_ =	shalt  }
0x7a: {  	_ =	shalt  }
0x7b: {  	_ =	shalt  }
0x7c: {  	_ =	shalt  }
0x7d: {  	_ =	shalt  }
0x7e: {  	_ =	shalt  }
0x7f: {  	_ =	shalt  }
0x80: {  	_ =	shalt  }
0x81: {  	_ =	shalt  }
0x82: {  	_ =	shalt  }
0x83: {  	_ =	shalt  }
0x84: {  	_ =	shalt  }
0x85: {  	_ =	shalt  }
0x86: {  	_ =	shalt  }
0x87: {  	_ =	shalt  }
.Lfunc_end0:
.L_simem_size_0:
called_computation_lowered:
.L_overlay_start_0:
0x88: {  	s2 =	sld [smem:$0x3FD9]  }
0x89: {  	s3 =	sld [smem:$0x3FFE];
	_ =	sdelay $0x1  }
0x8a: {  	s1 =	srdreg.scid  }
0x8b: {  	s0 =	sand.u32 $0x1, s1  }
0x8c: {  	s17 =	sshll.u32 s0, $0xA;
	s2 =	sadd.s32 s3, s2  }
0x8d: {  	s2 =	sadd.s32 s2, s17  }
0x8e: {  	[smem:$0x3FC5] =	sst s2  }
0x8f: {  	_ = 	snop  }
0x90: {  	s2 =	sld [smem:$0x3FD0];
	(tm) =	ssettm $0x1  }
0x91: {  	s18 =	sld [smem:$0x3FFB];
	_ =	sdelay $0x3  }
0x92: {  	_ =	strace s18  }
0x93: {  	s3 =	sld [smem:$0x3FFC];
	_ =	sdelay $0x3  }
0x94: {  	_ =	strace s3  }
0x95: {  	s3 =	sld [smem:$0x3FFD];
	_ =	sdelay $0x3  }
0x96: {  	_ =	strace s3  }
0x97: {  	_ =	strace $0x8FFFFFFF  }
0x98: {  	s19 =	sld [smem:$0x3FDB];
	_ =	sdelay $0x1  }
0x99: {  	s4 =	simm.s32 $_scs_section_size  }
0x9a: {  	s5 =	simm.s32 $_size__tile_overlayer_lowered;
	s6 =	simm.s32 $_tile_overlayer_lowered  }
0x9b: {  	s22 =	simm.s32 $0x1BFF;
	s21 =	sshll.u32 s6, $0x1;
	s3 =	sadd.s32 s4, s19  }
0x9c: {  	s7 =	simm.s32 $0x0;
	s20 =	sshll.u32 s5, $0x1;
	s5 =	sadd.s32 s21, s3  }
0x9d: {  	[timem:s7], [sflag:s22] =	dma.local [hbm:s5], s20  }
0x9e: {  	_ =	swait.ge [sflag:s22], s20  }
0x9f: {  	s4 =	ssub.s32 $0x0, s20;
	[sflag:s22] =	ssyncset.done $0x0  }
0xa0: {  	[sflag:s22] =	ssyncadd.s32 s4;
	_ =	sdelay $0x1  }
0xa1: {  	s23 =	simm.s32 $0x1B8B  }
0xa2: {  	_ =	swait.ge [sflag:s23], $0x1  }
0xa3: {  	[sflag:s23] =	ssyncset.done $0x0  }
0xa4: {  	s25 =	simm.s32 $0x1B8E;
	s24 =	sld [smem:$0x3FFE];
	[sflag:s23] =	ssyncadd.s32 $0xFFFFFFFF  }
0xa5: {  	s26 =	simm.s32 $execute0_lowered;
	[smem:$0x3FD2] =	sst s25  }
0xa6: {  	s5 =	sshll.u32 s26, $0x1;
	_ =	strace $0x80000046;
	[dreg:$0x1] =	wrdreg $0xFFFFFFFF  }
0xa7: {  	s28 =	simm.s32 $_size_execute0_lowered;
	s3 =	sadd.s32 s3, s5;
	[dreg:$0x0] =	wrdreg $0x0  }
0xa8: {  	s5 =	sshll.u32 s28, $0x1;
	[dreg:$0x2] =	wrdreg s3  }
0xa9: {  	[dreg:$0x3] =	wrdreg s5  }
0xaa: {  	[dreg:$0x4] =	wrdreg $0xC0  }
0xab: {  	_ =	task [dreg:s7], $0x5FFFF  }
0xac: {  	[dreg:$0x1] =	wrdreg $0xFFFFFFFF  }
0xad: {  	[dreg:$0x0] =	wrdreg $0x60  }
0xae: {  	[dreg:$0x2] =	wrdreg s24  }
0xaf: {  	[dreg:$0x3] =	wrdreg s2  }
0xb0: {  	[dreg:$0x4] =	wrdreg $0x9  }
0xb1: {  	_ =	task.clear_ibuf [dreg:s7], $0x5FFFF;
	_ =	strace $0x90000046  }
0xb2: {  	s29 =	simm.s32 $0x9;
	_ =	strace $0x80000048  }
0xb3: {  	_ =	swait.ge [sflag:s29], $0x1  }
0xb4: {  	[sflag:s29] =	ssyncadd.s32 $0xFFFFFFFF  }
0xb5: {  	_ =	strace $0x90000048  }
0xb6: {  	_ =	sfence  }
0xb7: {  	s30 =	sld [smem:$0x0];
	_ =	sdelay $0x2  }
0xb8: {  	s31 =	sshll.u32 s1, $0xD;
	s1 =	sshrl.u32 s1, $0x2  }
0xb9: {  	s3 =	sand.u32 $0x4000, s31;
	s1 =	sadd.s32 s1, s30  }
0xba: {  	s0 =	sor.u32 s3, s0;
	s1 =	sshll.u32 s1, $0x11  }
0xbb: {  	s0 =	sor.u32 s1, s0  }
0xbc: {  	s0 =	sadd.s32 $0x8F2B, s0  }
0xbd: {  	[sflag:s0] =	ssyncadd.remote.s32 $0x1  }
0xbe: {  	_ =	sfence.sel $0xFFFF  }
0xbf: {  	[dreg:$0x0] =	wrdreg $0xFFFFFFFF;
	(pc) =	sbr.abs _section_cstart, $3  }
0xc0: {  	[dreg:$0x1] =	wrdreg $0xFFFFFFFF  }
0xc1: {  	_ =	task.clear_ibuf [dreg:s7], $0x2FFFF;
	_ =	strace $0x9FFFFFFF  }
0xc2: {  	(tm) =	ssettm $0x7FFFFFFF  }
0xc3: {  	_ =	shalt  }
tec
execute0_lowered:
.L_overlay_start_1:
0x0: {  	(tag) =	ssettag $0x1  }
0x1: {  	s0 =	rddreg [dreg:$0x0];
	s1 =	srdreg.scid  }
0x2: {  	s3 =	stileid.u32;
	s2 =	rddreg [dreg:$0x1];
	s10 =	simm.s32 $0x7  }
0x3: {  	s12 =	simm.s32 $0x80;
	s13 =	simm.s32 $0x6400;
	s14 =	simm.s32 $0x8400  }
0x4: {  	s16 =	simm.s32 $0xA400;
	s17 =	simm.s32 $0x1;
	s18 =	simm.s32 $0xE400  }
0x5: {  	s19 =	simm.s32 $0xC400;
	s20 =	simm.s32 $0x2;
	s21 =	simm.s32 $0x10600  }
0x6: {  	s22 =	simm.s32 $0x3;
	s23 =	simm.s32 $0x5;
	s24 =	simm.s32 $0x4  }
0x7: {  	s25 =	simm.s32 $0x6;
	s1 =	sand.u32 $0x1, s1;
	s4 =	sshll.u32 s3, $0x1  }
0x8: {  	s26 =	simm.s32 $0x0;
	s3 =	simm.s32 $0x0;
	s7 =	sor.u32 s1, s4  }
.Ltmp0:
0x9: {  	[smem:$0x7FF] =	sst s3;
	s1 =	ssub.s32 $0x2, s1;
	(pc) =	sbr.rel .LBB2_1-.Ltmp0, $4  }
0xa: {  	v0 =	vlaneseq.u32;
	s4 =	sshll.u32 s7, $0x4;
	_ =	strace $0x80000047;
	s8 =	sshrl.u32 s1, $0x1  }
0xb: {  	v0 =	vmul.u32 $0x88, v0;
	s6 =	sadd.s32 s4, s0;
	s4 =	sadd.s32 $0xE00, s0;
	s0 =	sadd.s32 $0x600, s0  }
0xc: {  	s30 =	ssub.s32 s1, s8;
	[dreg:$0x3] =	wrdreg s0;
	s31 =	sadd.s32 $0x3400, s6  }
0xd: {  	s7 =	sshll.u32 s7, $0xA;
	v1 =	vadd.s32 $0x880, v0;
	v2 =	vadd.s32 $0x1100, v0;
	v3 =	vadd.s32 $0x1980, v0;
	s8 =	smax.u32 s30, $0x1;
	[dreg:$0x4] =	wrdreg s31  }
.LBB2_38:
0xe: {  	s26 =	sadd.s32 $0x1, s26  }
0xf: {  	_ =	swait.ge [sflag:s23], $0x2000;
	p0 =	sne.s32 s26, s8  }
.Ltmp1:
0x10: {  	[sflag:s23] =	ssyncset.done $0x0;
	(pc) =	sbr.rel @!p0 .LBB2_39-.Ltmp1, $4  }
0x11: {  	[sflag:s23] =	ssyncadd.s32 $0xFFFFE000  }
0x12: {  	_ =	swait.ge [sflag:s25], $0x2000  }
0x13: {  	[sflag:s25] =	ssyncset.done $0x0  }
0x14: {  	[sflag:s25] =	ssyncadd.s32 $0xFFFFE000  }
.LBB2_1:
0x15: {  	s0 =	rddreg [dreg:$0x3];
	s1 =	simm.s32 $0x12800  }
0x16: {  	[tilespmem:s1], [sflag:$0x7] =	stream.linear.gather [hbm4b:s0+s3], $0x3200, $0x38;
	[tilespmem:$0x15A00] =	vst v63  }
0x17: {  	_ =	swait.ge [sflag:s10], $0x3200  }
0x18: {  	[sflag:s10] =	ssyncset.done $0x0  }
0x19: {  	s31 =	simm.s32 $0x1000;
	s30 =	rddreg [dreg:$0x4];
	[sflag:s10] =	ssyncadd.s32 $0xFFFFCE00  }
0x1a: {  	[tilespmem:s3], [sflag:$0x7] =	stream.strided.gather [hbm4b:s30+s12], $0x6400, s31, s12, $0x38;
	[tilespmem:$0x15A00] =	vst v63  }
0x1b: {  	_ =	swait.ge [sflag:s10], $0x6400  }
0x1c: {  	[sflag:s10] =	ssyncset.done $0x0  }
0x1d: {  	[sflag:s10] =	ssyncadd.s32 $0xFFFF9C00  }
0x1e: {  	v4 =	vld [tilespmem:s12+$0xFFFFFF80]  }
0x1f: {  	v5 =	vld [tilespmem:s12+$0xFFFFFF90]  }
0x20: {  	v6 =	vld [tilespmem:s12+$0xFFFFFFA0]  }
0x21: {  	v7 =	vld [tilespmem:s12+$0xFFFFFFB0]  }
0x22: {  	v8 =	vld [tilespmem:s12+$0xFFFFFFC0]  }
0x23: {  	s0 =	simm.s32 $0x3E8;
	v9 =	vld [tilespmem:s12+$0xFFFFFFD0];
	vm0 =	veq.s32 v4, $0x2  }
0x24: {  	v10 =	vld [tilespmem:s12+$0xFFFFFFE0];
	v4 =	vsel vm0, s0, v4;
	vm0 =	veq.s32 v5, $0x2  }
0x25: {  	v11 =	vld [tilespmem:s12+$0x0];
	[tilespmem:s12+$0xFFFFFF80] =	vst v4;
	v4 =	vsel vm0, s0, v5;
	vm0 =	veq.s32 v6, $0x2  }
0x26: {  	v12 =	vld [tilespmem:s12+$0x10];
	[tilespmem:s12+$0xFFFFFF90] =	vst v4;
	v4 =	vsel vm0, s0, v6;
	vm0 =	veq.s32 v7, $0x2  }
0x27: {  	v13 =	vld [tilespmem:s12+$0x20];
	[tilespmem:s12+$0xFFFFFFA0] =	vst v4;
	v4 =	vsel vm0, s0, v7;
	vm0 =	veq.s32 v8, $0x2  }
0x28: {  	[tilespmem:s12+$0xFFFFFFB0] =	vst v4;
	v5 =	vsel vm0, s0, v8;
	vm0 =	veq.s32 v9, $0x2;
	v4 =	vld [tilespmem:s12+$0x30]  }
0x29: {  	[tilespmem:s12+$0xFFFFFFC0] =	vst v5;
	v6 =	vsel vm0, s0, v9;
	vm0 =	veq.s32 v10, $0x2;
	v5 =	vld [tilespmem:s12+$0x40]  }
0x2a: {  	s29 =	simm.s32 $0x3E9;
	[tilespmem:s12+$0xFFFFFFD0] =	vst v6;
	v7 =	vsel vm0, s0, v10;
	vm0 =	veq.s32 v11, $0x2;
	v6 =	vld [tilespmem:s12+$0x50]  }
0x2b: {  	v9 =	vld [tilespmem:s12+$0x60];
	[tilespmem:s12+$0xFFFFFFE0] =	vst v7;
	v7 =	vsel vm0, s29, v11;
	vm0 =	veq.s32 v12, $0x2  }
0x2c: {  	[tilespmem:s12+$0x0] =	vst v7;
	v10 =	vsel vm0, s29, v12;
	vm0 =	veq.s32 v13, $0x2;
	v7 =	vld [tilespmem:s12+$0x70]  }
0x2d: {  	s9 =	simm.s32 $0x0;
	s28 =	simm.s32 $0x180;
	s1 =	simm.s32 $0x80;
	v8 =	vld [tilespmem:s12+$0xFFFFFFF0];
	[tilespmem:s12+$0x10] =	vst v10;
	v10 =	vsel vm0, s29, v13;
	vm0 =	veq.s32 v4, $0x2  }
.LBB2_2:
0x2e: {  	v11 =	vld [tilespmem:s28+$0xFFFFFF80];
	[tilespmem:s1+$0x20] =	vst v10;
	v4 =	vsel vm0, s29, v4;
	vm0 =	veq.s32 v5, $0x2  }
0x2f: {  	v10 =	vld [tilespmem:s28+$0xFFFFFF90];
	[tilespmem:s1+$0x30] =	vst v4;
	v4 =	vsel vm0, s29, v5;
	vm0 =	veq.s32 v6, $0x2  }
0x30: {  	v5 =	vld [tilespmem:s28+$0xFFFFFFA0];
	[tilespmem:s1+$0x40] =	vst v4;
	v4 =	vsel vm0, s29, v6;
	vm0 =	veq.s32 v9, $0x2  }
0x31: {  	v6 =	vld [tilespmem:s28+$0xFFFFFFB0];
	[tilespmem:s1+$0x50] =	vst v4;
	v4 =	vsel vm0, s29, v9;
	vm0 =	veq.s32 v7, $0x2  }
0x32: {  	v9 =	vld [tilespmem:s28+$0xFFFFFFC0];
	vm1 =	veq.s32 v8, $0x2;
	[tilespmem:s1+$0x60] =	vst v4;
	v4 =	vsel vm0, s29, v7  }
0x33: {  	vm0 =	veq.s32 v11, $0x2;
	v7 =	vld [tilespmem:s28+$0xFFFFFFD0];
	v8 =	vsel vm1, s0, v8;
	s0 =	sadd.s32 $0x3EA, s9;
	[tilespmem:s1+$0x70] =	vst v4  }
0x34: {  	v4 =	vsel vm0, s0, v11;
	vm0 =	veq.s32 v10, $0x2;
	v11 =	vld [tilespmem:s28+$0xFFFFFFE0];
	[tilespmem:s1+$0xFFFFFFF0] =	vst v8;
	s1 =	smov.u32 s28  }
0x35: {  	[tilespmem:s28+$0xFFFFFF80] =	vst v4;
	v4 =	vsel vm0, s0, v10;
	vm0 =	veq.s32 v5, $0x2;
	v8 =	vld [tilespmem:s28+$0x0]  }
0x36: {  	[tilespmem:s28+$0xFFFFFF90] =	vst v4;
	v4 =	vsel vm0, s0, v5;
	vm0 =	veq.s32 v6, $0x2;
	v10 =	vld [tilespmem:s28+$0x10]  }
0x37: {  	s29 =	sadd.s32 $0x3EB, s9;
	s9 =	sadd.s32 $0x2, s9;
	[tilespmem:s28+$0xFFFFFFA0] =	vst v4;
	v4 =	vsel vm0, s0, v6;
	vm0 =	veq.s32 v9, $0x2;
	v12 =	vld [tilespmem:s28+$0x20]  }
0x38: {  	p0 =	slt.u32 s9, $0xC6;
	[tilespmem:s28+$0xFFFFFFB0] =	vst v4;
	v5 =	vsel vm0, s0, v9;
	vm0 =	veq.s32 v7, $0x2;
	v4 =	vld [tilespmem:s28+$0x30]  }
.Ltmp2:
0x39: {  	[tilespmem:s28+$0xFFFFFFC0] =	vst v5;
	v6 =	vsel vm0, s0, v7;
	vm0 =	veq.s32 v11, $0x2;
	v5 =	vld [tilespmem:s28+$0x40];
	(pc) =	sbr.rel @p0 .LBB2_2-.Ltmp2, $4  }
0x3a: {  	[tilespmem:s28+$0xFFFFFFD0] =	vst v6;
	v7 =	vsel vm0, s0, v11;
	vm0 =	veq.s32 v8, $0x2;
	v6 =	vld [tilespmem:s28+$0x50]  }
0x3b: {  	[tilespmem:s28+$0xFFFFFFE0] =	vst v7;
	v7 =	vsel vm0, s29, v8;
	vm0 =	veq.s32 v10, $0x2;
	v9 =	vld [tilespmem:s28+$0x60]  }
0x3c: {  	[tilespmem:s28+$0x0] =	vst v7;
	v10 =	vsel vm0, s29, v10;
	vm0 =	veq.s32 v12, $0x2;
	v7 =	vld [tilespmem:s28+$0x70]  }
0x3d: {  	s28 =	sadd.s32 $0x100, s28;
	v8 =	vld [tilespmem:s1+$0xFFFFFFF0];
	[tilespmem:s1+$0x10] =	vst v10;
	v10 =	vsel vm0, s29, v12;
	vm0 =	veq.s32 v4, $0x2  }
0x3e: {  	[tilespmem:s1+$0x20] =	vst v10;
	v4 =	vsel vm0, s29, v4;
	vm12 =	veq.s32 v5, $0x2  }
0x3f: {  	[tilespmem:s1+$0x30] =	vst v4;
	v4 =	vsel vm12, s29, v5;
	vm13 =	veq.s32 v6, $0x2  }
0x40: {  	[tilespmem:s1+$0x40] =	vst v4;
	v4 =	vsel vm13, s29, v6;
	vm14 =	veq.s32 v9, $0x2  }
0x41: {  	[tilespmem:s1+$0x50] =	vst v4;
	v4 =	vsel vm14, s29, v9;
	vm15 =	veq.s32 v7, $0x2  }
0x42: {  	vm1 =	veq.s32 v8, $0x2;
	[tilespmem:s1+$0x60] =	vst v4;
	v4 =	vsel vm15, s29, v7  }
0x43: {  	v5 =	vsel vm1, s0, v8;
	[tilespmem:s1+$0x70] =	vst v4  }
0x44: {  	s28 =	simm.s32 $0x0;
	[tilespmem:s1+$0xFFFFFFF0] =	vst v5  }
0x45: {  	[tilespmem:s13], [sflag:$0x1] =	stream.indirect.gather [hbm4b:s4+s12], $0x40, s28, s12, $0xb8;
	[tilespmem:$0x15A00] =	vst v63  }
0x46: {  	_ = 	snop  }
0x47: {  	[tilespmem:s14], [sflag:$0x2] =	stream.indirect.gather [hbm4b:s4+s12], $0x40, s12, s12, $0xb8;
	[tilespmem:$0x15A00] =	vst v63  }
0x48: {  	s31 =	simm.s32 $0x100  }
0x49: {  	[tilespmem:s16], [sflag:$0x3] =	stream.indirect.gather [hbm4b:s4+s12], $0x40, s31, s12, $0xb8;
	[tilespmem:$0x15A00] =	vst v63  }
.LBB2_4:
0x4a: {  	_ =	swait.ge [sflag:s17], $0x2000  }
0x4b: {  	p0 =	seq.s32 s28, $0x0;
	[sflag:s17] =	ssyncset.done $0x0  }
0x4c: {  	s0 =	simm.s32 @!p0 $0x5;
	[sflag:s17] =	ssyncadd.s32 $0xFFFFE000  }
0x4d: {  	_ =	swait.ge @!p0 [sflag:s0], $0x2000  }
0x4e: {  	s1 =	sshll.u32 s28, $0x9;
	[sflag:s0] =	ssyncset.done @!p0 $0x0  }
0x4f: {  	s31 =	sand.u32 $0x3FFFFE00, s1;
	[sflag:s0] =	ssyncadd.s32 @!p0 $0xFFFFE000  }
0x50: {  	v4 =	vld [tilespmem:s31+$0x12800]  }
0x51: {  	v5 =	vld [tilespmem:s31+$0x12810]  }
0x52: {  	v6 =	vld [tilespmem:s31+$0x12820]  }
0x53: {  	v8 =	vimm.s32 $0x0;
	s1 =	simm.s32 $0x6480;
	v7 =	vld [tilespmem:s31+$0x12830]  }
0x54: {  	v10 =	vand.u32 $0xFFFFFFF8, v8;
	v9 =	vld [tilespmem:s1+$0xFFFFFF80]  }
0x55: {  	v12 =	vand.u32 $0x4, v8;
	v13 =	vadd.s32 v0, v10;
	v11 =	vld [tilespmem:s1+$0xFFFFFF90]  }
0x56: {  	v14 =	vadd.s32 v1, v10;
	v16 =	vor.u32 v12, v13;
	v15 =	vld [tilespmem:s1+$0xFFFFFFA0]  }
0x57: {  	v17 =	vadd.s32 v2, v10;
	v19 =	vor.u32 v12, v14;
	v18 =	vld [tilespmem:s1+$0xFFFFFFB0]  }
0x58: {  	v10 =	vadd.s32 v3, v10;
	v20 =	vor.u32 v12, v17  }
0x59: {  	v21 =	vor.u32 v12, v10;
	v9 =	vadd.f32 v9, v4  }
0x5a: {  	v11 =	vadd.f32 v11, v5  }
0x5b: {  	v15 =	vadd.f32 v15, v6;
	[tilespmem:v16+s18+$0x0] =	vst.idx.msk $0xffff, v9  }
0x5c: {  	v9 =	vadd.f32 v18, v7;
	[tilespmem:v19+s18+$0x0] =	vst.idx.msk $0xffff, v11  }
0x5d: {  	[tilespmem:v20+s18+$0x0] =	vst.idx.msk $0xffff, v15  }
0x5e: {  	[tilespmem:v21+s18+$0x0] =	vst.idx.msk $0xffff, v9  }
0x5f: {  	v9 =	vld [tilespmem:s1+$0xFFFFFFC0]  }
0x60: {  	v11 =	vor.u32 $0x1, v12;
	v15 =	vld [tilespmem:s1+$0xFFFFFFD0]  }
0x61: {  	v53 =	vor.u32 v11, v13;
	v54 =	vld [tilespmem:s1+$0xFFFFFFE0]  }
0x62: {  	v55 =	vor.u32 v11, v14;
	v20 =	vld [tilespmem:s1+$0xFFFFFFF0]  }
0x63: {  	v56 =	vor.u32 v11, v17  }
0x64: {  	v11 =	vor.u32 v11, v10;
	v9 =	vadd.f32 v9, v4  }
0x65: {  	v15 =	vadd.f32 v15, v5  }
0x66: {  	v18 =	vadd.f32 v54, v6;
	[tilespmem:v53+s18+$0x0] =	vst.idx.msk $0xffff, v9  }
0x67: {  	v9 =	vadd.f32 v20, v7;
	[tilespmem:v55+s18+$0x0] =	vst.idx.msk $0xffff, v15  }
0x68: {  	[tilespmem:v56+s18+$0x0] =	vst.idx.msk $0xffff, v18  }
0x69: {  	[tilespmem:v11+s18+$0x0] =	vst.idx.msk $0xffff, v9  }
0x6a: {  	v9 =	vld [tilespmem:s1+$0x0]  }
0x6b: {  	v11 =	vor.u32 $0x2, v12;
	v15 =	vld [tilespmem:s1+$0x10]  }
0x6c: {  	v57 =	vor.u32 v11, v13;
	v18 =	vld [tilespmem:s1+$0x20]  }
0x6d: {  	v58 =	vor.u32 v11, v14;
	v59 =	vld [tilespmem:s1+$0x30]  }
0x6e: {  	v60 =	vor.u32 v11, v17  }
0x6f: {  	v11 =	vor.u32 v11, v10;
	v9 =	vadd.f32 v9, v4  }
0x70: {  	v15 =	vadd.f32 v15, v5  }
0x71: {  	v18 =	vadd.f32 v18, v6;
	[tilespmem:v57+s18+$0x0] =	vst.idx.msk $0xffff, v9  }
0x72: {  	v9 =	vadd.f32 v59, v7;
	[tilespmem:v58+s18+$0x0] =	vst.idx.msk $0xffff, v15  }
0x73: {  	[tilespmem:v60+s18+$0x0] =	vst.idx.msk $0xffff, v18  }
0x74: {  	[tilespmem:v11+s18+$0x0] =	vst.idx.msk $0xffff, v9  }
0x75: {  	v9 =	vld [tilespmem:s1+$0x40]  }
0x76: {  	v11 =	vor.u32 $0x3, v12  }
0x77: {  	v13 =	vor.u32 v11, v13  }
0x78: {  	v61 =	vld [tilespmem:s1+$0x50]  }
0x79: {  	v15 =	vld [tilespmem:s1+$0x60]  }
0x7a: {  	v14 =	vor.u32 v11, v14;
	v63 =	vld [tilespmem:s1+$0x70];
	v9 =	vadd.f32 v9, v4  }
0x7b: {  	v62 =	vor.u32 v11, v17  }
0x7c: {  	[tilespmem:v13+s18+$0x0] =	vst.idx.msk $0xffff, v9;
	v9 =	vor.u32 v11, v10  }
0x7d: {  	v12 =	vadd.f32 v61, v5  }
0x7e: {  	v15 =	vadd.f32 v15, v6  }
0x7f: {  	v10 =	vadd.f32 v63, v7;
	[tilespmem:v14+s18+$0x0] =	vst.idx.msk $0xffff, v12  }
0x80: {  	s29 =	sshll.u32 s28, $0x3;
	s0 =	simm.s32 $0x0;
	[tilespmem:v62+s18+$0x0] =	vst.idx.msk $0xffff, v15  }
.LBB2_5:
0x81: {  	s0 =	sadd.s32 $0x4, s0;
	[tilespmem:v9+s18+$0x0] =	vst.idx.msk $0xffff, v10;
	v8 =	vadd.s32 $0x4, v8;
	s1 =	sadd.s32 $0x100, s1  }
0x82: {  	v9 =	vld [tilespmem:s1+$0xFFFFFF80];
	v10 =	vand.u32 $0xFFFFFFF8, v8;
	p1 =	slt.u32 s0, $0x7C  }
0x83: {  	v12 =	vand.u32 $0x4, v8;
	v11 =	vld [tilespmem:s1+$0xFFFFFF90];
	v13 =	vadd.s32 v0, v10;
	v14 =	vadd.s32 v1, v10  }
0x84: {  	v17 =	vadd.s32 v2, v10;
	v10 =	vadd.s32 v3, v10;
	v15 =	vld [tilespmem:s1+$0xFFFFFFA0];
	v16 =	vor.u32 v12, v13  }
0x85: {  	v19 =	vor.u32 v12, v14;
	v20 =	vor.u32 v12, v17;
	v21 =	vor.u32 v12, v10;
	v18 =	vld [tilespmem:s1+$0xFFFFFFB0]  }
0x86: {  	v22 =	vor.u32 $0x1, v12;
	v23 =	vor.u32 $0x2, v12;
	v12 =	vor.u32 $0x3, v12  }
0x87: {  	v24 =	vor.u32 v22, v13;
	v25 =	vor.u32 v22, v14;
	v9 =	vadd.f32 v9, v4  }
0x88: {  	v26 =	vor.u32 v22, v17;
	v22 =	vor.u32 v22, v10;
	v11 =	vadd.f32 v11, v5  }
0x89: {  	v15 =	vadd.f32 v15, v6;
	[tilespmem:v16+s18+$0x0] =	vst.idx.msk $0xffff, v9;
	v16 =	vor.u32 v23, v13  }
0x8a: {  	v9 =	vadd.f32 v18, v7;
	[tilespmem:v19+s18+$0x0] =	vst.idx.msk $0xffff, v11;
	v11 =	vor.u32 v23, v14  }
0x8b: {  	v18 =	vor.u32 v23, v10;
	[tilespmem:v20+s18+$0x0] =	vst.idx.msk $0xffff, v15;
	v15 =	vor.u32 v23, v17  }
0x8c: {  	v13 =	vor.u32 v12, v13;
	v14 =	vor.u32 v12, v14;
	[tilespmem:v21+s18+$0x0] =	vst.idx.msk $0xffff, v9  }
0x8d: {  	v17 =	vor.u32 v12, v17;
	v9 =	vor.u32 v12, v10;
	v19 =	vld [tilespmem:s1+$0xFFFFFFC0]  }
0x8e: {  	v10 =	vld [tilespmem:s1+$0xFFFFFFD0]  }
0x8f: {  	v12 =	vld [tilespmem:s1+$0xFFFFFFE0]  }
0x90: {  	v20 =	vld [tilespmem:s1+$0xFFFFFFF0];
	_ =	sdelay $0x1  }
0x91: {  	v19 =	vadd.f32 v19, v4  }
0x92: {  	v10 =	vadd.f32 v10, v5  }
0x93: {  	v12 =	vadd.f32 v12, v6;
	[tilespmem:v24+s18+$0x0] =	vst.idx.msk $0xffff, v19  }
0x94: {  	v19 =	vadd.f32 v20, v7;
	[tilespmem:v25+s18+$0x0] =	vst.idx.msk $0xffff, v10  }
0x95: {  	[tilespmem:v26+s18+$0x0] =	vst.idx.msk $0xffff, v12  }
0x96: {  	[tilespmem:v22+s18+$0x0] =	vst.idx.msk $0xffff, v19  }
0x97: {  	v10 =	vld [tilespmem:s1+$0x0]  }
0x98: {  	v12 =	vld [tilespmem:s1+$0x10]  }
0x99: {  	v19 =	vld [tilespmem:s1+$0x20]  }
0x9a: {  	v20 =	vld [tilespmem:s1+$0x30];
	_ =	sdelay $0x1  }
0x9b: {  	v10 =	vadd.f32 v10, v4  }
0x9c: {  	v12 =	vadd.f32 v12, v5  }
0x9d: {  	v19 =	vadd.f32 v19, v6;
	[tilespmem:v16+s18+$0x0] =	vst.idx.msk $0xffff, v10  }
0x9e: {  	v10 =	vadd.f32 v20, v7;
	[tilespmem:v11+s18+$0x0] =	vst.idx.msk $0xffff, v12  }
0x9f: {  	[tilespmem:v15+s18+$0x0] =	vst.idx.msk $0xffff, v19  }
0xa0: {  	[tilespmem:v18+s18+$0x0] =	vst.idx.msk $0xffff, v10  }
0xa1: {  	v10 =	vld [tilespmem:s1+$0x40]  }
0xa2: {  	v11 =	vld [tilespmem:s1+$0x50]  }
0xa3: {  	v12 =	vld [tilespmem:s1+$0x60]  }
0xa4: {  	v15 =	vld [tilespmem:s1+$0x70];
	_ =	sdelay $0x1  }
.Ltmp3:
0xa5: {  	v10 =	vadd.f32 v10, v4;
	(pc) =	sbr.rel @p1 .LBB2_5-.Ltmp3, $4  }
0xa6: {  	v11 =	vadd.f32 v11, v5  }
0xa7: {  	v12 =	vadd.f32 v12, v6;
	[tilespmem:v13+s18+$0x0] =	vst.idx.msk $0xffff, v10  }
0xa8: {  	v10 =	vadd.f32 v15, v7;
	[tilespmem:v14+s18+$0x0] =	vst.idx.msk $0xffff, v11  }
0xa9: {  	[tilespmem:v17+s18+$0x0] =	vst.idx.msk $0xffff, v12  }
0xaa: {  	_ = 	snop  }
0xab: {  	s0 =	sshll.u32 s28, $0x15  }
0xac: {  	s0 =	sor.u32 s7, s0  }
0xad: {  	s0 =	sshrl.u32 s0, $0x3  }
0xae: {  	[tilespmem:v9+s18+$0x0] =	vst.idx.msk $0xffff, v10;
	s5 =	simm.s32 $0xE400;
	s1 =	sadd.s32 s2, s0  }
0xaf: {  	[hbm4b:s1+s3] =	stream.linear.scatter [tilespmem:s5], [sflag:$0x5], $0x80, $0x38;
	[tilespmem:$0x15A00] =	vst v63  }
0xb0: {  	s6 =	simm.s32 $0xE488;
	s9 =	sadd.s32 $0x10, s1  }
0xb1: {  	[hbm4b:s9+s3] =	stream.linear.scatter [tilespmem:s6], [sflag:$0x5], $0x80, $0x38;
	[tilespmem:$0x15A00] =	vst v63  }
0xb2: {  	s15 =	simm.s32 $0xE598;
	s11 =	sadd.s32 $0x20, s1;
	s9 =	simm.s32 $0xE510  }
0xb3: {  	[hbm4b:s11+s3] =	stream.linear.scatter [tilespmem:s9], [sflag:$0x5], $0x80, $0x38;
	[tilespmem:$0x15A00] =	vst v63  }
0xb4: {  	s30 =	simm.s32 $0xE7B8;
	s0 =	simm.s32 $0x440;
	s31 =	sadd.s32 $0x30, s1  }
0xb5: {  	[hbm4b:s31+s3] =	stream.linear.scatter [tilespmem:s15], [sflag:$0x5], $0x80, $0x38;
	[tilespmem:$0x15A00] =	vst v63  }
0xb6: {  	s5 =	simm.s32 $0xE620;
	s6 =	sadd.s32 $0x40, s1;
	s9 =	simm.s32 $0xE6A8  }
0xb7: {  	[hbm4b:s6+s3] =	stream.linear.scatter [tilespmem:s5], [sflag:$0x5], $0x80, $0x38;
	[tilespmem:$0x15A00] =	vst v63  }
0xb8: {  	s11 =	sadd.s32 $0x50, s1;
	s15 =	simm.s32 $0xE730;
	s31 =	sadd.s32 $0x60, s1  }
0xb9: {  	[hbm4b:s11+s3] =	stream.linear.scatter [tilespmem:s9], [sflag:$0x5], $0x80, $0x38;
	[tilespmem:$0x15A00] =	vst v63  }
0xba: {  	s9 =	simm.s32 $0x2200;
	s11 =	sadd.s32 $0x70, s1;
	s1 =	sadd.s32 $0x1000, s1  }
0xbb: {  	[hbm4b:s31+s3] =	stream.linear.scatter [tilespmem:s15], [sflag:$0x5], $0x80, $0x38;
	[tilespmem:$0x15A00] =	vst v63  }
.LBB2_7:
0xbc: {  	[hbm4b:s11+s3] =	stream.linear.scatter [tilespmem:s30], [sflag:$0x5], $0x80, $0x38;
	[tilespmem:$0x15A00] =	vst v63  }
0xbd: {  	s11 =	smov.u32 s0;
	s0 =	smov.u32 s9  }
0xbe: {  	s15 =	sadd.s32 $0x1100, s9;
	s0 =	sshra.s32 s0, $0x2;
	s30 =	sadd.s32 $0xE400, s11  }
0xbf: {  	[hbm4b:s1+s3] =	stream.linear.scatter [tilespmem:s30], [sflag:$0x5], $0x80, $0x38;
	[tilespmem:$0x15A00] =	vst v63  }
0xc0: {  	p1 =	sne.s32 s9, $0x7700;
	s9 =	sadd.s32 $0xE488, s11;
	s30 =	sadd.s32 $0x10, s1  }
0xc1: {  	[hbm4b:s30+s3] =	stream.linear.scatter [tilespmem:s9], [sflag:$0x5], $0x80, $0x38;
	[tilespmem:$0x15A00] =	vst v63  }
0xc2: {  	s9 =	sadd.s32 $0xE510, s11;
	s30 =	sadd.s32 $0x20, s1  }
0xc3: {  	[hbm4b:s30+s3] =	stream.linear.scatter [tilespmem:s9], [sflag:$0x5], $0x80, $0x38;
	[tilespmem:$0x15A00] =	vst v63  }
0xc4: {  	s9 =	sadd.s32 $0xE598, s11;
	s30 =	sadd.s32 $0x30, s1  }
0xc5: {  	[hbm4b:s30+s3] =	stream.linear.scatter [tilespmem:s9], [sflag:$0x5], $0x80, $0x38;
	[tilespmem:$0x15A00] =	vst v63  }
0xc6: {  	s9 =	sadd.s32 $0xE620, s11;
	s30 =	sadd.s32 $0x40, s1  }
0xc7: {  	[hbm4b:s30+s3] =	stream.linear.scatter [tilespmem:s9], [sflag:$0x5], $0x80, $0x38;
	[tilespmem:$0x15A00] =	vst v63  }
0xc8: {  	s9 =	sadd.s32 $0xE6A8, s11;
	s30 =	sadd.s32 $0x50, s1  }
0xc9: {  	[hbm4b:s30+s3] =	stream.linear.scatter [tilespmem:s9], [sflag:$0x5], $0x80, $0x38;
	[tilespmem:$0x15A00] =	vst v63  }
.Ltmp4:
0xca: {  	_ = 	snop;
	(pc) =	sbr.rel @p1 .LBB2_7-.Ltmp4, $4  }
0xcb: {  	s9 =	sadd.s32 $0xE730, s11;
	s30 =	sadd.s32 $0x60, s1  }
0xcc: {  	[hbm4b:s30+s3] =	stream.linear.scatter [tilespmem:s9], [sflag:$0x5], $0x80, $0x38;
	[tilespmem:$0x15A00] =	vst v63  }
0xcd: {  	s30 =	sadd.s32 $0xE7B8, s11  }
0xce: {  	s11 =	sadd.s32 $0x70, s1;
	s1 =	sadd.s32 $0x1000, s1;
	s9 =	smov.u32 s15  }
0xcf: {  	[hbm4b:s11+s3] =	stream.linear.scatter [tilespmem:s30], [sflag:$0x5], $0x80, $0x38;
	[tilespmem:$0x15A00] =	vst v63  }
0xd0: {  	s9 =	sadd.s32 $0xE400, s0  }
0xd1: {  	[hbm4b:s1+s3] =	stream.linear.scatter [tilespmem:s9], [sflag:$0x5], $0x80, $0x38;
	[tilespmem:$0x15A00] =	vst v63  }
0xd2: {  	s5 =	sadd.s32 $0xE488, s0;
	s6 =	sadd.s32 $0x10, s1  }
0xd3: {  	[hbm4b:s6+s3] =	stream.linear.scatter [tilespmem:s5], [sflag:$0x5], $0x80, $0x38;
	[tilespmem:$0x15A00] =	vst v63  }
0xd4: {  	s11 =	sadd.s32 $0xE510, s0;
	s15 =	sadd.s32 $0x20, s1  }
0xd5: {  	[hbm4b:s15+s3] =	stream.linear.scatter [tilespmem:s11], [sflag:$0x5], $0x80, $0x38;
	[tilespmem:$0x15A00] =	vst v63  }
0xd6: {  	s5 =	sadd.s32 $0xE598, s0;
	s6 =	sadd.s32 $0x30, s1  }
0xd7: {  	[hbm4b:s6+s3] =	stream.linear.scatter [tilespmem:s5], [sflag:$0x5], $0x80, $0x38;
	[tilespmem:$0x15A00] =	vst v63  }
0xd8: {  	s11 =	sadd.s32 $0xE620, s0;
	s15 =	sadd.s32 $0x40, s1  }
0xd9: {  	[hbm4b:s15+s3] =	stream.linear.scatter [tilespmem:s11], [sflag:$0x5], $0x80, $0x38;
	[tilespmem:$0x15A00] =	vst v63  }
0xda: {  	s5 =	sadd.s32 $0xE6A8, s0;
	s6 =	sadd.s32 $0x50, s1  }
0xdb: {  	[hbm4b:s6+s3] =	stream.linear.scatter [tilespmem:s5], [sflag:$0x5], $0x80, $0x38;
	[tilespmem:$0x15A00] =	vst v63  }
0xdc: {  	s30 =	sor.u32 $0x3, s29;
	s11 =	sadd.s32 $0xE730, s0;
	s15 =	sadd.s32 $0x60, s1  }
0xdd: {  	[hbm4b:s15+s3] =	stream.linear.scatter [tilespmem:s11], [sflag:$0x5], $0x80, $0x38;
	[tilespmem:$0x15A00] =	vst v63  }
0xde: {  	s9 =	sshll.u32 s30, $0x7;
	s5 =	sadd.s32 $0xE7B8, s0;
	s6 =	sadd.s32 $0x70, s1  }
0xdf: {  	[hbm4b:s6+s3] =	stream.linear.scatter [tilespmem:s5], [sflag:$0x5], $0x80, $0x38;
	[tilespmem:$0x15A00] =	vst v63  }
0xe0: {  	s0 =	sand.u32 $0x3FFFFF80, s9  }
0xe1: {  	[tilespmem:s19], [sflag:$0x4] =	stream.indirect.gather [hbm4b:s4+s12], $0x40, s0, s12, $0xb8;
	[tilespmem:$0x15A00] =	vst v63  }
0xe2: {  	_ =	swait.ge [sflag:s20], $0x2000  }
0xe3: {  	[sflag:s20] =	ssyncset.done $0x0  }
0xe4: {  	s0 =	simm.s32 @!p0 $0x6;
	[sflag:s20] =	ssyncadd.s32 $0xFFFFE000  }
0xe5: {  	s1 =	sor.u32 $0x1, s29;
	_ =	swait.ge @!p0 [sflag:s0], $0x2000  }
0xe6: {  	s11 =	sshll.u32 s1, $0x6;
	[sflag:s0] =	ssyncset.done @!p0 $0x0  }
0xe7: {  	s15 =	sand.u32 $0x3FFFFFC0, s11;
	[sflag:s0] =	ssyncadd.s32 @!p0 $0xFFFFE000  }
0xe8: {  	v4 =	vld [tilespmem:s15+$0x12800]  }
0xe9: {  	v5 =	vld [tilespmem:s15+$0x12810]  }
0xea: {  	v6 =	vld [tilespmem:s15+$0x12820]  }
0xeb: {  	v8 =	vimm.s32 $0x0;
	s31 =	simm.s32 $0x8480;
	v7 =	vld [tilespmem:s15+$0x12830]  }
0xec: {  	v10 =	vand.u32 $0xFFFFFFF8, v8;
	v9 =	vld [tilespmem:s31+$0xFFFFFF80]  }
0xed: {  	v12 =	vand.u32 $0x4, v8;
	v13 =	vadd.s32 v0, v10;
	v11 =	vld [tilespmem:s31+$0xFFFFFF90]  }
0xee: {  	v14 =	vadd.s32 v1, v10;
	v16 =	vor.u32 v12, v13;
	v15 =	vld [tilespmem:s31+$0xFFFFFFA0]  }
0xef: {  	v17 =	vadd.s32 v2, v10;
	v19 =	vor.u32 v12, v14;
	v18 =	vld [tilespmem:s31+$0xFFFFFFB0]  }
0xf0: {  	v10 =	vadd.s32 v3, v10;
	v20 =	vor.u32 v12, v17  }
0xf1: {  	v21 =	vor.u32 v12, v10;
	v9 =	vadd.f32 v9, v4  }
0xf2: {  	v11 =	vadd.f32 v11, v5  }
0xf3: {  	v15 =	vadd.f32 v15, v6;
	[tilespmem:v16+s21+$0x0] =	vst.idx.msk $0xffff, v9  }
0xf4: {  	v9 =	vadd.f32 v18, v7;
	[tilespmem:v19+s21+$0x0] =	vst.idx.msk $0xffff, v11  }
0xf5: {  	[tilespmem:v20+s21+$0x0] =	vst.idx.msk $0xffff, v15  }
0xf6: {  	[tilespmem:v21+s21+$0x0] =	vst.idx.msk $0xffff, v9  }
0xf7: {  	v9 =	vld [tilespmem:s31+$0xFFFFFFC0]  }
0xf8: {  	v11 =	vor.u32 $0x1, v12;
	v15 =	vld [tilespmem:s31+$0xFFFFFFD0]  }
0xf9: {  	v53 =	vor.u32 v11, v13;
	v54 =	vld [tilespmem:s31+$0xFFFFFFE0]  }
0xfa: {  	v55 =	vor.u32 v11, v14;
	v20 =	vld [tilespmem:s31+$0xFFFFFFF0]  }
0xfb: {  	v56 =	vor.u32 v11, v17  }
0xfc: {  	v11 =	vor.u32 v11, v10;
	v9 =	vadd.f32 v9, v4  }
0xfd: {  	v15 =	vadd.f32 v15, v5  }
0xfe: {  	v18 =	vadd.f32 v54, v6;
	[tilespmem:v53+s21+$0x0] =	vst.idx.msk $0xffff, v9  }
0xff: {  	v9 =	vadd.f32 v20, v7;
	[tilespmem:v55+s21+$0x0] =	vst.idx.msk $0xffff, v15  }
0x100: {  	[tilespmem:v56+s21+$0x0] =	vst.idx.msk $0xffff, v18  }
0x101: {  	[tilespmem:v11+s21+$0x0] =	vst.idx.msk $0xffff, v9  }
0x102: {  	v9 =	vld [tilespmem:s31+$0x0]  }
0x103: {  	v11 =	vor.u32 $0x2, v12;
	v15 =	vld [tilespmem:s31+$0x10]  }
0x104: {  	v57 =	vor.u32 v11, v13;
	v18 =	vld [tilespmem:s31+$0x20]  }
0x105: {  	v58 =	vor.u32 v11, v14;
	v59 =	vld [tilespmem:s31+$0x30]  }
0x106: {  	v60 =	vor.u32 v11, v17  }
0x107: {  	v11 =	vor.u32 v11, v10;
	v9 =	vadd.f32 v9, v4  }
0x108: {  	v15 =	vadd.f32 v15, v5  }
0x109: {  	v18 =	vadd.f32 v18, v6;
	[tilespmem:v57+s21+$0x0] =	vst.idx.msk $0xffff, v9  }
0x10a: {  	v9 =	vadd.f32 v59, v7;
	[tilespmem:v58+s21+$0x0] =	vst.idx.msk $0xffff, v15  }
0x10b: {  	[tilespmem:v60+s21+$0x0] =	vst.idx.msk $0xffff, v18  }
0x10c: {  	[tilespmem:v11+s21+$0x0] =	vst.idx.msk $0xffff, v9  }
0x10d: {  	v9 =	vld [tilespmem:s31+$0x40]  }
0x10e: {  	v11 =	vor.u32 $0x3, v12  }
0x10f: {  	v13 =	vor.u32 v11, v13  }
0x110: {  	v61 =	vld [tilespmem:s31+$0x50]  }
0x111: {  	v15 =	vld [tilespmem:s31+$0x60]  }
0x112: {  	v14 =	vor.u32 v11, v14;
	v63 =	vld [tilespmem:s31+$0x70];
	v9 =	vadd.f32 v9, v4  }
0x113: {  	v62 =	vor.u32 v11, v17  }
0x114: {  	[tilespmem:v13+s21+$0x0] =	vst.idx.msk $0xffff, v9;
	v9 =	vor.u32 v11, v10  }
0x115: {  	v12 =	vadd.f32 v61, v5  }
0x116: {  	v15 =	vadd.f32 v15, v6  }
0x117: {  	v10 =	vadd.f32 v63, v7;
	[tilespmem:v14+s21+$0x0] =	vst.idx.msk $0xffff, v12  }
0x118: {  	s0 =	simm.s32 $0x0;
	[tilespmem:v62+s21+$0x0] =	vst.idx.msk $0xffff, v15  }
.LBB2_9:
0x119: {  	s0 =	sadd.s32 $0x4, s0;
	[tilespmem:v9+s21+$0x0] =	vst.idx.msk $0xffff, v10;
	v8 =	vadd.s32 $0x4, v8;
	s31 =	sadd.s32 $0x100, s31  }
0x11a: {  	v9 =	vld [tilespmem:s31+$0xFFFFFF80];
	v10 =	vand.u32 $0xFFFFFFF8, v8;
	p0 =	slt.u32 s0, $0x7C  }
0x11b: {  	v12 =	vand.u32 $0x4, v8;
	v11 =	vld [tilespmem:s31+$0xFFFFFF90];
	v13 =	vadd.s32 v0, v10;
	v14 =	vadd.s32 v1, v10  }
0x11c: {  	v17 =	vadd.s32 v2, v10;
	v10 =	vadd.s32 v3, v10;
	v15 =	vld [tilespmem:s31+$0xFFFFFFA0];
	v16 =	vor.u32 v12, v13  }
0x11d: {  	v19 =	vor.u32 v12, v14;
	v20 =	vor.u32 v12, v17;
	v21 =	vor.u32 v12, v10;
	v18 =	vld [tilespmem:s31+$0xFFFFFFB0]  }
0x11e: {  	v22 =	vor.u32 $0x1, v12;
	v23 =	vor.u32 $0x2, v12;
	v12 =	vor.u32 $0x3, v12  }
0x11f: {  	v24 =	vor.u32 v22, v13;
	v25 =	vor.u32 v22, v14;
	v9 =	vadd.f32 v9, v4  }
0x120: {  	v26 =	vor.u32 v22, v17;
	v22 =	vor.u32 v22, v10;
	v11 =	vadd.f32 v11, v5  }
0x121: {  	v15 =	vadd.f32 v15, v6;
	[tilespmem:v16+s21+$0x0] =	vst.idx.msk $0xffff, v9;
	v16 =	vor.u32 v23, v13  }
0x122: {  	v9 =	vadd.f32 v18, v7;
	[tilespmem:v19+s21+$0x0] =	vst.idx.msk $0xffff, v11;
	v11 =	vor.u32 v23, v14  }
0x123: {  	v18 =	vor.u32 v23, v10;
	[tilespmem:v20+s21+$0x0] =	vst.idx.msk $0xffff, v15;
	v15 =	vor.u32 v23, v17  }
0x124: {  	v13 =	vor.u32 v12, v13;
	v14 =	vor.u32 v12, v14;
	[tilespmem:v21+s21+$0x0] =	vst.idx.msk $0xffff, v9  }
0x125: {  	v17 =	vor.u32 v12, v17;
	v9 =	vor.u32 v12, v10;
	v19 =	vld [tilespmem:s31+$0xFFFFFFC0]  }
0x126: {  	v10 =	vld [tilespmem:s31+$0xFFFFFFD0]  }
0x127: {  	v12 =	vld [tilespmem:s31+$0xFFFFFFE0]  }
0x128: {  	v20 =	vld [tilespmem:s31+$0xFFFFFFF0];
	_ =	sdelay $0x1  }
0x129: {  	v19 =	vadd.f32 v19, v4  }
0x12a: {  	v10 =	vadd.f32 v10, v5  }
0x12b: {  	v12 =	vadd.f32 v12, v6;
	[tilespmem:v24+s21+$0x0] =	vst.idx.msk $0xffff, v19  }
0x12c: {  	v19 =	vadd.f32 v20, v7;
	[tilespmem:v25+s21+$0x0] =	vst.idx.msk $0xffff, v10  }
0x12d: {  	[tilespmem:v26+s21+$0x0] =	vst.idx.msk $0xffff, v12  }
0x12e: {  	[tilespmem:v22+s21+$0x0] =	vst.idx.msk $0xffff, v19  }
0x12f: {  	v10 =	vld [tilespmem:s31+$0x0]  }
0x130: {  	v12 =	vld [tilespmem:s31+$0x10]  }
0x131: {  	v19 =	vld [tilespmem:s31+$0x20]  }
0x132: {  	v20 =	vld [tilespmem:s31+$0x30];
	_ =	sdelay $0x1  }
0x133: {  	v10 =	vadd.f32 v10, v4  }
0x134: {  	v12 =	vadd.f32 v12, v5  }
0x135: {  	v19 =	vadd.f32 v19, v6;
	[tilespmem:v16+s21+$0x0] =	vst.idx.msk $0xffff, v10  }
0x136: {  	v10 =	vadd.f32 v20, v7;
	[tilespmem:v11+s21+$0x0] =	vst.idx.msk $0xffff, v12  }
0x137: {  	[tilespmem:v15+s21+$0x0] =	vst.idx.msk $0xffff, v19  }
0x138: {  	[tilespmem:v18+s21+$0x0] =	vst.idx.msk $0xffff, v10  }
0x139: {  	v10 =	vld [tilespmem:s31+$0x40]  }
0x13a: {  	v11 =	vld [tilespmem:s31+$0x50]  }
0x13b: {  	v12 =	vld [tilespmem:s31+$0x60]  }
0x13c: {  	v15 =	vld [tilespmem:s31+$0x70];
	_ =	sdelay $0x1  }
.Ltmp5:
0x13d: {  	v10 =	vadd.f32 v10, v4;
	(pc) =	sbr.rel @p0 .LBB2_9-.Ltmp5, $4  }
0x13e: {  	v11 =	vadd.f32 v11, v5  }
0x13f: {  	v12 =	vadd.f32 v12, v6;
	[tilespmem:v13+s21+$0x0] =	vst.idx.msk $0xffff, v10  }
0x140: {  	v10 =	vadd.f32 v15, v7;
	[tilespmem:v14+s21+$0x0] =	vst.idx.msk $0xffff, v11  }
0x141: {  	[tilespmem:v17+s21+$0x0] =	vst.idx.msk $0xffff, v12  }
0x142: {  	_ = 	snop  }
0x143: {  	s0 =	sshll.u32 s1, $0x12  }
0x144: {  	s0 =	sor.u32 s7, s0  }
0x145: {  	s0 =	sshrl.u32 s0, $0x3  }
0x146: {  	[tilespmem:v9+s21+$0x0] =	vst.idx.msk $0xffff, v10;
	s5 =	simm.s32 $0x10600;
	s1 =	sadd.s32 s2, s0  }
0x147: {  	[hbm4b:s1+s3] =	stream.linear.scatter [tilespmem:s5], [sflag:$0x6], $0x80, $0x38;
	[tilespmem:$0x15A00] =	vst v63  }
0x148: {  	s6 =	simm.s32 $0x10688;
	s9 =	sadd.s32 $0x10, s1  }
0x149: {  	[hbm4b:s9+s3] =	stream.linear.scatter [tilespmem:s6], [sflag:$0x6], $0x80, $0x38;
	[tilespmem:$0x15A00] =	vst v63  }
0x14a: {  	s11 =	simm.s32 $0x10710;
	s15 =	sadd.s32 $0x20, s1  }
0x14b: {  	[hbm4b:s15+s3] =	stream.linear.scatter [tilespmem:s11], [sflag:$0x6], $0x80, $0x38;
	[tilespmem:$0x15A00] =	vst v63  }
0x14c: {  	s5 =	simm.s32 $0x10798;
	s6 =	sadd.s32 $0x30, s1  }
0x14d: {  	[hbm4b:s6+s3] =	stream.linear.scatter [tilespmem:s5], [sflag:$0x6], $0x80, $0x38;
	[tilespmem:$0x15A00] =	vst v63  }
0x14e: {  	s11 =	simm.s32 $0x10820;
	s15 =	sadd.s32 $0x40, s1  }
0x14f: {  	[hbm4b:s15+s3] =	stream.linear.scatter [tilespmem:s11], [sflag:$0x6], $0x80, $0x38;
	[tilespmem:$0x15A00] =	vst v63  }
0x150: {  	s31 =	simm.s32 $0x109B8;
	s5 =	simm.s32 $0x108A8;
	s6 =	sadd.s32 $0x50, s1  }
0x151: {  	[hbm4b:s6+s3] =	stream.linear.scatter [tilespmem:s5], [sflag:$0x6], $0x80, $0x38;
	[tilespmem:$0x15A00] =	vst v63  }
0x152: {  	s0 =	simm.s32 $0x440;
	s11 =	simm.s32 $0x10930;
	s15 =	sadd.s32 $0x60, s1  }
0x153: {  	[hbm4b:s15+s3] =	stream.linear.scatter [tilespmem:s11], [sflag:$0x6], $0x80, $0x38;
	[tilespmem:$0x15A00] =	vst v63  }
0x154: {  	s9 =	simm.s32 $0x2200;
	s11 =	sadd.s32 $0x70, s1;
	s1 =	sadd.s32 $0x1000, s1  }
.LBB2_11:
0x155: {  	[hbm4b:s11+s3] =	stream.linear.scatter [tilespmem:s31], [sflag:$0x6], $0x80, $0x38;
	[tilespmem:$0x15A00] =	vst v63  }
0x156: {  	s11 =	smov.u32 s0;
	s0 =	smov.u32 s9  }
0x157: {  	s15 =	sadd.s32 $0x1100, s9;
	s0 =	sshra.s32 s0, $0x2;
	s31 =	sadd.s32 $0x10600, s11  }
0x158: {  	[hbm4b:s1+s3] =	stream.linear.scatter [tilespmem:s31], [sflag:$0x6], $0x80, $0x38;
	[tilespmem:$0x15A00] =	vst v63  }
0x159: {  	p0 =	sne.s32 s9, $0x7700;
	s9 =	sadd.s32 $0x10688, s11;
	s31 =	sadd.s32 $0x10, s1  }
0x15a: {  	[hbm4b:s31+s3] =	stream.linear.scatter [tilespmem:s9], [sflag:$0x6], $0x80, $0x38;
	[tilespmem:$0x15A00] =	vst v63  }
0x15b: {  	s9 =	sadd.s32 $0x10710, s11;
	s31 =	sadd.s32 $0x20, s1  }
0x15c: {  	[hbm4b:s31+s3] =	stream.linear.scatter [tilespmem:s9], [sflag:$0x6], $0x80, $0x38;
	[tilespmem:$0x15A00] =	vst v63  }
0x15d: {  	s9 =	sadd.s32 $0x10798, s11;
	s31 =	sadd.s32 $0x30, s1  }
0x15e: {  	[hbm4b:s31+s3] =	stream.linear.scatter [tilespmem:s9], [sflag:$0x6], $0x80, $0x38;
	[tilespmem:$0x15A00] =	vst v63  }
0x15f: {  	s9 =	sadd.s32 $0x10820, s11;
	s31 =	sadd.s32 $0x40, s1  }
0x160: {  	[hbm4b:s31+s3] =	stream.linear.scatter [tilespmem:s9], [sflag:$0x6], $0x80, $0x38;
	[tilespmem:$0x15A00] =	vst v63  }
0x161: {  	s9 =	sadd.s32 $0x108A8, s11;
	s31 =	sadd.s32 $0x50, s1  }
0x162: {  	[hbm4b:s31+s3] =	stream.linear.scatter [tilespmem:s9], [sflag:$0x6], $0x80, $0x38;
	[tilespmem:$0x15A00] =	vst v63  }
.Ltmp6:
0x163: {  	_ = 	snop;
	(pc) =	sbr.rel @p0 .LBB2_11-.Ltmp6, $4  }
0x164: {  	s9 =	sadd.s32 $0x10930, s11;
	s31 =	sadd.s32 $0x60, s1  }
0x165: {  	[hbm4b:s31+s3] =	stream.linear.scatter [tilespmem:s9], [sflag:$0x6], $0x80, $0x38;
	[tilespmem:$0x15A00] =	vst v63  }
0x166: {  	s31 =	sadd.s32 $0x109B8, s11  }
0x167: {  	s11 =	sadd.s32 $0x70, s1;
	s1 =	sadd.s32 $0x1000, s1;
	s9 =	smov.u32 s15  }
0x168: {  	[hbm4b:s11+s3] =	stream.linear.scatter [tilespmem:s31], [sflag:$0x6], $0x80, $0x38;
	[tilespmem:$0x15A00] =	vst v63  }
0x169: {  	s9 =	sadd.s32 $0x10600, s0  }
0x16a: {  	[hbm4b:s1+s3] =	stream.linear.scatter [tilespmem:s9], [sflag:$0x6], $0x80, $0x38;
	[tilespmem:$0x15A00] =	vst v63  }
0x16b: {  	s5 =	sadd.s32 $0x10688, s0;
	s6 =	sadd.s32 $0x10, s1  }
0x16c: {  	[hbm4b:s6+s3] =	stream.linear.scatter [tilespmem:s5], [sflag:$0x6], $0x80, $0x38;
	[tilespmem:$0x15A00] =	vst v63  }
0x16d: {  	s11 =	sadd.s32 $0x10710, s0;
	s15 =	sadd.s32 $0x20, s1  }
0x16e: {  	[hbm4b:s15+s3] =	stream.linear.scatter [tilespmem:s11], [sflag:$0x6], $0x80, $0x38;
	[tilespmem:$0x15A00] =	vst v63  }
0x16f: {  	s5 =	sadd.s32 $0x10798, s0;
	s6 =	sadd.s32 $0x30, s1  }
0x170: {  	[hbm4b:s6+s3] =	stream.linear.scatter [tilespmem:s5], [sflag:$0x6], $0x80, $0x38;
	[tilespmem:$0x15A00] =	vst v63  }
0x171: {  	s11 =	sadd.s32 $0x10820, s0;
	s15 =	sadd.s32 $0x40, s1  }
0x172: {  	[hbm4b:s15+s3] =	stream.linear.scatter [tilespmem:s11], [sflag:$0x6], $0x80, $0x38;
	[tilespmem:$0x15A00] =	vst v63  }
0x173: {  	s5 =	sadd.s32 $0x108A8, s0;
	s6 =	sadd.s32 $0x50, s1  }
0x174: {  	[hbm4b:s6+s3] =	stream.linear.scatter [tilespmem:s5], [sflag:$0x6], $0x80, $0x38;
	[tilespmem:$0x15A00] =	vst v63  }
0x175: {  	s31 =	sor.u32 $0x4, s29;
	s15 =	sadd.s32 $0x10930, s0;
	s5 =	sadd.s32 $0x60, s1  }
0x176: {  	[hbm4b:s5+s3] =	stream.linear.scatter [tilespmem:s15], [sflag:$0x6], $0x80, $0x38;
	[tilespmem:$0x15A00] =	vst v63  }
0x177: {  	s9 =	sadd.s32 $0x70, s1;
	s11 =	sshll.u32 s31, $0x7;
	s6 =	sadd.s32 $0x109B8, s0  }
0x178: {  	[hbm4b:s9+s3] =	stream.linear.scatter [tilespmem:s6], [sflag:$0x6], $0x80, $0x38;
	[tilespmem:$0x15A00] =	vst v63  }
0x179: {  	s0 =	sand.u32 $0x3FFFFF80, s11  }
0x17a: {  	[tilespmem:s13], [sflag:$0x1] =	stream.indirect.gather [hbm4b:s4+s12], $0x40, s0, s12, $0xb8;
	[tilespmem:$0x15A00] =	vst v63  }
0x17b: {  	_ =	swait.ge [sflag:s22], $0x2000  }
0x17c: {  	[sflag:s22] =	ssyncset.done $0x0  }
0x17d: {  	[sflag:s22] =	ssyncadd.s32 $0xFFFFE000  }
0x17e: {  	s1 =	sor.u32 $0x2, s29;
	_ =	swait.ge [sflag:s23], $0x2000  }
0x17f: {  	s15 =	sshll.u32 s1, $0x6;
	[sflag:s23] =	ssyncset.done $0x0  }
0x180: {  	s0 =	sand.u32 $0x3FFFFFC0, s15;
	[sflag:s23] =	ssyncadd.s32 $0xFFFFE000  }
0x181: {  	v4 =	vld [tilespmem:s0+$0x12800]  }
0x182: {  	v5 =	vld [tilespmem:s0+$0x12810]  }
0x183: {  	v6 =	vld [tilespmem:s0+$0x12820]  }
0x184: {  	v8 =	vimm.s32 $0x0;
	v7 =	vld [tilespmem:s0+$0x12830];
	s0 =	simm.s32 $0xA480  }
0x185: {  	v10 =	vand.u32 $0xFFFFFFF8, v8;
	v9 =	vld [tilespmem:s0+$0xFFFFFF80]  }
0x186: {  	v12 =	vand.u32 $0x4, v8;
	v13 =	vadd.s32 v0, v10;
	v11 =	vld [tilespmem:s0+$0xFFFFFF90]  }
0x187: {  	v14 =	vadd.s32 v1, v10;
	v16 =	vor.u32 v12, v13;
	v15 =	vld [tilespmem:s0+$0xFFFFFFA0]  }
0x188: {  	v17 =	vadd.s32 v2, v10;
	v19 =	vor.u32 v12, v14;
	v18 =	vld [tilespmem:s0+$0xFFFFFFB0]  }
0x189: {  	v10 =	vadd.s32 v3, v10;
	v20 =	vor.u32 v12, v17  }
0x18a: {  	v21 =	vor.u32 v12, v10;
	v9 =	vadd.f32 v9, v4  }
0x18b: {  	v11 =	vadd.f32 v11, v5  }
0x18c: {  	v15 =	vadd.f32 v15, v6;
	[tilespmem:v16+s18+$0x0] =	vst.idx.msk $0xffff, v9  }
0x18d: {  	v9 =	vadd.f32 v18, v7;
	[tilespmem:v19+s18+$0x0] =	vst.idx.msk $0xffff, v11  }
0x18e: {  	[tilespmem:v20+s18+$0x0] =	vst.idx.msk $0xffff, v15  }
0x18f: {  	[tilespmem:v21+s18+$0x0] =	vst.idx.msk $0xffff, v9  }
0x190: {  	v9 =	vld [tilespmem:s0+$0xFFFFFFC0]  }
0x191: {  	v11 =	vor.u32 $0x1, v12;
	v15 =	vld [tilespmem:s0+$0xFFFFFFD0]  }
0x192: {  	v53 =	vor.u32 v11, v13;
	v54 =	vld [tilespmem:s0+$0xFFFFFFE0]  }
0x193: {  	v55 =	vor.u32 v11, v14;
	v20 =	vld [tilespmem:s0+$0xFFFFFFF0]  }
0x194: {  	v56 =	vor.u32 v11, v17  }
0x195: {  	v11 =	vor.u32 v11, v10;
	v9 =	vadd.f32 v9, v4  }
0x196: {  	v15 =	vadd.f32 v15, v5  }
0x197: {  	v18 =	vadd.f32 v54, v6;
	[tilespmem:v53+s18+$0x0] =	vst.idx.msk $0xffff, v9  }
0x198: {  	v9 =	vadd.f32 v20, v7;
	[tilespmem:v55+s18+$0x0] =	vst.idx.msk $0xffff, v15  }
0x199: {  	[tilespmem:v56+s18+$0x0] =	vst.idx.msk $0xffff, v18  }
0x19a: {  	[tilespmem:v11+s18+$0x0] =	vst.idx.msk $0xffff, v9  }
0x19b: {  	v9 =	vld [tilespmem:s0+$0x0]  }
0x19c: {  	v11 =	vor.u32 $0x2, v12;
	v15 =	vld [tilespmem:s0+$0x10]  }
0x19d: {  	v57 =	vor.u32 v11, v13;
	v18 =	vld [tilespmem:s0+$0x20]  }
0x19e: {  	v58 =	vor.u32 v11, v14;
	v59 =	vld [tilespmem:s0+$0x30]  }
0x19f: {  	v60 =	vor.u32 v11, v17  }
0x1a0: {  	v11 =	vor.u32 v11, v10;
	v9 =	vadd.f32 v9, v4  }
0x1a1: {  	v15 =	vadd.f32 v15, v5  }
0x1a2: {  	v18 =	vadd.f32 v18, v6;
	[tilespmem:v57+s18+$0x0] =	vst.idx.msk $0xffff, v9  }
0x1a3: {  	v9 =	vadd.f32 v59, v7;
	[tilespmem:v58+s18+$0x0] =	vst.idx.msk $0xffff, v15  }
0x1a4: {  	[tilespmem:v60+s18+$0x0] =	vst.idx.msk $0xffff, v18  }
0x1a5: {  	[tilespmem:v11+s18+$0x0] =	vst.idx.msk $0xffff, v9  }
0x1a6: {  	v9 =	vld [tilespmem:s0+$0x40]  }
0x1a7: {  	v11 =	vor.u32 $0x3, v12  }
0x1a8: {  	v13 =	vor.u32 v11, v13  }
0x1a9: {  	v61 =	vld [tilespmem:s0+$0x50]  }
0x1aa: {  	v15 =	vld [tilespmem:s0+$0x60]  }
0x1ab: {  	v14 =	vor.u32 v11, v14;
	v63 =	vld [tilespmem:s0+$0x70];
	v9 =	vadd.f32 v9, v4  }
0x1ac: {  	v62 =	vor.u32 v11, v17  }
0x1ad: {  	[tilespmem:v13+s18+$0x0] =	vst.idx.msk $0xffff, v9;
	v9 =	vor.u32 v11, v10  }
0x1ae: {  	v12 =	vadd.f32 v61, v5  }
0x1af: {  	v15 =	vadd.f32 v15, v6  }
0x1b0: {  	v10 =	vadd.f32 v63, v7;
	[tilespmem:v14+s18+$0x0] =	vst.idx.msk $0xffff, v12  }
0x1b1: {  	s9 =	simm.s32 $0x0;
	[tilespmem:v62+s18+$0x0] =	vst.idx.msk $0xffff, v15  }
.LBB2_13:
0x1b2: {  	s9 =	sadd.s32 $0x4, s9;
	[tilespmem:v9+s18+$0x0] =	vst.idx.msk $0xffff, v10;
	v8 =	vadd.s32 $0x4, v8;
	s0 =	sadd.s32 $0x100, s0  }
0x1b3: {  	v9 =	vld [tilespmem:s0+$0xFFFFFF80];
	v10 =	vand.u32 $0xFFFFFFF8, v8;
	p0 =	slt.u32 s9, $0x7C  }
0x1b4: {  	v12 =	vand.u32 $0x4, v8;
	v11 =	vld [tilespmem:s0+$0xFFFFFF90];
	v13 =	vadd.s32 v0, v10;
	v14 =	vadd.s32 v1, v10  }
0x1b5: {  	v17 =	vadd.s32 v2, v10;
	v10 =	vadd.s32 v3, v10;
	v15 =	vld [tilespmem:s0+$0xFFFFFFA0];
	v16 =	vor.u32 v12, v13  }
0x1b6: {  	v19 =	vor.u32 v12, v14;
	v20 =	vor.u32 v12, v17;
	v21 =	vor.u32 v12, v10;
	v18 =	vld [tilespmem:s0+$0xFFFFFFB0]  }
0x1b7: {  	v22 =	vor.u32 $0x1, v12;
	v23 =	vor.u32 $0x2, v12;
	v12 =	vor.u32 $0x3, v12  }
0x1b8: {  	v24 =	vor.u32 v22, v13;
	v25 =	vor.u32 v22, v14;
	v9 =	vadd.f32 v9, v4  }
0x1b9: {  	v26 =	vor.u32 v22, v17;
	v22 =	vor.u32 v22, v10;
	v11 =	vadd.f32 v11, v5  }
0x1ba: {  	v15 =	vadd.f32 v15, v6;
	[tilespmem:v16+s18+$0x0] =	vst.idx.msk $0xffff, v9;
	v16 =	vor.u32 v23, v13  }
0x1bb: {  	v9 =	vadd.f32 v18, v7;
	[tilespmem:v19+s18+$0x0] =	vst.idx.msk $0xffff, v11;
	v11 =	vor.u32 v23, v14  }
0x1bc: {  	v18 =	vor.u32 v23, v10;
	[tilespmem:v20+s18+$0x0] =	vst.idx.msk $0xffff, v15;
	v15 =	vor.u32 v23, v17  }
0x1bd: {  	v13 =	vor.u32 v12, v13;
	v14 =	vor.u32 v12, v14;
	[tilespmem:v21+s18+$0x0] =	vst.idx.msk $0xffff, v9  }
0x1be: {  	v17 =	vor.u32 v12, v17;
	v9 =	vor.u32 v12, v10;
	v19 =	vld [tilespmem:s0+$0xFFFFFFC0]  }
0x1bf: {  	v10 =	vld [tilespmem:s0+$0xFFFFFFD0]  }
0x1c0: {  	v12 =	vld [tilespmem:s0+$0xFFFFFFE0]  }
0x1c1: {  	v20 =	vld [tilespmem:s0+$0xFFFFFFF0];
	_ =	sdelay $0x1  }
0x1c2: {  	v19 =	vadd.f32 v19, v4  }
0x1c3: {  	v10 =	vadd.f32 v10, v5  }
0x1c4: {  	v12 =	vadd.f32 v12, v6;
	[tilespmem:v24+s18+$0x0] =	vst.idx.msk $0xffff, v19  }
0x1c5: {  	v19 =	vadd.f32 v20, v7;
	[tilespmem:v25+s18+$0x0] =	vst.idx.msk $0xffff, v10  }
0x1c6: {  	[tilespmem:v26+s18+$0x0] =	vst.idx.msk $0xffff, v12  }
0x1c7: {  	[tilespmem:v22+s18+$0x0] =	vst.idx.msk $0xffff, v19  }
0x1c8: {  	v10 =	vld [tilespmem:s0+$0x0]  }
0x1c9: {  	v12 =	vld [tilespmem:s0+$0x10]  }
0x1ca: {  	v19 =	vld [tilespmem:s0+$0x20]  }
0x1cb: {  	v20 =	vld [tilespmem:s0+$0x30];
	_ =	sdelay $0x1  }
0x1cc: {  	v10 =	vadd.f32 v10, v4  }
0x1cd: {  	v12 =	vadd.f32 v12, v5  }
0x1ce: {  	v19 =	vadd.f32 v19, v6;
	[tilespmem:v16+s18+$0x0] =	vst.idx.msk $0xffff, v10  }
0x1cf: {  	v10 =	vadd.f32 v20, v7;
	[tilespmem:v11+s18+$0x0] =	vst.idx.msk $0xffff, v12  }
0x1d0: {  	[tilespmem:v15+s18+$0x0] =	vst.idx.msk $0xffff, v19  }
0x1d1: {  	[tilespmem:v18+s18+$0x0] =	vst.idx.msk $0xffff, v10  }
0x1d2: {  	v10 =	vld [tilespmem:s0+$0x40]  }
0x1d3: {  	v11 =	vld [tilespmem:s0+$0x50]  }
0x1d4: {  	v12 =	vld [tilespmem:s0+$0x60]  }
0x1d5: {  	v15 =	vld [tilespmem:s0+$0x70];
	_ =	sdelay $0x1  }
.Ltmp7:
0x1d6: {  	v10 =	vadd.f32 v10, v4;
	(pc) =	sbr.rel @p0 .LBB2_13-.Ltmp7, $4  }
0x1d7: {  	v11 =	vadd.f32 v11, v5  }
0x1d8: {  	v12 =	vadd.f32 v12, v6;
	[tilespmem:v13+s18+$0x0] =	vst.idx.msk $0xffff, v10  }
0x1d9: {  	v10 =	vadd.f32 v15, v7;
	[tilespmem:v14+s18+$0x0] =	vst.idx.msk $0xffff, v11  }
0x1da: {  	[tilespmem:v17+s18+$0x0] =	vst.idx.msk $0xffff, v12  }
0x1db: {  	_ = 	snop  }
0x1dc: {  	s0 =	sshll.u32 s1, $0x12  }
0x1dd: {  	s0 =	sor.u32 s7, s0  }
0x1de: {  	s0 =	sshrl.u32 s0, $0x3  }
0x1df: {  	[tilespmem:v9+s18+$0x0] =	vst.idx.msk $0xffff, v10;
	s5 =	simm.s32 $0xE400;
	s1 =	sadd.s32 s2, s0  }
0x1e0: {  	[hbm4b:s1+s3] =	stream.linear.scatter [tilespmem:s5], [sflag:$0x5], $0x80, $0x38;
	[tilespmem:$0x15A00] =	vst v63  }
0x1e1: {  	s6 =	simm.s32 $0xE488;
	s9 =	sadd.s32 $0x10, s1  }
0x1e2: {  	[hbm4b:s9+s3] =	stream.linear.scatter [tilespmem:s6], [sflag:$0x5], $0x80, $0x38;
	[tilespmem:$0x15A00] =	vst v63  }
0x1e3: {  	s11 =	simm.s32 $0xE510;
	s15 =	sadd.s32 $0x20, s1  }
0x1e4: {  	[hbm4b:s15+s3] =	stream.linear.scatter [tilespmem:s11], [sflag:$0x5], $0x80, $0x38;
	[tilespmem:$0x15A00] =	vst v63  }
0x1e5: {  	s5 =	simm.s32 $0xE598;
	s6 =	sadd.s32 $0x30, s1  }
0x1e6: {  	[hbm4b:s6+s3] =	stream.linear.scatter [tilespmem:s5], [sflag:$0x5], $0x80, $0x38;
	[tilespmem:$0x15A00] =	vst v63  }
0x1e7: {  	s11 =	simm.s32 $0xE620;
	s15 =	sadd.s32 $0x40, s1  }
0x1e8: {  	[hbm4b:s15+s3] =	stream.linear.scatter [tilespmem:s11], [sflag:$0x5], $0x80, $0x38;
	[tilespmem:$0x15A00] =	vst v63  }
0x1e9: {  	s0 =	simm.s32 $0x440;
	s5 =	simm.s32 $0xE6A8;
	s6 =	sadd.s32 $0x50, s1  }
0x1ea: {  	[hbm4b:s6+s3] =	stream.linear.scatter [tilespmem:s5], [sflag:$0x5], $0x80, $0x38;
	[tilespmem:$0x15A00] =	vst v63  }
0x1eb: {  	s9 =	simm.s32 $0x2200;
	s11 =	simm.s32 $0xE730;
	s15 =	sadd.s32 $0x60, s1  }
0x1ec: {  	[hbm4b:s15+s3] =	stream.linear.scatter [tilespmem:s11], [sflag:$0x5], $0x80, $0x38;
	[tilespmem:$0x15A00] =	vst v63  }
0x1ed: {  	s11 =	simm.s32 $0xE7B8;
	s15 =	sadd.s32 $0x70, s1;
	s1 =	sadd.s32 $0x1000, s1  }
.LBB2_15:
0x1ee: {  	[hbm4b:s15+s3] =	stream.linear.scatter [tilespmem:s11], [sflag:$0x5], $0x80, $0x38;
	[tilespmem:$0x15A00] =	vst v63  }
0x1ef: {  	s11 =	smov.u32 s0;
	s0 =	smov.u32 s9  }
0x1f0: {  	s5 =	sadd.s32 $0x1100, s9;
	s0 =	sshra.s32 s0, $0x2;
	s15 =	sadd.s32 $0xE400, s11  }
0x1f1: {  	[hbm4b:s1+s3] =	stream.linear.scatter [tilespmem:s15], [sflag:$0x5], $0x80, $0x38;
	[tilespmem:$0x15A00] =	vst v63  }
0x1f2: {  	p0 =	sne.s32 s9, $0x7700;
	s9 =	sadd.s32 $0xE488, s11;
	s15 =	sadd.s32 $0x10, s1  }
0x1f3: {  	[hbm4b:s15+s3] =	stream.linear.scatter [tilespmem:s9], [sflag:$0x5], $0x80, $0x38;
	[tilespmem:$0x15A00] =	vst v63  }
0x1f4: {  	s9 =	sadd.s32 $0xE510, s11;
	s15 =	sadd.s32 $0x20, s1  }
0x1f5: {  	[hbm4b:s15+s3] =	stream.linear.scatter [tilespmem:s9], [sflag:$0x5], $0x80, $0x38;
	[tilespmem:$0x15A00] =	vst v63  }
0x1f6: {  	s9 =	sadd.s32 $0xE598, s11;
	s15 =	sadd.s32 $0x30, s1  }
0x1f7: {  	[hbm4b:s15+s3] =	stream.linear.scatter [tilespmem:s9], [sflag:$0x5], $0x80, $0x38;
	[tilespmem:$0x15A00] =	vst v63  }
0x1f8: {  	s9 =	sadd.s32 $0xE620, s11;
	s15 =	sadd.s32 $0x40, s1  }
0x1f9: {  	[hbm4b:s15+s3] =	stream.linear.scatter [tilespmem:s9], [sflag:$0x5], $0x80, $0x38;
	[tilespmem:$0x15A00] =	vst v63  }
.Ltmp8:
0x1fa: {  	s9 =	sadd.s32 $0xE6A8, s11;
	s15 =	sadd.s32 $0x50, s1;
	(pc) =	sbr.rel @p0 .LBB2_15-.Ltmp8, $4  }
0x1fb: {  	[hbm4b:s15+s3] =	stream.linear.scatter [tilespmem:s9], [sflag:$0x5], $0x80, $0x38;
	[tilespmem:$0x15A00] =	vst v63  }
0x1fc: {  	s9 =	sadd.s32 $0xE730, s11;
	s15 =	sadd.s32 $0x60, s1;
	s11 =	sadd.s32 $0xE7B8, s11  }
0x1fd: {  	[hbm4b:s15+s3] =	stream.linear.scatter [tilespmem:s9], [sflag:$0x5], $0x80, $0x38;
	[tilespmem:$0x15A00] =	vst v63  }
0x1fe: {  	s15 =	sadd.s32 $0x70, s1;
	s1 =	sadd.s32 $0x1000, s1;
	s9 =	smov.u32 s5  }
0x1ff: {  	[hbm4b:s15+s3] =	stream.linear.scatter [tilespmem:s11], [sflag:$0x5], $0x80, $0x38;
	[tilespmem:$0x15A00] =	vst v63  }
0x200: {  	s5 =	sadd.s32 $0xE400, s0  }
0x201: {  	[hbm4b:s1+s3] =	stream.linear.scatter [tilespmem:s5], [sflag:$0x5], $0x80, $0x38;
	[tilespmem:$0x15A00] =	vst v63  }
0x202: {  	s6 =	sadd.s32 $0xE488, s0;
	s9 =	sadd.s32 $0x10, s1  }
0x203: {  	[hbm4b:s9+s3] =	stream.linear.scatter [tilespmem:s6], [sflag:$0x5], $0x80, $0x38;
	[tilespmem:$0x15A00] =	vst v63  }
0x204: {  	s11 =	sadd.s32 $0x20, s1;
	s9 =	sadd.s32 $0xE510, s0  }
0x205: {  	[hbm4b:s11+s3] =	stream.linear.scatter [tilespmem:s9], [sflag:$0x5], $0x80, $0x38;
	[tilespmem:$0x15A00] =	vst v63  }
0x206: {  	s15 =	sadd.s32 $0xE598, s0;
	s6 =	sadd.s32 $0x30, s1  }
0x207: {  	[hbm4b:s6+s3] =	stream.linear.scatter [tilespmem:s15], [sflag:$0x5], $0x80, $0x38;
	[tilespmem:$0x15A00] =	vst v63  }
0x208: {  	s9 =	sadd.s32 $0xE620, s0;
	s11 =	sadd.s32 $0x40, s1  }
0x209: {  	[hbm4b:s11+s3] =	stream.linear.scatter [tilespmem:s9], [sflag:$0x5], $0x80, $0x38;
	[tilespmem:$0x15A00] =	vst v63  }
0x20a: {  	s15 =	sadd.s32 $0xE6A8, s0;
	s6 =	sadd.s32 $0x50, s1;
	s11 =	sadd.s32 $0xE730, s0  }
0x20b: {  	[hbm4b:s6+s3] =	stream.linear.scatter [tilespmem:s15], [sflag:$0x5], $0x80, $0x38;
	[tilespmem:$0x15A00] =	vst v63  }
0x20c: {  	s9 =	sadd.s32 $0x70, s1;
	s15 =	sadd.s32 $0x60, s1;
	s1 =	sor.u32 $0x5, s29  }
0x20d: {  	[hbm4b:s15+s3] =	stream.linear.scatter [tilespmem:s11], [sflag:$0x5], $0x80, $0x38;
	[tilespmem:$0x15A00] =	vst v63  }
0x20e: {  	s6 =	sadd.s32 $0xE7B8, s0;
	s11 =	sshll.u32 s1, $0x7  }
0x20f: {  	[hbm4b:s9+s3] =	stream.linear.scatter [tilespmem:s6], [sflag:$0x5], $0x80, $0x38;
	[tilespmem:$0x15A00] =	vst v63  }
0x210: {  	s0 =	sand.u32 $0x3FFFFF80, s11  }
0x211: {  	[tilespmem:s14], [sflag:$0x2] =	stream.indirect.gather [hbm4b:s4+s12], $0x40, s0, s12, $0xb8;
	[tilespmem:$0x15A00] =	vst v63  }
0x212: {  	_ =	swait.ge [sflag:s24], $0x2000  }
0x213: {  	[sflag:s24] =	ssyncset.done $0x0  }
0x214: {  	[sflag:s24] =	ssyncadd.s32 $0xFFFFE000  }
0x215: {  	_ =	swait.ge [sflag:s25], $0x2000  }
0x216: {  	s15 =	sshll.u32 s30, $0x6;
	[sflag:s25] =	ssyncset.done $0x0  }
0x217: {  	s0 =	sand.u32 $0x3FFFFFC0, s15;
	[sflag:s25] =	ssyncadd.s32 $0xFFFFE000  }
0x218: {  	v4 =	vld [tilespmem:s0+$0x12800]  }
0x219: {  	v5 =	vld [tilespmem:s0+$0x12810]  }
0x21a: {  	v6 =	vld [tilespmem:s0+$0x12820]  }
0x21b: {  	v8 =	vimm.s32 $0x0;
	v7 =	vld [tilespmem:s0+$0x12830];
	s0 =	simm.s32 $0xC480  }
0x21c: {  	v10 =	vand.u32 $0xFFFFFFF8, v8;
	v9 =	vld [tilespmem:s0+$0xFFFFFF80]  }
0x21d: {  	v12 =	vand.u32 $0x4, v8;
	v13 =	vadd.s32 v0, v10;
	v11 =	vld [tilespmem:s0+$0xFFFFFF90]  }
0x21e: {  	v14 =	vadd.s32 v1, v10;
	v16 =	vor.u32 v12, v13;
	v15 =	vld [tilespmem:s0+$0xFFFFFFA0]  }
0x21f: {  	v17 =	vadd.s32 v2, v10;
	v19 =	vor.u32 v12, v14;
	v18 =	vld [tilespmem:s0+$0xFFFFFFB0]  }
0x220: {  	v10 =	vadd.s32 v3, v10;
	v20 =	vor.u32 v12, v17  }
0x221: {  	v21 =	vor.u32 v12, v10;
	v9 =	vadd.f32 v9, v4  }
0x222: {  	v11 =	vadd.f32 v11, v5  }
0x223: {  	v15 =	vadd.f32 v15, v6;
	[tilespmem:v16+s21+$0x0] =	vst.idx.msk $0xffff, v9  }
0x224: {  	v9 =	vadd.f32 v18, v7;
	[tilespmem:v19+s21+$0x0] =	vst.idx.msk $0xffff, v11  }
0x225: {  	[tilespmem:v20+s21+$0x0] =	vst.idx.msk $0xffff, v15  }
0x226: {  	[tilespmem:v21+s21+$0x0] =	vst.idx.msk $0xffff, v9  }
0x227: {  	v9 =	vld [tilespmem:s0+$0xFFFFFFC0]  }
0x228: {  	v11 =	vor.u32 $0x1, v12;
	v15 =	vld [tilespmem:s0+$0xFFFFFFD0]  }
0x229: {  	v53 =	vor.u32 v11, v13;
	v54 =	vld [tilespmem:s0+$0xFFFFFFE0]  }
0x22a: {  	v55 =	vor.u32 v11, v14;
	v20 =	vld [tilespmem:s0+$0xFFFFFFF0]  }
0x22b: {  	v56 =	vor.u32 v11, v17  }
0x22c: {  	v11 =	vor.u32 v11, v10;
	v9 =	vadd.f32 v9, v4  }
0x22d: {  	v15 =	vadd.f32 v15, v5  }
0x22e: {  	v18 =	vadd.f32 v54, v6;
	[tilespmem:v53+s21+$0x0] =	vst.idx.msk $0xffff, v9  }
0x22f: {  	v9 =	vadd.f32 v20, v7;
	[tilespmem:v55+s21+$0x0] =	vst.idx.msk $0xffff, v15  }
0x230: {  	[tilespmem:v56+s21+$0x0] =	vst.idx.msk $0xffff, v18  }
0x231: {  	[tilespmem:v11+s21+$0x0] =	vst.idx.msk $0xffff, v9  }
0x232: {  	v9 =	vld [tilespmem:s0+$0x0]  }
0x233: {  	v11 =	vor.u32 $0x2, v12;
	v15 =	vld [tilespmem:s0+$0x10]  }
0x234: {  	v57 =	vor.u32 v11, v13;
	v18 =	vld [tilespmem:s0+$0x20]  }
0x235: {  	v58 =	vor.u32 v11, v14;
	v59 =	vld [tilespmem:s0+$0x30]  }
0x236: {  	v60 =	vor.u32 v11, v17  }
0x237: {  	v11 =	vor.u32 v11, v10;
	v9 =	vadd.f32 v9, v4  }
0x238: {  	v15 =	vadd.f32 v15, v5  }
0x239: {  	v18 =	vadd.f32 v18, v6;
	[tilespmem:v57+s21+$0x0] =	vst.idx.msk $0xffff, v9  }
0x23a: {  	v9 =	vadd.f32 v59, v7;
	[tilespmem:v58+s21+$0x0] =	vst.idx.msk $0xffff, v15  }
0x23b: {  	[tilespmem:v60+s21+$0x0] =	vst.idx.msk $0xffff, v18  }
0x23c: {  	[tilespmem:v11+s21+$0x0] =	vst.idx.msk $0xffff, v9  }
0x23d: {  	v9 =	vld [tilespmem:s0+$0x40]  }
0x23e: {  	v11 =	vor.u32 $0x3, v12  }
0x23f: {  	v13 =	vor.u32 v11, v13  }
0x240: {  	v61 =	vld [tilespmem:s0+$0x50]  }
0x241: {  	v15 =	vld [tilespmem:s0+$0x60]  }
0x242: {  	v14 =	vor.u32 v11, v14;
	v63 =	vld [tilespmem:s0+$0x70];
	v9 =	vadd.f32 v9, v4  }
0x243: {  	v62 =	vor.u32 v11, v17  }
0x244: {  	[tilespmem:v13+s21+$0x0] =	vst.idx.msk $0xffff, v9;
	v9 =	vor.u32 v11, v10  }
0x245: {  	v12 =	vadd.f32 v61, v5  }
0x246: {  	v15 =	vadd.f32 v15, v6  }
0x247: {  	v10 =	vadd.f32 v63, v7;
	[tilespmem:v14+s21+$0x0] =	vst.idx.msk $0xffff, v12  }
0x248: {  	s9 =	simm.s32 $0x0;
	[tilespmem:v62+s21+$0x0] =	vst.idx.msk $0xffff, v15  }
.LBB2_17:
0x249: {  	s9 =	sadd.s32 $0x4, s9;
	[tilespmem:v9+s21+$0x0] =	vst.idx.msk $0xffff, v10;
	v8 =	vadd.s32 $0x4, v8;
	s0 =	sadd.s32 $0x100, s0  }
0x24a: {  	v9 =	vld [tilespmem:s0+$0xFFFFFF80];
	v10 =	vand.u32 $0xFFFFFFF8, v8;
	p0 =	slt.u32 s9, $0x7C  }
0x24b: {  	v12 =	vand.u32 $0x4, v8;
	v11 =	vld [tilespmem:s0+$0xFFFFFF90];
	v13 =	vadd.s32 v0, v10;
	v14 =	vadd.s32 v1, v10  }
0x24c: {  	v17 =	vadd.s32 v2, v10;
	v10 =	vadd.s32 v3, v10;
	v15 =	vld [tilespmem:s0+$0xFFFFFFA0];
	v16 =	vor.u32 v12, v13  }
0x24d: {  	v19 =	vor.u32 v12, v14;
	v20 =	vor.u32 v12, v17;
	v21 =	vor.u32 v12, v10;
	v18 =	vld [tilespmem:s0+$0xFFFFFFB0]  }
0x24e: {  	v22 =	vor.u32 $0x1, v12;
	v23 =	vor.u32 $0x2, v12;
	v12 =	vor.u32 $0x3, v12  }
0x24f: {  	v24 =	vor.u32 v22, v13;
	v25 =	vor.u32 v22, v14;
	v9 =	vadd.f32 v9, v4  }
0x250: {  	v26 =	vor.u32 v22, v17;
	v22 =	vor.u32 v22, v10;
	v11 =	vadd.f32 v11, v5  }
0x251: {  	v15 =	vadd.f32 v15, v6;
	[tilespmem:v16+s21+$0x0] =	vst.idx.msk $0xffff, v9;
	v16 =	vor.u32 v23, v13  }
0x252: {  	v9 =	vadd.f32 v18, v7;
	[tilespmem:v19+s21+$0x0] =	vst.idx.msk $0xffff, v11;
	v11 =	vor.u32 v23, v14  }
0x253: {  	v18 =	vor.u32 v23, v10;
	[tilespmem:v20+s21+$0x0] =	vst.idx.msk $0xffff, v15;
	v15 =	vor.u32 v23, v17  }
0x254: {  	v13 =	vor.u32 v12, v13;
	v14 =	vor.u32 v12, v14;
	[tilespmem:v21+s21+$0x0] =	vst.idx.msk $0xffff, v9  }
0x255: {  	v17 =	vor.u32 v12, v17;
	v9 =	vor.u32 v12, v10;
	v19 =	vld [tilespmem:s0+$0xFFFFFFC0]  }
0x256: {  	v10 =	vld [tilespmem:s0+$0xFFFFFFD0]  }
0x257: {  	v12 =	vld [tilespmem:s0+$0xFFFFFFE0]  }
0x258: {  	v20 =	vld [tilespmem:s0+$0xFFFFFFF0];
	_ =	sdelay $0x1  }
0x259: {  	v19 =	vadd.f32 v19, v4  }
0x25a: {  	v10 =	vadd.f32 v10, v5  }
0x25b: {  	v12 =	vadd.f32 v12, v6;
	[tilespmem:v24+s21+$0x0] =	vst.idx.msk $0xffff, v19  }
0x25c: {  	v19 =	vadd.f32 v20, v7;
	[tilespmem:v25+s21+$0x0] =	vst.idx.msk $0xffff, v10  }
0x25d: {  	[tilespmem:v26+s21+$0x0] =	vst.idx.msk $0xffff, v12  }
0x25e: {  	[tilespmem:v22+s21+$0x0] =	vst.idx.msk $0xffff, v19  }
0x25f: {  	v10 =	vld [tilespmem:s0+$0x0]  }
0x260: {  	v12 =	vld [tilespmem:s0+$0x10]  }
0x261: {  	v19 =	vld [tilespmem:s0+$0x20]  }
0x262: {  	v20 =	vld [tilespmem:s0+$0x30];
	_ =	sdelay $0x1  }
0x263: {  	v10 =	vadd.f32 v10, v4  }
0x264: {  	v12 =	vadd.f32 v12, v5  }
0x265: {  	v19 =	vadd.f32 v19, v6;
	[tilespmem:v16+s21+$0x0] =	vst.idx.msk $0xffff, v10  }
0x266: {  	v10 =	vadd.f32 v20, v7;
	[tilespmem:v11+s21+$0x0] =	vst.idx.msk $0xffff, v12  }
0x267: {  	[tilespmem:v15+s21+$0x0] =	vst.idx.msk $0xffff, v19  }
0x268: {  	[tilespmem:v18+s21+$0x0] =	vst.idx.msk $0xffff, v10  }
0x269: {  	v10 =	vld [tilespmem:s0+$0x40]  }
0x26a: {  	v11 =	vld [tilespmem:s0+$0x50]  }
0x26b: {  	v12 =	vld [tilespmem:s0+$0x60]  }
0x26c: {  	v15 =	vld [tilespmem:s0+$0x70];
	_ =	sdelay $0x1  }
.Ltmp9:
0x26d: {  	v10 =	vadd.f32 v10, v4;
	(pc) =	sbr.rel @p0 .LBB2_17-.Ltmp9, $4  }
0x26e: {  	v11 =	vadd.f32 v11, v5  }
0x26f: {  	v12 =	vadd.f32 v12, v6;
	[tilespmem:v13+s21+$0x0] =	vst.idx.msk $0xffff, v10  }
0x270: {  	v10 =	vadd.f32 v15, v7;
	[tilespmem:v14+s21+$0x0] =	vst.idx.msk $0xffff, v11  }
0x271: {  	[tilespmem:v17+s21+$0x0] =	vst.idx.msk $0xffff, v12  }
0x272: {  	_ = 	snop  }
0x273: {  	s0 =	sshll.u32 s30, $0x12  }
0x274: {  	s0 =	sor.u32 s7, s0  }
0x275: {  	s0 =	sshrl.u32 s0, $0x3  }
0x276: {  	[tilespmem:v9+s21+$0x0] =	vst.idx.msk $0xffff, v10;
	s15 =	simm.s32 $0x10600;
	s5 =	sadd.s32 s2, s0  }
0x277: {  	[hbm4b:s5+s3] =	stream.linear.scatter [tilespmem:s15], [sflag:$0x6], $0x80, $0x38;
	[tilespmem:$0x15A00] =	vst v63  }
0x278: {  	s6 =	simm.s32 $0x10688;
	s9 =	sadd.s32 $0x10, s5  }
0x279: {  	[hbm4b:s9+s3] =	stream.linear.scatter [tilespmem:s6], [sflag:$0x6], $0x80, $0x38;
	[tilespmem:$0x15A00] =	vst v63  }
0x27a: {  	s11 =	sadd.s32 $0x20, s5;
	s9 =	simm.s32 $0x10710  }
0x27b: {  	[hbm4b:s11+s3] =	stream.linear.scatter [tilespmem:s9], [sflag:$0x6], $0x80, $0x38;
	[tilespmem:$0x15A00] =	vst v63  }
0x27c: {  	s15 =	simm.s32 $0x10798;
	s6 =	sadd.s32 $0x30, s5  }
0x27d: {  	[hbm4b:s6+s3] =	stream.linear.scatter [tilespmem:s15], [sflag:$0x6], $0x80, $0x38;
	[tilespmem:$0x15A00] =	vst v63  }
0x27e: {  	s9 =	simm.s32 $0x10820;
	s11 =	sadd.s32 $0x40, s5  }
0x27f: {  	[hbm4b:s11+s3] =	stream.linear.scatter [tilespmem:s9], [sflag:$0x6], $0x80, $0x38;
	[tilespmem:$0x15A00] =	vst v63  }
0x280: {  	s30 =	simm.s32 $0x2200;
	s15 =	simm.s32 $0x108A8;
	s6 =	sadd.s32 $0x50, s5  }
0x281: {  	[hbm4b:s6+s3] =	stream.linear.scatter [tilespmem:s15], [sflag:$0x6], $0x80, $0x38;
	[tilespmem:$0x15A00] =	vst v63  }
0x282: {  	s0 =	simm.s32 $0x440;
	s11 =	simm.s32 $0x10930;
	s15 =	sadd.s32 $0x60, s5  }
0x283: {  	[hbm4b:s15+s3] =	stream.linear.scatter [tilespmem:s11], [sflag:$0x6], $0x80, $0x38;
	[tilespmem:$0x15A00] =	vst v63  }
0x284: {  	s9 =	sadd.s32 $0x1000, s5;
	s11 =	simm.s32 $0x109B8;
	s15 =	sadd.s32 $0x70, s5  }
.LBB2_19:
0x285: {  	[hbm4b:s15+s3] =	stream.linear.scatter [tilespmem:s11], [sflag:$0x6], $0x80, $0x38;
	[tilespmem:$0x15A00] =	vst v63  }
0x286: {  	s5 =	smov.u32 s0;
	s0 =	smov.u32 s30  }
0x287: {  	s6 =	sadd.s32 $0x1100, s30;
	s0 =	sshra.s32 s0, $0x2;
	s11 =	sadd.s32 $0x10600, s5  }
0x288: {  	[hbm4b:s9+s3] =	stream.linear.scatter [tilespmem:s11], [sflag:$0x6], $0x80, $0x38;
	[tilespmem:$0x15A00] =	vst v63  }
0x289: {  	p0 =	sne.s32 s30, $0x7700;
	s15 =	sadd.s32 $0x10, s9;
	s11 =	sadd.s32 $0x10688, s5  }
0x28a: {  	[hbm4b:s15+s3] =	stream.linear.scatter [tilespmem:s11], [sflag:$0x6], $0x80, $0x38;
	[tilespmem:$0x15A00] =	vst v63  }
0x28b: {  	s11 =	sadd.s32 $0x10710, s5;
	s15 =	sadd.s32 $0x20, s9  }
0x28c: {  	[hbm4b:s15+s3] =	stream.linear.scatter [tilespmem:s11], [sflag:$0x6], $0x80, $0x38;
	[tilespmem:$0x15A00] =	vst v63  }
0x28d: {  	s11 =	sadd.s32 $0x10798, s5;
	s15 =	sadd.s32 $0x30, s9  }
0x28e: {  	[hbm4b:s15+s3] =	stream.linear.scatter [tilespmem:s11], [sflag:$0x6], $0x80, $0x38;
	[tilespmem:$0x15A00] =	vst v63  }
0x28f: {  	s11 =	sadd.s32 $0x10820, s5;
	s15 =	sadd.s32 $0x40, s9  }
0x290: {  	[hbm4b:s15+s3] =	stream.linear.scatter [tilespmem:s11], [sflag:$0x6], $0x80, $0x38;
	[tilespmem:$0x15A00] =	vst v63  }
.Ltmp10:
0x291: {  	s11 =	sadd.s32 $0x108A8, s5;
	s15 =	sadd.s32 $0x50, s9;
	(pc) =	sbr.rel @p0 .LBB2_19-.Ltmp10, $4  }
0x292: {  	[hbm4b:s15+s3] =	stream.linear.scatter [tilespmem:s11], [sflag:$0x6], $0x80, $0x38;
	[tilespmem:$0x15A00] =	vst v63  }
0x293: {  	s30 =	smov.u32 s6;
	s11 =	sadd.s32 $0x10930, s5;
	s15 =	sadd.s32 $0x60, s9  }
0x294: {  	[hbm4b:s15+s3] =	stream.linear.scatter [tilespmem:s11], [sflag:$0x6], $0x80, $0x38;
	[tilespmem:$0x15A00] =	vst v63  }
0x295: {  	s11 =	sadd.s32 $0x109B8, s5;
	s15 =	sadd.s32 $0x70, s9;
	s9 =	sadd.s32 $0x1000, s9  }
0x296: {  	[hbm4b:s15+s3] =	stream.linear.scatter [tilespmem:s11], [sflag:$0x6], $0x80, $0x38;
	[tilespmem:$0x15A00] =	vst v63  }
0x297: {  	s5 =	sadd.s32 $0x10600, s0  }
0x298: {  	[hbm4b:s9+s3] =	stream.linear.scatter [tilespmem:s5], [sflag:$0x6], $0x80, $0x38;
	[tilespmem:$0x15A00] =	vst v63  }
0x299: {  	s15 =	sadd.s32 $0x10688, s0;
	s6 =	sadd.s32 $0x10, s9  }
0x29a: {  	[hbm4b:s6+s3] =	stream.linear.scatter [tilespmem:s15], [sflag:$0x6], $0x80, $0x38;
	[tilespmem:$0x15A00] =	vst v63  }
0x29b: {  	s11 =	sadd.s32 $0x10710, s0;
	s15 =	sadd.s32 $0x20, s9  }
0x29c: {  	[hbm4b:s15+s3] =	stream.linear.scatter [tilespmem:s11], [sflag:$0x6], $0x80, $0x38;
	[tilespmem:$0x15A00] =	vst v63  }
0x29d: {  	s11 =	sadd.s32 $0x10798, s0;
	s15 =	sadd.s32 $0x30, s9  }
0x29e: {  	[hbm4b:s15+s3] =	stream.linear.scatter [tilespmem:s11], [sflag:$0x6], $0x80, $0x38;
	[tilespmem:$0x15A00] =	vst v63  }
0x29f: {  	s11 =	sadd.s32 $0x10820, s0;
	s15 =	sadd.s32 $0x40, s9  }
0x2a0: {  	[hbm4b:s15+s3] =	stream.linear.scatter [tilespmem:s11], [sflag:$0x6], $0x80, $0x38;
	[tilespmem:$0x15A00] =	vst v63  }
0x2a1: {  	s11 =	sadd.s32 $0x108A8, s0;
	s15 =	sadd.s32 $0x50, s9  }
0x2a2: {  	[hbm4b:s15+s3] =	stream.linear.scatter [tilespmem:s11], [sflag:$0x6], $0x80, $0x38;
	[tilespmem:$0x15A00] =	vst v63  }
0x2a3: {  	s30 =	sor.u32 $0x6, s29;
	s11 =	sadd.s32 $0x10930, s0;
	s15 =	sadd.s32 $0x60, s9  }
0x2a4: {  	[hbm4b:s15+s3] =	stream.linear.scatter [tilespmem:s11], [sflag:$0x6], $0x80, $0x38;
	[tilespmem:$0x15A00] =	vst v63  }
0x2a5: {  	s6 =	sadd.s32 $0x109B8, s0;
	s9 =	sadd.s32 $0x70, s9;
	s11 =	sshll.u32 s30, $0x7  }
0x2a6: {  	[hbm4b:s9+s3] =	stream.linear.scatter [tilespmem:s6], [sflag:$0x6], $0x80, $0x38;
	[tilespmem:$0x15A00] =	vst v63  }
0x2a7: {  	s0 =	sand.u32 $0x3FFFFF80, s11  }
0x2a8: {  	[tilespmem:s16], [sflag:$0x3] =	stream.indirect.gather [hbm4b:s4+s12], $0x40, s0, s12, $0xb8;
	[tilespmem:$0x15A00] =	vst v63  }
0x2a9: {  	_ =	swait.ge [sflag:s17], $0x2000  }
0x2aa: {  	[sflag:s17] =	ssyncset.done $0x0  }
0x2ab: {  	[sflag:s17] =	ssyncadd.s32 $0xFFFFE000  }
0x2ac: {  	_ =	swait.ge [sflag:s23], $0x2000  }
0x2ad: {  	s15 =	sshll.u32 s31, $0x6;
	[sflag:s23] =	ssyncset.done $0x0  }
0x2ae: {  	s0 =	sand.u32 $0x3FFFFFC0, s15;
	[sflag:s23] =	ssyncadd.s32 $0xFFFFE000  }
0x2af: {  	v4 =	vld [tilespmem:s0+$0x12800]  }
0x2b0: {  	v5 =	vld [tilespmem:s0+$0x12810]  }
0x2b1: {  	v6 =	vld [tilespmem:s0+$0x12820]  }
0x2b2: {  	v8 =	vimm.s32 $0x0;
	v7 =	vld [tilespmem:s0+$0x12830];
	s0 =	simm.s32 $0x6480  }
0x2b3: {  	v10 =	vand.u32 $0xFFFFFFF8, v8;
	v9 =	vld [tilespmem:s0+$0xFFFFFF80]  }
0x2b4: {  	v12 =	vand.u32 $0x4, v8;
	v13 =	vadd.s32 v0, v10;
	v11 =	vld [tilespmem:s0+$0xFFFFFF90]  }
0x2b5: {  	v14 =	vadd.s32 v1, v10;
	v16 =	vor.u32 v12, v13;
	v15 =	vld [tilespmem:s0+$0xFFFFFFA0]  }
0x2b6: {  	v17 =	vadd.s32 v2, v10;
	v19 =	vor.u32 v12, v14;
	v18 =	vld [tilespmem:s0+$0xFFFFFFB0]  }
0x2b7: {  	v10 =	vadd.s32 v3, v10;
	v20 =	vor.u32 v12, v17  }
0x2b8: {  	v21 =	vor.u32 v12, v10;
	v9 =	vadd.f32 v9, v4  }
0x2b9: {  	v11 =	vadd.f32 v11, v5  }
0x2ba: {  	v15 =	vadd.f32 v15, v6;
	[tilespmem:v16+s18+$0x0] =	vst.idx.msk $0xffff, v9  }
0x2bb: {  	v9 =	vadd.f32 v18, v7;
	[tilespmem:v19+s18+$0x0] =	vst.idx.msk $0xffff, v11  }
0x2bc: {  	[tilespmem:v20+s18+$0x0] =	vst.idx.msk $0xffff, v15  }
0x2bd: {  	[tilespmem:v21+s18+$0x0] =	vst.idx.msk $0xffff, v9  }
0x2be: {  	v9 =	vld [tilespmem:s0+$0xFFFFFFC0]  }
0x2bf: {  	v11 =	vor.u32 $0x1, v12;
	v15 =	vld [tilespmem:s0+$0xFFFFFFD0]  }
0x2c0: {  	v53 =	vor.u32 v11, v13;
	v54 =	vld [tilespmem:s0+$0xFFFFFFE0]  }
0x2c1: {  	v55 =	vor.u32 v11, v14;
	v20 =	vld [tilespmem:s0+$0xFFFFFFF0]  }
0x2c2: {  	v56 =	vor.u32 v11, v17  }
0x2c3: {  	v11 =	vor.u32 v11, v10;
	v9 =	vadd.f32 v9, v4  }
0x2c4: {  	v15 =	vadd.f32 v15, v5  }
0x2c5: {  	v18 =	vadd.f32 v54, v6;
	[tilespmem:v53+s18+$0x0] =	vst.idx.msk $0xffff, v9  }
0x2c6: {  	v9 =	vadd.f32 v20, v7;
	[tilespmem:v55+s18+$0x0] =	vst.idx.msk $0xffff, v15  }
0x2c7: {  	[tilespmem:v56+s18+$0x0] =	vst.idx.msk $0xffff, v18  }
0x2c8: {  	[tilespmem:v11+s18+$0x0] =	vst.idx.msk $0xffff, v9  }
0x2c9: {  	v9 =	vld [tilespmem:s0+$0x0]  }
0x2ca: {  	v11 =	vor.u32 $0x2, v12;
	v15 =	vld [tilespmem:s0+$0x10]  }
0x2cb: {  	v57 =	vor.u32 v11, v13;
	v18 =	vld [tilespmem:s0+$0x20]  }
0x2cc: {  	v58 =	vor.u32 v11, v14;
	v59 =	vld [tilespmem:s0+$0x30]  }
0x2cd: {  	v60 =	vor.u32 v11, v17  }
0x2ce: {  	v11 =	vor.u32 v11, v10;
	v9 =	vadd.f32 v9, v4  }
0x2cf: {  	v15 =	vadd.f32 v15, v5  }
0x2d0: {  	v18 =	vadd.f32 v18, v6;
	[tilespmem:v57+s18+$0x0] =	vst.idx.msk $0xffff, v9  }
0x2d1: {  	v9 =	vadd.f32 v59, v7;
	[tilespmem:v58+s18+$0x0] =	vst.idx.msk $0xffff, v15  }
0x2d2: {  	[tilespmem:v60+s18+$0x0] =	vst.idx.msk $0xffff, v18  }
0x2d3: {  	[tilespmem:v11+s18+$0x0] =	vst.idx.msk $0xffff, v9  }
0x2d4: {  	v9 =	vld [tilespmem:s0+$0x40]  }
0x2d5: {  	v11 =	vor.u32 $0x3, v12  }
0x2d6: {  	v13 =	vor.u32 v11, v13  }
0x2d7: {  	v61 =	vld [tilespmem:s0+$0x50]  }
0x2d8: {  	v15 =	vld [tilespmem:s0+$0x60]  }
0x2d9: {  	v14 =	vor.u32 v11, v14;
	v63 =	vld [tilespmem:s0+$0x70];
	v9 =	vadd.f32 v9, v4  }
0x2da: {  	v62 =	vor.u32 v11, v17  }
0x2db: {  	[tilespmem:v13+s18+$0x0] =	vst.idx.msk $0xffff, v9;
	v9 =	vor.u32 v11, v10  }
0x2dc: {  	v12 =	vadd.f32 v61, v5  }
0x2dd: {  	v15 =	vadd.f32 v15, v6  }
0x2de: {  	v10 =	vadd.f32 v63, v7;
	[tilespmem:v14+s18+$0x0] =	vst.idx.msk $0xffff, v12  }
0x2df: {  	s9 =	simm.s32 $0x0;
	[tilespmem:v62+s18+$0x0] =	vst.idx.msk $0xffff, v15  }
.LBB2_21:
0x2e0: {  	s9 =	sadd.s32 $0x4, s9;
	[tilespmem:v9+s18+$0x0] =	vst.idx.msk $0xffff, v10;
	v8 =	vadd.s32 $0x4, v8;
	s0 =	sadd.s32 $0x100, s0  }
0x2e1: {  	v9 =	vld [tilespmem:s0+$0xFFFFFF80];
	v10 =	vand.u32 $0xFFFFFFF8, v8;
	p0 =	slt.u32 s9, $0x7C  }
0x2e2: {  	v12 =	vand.u32 $0x4, v8;
	v11 =	vld [tilespmem:s0+$0xFFFFFF90];
	v13 =	vadd.s32 v0, v10;
	v14 =	vadd.s32 v1, v10  }
0x2e3: {  	v17 =	vadd.s32 v2, v10;
	v10 =	vadd.s32 v3, v10;
	v15 =	vld [tilespmem:s0+$0xFFFFFFA0];
	v16 =	vor.u32 v12, v13  }
0x2e4: {  	v19 =	vor.u32 v12, v14;
	v20 =	vor.u32 v12, v17;
	v21 =	vor.u32 v12, v10;
	v18 =	vld [tilespmem:s0+$0xFFFFFFB0]  }
0x2e5: {  	v22 =	vor.u32 $0x1, v12;
	v23 =	vor.u32 $0x2, v12;
	v12 =	vor.u32 $0x3, v12  }
0x2e6: {  	v24 =	vor.u32 v22, v13;
	v25 =	vor.u32 v22, v14;
	v9 =	vadd.f32 v9, v4  }
0x2e7: {  	v26 =	vor.u32 v22, v17;
	v22 =	vor.u32 v22, v10;
	v11 =	vadd.f32 v11, v5  }
0x2e8: {  	v15 =	vadd.f32 v15, v6;
	[tilespmem:v16+s18+$0x0] =	vst.idx.msk $0xffff, v9;
	v16 =	vor.u32 v23, v13  }
0x2e9: {  	v9 =	vadd.f32 v18, v7;
	[tilespmem:v19+s18+$0x0] =	vst.idx.msk $0xffff, v11;
	v11 =	vor.u32 v23, v14  }
0x2ea: {  	v18 =	vor.u32 v23, v10;
	[tilespmem:v20+s18+$0x0] =	vst.idx.msk $0xffff, v15;
	v15 =	vor.u32 v23, v17  }
0x2eb: {  	v13 =	vor.u32 v12, v13;
	v14 =	vor.u32 v12, v14;
	[tilespmem:v21+s18+$0x0] =	vst.idx.msk $0xffff, v9  }
0x2ec: {  	v17 =	vor.u32 v12, v17;
	v9 =	vor.u32 v12, v10;
	v19 =	vld [tilespmem:s0+$0xFFFFFFC0]  }
0x2ed: {  	v10 =	vld [tilespmem:s0+$0xFFFFFFD0]  }
0x2ee: {  	v12 =	vld [tilespmem:s0+$0xFFFFFFE0]  }
0x2ef: {  	v20 =	vld [tilespmem:s0+$0xFFFFFFF0];
	_ =	sdelay $0x1  }
0x2f0: {  	v19 =	vadd.f32 v19, v4  }
0x2f1: {  	v10 =	vadd.f32 v10, v5  }
0x2f2: {  	v12 =	vadd.f32 v12, v6;
	[tilespmem:v24+s18+$0x0] =	vst.idx.msk $0xffff, v19  }
0x2f3: {  	v19 =	vadd.f32 v20, v7;
	[tilespmem:v25+s18+$0x0] =	vst.idx.msk $0xffff, v10  }
0x2f4: {  	[tilespmem:v26+s18+$0x0] =	vst.idx.msk $0xffff, v12  }
0x2f5: {  	[tilespmem:v22+s18+$0x0] =	vst.idx.msk $0xffff, v19  }
0x2f6: {  	v10 =	vld [tilespmem:s0+$0x0]  }
0x2f7: {  	v12 =	vld [tilespmem:s0+$0x10]  }
0x2f8: {  	v19 =	vld [tilespmem:s0+$0x20]  }
0x2f9: {  	v20 =	vld [tilespmem:s0+$0x30];
	_ =	sdelay $0x1  }
0x2fa: {  	v10 =	vadd.f32 v10, v4  }
0x2fb: {  	v12 =	vadd.f32 v12, v5  }
0x2fc: {  	v19 =	vadd.f32 v19, v6;
	[tilespmem:v16+s18+$0x0] =	vst.idx.msk $0xffff, v10  }
0x2fd: {  	v10 =	vadd.f32 v20, v7;
	[tilespmem:v11+s18+$0x0] =	vst.idx.msk $0xffff, v12  }
0x2fe: {  	[tilespmem:v15+s18+$0x0] =	vst.idx.msk $0xffff, v19  }
0x2ff: {  	[tilespmem:v18+s18+$0x0] =	vst.idx.msk $0xffff, v10  }
0x300: {  	v10 =	vld [tilespmem:s0+$0x40]  }
0x301: {  	v11 =	vld [tilespmem:s0+$0x50]  }
0x302: {  	v12 =	vld [tilespmem:s0+$0x60]  }
0x303: {  	v15 =	vld [tilespmem:s0+$0x70];
	_ =	sdelay $0x1  }
.Ltmp11:
0x304: {  	v10 =	vadd.f32 v10, v4;
	(pc) =	sbr.rel @p0 .LBB2_21-.Ltmp11, $4  }
0x305: {  	v11 =	vadd.f32 v11, v5  }
0x306: {  	v12 =	vadd.f32 v12, v6;
	[tilespmem:v13+s18+$0x0] =	vst.idx.msk $0xffff, v10  }
0x307: {  	v10 =	vadd.f32 v15, v7;
	[tilespmem:v14+s18+$0x0] =	vst.idx.msk $0xffff, v11  }
0x308: {  	[tilespmem:v17+s18+$0x0] =	vst.idx.msk $0xffff, v12  }
0x309: {  	_ = 	snop  }
0x30a: {  	s0 =	sshll.u32 s31, $0x12  }
0x30b: {  	s0 =	sor.u32 s7, s0  }
0x30c: {  	s0 =	sshrl.u32 s0, $0x3  }
0x30d: {  	[tilespmem:v9+s18+$0x0] =	vst.idx.msk $0xffff, v10;
	s6 =	simm.s32 $0xE400;
	s5 =	sadd.s32 s2, s0  }
0x30e: {  	[hbm4b:s5+s3] =	stream.linear.scatter [tilespmem:s6], [sflag:$0x5], $0x80, $0x38;
	[tilespmem:$0x15A00] =	vst v63  }
0x30f: {  	s9 =	simm.s32 $0xE488;
	s6 =	sadd.s32 $0x10, s5  }
0x310: {  	[hbm4b:s6+s3] =	stream.linear.scatter [tilespmem:s9], [sflag:$0x5], $0x80, $0x38;
	[tilespmem:$0x15A00] =	vst v63  }
0x311: {  	s11 =	simm.s32 $0xE510;
	s15 =	sadd.s32 $0x20, s5  }
0x312: {  	[hbm4b:s15+s3] =	stream.linear.scatter [tilespmem:s11], [sflag:$0x5], $0x80, $0x38;
	[tilespmem:$0x15A00] =	vst v63  }
0x313: {  	s6 =	simm.s32 $0xE598;
	s9 =	sadd.s32 $0x30, s5  }
0x314: {  	[hbm4b:s9+s3] =	stream.linear.scatter [tilespmem:s6], [sflag:$0x5], $0x80, $0x38;
	[tilespmem:$0x15A00] =	vst v63  }
0x315: {  	s11 =	simm.s32 $0xE620;
	s15 =	sadd.s32 $0x40, s5  }
0x316: {  	[hbm4b:s15+s3] =	stream.linear.scatter [tilespmem:s11], [sflag:$0x5], $0x80, $0x38;
	[tilespmem:$0x15A00] =	vst v63  }
0x317: {  	s31 =	simm.s32 $0x2200;
	s6 =	simm.s32 $0xE6A8;
	s9 =	sadd.s32 $0x50, s5  }
0x318: {  	[hbm4b:s9+s3] =	stream.linear.scatter [tilespmem:s6], [sflag:$0x5], $0x80, $0x38;
	[tilespmem:$0x15A00] =	vst v63  }
0x319: {  	s0 =	simm.s32 $0x440;
	s11 =	simm.s32 $0xE730;
	s15 =	sadd.s32 $0x60, s5  }
0x31a: {  	[hbm4b:s15+s3] =	stream.linear.scatter [tilespmem:s11], [sflag:$0x5], $0x80, $0x38;
	[tilespmem:$0x15A00] =	vst v63  }
0x31b: {  	s9 =	sadd.s32 $0x1000, s5;
	s11 =	simm.s32 $0xE7B8;
	s15 =	sadd.s32 $0x70, s5  }
.LBB2_23:
0x31c: {  	[hbm4b:s15+s3] =	stream.linear.scatter [tilespmem:s11], [sflag:$0x5], $0x80, $0x38;
	[tilespmem:$0x15A00] =	vst v63  }
0x31d: {  	s5 =	smov.u32 s0;
	s0 =	smov.u32 s31  }
0x31e: {  	s6 =	sadd.s32 $0x1100, s31;
	s0 =	sshra.s32 s0, $0x2;
	s11 =	sadd.s32 $0xE400, s5  }
0x31f: {  	[hbm4b:s9+s3] =	stream.linear.scatter [tilespmem:s11], [sflag:$0x5], $0x80, $0x38;
	[tilespmem:$0x15A00] =	vst v63  }
0x320: {  	p0 =	sne.s32 s31, $0x7700;
	s15 =	sadd.s32 $0x10, s9;
	s11 =	sadd.s32 $0xE488, s5  }
0x321: {  	[hbm4b:s15+s3] =	stream.linear.scatter [tilespmem:s11], [sflag:$0x5], $0x80, $0x38;
	[tilespmem:$0x15A00] =	vst v63  }
0x322: {  	s11 =	sadd.s32 $0xE510, s5;
	s15 =	sadd.s32 $0x20, s9  }
0x323: {  	[hbm4b:s15+s3] =	stream.linear.scatter [tilespmem:s11], [sflag:$0x5], $0x80, $0x38;
	[tilespmem:$0x15A00] =	vst v63  }
0x324: {  	s11 =	sadd.s32 $0xE598, s5;
	s15 =	sadd.s32 $0x30, s9  }
0x325: {  	[hbm4b:s15+s3] =	stream.linear.scatter [tilespmem:s11], [sflag:$0x5], $0x80, $0x38;
	[tilespmem:$0x15A00] =	vst v63  }
0x326: {  	s11 =	sadd.s32 $0xE620, s5;
	s15 =	sadd.s32 $0x40, s9  }
0x327: {  	[hbm4b:s15+s3] =	stream.linear.scatter [tilespmem:s11], [sflag:$0x5], $0x80, $0x38;
	[tilespmem:$0x15A00] =	vst v63  }
.Ltmp12:
0x328: {  	s11 =	sadd.s32 $0xE6A8, s5;
	s15 =	sadd.s32 $0x50, s9;
	(pc) =	sbr.rel @p0 .LBB2_23-.Ltmp12, $4  }
0x329: {  	[hbm4b:s15+s3] =	stream.linear.scatter [tilespmem:s11], [sflag:$0x5], $0x80, $0x38;
	[tilespmem:$0x15A00] =	vst v63  }
0x32a: {  	s31 =	smov.u32 s6;
	s11 =	sadd.s32 $0xE730, s5;
	s15 =	sadd.s32 $0x60, s9  }
0x32b: {  	[hbm4b:s15+s3] =	stream.linear.scatter [tilespmem:s11], [sflag:$0x5], $0x80, $0x38;
	[tilespmem:$0x15A00] =	vst v63  }
0x32c: {  	s11 =	sadd.s32 $0xE7B8, s5;
	s15 =	sadd.s32 $0x70, s9;
	s9 =	sadd.s32 $0x1000, s9  }
0x32d: {  	[hbm4b:s15+s3] =	stream.linear.scatter [tilespmem:s11], [sflag:$0x5], $0x80, $0x38;
	[tilespmem:$0x15A00] =	vst v63  }
0x32e: {  	s5 =	sadd.s32 $0xE400, s0  }
0x32f: {  	[hbm4b:s9+s3] =	stream.linear.scatter [tilespmem:s5], [sflag:$0x5], $0x80, $0x38;
	[tilespmem:$0x15A00] =	vst v63  }
0x330: {  	s11 =	sadd.s32 $0xE488, s0;
	s6 =	sadd.s32 $0x10, s9  }
0x331: {  	[hbm4b:s6+s3] =	stream.linear.scatter [tilespmem:s11], [sflag:$0x5], $0x80, $0x38;
	[tilespmem:$0x15A00] =	vst v63  }
0x332: {  	s15 =	sadd.s32 $0xE510, s0;
	s31 =	sadd.s32 $0x20, s9  }
0x333: {  	[hbm4b:s31+s3] =	stream.linear.scatter [tilespmem:s15], [sflag:$0x5], $0x80, $0x38;
	[tilespmem:$0x15A00] =	vst v63  }
0x334: {  	s6 =	sadd.s32 $0xE598, s0;
	s11 =	sadd.s32 $0x30, s9  }
0x335: {  	[hbm4b:s11+s3] =	stream.linear.scatter [tilespmem:s6], [sflag:$0x5], $0x80, $0x38;
	[tilespmem:$0x15A00] =	vst v63  }
0x336: {  	s15 =	sadd.s32 $0xE620, s0;
	s31 =	sadd.s32 $0x40, s9  }
0x337: {  	[hbm4b:s31+s3] =	stream.linear.scatter [tilespmem:s15], [sflag:$0x5], $0x80, $0x38;
	[tilespmem:$0x15A00] =	vst v63  }
0x338: {  	s6 =	sadd.s32 $0xE6A8, s0;
	s11 =	sadd.s32 $0x50, s9  }
0x339: {  	[hbm4b:s11+s3] =	stream.linear.scatter [tilespmem:s6], [sflag:$0x5], $0x80, $0x38;
	[tilespmem:$0x15A00] =	vst v63  }
0x33a: {  	s29 =	sor.u32 $0x7, s29;
	s15 =	sadd.s32 $0xE730, s0;
	s31 =	sadd.s32 $0x60, s9  }
0x33b: {  	[hbm4b:s31+s3] =	stream.linear.scatter [tilespmem:s15], [sflag:$0x5], $0x80, $0x38;
	[tilespmem:$0x15A00] =	vst v63  }
0x33c: {  	s6 =	sadd.s32 $0xE7B8, s0;
	s11 =	sadd.s32 $0x70, s9;
	s15 =	sshll.u32 s29, $0x7  }
0x33d: {  	[hbm4b:s11+s3] =	stream.linear.scatter [tilespmem:s6], [sflag:$0x5], $0x80, $0x38;
	[tilespmem:$0x15A00] =	vst v63  }
0x33e: {  	s0 =	sand.u32 $0x3FFFFF80, s15  }
0x33f: {  	[tilespmem:s19], [sflag:$0x4] =	stream.indirect.gather [hbm4b:s4+s12], $0x40, s0, s12, $0xb8;
	[tilespmem:$0x15A00] =	vst v63  }
0x340: {  	_ =	swait.ge [sflag:s20], $0x2000  }
0x341: {  	[sflag:s20] =	ssyncset.done $0x0  }
0x342: {  	[sflag:s20] =	ssyncadd.s32 $0xFFFFE000  }
0x343: {  	_ =	swait.ge [sflag:s25], $0x2000  }
0x344: {  	s31 =	sshll.u32 s1, $0x6;
	[sflag:s25] =	ssyncset.done $0x0  }
0x345: {  	s0 =	sand.u32 $0x3FFFFFC0, s31;
	[sflag:s25] =	ssyncadd.s32 $0xFFFFE000  }
0x346: {  	v4 =	vld [tilespmem:s0+$0x12800]  }
0x347: {  	v5 =	vld [tilespmem:s0+$0x12810]  }
0x348: {  	v6 =	vld [tilespmem:s0+$0x12820]  }
0x349: {  	v8 =	vimm.s32 $0x0;
	v7 =	vld [tilespmem:s0+$0x12830];
	s0 =	simm.s32 $0x8480  }
0x34a: {  	v10 =	vand.u32 $0xFFFFFFF8, v8;
	v9 =	vld [tilespmem:s0+$0xFFFFFF80]  }
0x34b: {  	v12 =	vand.u32 $0x4, v8;
	v13 =	vadd.s32 v0, v10;
	v11 =	vld [tilespmem:s0+$0xFFFFFF90]  }
0x34c: {  	v14 =	vadd.s32 v1, v10;
	v16 =	vor.u32 v12, v13;
	v15 =	vld [tilespmem:s0+$0xFFFFFFA0]  }
0x34d: {  	v17 =	vadd.s32 v2, v10;
	v19 =	vor.u32 v12, v14;
	v18 =	vld [tilespmem:s0+$0xFFFFFFB0]  }
0x34e: {  	v10 =	vadd.s32 v3, v10;
	v20 =	vor.u32 v12, v17  }
0x34f: {  	v21 =	vor.u32 v12, v10;
	v9 =	vadd.f32 v9, v4  }
0x350: {  	v11 =	vadd.f32 v11, v5  }
0x351: {  	v15 =	vadd.f32 v15, v6;
	[tilespmem:v16+s21+$0x0] =	vst.idx.msk $0xffff, v9  }
0x352: {  	v9 =	vadd.f32 v18, v7;
	[tilespmem:v19+s21+$0x0] =	vst.idx.msk $0xffff, v11  }
0x353: {  	[tilespmem:v20+s21+$0x0] =	vst.idx.msk $0xffff, v15  }
0x354: {  	[tilespmem:v21+s21+$0x0] =	vst.idx.msk $0xffff, v9  }
0x355: {  	v9 =	vld [tilespmem:s0+$0xFFFFFFC0]  }
0x356: {  	v11 =	vor.u32 $0x1, v12;
	v15 =	vld [tilespmem:s0+$0xFFFFFFD0]  }
0x357: {  	v53 =	vor.u32 v11, v13;
	v54 =	vld [tilespmem:s0+$0xFFFFFFE0]  }
0x358: {  	v55 =	vor.u32 v11, v14;
	v20 =	vld [tilespmem:s0+$0xFFFFFFF0]  }
0x359: {  	v56 =	vor.u32 v11, v17  }
0x35a: {  	v11 =	vor.u32 v11, v10;
	v9 =	vadd.f32 v9, v4  }
0x35b: {  	v15 =	vadd.f32 v15, v5  }
0x35c: {  	v18 =	vadd.f32 v54, v6;
	[tilespmem:v53+s21+$0x0] =	vst.idx.msk $0xffff, v9  }
0x35d: {  	v9 =	vadd.f32 v20, v7;
	[tilespmem:v55+s21+$0x0] =	vst.idx.msk $0xffff, v15  }
0x35e: {  	[tilespmem:v56+s21+$0x0] =	vst.idx.msk $0xffff, v18  }
0x35f: {  	[tilespmem:v11+s21+$0x0] =	vst.idx.msk $0xffff, v9  }
0x360: {  	v9 =	vld [tilespmem:s0+$0x0]  }
0x361: {  	v11 =	vor.u32 $0x2, v12;
	v15 =	vld [tilespmem:s0+$0x10]  }
0x362: {  	v57 =	vor.u32 v11, v13;
	v18 =	vld [tilespmem:s0+$0x20]  }
0x363: {  	v58 =	vor.u32 v11, v14;
	v59 =	vld [tilespmem:s0+$0x30]  }
0x364: {  	v60 =	vor.u32 v11, v17  }
0x365: {  	v11 =	vor.u32 v11, v10;
	v9 =	vadd.f32 v9, v4  }
0x366: {  	v15 =	vadd.f32 v15, v5  }
0x367: {  	v18 =	vadd.f32 v18, v6;
	[tilespmem:v57+s21+$0x0] =	vst.idx.msk $0xffff, v9  }
0x368: {  	v9 =	vadd.f32 v59, v7;
	[tilespmem:v58+s21+$0x0] =	vst.idx.msk $0xffff, v15  }
0x369: {  	[tilespmem:v60+s21+$0x0] =	vst.idx.msk $0xffff, v18  }
0x36a: {  	[tilespmem:v11+s21+$0x0] =	vst.idx.msk $0xffff, v9  }
0x36b: {  	v9 =	vld [tilespmem:s0+$0x40]  }
0x36c: {  	v11 =	vor.u32 $0x3, v12  }
0x36d: {  	v13 =	vor.u32 v11, v13  }
0x36e: {  	v61 =	vld [tilespmem:s0+$0x50]  }
0x36f: {  	v15 =	vld [tilespmem:s0+$0x60]  }
0x370: {  	v14 =	vor.u32 v11, v14;
	v63 =	vld [tilespmem:s0+$0x70];
	v9 =	vadd.f32 v9, v4  }
0x371: {  	v62 =	vor.u32 v11, v17  }
0x372: {  	[tilespmem:v13+s21+$0x0] =	vst.idx.msk $0xffff, v9;
	v9 =	vor.u32 v11, v10  }
0x373: {  	v12 =	vadd.f32 v61, v5  }
0x374: {  	v15 =	vadd.f32 v15, v6  }
0x375: {  	v10 =	vadd.f32 v63, v7;
	[tilespmem:v14+s21+$0x0] =	vst.idx.msk $0xffff, v12  }
0x376: {  	s9 =	simm.s32 $0x0;
	[tilespmem:v62+s21+$0x0] =	vst.idx.msk $0xffff, v15  }
.LBB2_25:
0x377: {  	s9 =	sadd.s32 $0x4, s9;
	[tilespmem:v9+s21+$0x0] =	vst.idx.msk $0xffff, v10;
	v8 =	vadd.s32 $0x4, v8;
	s0 =	sadd.s32 $0x100, s0  }
0x378: {  	v9 =	vld [tilespmem:s0+$0xFFFFFF80];
	v10 =	vand.u32 $0xFFFFFFF8, v8;
	p0 =	slt.u32 s9, $0x7C  }
0x379: {  	v12 =	vand.u32 $0x4, v8;
	v11 =	vld [tilespmem:s0+$0xFFFFFF90];
	v13 =	vadd.s32 v0, v10;
	v14 =	vadd.s32 v1, v10  }
0x37a: {  	v17 =	vadd.s32 v2, v10;
	v10 =	vadd.s32 v3, v10;
	v15 =	vld [tilespmem:s0+$0xFFFFFFA0];
	v16 =	vor.u32 v12, v13  }
0x37b: {  	v19 =	vor.u32 v12, v14;
	v20 =	vor.u32 v12, v17;
	v21 =	vor.u32 v12, v10;
	v18 =	vld [tilespmem:s0+$0xFFFFFFB0]  }
0x37c: {  	v22 =	vor.u32 $0x1, v12;
	v23 =	vor.u32 $0x2, v12;
	v12 =	vor.u32 $0x3, v12  }
0x37d: {  	v24 =	vor.u32 v22, v13;
	v25 =	vor.u32 v22, v14;
	v9 =	vadd.f32 v9, v4  }
0x37e: {  	v26 =	vor.u32 v22, v17;
	v22 =	vor.u32 v22, v10;
	v11 =	vadd.f32 v11, v5  }
0x37f: {  	v15 =	vadd.f32 v15, v6;
	[tilespmem:v16+s21+$0x0] =	vst.idx.msk $0xffff, v9;
	v16 =	vor.u32 v23, v13  }
0x380: {  	v9 =	vadd.f32 v18, v7;
	[tilespmem:v19+s21+$0x0] =	vst.idx.msk $0xffff, v11;
	v11 =	vor.u32 v23, v14  }
0x381: {  	v18 =	vor.u32 v23, v10;
	[tilespmem:v20+s21+$0x0] =	vst.idx.msk $0xffff, v15;
	v15 =	vor.u32 v23, v17  }
0x382: {  	v13 =	vor.u32 v12, v13;
	v14 =	vor.u32 v12, v14;
	[tilespmem:v21+s21+$0x0] =	vst.idx.msk $0xffff, v9  }
0x383: {  	v17 =	vor.u32 v12, v17;
	v9 =	vor.u32 v12, v10;
	v19 =	vld [tilespmem:s0+$0xFFFFFFC0]  }
0x384: {  	v10 =	vld [tilespmem:s0+$0xFFFFFFD0]  }
0x385: {  	v12 =	vld [tilespmem:s0+$0xFFFFFFE0]  }
0x386: {  	v20 =	vld [tilespmem:s0+$0xFFFFFFF0];
	_ =	sdelay $0x1  }
0x387: {  	v19 =	vadd.f32 v19, v4  }
0x388: {  	v10 =	vadd.f32 v10, v5  }
0x389: {  	v12 =	vadd.f32 v12, v6;
	[tilespmem:v24+s21+$0x0] =	vst.idx.msk $0xffff, v19  }
0x38a: {  	v19 =	vadd.f32 v20, v7;
	[tilespmem:v25+s21+$0x0] =	vst.idx.msk $0xffff, v10  }
0x38b: {  	[tilespmem:v26+s21+$0x0] =	vst.idx.msk $0xffff, v12  }
0x38c: {  	[tilespmem:v22+s21+$0x0] =	vst.idx.msk $0xffff, v19  }
0x38d: {  	v10 =	vld [tilespmem:s0+$0x0]  }
0x38e: {  	v12 =	vld [tilespmem:s0+$0x10]  }
0x38f: {  	v19 =	vld [tilespmem:s0+$0x20]  }
0x390: {  	v20 =	vld [tilespmem:s0+$0x30];
	_ =	sdelay $0x1  }
0x391: {  	v10 =	vadd.f32 v10, v4  }
0x392: {  	v12 =	vadd.f32 v12, v5  }
0x393: {  	v19 =	vadd.f32 v19, v6;
	[tilespmem:v16+s21+$0x0] =	vst.idx.msk $0xffff, v10  }
0x394: {  	v10 =	vadd.f32 v20, v7;
	[tilespmem:v11+s21+$0x0] =	vst.idx.msk $0xffff, v12  }
0x395: {  	[tilespmem:v15+s21+$0x0] =	vst.idx.msk $0xffff, v19  }
0x396: {  	[tilespmem:v18+s21+$0x0] =	vst.idx.msk $0xffff, v10  }
0x397: {  	v10 =	vld [tilespmem:s0+$0x40]  }
0x398: {  	v11 =	vld [tilespmem:s0+$0x50]  }
0x399: {  	v12 =	vld [tilespmem:s0+$0x60]  }
0x39a: {  	v15 =	vld [tilespmem:s0+$0x70];
	_ =	sdelay $0x1  }
.Ltmp13:
0x39b: {  	v10 =	vadd.f32 v10, v4;
	(pc) =	sbr.rel @p0 .LBB2_25-.Ltmp13, $4  }
0x39c: {  	v11 =	vadd.f32 v11, v5  }
0x39d: {  	v12 =	vadd.f32 v12, v6;
	[tilespmem:v13+s21+$0x0] =	vst.idx.msk $0xffff, v10  }
0x39e: {  	v10 =	vadd.f32 v15, v7;
	[tilespmem:v14+s21+$0x0] =	vst.idx.msk $0xffff, v11  }
0x39f: {  	[tilespmem:v17+s21+$0x0] =	vst.idx.msk $0xffff, v12  }
0x3a0: {  	_ = 	snop  }
0x3a1: {  	s0 =	sshll.u32 s1, $0x12  }
0x3a2: {  	s0 =	sor.u32 s7, s0  }
0x3a3: {  	s0 =	sshrl.u32 s0, $0x3  }
0x3a4: {  	[tilespmem:v9+s21+$0x0] =	vst.idx.msk $0xffff, v10;
	s5 =	simm.s32 $0x10600;
	s1 =	sadd.s32 s2, s0  }
0x3a5: {  	[hbm4b:s1+s3] =	stream.linear.scatter [tilespmem:s5], [sflag:$0x6], $0x80, $0x38;
	[tilespmem:$0x15A00] =	vst v63  }
0x3a6: {  	s6 =	simm.s32 $0x10688;
	s5 =	sadd.s32 $0x10, s1  }
0x3a7: {  	[hbm4b:s5+s3] =	stream.linear.scatter [tilespmem:s6], [sflag:$0x6], $0x80, $0x38;
	[tilespmem:$0x15A00] =	vst v63  }
0x3a8: {  	s9 =	simm.s32 $0x10710;
	s11 =	sadd.s32 $0x20, s1  }
0x3a9: {  	[hbm4b:s11+s3] =	stream.linear.scatter [tilespmem:s9], [sflag:$0x6], $0x80, $0x38;
	[tilespmem:$0x15A00] =	vst v63  }
0x3aa: {  	s15 =	simm.s32 $0x10798;
	s31 =	sadd.s32 $0x30, s1  }
0x3ab: {  	[hbm4b:s31+s3] =	stream.linear.scatter [tilespmem:s15], [sflag:$0x6], $0x80, $0x38;
	[tilespmem:$0x15A00] =	vst v63  }
0x3ac: {  	s5 =	simm.s32 $0x10820;
	s6 =	sadd.s32 $0x40, s1  }
0x3ad: {  	[hbm4b:s6+s3] =	stream.linear.scatter [tilespmem:s5], [sflag:$0x6], $0x80, $0x38;
	[tilespmem:$0x15A00] =	vst v63  }
0x3ae: {  	s0 =	simm.s32 $0x440;
	s9 =	simm.s32 $0x108A8;
	s11 =	sadd.s32 $0x50, s1  }
0x3af: {  	[hbm4b:s11+s3] =	stream.linear.scatter [tilespmem:s9], [sflag:$0x6], $0x80, $0x38;
	[tilespmem:$0x15A00] =	vst v63  }
0x3b0: {  	s15 =	simm.s32 $0x10930;
	s31 =	sadd.s32 $0x60, s1;
	s9 =	simm.s32 $0x2200  }
0x3b1: {  	[hbm4b:s31+s3] =	stream.linear.scatter [tilespmem:s15], [sflag:$0x6], $0x80, $0x38;
	[tilespmem:$0x15A00] =	vst v63  }
0x3b2: {  	s11 =	simm.s32 $0x109B8;
	s15 =	sadd.s32 $0x70, s1;
	s1 =	sadd.s32 $0x1000, s1  }
.LBB2_27:
0x3b3: {  	[hbm4b:s15+s3] =	stream.linear.scatter [tilespmem:s11], [sflag:$0x6], $0x80, $0x38;
	[tilespmem:$0x15A00] =	vst v63  }
0x3b4: {  	s5 =	smov.u32 s0;
	s0 =	smov.u32 s9  }
0x3b5: {  	s6 =	sadd.s32 $0x1100, s9;
	s0 =	sshra.s32 s0, $0x2;
	s11 =	sadd.s32 $0x10600, s5  }
0x3b6: {  	[hbm4b:s1+s3] =	stream.linear.scatter [tilespmem:s11], [sflag:$0x6], $0x80, $0x38;
	[tilespmem:$0x15A00] =	vst v63  }
0x3b7: {  	p0 =	sne.s32 s9, $0x7700;
	s9 =	sadd.s32 $0x10688, s5;
	s11 =	sadd.s32 $0x10, s1  }
0x3b8: {  	[hbm4b:s11+s3] =	stream.linear.scatter [tilespmem:s9], [sflag:$0x6], $0x80, $0x38;
	[tilespmem:$0x15A00] =	vst v63  }
0x3b9: {  	s9 =	sadd.s32 $0x10710, s5;
	s11 =	sadd.s32 $0x20, s1  }
0x3ba: {  	[hbm4b:s11+s3] =	stream.linear.scatter [tilespmem:s9], [sflag:$0x6], $0x80, $0x38;
	[tilespmem:$0x15A00] =	vst v63  }
0x3bb: {  	s9 =	sadd.s32 $0x10798, s5;
	s11 =	sadd.s32 $0x30, s1  }
0x3bc: {  	[hbm4b:s11+s3] =	stream.linear.scatter [tilespmem:s9], [sflag:$0x6], $0x80, $0x38;
	[tilespmem:$0x15A00] =	vst v63  }
0x3bd: {  	s9 =	sadd.s32 $0x10820, s5;
	s11 =	sadd.s32 $0x40, s1  }
0x3be: {  	[hbm4b:s11+s3] =	stream.linear.scatter [tilespmem:s9], [sflag:$0x6], $0x80, $0x38;
	[tilespmem:$0x15A00] =	vst v63  }
.Ltmp14:
0x3bf: {  	s9 =	sadd.s32 $0x108A8, s5;
	s11 =	sadd.s32 $0x50, s1;
	(pc) =	sbr.rel @p0 .LBB2_27-.Ltmp14, $4  }
0x3c0: {  	[hbm4b:s11+s3] =	stream.linear.scatter [tilespmem:s9], [sflag:$0x6], $0x80, $0x38;
	[tilespmem:$0x15A00] =	vst v63  }
0x3c1: {  	s15 =	sadd.s32 $0x70, s1;
	s9 =	sadd.s32 $0x10930, s5;
	s11 =	sadd.s32 $0x60, s1  }
0x3c2: {  	[hbm4b:s11+s3] =	stream.linear.scatter [tilespmem:s9], [sflag:$0x6], $0x80, $0x38;
	[tilespmem:$0x15A00] =	vst v63  }
0x3c3: {  	s1 =	sadd.s32 $0x1000, s1;
	s11 =	sadd.s32 $0x109B8, s5;
	s9 =	smov.u32 s6  }
0x3c4: {  	[hbm4b:s15+s3] =	stream.linear.scatter [tilespmem:s11], [sflag:$0x6], $0x80, $0x38;
	[tilespmem:$0x15A00] =	vst v63  }
0x3c5: {  	s5 =	sadd.s32 $0x10600, s0  }
0x3c6: {  	[hbm4b:s1+s3] =	stream.linear.scatter [tilespmem:s5], [sflag:$0x6], $0x80, $0x38;
	[tilespmem:$0x15A00] =	vst v63  }
0x3c7: {  	s31 =	sadd.s32 $0x10688, s0;
	s6 =	sadd.s32 $0x10, s1  }
0x3c8: {  	[hbm4b:s6+s3] =	stream.linear.scatter [tilespmem:s31], [sflag:$0x6], $0x80, $0x38;
	[tilespmem:$0x15A00] =	vst v63  }
0x3c9: {  	s9 =	sadd.s32 $0x10710, s0;
	s11 =	sadd.s32 $0x20, s1  }
0x3ca: {  	[hbm4b:s11+s3] =	stream.linear.scatter [tilespmem:s9], [sflag:$0x6], $0x80, $0x38;
	[tilespmem:$0x15A00] =	vst v63  }
0x3cb: {  	s15 =	sadd.s32 $0x10798, s0;
	s31 =	sadd.s32 $0x30, s1  }
0x3cc: {  	[hbm4b:s31+s3] =	stream.linear.scatter [tilespmem:s15], [sflag:$0x6], $0x80, $0x38;
	[tilespmem:$0x15A00] =	vst v63  }
0x3cd: {  	p0 =	seq.s32 s28, $0x18;
	s9 =	sadd.s32 $0x10820, s0;
	s11 =	sadd.s32 $0x40, s1  }
0x3ce: {  	[hbm4b:s11+s3] =	stream.linear.scatter [tilespmem:s9], [sflag:$0x6], $0x80, $0x38;
	[tilespmem:$0x15A00] =	vst v63  }
0x3cf: {  	s6 =	sadd.s32 $0x10930, s0;
	s15 =	sadd.s32 $0x108A8, s0;
	s31 =	sadd.s32 $0x50, s1  }
0x3d0: {  	[hbm4b:s31+s3] =	stream.linear.scatter [tilespmem:s15], [sflag:$0x6], $0x80, $0x38;
	[tilespmem:$0x15A00] =	vst v63  }
0x3d1: {  	s9 =	sadd.s32 $0x60, s1;
	s11 =	sadd.s32 $0x109B8, s0;
	s0 =	sshll.u32 @!p0 s28, $0xA  }
0x3d2: {  	[hbm4b:s9+s3] =	stream.linear.scatter [tilespmem:s6], [sflag:$0x6], $0x80, $0x38;
	[tilespmem:$0x15A00] =	vst v63  }
0x3d3: {  	s15 =	sadd.s32 $0x70, s1;
	s1 =	sand.u32 @!p0 $0x3FFFFC00, s0  }
0x3d4: {  	[hbm4b:s15+s3] =	stream.linear.scatter [tilespmem:s11], [sflag:$0x6], $0x80, $0x38;
	[tilespmem:$0x15A00] =	vst v63  }
0x3d5: {  	s5 =	simm.s32 @!p0 $0x80;
	s0 =	sadd.s32 @!p0 $0x400, s1;
	s6 =	simm.s32 @!p0 $0x6400  }
0x3d6: {  	[tilespmem:s6], [sflag:$0x1] =	stream.indirect.gather @!p0 [hbm4b:s4+s5], $0x40, s0, s5, $0xb8;
	[tilespmem:$0x15A00] =	vst v63  }
0x3d7: {  	_ =	swait.ge [sflag:s22], $0x2000  }
0x3d8: {  	[sflag:s22] =	ssyncset.done $0x0  }
0x3d9: {  	[sflag:s22] =	ssyncadd.s32 $0xFFFFE000  }
0x3da: {  	_ =	swait.ge [sflag:s23], $0x2000  }
0x3db: {  	s31 =	sshll.u32 s30, $0x6;
	[sflag:s23] =	ssyncset.done $0x0  }
0x3dc: {  	s0 =	sand.u32 $0x3FFFFFC0, s31;
	[sflag:s23] =	ssyncadd.s32 $0xFFFFE000  }
0x3dd: {  	v4 =	vld [tilespmem:s0+$0x12800]  }
0x3de: {  	v5 =	vld [tilespmem:s0+$0x12810]  }
0x3df: {  	v6 =	vld [tilespmem:s0+$0x12820]  }
0x3e0: {  	v8 =	vimm.s32 $0x0;
	v7 =	vld [tilespmem:s0+$0x12830];
	s0 =	simm.s32 $0xA480  }
0x3e1: {  	v10 =	vand.u32 $0xFFFFFFF8, v8;
	v9 =	vld [tilespmem:s0+$0xFFFFFF80]  }
0x3e2: {  	v12 =	vand.u32 $0x4, v8;
	v13 =	vadd.s32 v0, v10;
	v11 =	vld [tilespmem:s0+$0xFFFFFF90]  }
0x3e3: {  	v14 =	vadd.s32 v1, v10;
	v16 =	vor.u32 v12, v13;
	v15 =	vld [tilespmem:s0+$0xFFFFFFA0]  }
0x3e4: {  	v17 =	vadd.s32 v2, v10;
	v19 =	vor.u32 v12, v14;
	v18 =	vld [tilespmem:s0+$0xFFFFFFB0]  }
0x3e5: {  	v10 =	vadd.s32 v3, v10;
	v20 =	vor.u32 v12, v17  }
0x3e6: {  	v21 =	vor.u32 v12, v10;
	v9 =	vadd.f32 v9, v4  }
0x3e7: {  	v11 =	vadd.f32 v11, v5  }
0x3e8: {  	v15 =	vadd.f32 v15, v6;
	[tilespmem:v16+s18+$0x0] =	vst.idx.msk $0xffff, v9  }
0x3e9: {  	v9 =	vadd.f32 v18, v7;
	[tilespmem:v19+s18+$0x0] =	vst.idx.msk $0xffff, v11  }
0x3ea: {  	[tilespmem:v20+s18+$0x0] =	vst.idx.msk $0xffff, v15  }
0x3eb: {  	[tilespmem:v21+s18+$0x0] =	vst.idx.msk $0xffff, v9  }
0x3ec: {  	v9 =	vld [tilespmem:s0+$0xFFFFFFC0]  }
0x3ed: {  	v11 =	vor.u32 $0x1, v12;
	v15 =	vld [tilespmem:s0+$0xFFFFFFD0]  }
0x3ee: {  	v53 =	vor.u32 v11, v13;
	v54 =	vld [tilespmem:s0+$0xFFFFFFE0]  }
0x3ef: {  	v55 =	vor.u32 v11, v14;
	v20 =	vld [tilespmem:s0+$0xFFFFFFF0]  }
0x3f0: {  	v56 =	vor.u32 v11, v17  }
0x3f1: {  	v11 =	vor.u32 v11, v10;
	v9 =	vadd.f32 v9, v4  }
0x3f2: {  	v15 =	vadd.f32 v15, v5  }
0x3f3: {  	v18 =	vadd.f32 v54, v6;
	[tilespmem:v53+s18+$0x0] =	vst.idx.msk $0xffff, v9  }
0x3f4: {  	v9 =	vadd.f32 v20, v7;
	[tilespmem:v55+s18+$0x0] =	vst.idx.msk $0xffff, v15  }
0x3f5: {  	[tilespmem:v56+s18+$0x0] =	vst.idx.msk $0xffff, v18  }
0x3f6: {  	[tilespmem:v11+s18+$0x0] =	vst.idx.msk $0xffff, v9  }
0x3f7: {  	v9 =	vld [tilespmem:s0+$0x0]  }
0x3f8: {  	v11 =	vor.u32 $0x2, v12;
	v15 =	vld [tilespmem:s0+$0x10]  }
0x3f9: {  	v57 =	vor.u32 v11, v13;
	v18 =	vld [tilespmem:s0+$0x20]  }
0x3fa: {  	v58 =	vor.u32 v11, v14;
	v59 =	vld [tilespmem:s0+$0x30]  }
0x3fb: {  	v60 =	vor.u32 v11, v17  }
0x3fc: {  	v11 =	vor.u32 v11, v10;
	v9 =	vadd.f32 v9, v4  }
0x3fd: {  	v15 =	vadd.f32 v15, v5  }
0x3fe: {  	v18 =	vadd.f32 v18, v6;
	[tilespmem:v57+s18+$0x0] =	vst.idx.msk $0xffff, v9  }
0x3ff: {  	v9 =	vadd.f32 v59, v7;
	[tilespmem:v58+s18+$0x0] =	vst.idx.msk $0xffff, v15  }
0x400: {  	[tilespmem:v60+s18+$0x0] =	vst.idx.msk $0xffff, v18  }
0x401: {  	[tilespmem:v11+s18+$0x0] =	vst.idx.msk $0xffff, v9  }
0x402: {  	v9 =	vld [tilespmem:s0+$0x40]  }
0x403: {  	v11 =	vor.u32 $0x3, v12  }
0x404: {  	v13 =	vor.u32 v11, v13  }
0x405: {  	v61 =	vld [tilespmem:s0+$0x50]  }
0x406: {  	v15 =	vld [tilespmem:s0+$0x60]  }
0x407: {  	v14 =	vor.u32 v11, v14;
	v63 =	vld [tilespmem:s0+$0x70];
	v9 =	vadd.f32 v9, v4  }
0x408: {  	v62 =	vor.u32 v11, v17  }
0x409: {  	[tilespmem:v13+s18+$0x0] =	vst.idx.msk $0xffff, v9;
	v9 =	vor.u32 v11, v10  }
0x40a: {  	v12 =	vadd.f32 v61, v5  }
0x40b: {  	v15 =	vadd.f32 v15, v6  }
0x40c: {  	v10 =	vadd.f32 v63, v7;
	[tilespmem:v14+s18+$0x0] =	vst.idx.msk $0xffff, v12  }
0x40d: {  	s9 =	simm.s32 $0x0;
	[tilespmem:v62+s18+$0x0] =	vst.idx.msk $0xffff, v15  }
.LBB2_29:
0x40e: {  	s9 =	sadd.s32 $0x4, s9;
	[tilespmem:v9+s18+$0x0] =	vst.idx.msk $0xffff, v10;
	v8 =	vadd.s32 $0x4, v8;
	s0 =	sadd.s32 $0x100, s0  }
0x40f: {  	v9 =	vld [tilespmem:s0+$0xFFFFFF80];
	v10 =	vand.u32 $0xFFFFFFF8, v8;
	p1 =	slt.u32 s9, $0x7C  }
0x410: {  	v12 =	vand.u32 $0x4, v8;
	v11 =	vld [tilespmem:s0+$0xFFFFFF90];
	v13 =	vadd.s32 v0, v10;
	v14 =	vadd.s32 v1, v10  }
0x411: {  	v17 =	vadd.s32 v2, v10;
	v10 =	vadd.s32 v3, v10;
	v15 =	vld [tilespmem:s0+$0xFFFFFFA0];
	v16 =	vor.u32 v12, v13  }
0x412: {  	v19 =	vor.u32 v12, v14;
	v20 =	vor.u32 v12, v17;
	v21 =	vor.u32 v12, v10;
	v18 =	vld [tilespmem:s0+$0xFFFFFFB0]  }
0x413: {  	v22 =	vor.u32 $0x1, v12;
	v23 =	vor.u32 $0x2, v12;
	v12 =	vor.u32 $0x3, v12  }
0x414: {  	v24 =	vor.u32 v22, v13;
	v25 =	vor.u32 v22, v14;
	v9 =	vadd.f32 v9, v4  }
0x415: {  	v26 =	vor.u32 v22, v17;
	v22 =	vor.u32 v22, v10;
	v11 =	vadd.f32 v11, v5  }
0x416: {  	v15 =	vadd.f32 v15, v6;
	[tilespmem:v16+s18+$0x0] =	vst.idx.msk $0xffff, v9;
	v16 =	vor.u32 v23, v13  }
0x417: {  	v9 =	vadd.f32 v18, v7;
	[tilespmem:v19+s18+$0x0] =	vst.idx.msk $0xffff, v11;
	v11 =	vor.u32 v23, v14  }
0x418: {  	v18 =	vor.u32 v23, v10;
	[tilespmem:v20+s18+$0x0] =	vst.idx.msk $0xffff, v15;
	v15 =	vor.u32 v23, v17  }
0x419: {  	v13 =	vor.u32 v12, v13;
	v14 =	vor.u32 v12, v14;
	[tilespmem:v21+s18+$0x0] =	vst.idx.msk $0xffff, v9  }
0x41a: {  	v17 =	vor.u32 v12, v17;
	v9 =	vor.u32 v12, v10;
	v19 =	vld [tilespmem:s0+$0xFFFFFFC0]  }
0x41b: {  	v10 =	vld [tilespmem:s0+$0xFFFFFFD0]  }
0x41c: {  	v12 =	vld [tilespmem:s0+$0xFFFFFFE0]  }
0x41d: {  	v20 =	vld [tilespmem:s0+$0xFFFFFFF0];
	_ =	sdelay $0x1  }
0x41e: {  	v19 =	vadd.f32 v19, v4  }
0x41f: {  	v10 =	vadd.f32 v10, v5  }
0x420: {  	v12 =	vadd.f32 v12, v6;
	[tilespmem:v24+s18+$0x0] =	vst.idx.msk $0xffff, v19  }
0x421: {  	v19 =	vadd.f32 v20, v7;
	[tilespmem:v25+s18+$0x0] =	vst.idx.msk $0xffff, v10  }
0x422: {  	[tilespmem:v26+s18+$0x0] =	vst.idx.msk $0xffff, v12  }
0x423: {  	[tilespmem:v22+s18+$0x0] =	vst.idx.msk $0xffff, v19  }
0x424: {  	v10 =	vld [tilespmem:s0+$0x0]  }
0x425: {  	v12 =	vld [tilespmem:s0+$0x10]  }
0x426: {  	v19 =	vld [tilespmem:s0+$0x20]  }
0x427: {  	v20 =	vld [tilespmem:s0+$0x30];
	_ =	sdelay $0x1  }
0x428: {  	v10 =	vadd.f32 v10, v4  }
0x429: {  	v12 =	vadd.f32 v12, v5  }
0x42a: {  	v19 =	vadd.f32 v19, v6;
	[tilespmem:v16+s18+$0x0] =	vst.idx.msk $0xffff, v10  }
0x42b: {  	v10 =	vadd.f32 v20, v7;
	[tilespmem:v11+s18+$0x0] =	vst.idx.msk $0xffff, v12  }
0x42c: {  	[tilespmem:v15+s18+$0x0] =	vst.idx.msk $0xffff, v19  }
0x42d: {  	[tilespmem:v18+s18+$0x0] =	vst.idx.msk $0xffff, v10  }
0x42e: {  	v10 =	vld [tilespmem:s0+$0x40]  }
0x42f: {  	v11 =	vld [tilespmem:s0+$0x50]  }
0x430: {  	v12 =	vld [tilespmem:s0+$0x60]  }
0x431: {  	v15 =	vld [tilespmem:s0+$0x70];
	_ =	sdelay $0x1  }
.Ltmp15:
0x432: {  	v10 =	vadd.f32 v10, v4;
	(pc) =	sbr.rel @p1 .LBB2_29-.Ltmp15, $4  }
0x433: {  	v11 =	vadd.f32 v11, v5  }
0x434: {  	v12 =	vadd.f32 v12, v6;
	[tilespmem:v13+s18+$0x0] =	vst.idx.msk $0xffff, v10  }
0x435: {  	v10 =	vadd.f32 v15, v7;
	[tilespmem:v14+s18+$0x0] =	vst.idx.msk $0xffff, v11  }
0x436: {  	[tilespmem:v17+s18+$0x0] =	vst.idx.msk $0xffff, v12  }
0x437: {  	_ = 	snop  }
0x438: {  	s0 =	sshll.u32 s30, $0x12  }
0x439: {  	s0 =	sor.u32 s7, s0  }
0x43a: {  	s0 =	sshrl.u32 s0, $0x3  }
0x43b: {  	[tilespmem:v9+s18+$0x0] =	vst.idx.msk $0xffff, v10;
	s9 =	simm.s32 $0xE400;
	s5 =	sadd.s32 s2, s0  }
0x43c: {  	[hbm4b:s5+s3] =	stream.linear.scatter [tilespmem:s9], [sflag:$0x5], $0x80, $0x38;
	[tilespmem:$0x15A00] =	vst v63  }
0x43d: {  	s11 =	simm.s32 $0xE488;
	s6 =	sadd.s32 $0x10, s5  }
0x43e: {  	[hbm4b:s6+s3] =	stream.linear.scatter [tilespmem:s11], [sflag:$0x5], $0x80, $0x38;
	[tilespmem:$0x15A00] =	vst v63  }
0x43f: {  	s15 =	simm.s32 $0xE510;
	s31 =	sadd.s32 $0x20, s5  }
0x440: {  	[hbm4b:s31+s3] =	stream.linear.scatter [tilespmem:s15], [sflag:$0x5], $0x80, $0x38;
	[tilespmem:$0x15A00] =	vst v63  }
0x441: {  	s9 =	simm.s32 $0xE598;
	s11 =	sadd.s32 $0x30, s5  }
0x442: {  	[hbm4b:s11+s3] =	stream.linear.scatter [tilespmem:s9], [sflag:$0x5], $0x80, $0x38;
	[tilespmem:$0x15A00] =	vst v63  }
0x443: {  	s15 =	simm.s32 $0xE620;
	s31 =	sadd.s32 $0x40, s5  }
0x444: {  	[hbm4b:s31+s3] =	stream.linear.scatter [tilespmem:s15], [sflag:$0x5], $0x80, $0x38;
	[tilespmem:$0x15A00] =	vst v63  }
0x445: {  	s30 =	simm.s32 $0x2200;
	s9 =	simm.s32 $0xE6A8;
	s11 =	sadd.s32 $0x50, s5  }
0x446: {  	[hbm4b:s11+s3] =	stream.linear.scatter [tilespmem:s9], [sflag:$0x5], $0x80, $0x38;
	[tilespmem:$0x15A00] =	vst v63  }
0x447: {  	s0 =	simm.s32 $0x440;
	s15 =	simm.s32 $0xE730;
	s31 =	sadd.s32 $0x60, s5  }
0x448: {  	[hbm4b:s31+s3] =	stream.linear.scatter [tilespmem:s15], [sflag:$0x5], $0x80, $0x38;
	[tilespmem:$0x15A00] =	vst v63  }
0x449: {  	s11 =	simm.s32 $0xE7B8;
	s9 =	sadd.s32 $0x1000, s5;
	s15 =	sadd.s32 $0x70, s5  }
.LBB2_31:
0x44a: {  	[hbm4b:s15+s3] =	stream.linear.scatter [tilespmem:s11], [sflag:$0x5], $0x80, $0x38;
	[tilespmem:$0x15A00] =	vst v63  }
0x44b: {  	s5 =	smov.u32 s0;
	s0 =	smov.u32 s30  }
0x44c: {  	s6 =	sadd.s32 $0x1100, s30;
	s0 =	sshra.s32 s0, $0x2;
	s11 =	sadd.s32 $0xE400, s5  }
0x44d: {  	[hbm4b:s9+s3] =	stream.linear.scatter [tilespmem:s11], [sflag:$0x5], $0x80, $0x38;
	[tilespmem:$0x15A00] =	vst v63  }
0x44e: {  	p1 =	sne.s32 s30, $0x7700;
	s15 =	sadd.s32 $0x10, s9;
	s11 =	sadd.s32 $0xE488, s5  }
0x44f: {  	[hbm4b:s15+s3] =	stream.linear.scatter [tilespmem:s11], [sflag:$0x5], $0x80, $0x38;
	[tilespmem:$0x15A00] =	vst v63  }
0x450: {  	s11 =	sadd.s32 $0xE510, s5;
	s15 =	sadd.s32 $0x20, s9  }
0x451: {  	[hbm4b:s15+s3] =	stream.linear.scatter [tilespmem:s11], [sflag:$0x5], $0x80, $0x38;
	[tilespmem:$0x15A00] =	vst v63  }
0x452: {  	s11 =	sadd.s32 $0xE598, s5;
	s15 =	sadd.s32 $0x30, s9  }
0x453: {  	[hbm4b:s15+s3] =	stream.linear.scatter [tilespmem:s11], [sflag:$0x5], $0x80, $0x38;
	[tilespmem:$0x15A00] =	vst v63  }
0x454: {  	s11 =	sadd.s32 $0xE620, s5;
	s15 =	sadd.s32 $0x40, s9  }
0x455: {  	[hbm4b:s15+s3] =	stream.linear.scatter [tilespmem:s11], [sflag:$0x5], $0x80, $0x38;
	[tilespmem:$0x15A00] =	vst v63  }
.Ltmp16:
0x456: {  	s11 =	sadd.s32 $0xE6A8, s5;
	s15 =	sadd.s32 $0x50, s9;
	(pc) =	sbr.rel @p1 .LBB2_31-.Ltmp16, $4  }
0x457: {  	[hbm4b:s15+s3] =	stream.linear.scatter [tilespmem:s11], [sflag:$0x5], $0x80, $0x38;
	[tilespmem:$0x15A00] =	vst v63  }
0x458: {  	s30 =	smov.u32 s6;
	s11 =	sadd.s32 $0xE730, s5;
	s15 =	sadd.s32 $0x60, s9  }
0x459: {  	[hbm4b:s15+s3] =	stream.linear.scatter [tilespmem:s11], [sflag:$0x5], $0x80, $0x38;
	[tilespmem:$0x15A00] =	vst v63  }
0x45a: {  	s11 =	sadd.s32 $0xE7B8, s5;
	s15 =	sadd.s32 $0x70, s9;
	s9 =	sadd.s32 $0x1000, s9  }
0x45b: {  	[hbm4b:s15+s3] =	stream.linear.scatter [tilespmem:s11], [sflag:$0x5], $0x80, $0x38;
	[tilespmem:$0x15A00] =	vst v63  }
0x45c: {  	s5 =	sadd.s32 $0xE400, s0  }
0x45d: {  	[hbm4b:s9+s3] =	stream.linear.scatter [tilespmem:s5], [sflag:$0x5], $0x80, $0x38;
	[tilespmem:$0x15A00] =	vst v63  }
0x45e: {  	s31 =	sadd.s32 $0xE488, s0;
	s6 =	sadd.s32 $0x10, s9  }
0x45f: {  	[hbm4b:s6+s3] =	stream.linear.scatter [tilespmem:s31], [sflag:$0x5], $0x80, $0x38;
	[tilespmem:$0x15A00] =	vst v63  }
0x460: {  	s11 =	sadd.s32 $0xE510, s0;
	s15 =	sadd.s32 $0x20, s9  }
0x461: {  	[hbm4b:s15+s3] =	stream.linear.scatter [tilespmem:s11], [sflag:$0x5], $0x80, $0x38;
	[tilespmem:$0x15A00] =	vst v63  }
0x462: {  	s30 =	sadd.s32 $0xE598, s0;
	s31 =	sadd.s32 $0x30, s9  }
0x463: {  	[hbm4b:s31+s3] =	stream.linear.scatter [tilespmem:s30], [sflag:$0x5], $0x80, $0x38;
	[tilespmem:$0x15A00] =	vst v63  }
0x464: {  	s11 =	sadd.s32 $0xE620, s0;
	s15 =	sadd.s32 $0x40, s9  }
0x465: {  	[hbm4b:s15+s3] =	stream.linear.scatter [tilespmem:s11], [sflag:$0x5], $0x80, $0x38;
	[tilespmem:$0x15A00] =	vst v63  }
0x466: {  	s30 =	sadd.s32 $0xE6A8, s0;
	s31 =	sadd.s32 $0x50, s9  }
0x467: {  	[hbm4b:s31+s3] =	stream.linear.scatter [tilespmem:s30], [sflag:$0x5], $0x80, $0x38;
	[tilespmem:$0x15A00] =	vst v63  }
0x468: {  	s6 =	sadd.s32 $0xE730, s0;
	s11 =	sadd.s32 $0x60, s9  }
0x469: {  	[hbm4b:s11+s3] =	stream.linear.scatter [tilespmem:s6], [sflag:$0x5], $0x80, $0x38;
	[tilespmem:$0x15A00] =	vst v63  }
0x46a: {  	s15 =	sadd.s32 $0xE7B8, s0;
	s30 =	sadd.s32 $0x70, s9  }
0x46b: {  	[hbm4b:s30+s3] =	stream.linear.scatter [tilespmem:s15], [sflag:$0x5], $0x80, $0x38;
	[tilespmem:$0x15A00] =	vst v63  }
0x46c: {  	s5 =	simm.s32 @!p0 $0x8400;
	s0 =	sadd.s32 @!p0 $0x480, s1;
	s1 =	simm.s32 @!p0 $0x80  }
0x46d: {  	[tilespmem:s5], [sflag:$0x2] =	stream.indirect.gather @!p0 [hbm4b:s4+s1], $0x40, s0, s1, $0xb8;
	[tilespmem:$0x15A00] =	vst v63  }
0x46e: {  	_ =	swait.ge [sflag:s24], $0x2000  }
0x46f: {  	[sflag:s24] =	ssyncset.done $0x0  }
0x470: {  	[sflag:s24] =	ssyncadd.s32 $0xFFFFE000  }
0x471: {  	_ =	swait.ge [sflag:s25], $0x2000  }
0x472: {  	s31 =	sshll.u32 s29, $0x6;
	[sflag:s25] =	ssyncset.done $0x0  }
0x473: {  	s0 =	sand.u32 $0x3FFFFFC0, s31;
	[sflag:s25] =	ssyncadd.s32 $0xFFFFE000  }
0x474: {  	v4 =	vld [tilespmem:s0+$0x12800]  }
0x475: {  	v5 =	vld [tilespmem:s0+$0x12810]  }
0x476: {  	v6 =	vld [tilespmem:s0+$0x12820]  }
0x477: {  	v8 =	vimm.s32 $0x0;
	v7 =	vld [tilespmem:s0+$0x12830];
	s0 =	simm.s32 $0xC480  }
0x478: {  	v10 =	vand.u32 $0xFFFFFFF8, v8;
	v9 =	vld [tilespmem:s0+$0xFFFFFF80]  }
0x479: {  	v12 =	vand.u32 $0x4, v8;
	v13 =	vadd.s32 v0, v10;
	v11 =	vld [tilespmem:s0+$0xFFFFFF90]  }
0x47a: {  	v14 =	vadd.s32 v1, v10;
	v16 =	vor.u32 v12, v13;
	v15 =	vld [tilespmem:s0+$0xFFFFFFA0]  }
0x47b: {  	v17 =	vadd.s32 v2, v10;
	v19 =	vor.u32 v12, v14;
	v18 =	vld [tilespmem:s0+$0xFFFFFFB0]  }
0x47c: {  	v10 =	vadd.s32 v3, v10;
	v20 =	vor.u32 v12, v17  }
0x47d: {  	v21 =	vor.u32 v12, v10;
	v9 =	vadd.f32 v9, v4  }
0x47e: {  	v11 =	vadd.f32 v11, v5  }
0x47f: {  	v15 =	vadd.f32 v15, v6;
	[tilespmem:v16+s21+$0x0] =	vst.idx.msk $0xffff, v9  }
0x480: {  	v9 =	vadd.f32 v18, v7;
	[tilespmem:v19+s21+$0x0] =	vst.idx.msk $0xffff, v11  }
0x481: {  	[tilespmem:v20+s21+$0x0] =	vst.idx.msk $0xffff, v15  }
0x482: {  	[tilespmem:v21+s21+$0x0] =	vst.idx.msk $0xffff, v9  }
0x483: {  	v9 =	vld [tilespmem:s0+$0xFFFFFFC0]  }
0x484: {  	v11 =	vor.u32 $0x1, v12;
	v15 =	vld [tilespmem:s0+$0xFFFFFFD0]  }
0x485: {  	v53 =	vor.u32 v11, v13;
	v54 =	vld [tilespmem:s0+$0xFFFFFFE0]  }
0x486: {  	v55 =	vor.u32 v11, v14;
	v20 =	vld [tilespmem:s0+$0xFFFFFFF0]  }
0x487: {  	v56 =	vor.u32 v11, v17  }
0x488: {  	v11 =	vor.u32 v11, v10;
	v9 =	vadd.f32 v9, v4  }
0x489: {  	v15 =	vadd.f32 v15, v5  }
0x48a: {  	v18 =	vadd.f32 v54, v6;
	[tilespmem:v53+s21+$0x0] =	vst.idx.msk $0xffff, v9  }
0x48b: {  	v9 =	vadd.f32 v20, v7;
	[tilespmem:v55+s21+$0x0] =	vst.idx.msk $0xffff, v15  }
0x48c: {  	[tilespmem:v56+s21+$0x0] =	vst.idx.msk $0xffff, v18  }
0x48d: {  	[tilespmem:v11+s21+$0x0] =	vst.idx.msk $0xffff, v9  }
0x48e: {  	v9 =	vld [tilespmem:s0+$0x0]  }
0x48f: {  	v11 =	vor.u32 $0x2, v12;
	v15 =	vld [tilespmem:s0+$0x10]  }
0x490: {  	v57 =	vor.u32 v11, v13;
	v18 =	vld [tilespmem:s0+$0x20]  }
0x491: {  	v58 =	vor.u32 v11, v14;
	v59 =	vld [tilespmem:s0+$0x30]  }
0x492: {  	v60 =	vor.u32 v11, v17  }
0x493: {  	v11 =	vor.u32 v11, v10;
	v9 =	vadd.f32 v9, v4  }
0x494: {  	v15 =	vadd.f32 v15, v5  }
0x495: {  	v18 =	vadd.f32 v18, v6;
	[tilespmem:v57+s21+$0x0] =	vst.idx.msk $0xffff, v9  }
0x496: {  	v9 =	vadd.f32 v59, v7;
	[tilespmem:v58+s21+$0x0] =	vst.idx.msk $0xffff, v15  }
0x497: {  	[tilespmem:v60+s21+$0x0] =	vst.idx.msk $0xffff, v18  }
0x498: {  	[tilespmem:v11+s21+$0x0] =	vst.idx.msk $0xffff, v9  }
0x499: {  	v9 =	vld [tilespmem:s0+$0x40]  }
0x49a: {  	v11 =	vor.u32 $0x3, v12  }
0x49b: {  	v13 =	vor.u32 v11, v13  }
0x49c: {  	v61 =	vld [tilespmem:s0+$0x50]  }
0x49d: {  	v15 =	vld [tilespmem:s0+$0x60]  }
0x49e: {  	v14 =	vor.u32 v11, v14;
	v63 =	vld [tilespmem:s0+$0x70];
	v9 =	vadd.f32 v9, v4  }
0x49f: {  	v62 =	vor.u32 v11, v17  }
0x4a0: {  	[tilespmem:v13+s21+$0x0] =	vst.idx.msk $0xffff, v9;
	v9 =	vor.u32 v11, v10  }
0x4a1: {  	v12 =	vadd.f32 v61, v5  }
0x4a2: {  	v15 =	vadd.f32 v15, v6  }
0x4a3: {  	v10 =	vadd.f32 v63, v7;
	[tilespmem:v14+s21+$0x0] =	vst.idx.msk $0xffff, v12  }
0x4a4: {  	s1 =	simm.s32 $0x0;
	[tilespmem:v62+s21+$0x0] =	vst.idx.msk $0xffff, v15  }
.LBB2_33:
0x4a5: {  	s1 =	sadd.s32 $0x4, s1;
	[tilespmem:v9+s21+$0x0] =	vst.idx.msk $0xffff, v10;
	v8 =	vadd.s32 $0x4, v8;
	s0 =	sadd.s32 $0x100, s0  }
0x4a6: {  	v9 =	vld [tilespmem:s0+$0xFFFFFF80];
	v10 =	vand.u32 $0xFFFFFFF8, v8;
	p1 =	slt.u32 s1, $0x7C  }
0x4a7: {  	v12 =	vand.u32 $0x4, v8;
	v11 =	vld [tilespmem:s0+$0xFFFFFF90];
	v13 =	vadd.s32 v0, v10;
	v14 =	vadd.s32 v1, v10  }
0x4a8: {  	v17 =	vadd.s32 v2, v10;
	v10 =	vadd.s32 v3, v10;
	v15 =	vld [tilespmem:s0+$0xFFFFFFA0];
	v16 =	vor.u32 v12, v13  }
0x4a9: {  	v19 =	vor.u32 v12, v14;
	v20 =	vor.u32 v12, v17;
	v21 =	vor.u32 v12, v10;
	v18 =	vld [tilespmem:s0+$0xFFFFFFB0]  }
0x4aa: {  	v22 =	vor.u32 $0x1, v12;
	v23 =	vor.u32 $0x2, v12;
	v12 =	vor.u32 $0x3, v12  }
0x4ab: {  	v24 =	vor.u32 v22, v13;
	v25 =	vor.u32 v22, v14;
	v9 =	vadd.f32 v9, v4  }
0x4ac: {  	v26 =	vor.u32 v22, v17;
	v22 =	vor.u32 v22, v10;
	v11 =	vadd.f32 v11, v5  }
0x4ad: {  	v15 =	vadd.f32 v15, v6;
	[tilespmem:v16+s21+$0x0] =	vst.idx.msk $0xffff, v9;
	v16 =	vor.u32 v23, v13  }
0x4ae: {  	v9 =	vadd.f32 v18, v7;
	[tilespmem:v19+s21+$0x0] =	vst.idx.msk $0xffff, v11;
	v11 =	vor.u32 v23, v14  }
0x4af: {  	v18 =	vor.u32 v23, v10;
	[tilespmem:v20+s21+$0x0] =	vst.idx.msk $0xffff, v15;
	v15 =	vor.u32 v23, v17  }
0x4b0: {  	v13 =	vor.u32 v12, v13;
	v14 =	vor.u32 v12, v14;
	[tilespmem:v21+s21+$0x0] =	vst.idx.msk $0xffff, v9  }
0x4b1: {  	v17 =	vor.u32 v12, v17;
	v9 =	vor.u32 v12, v10;
	v19 =	vld [tilespmem:s0+$0xFFFFFFC0]  }
0x4b2: {  	v10 =	vld [tilespmem:s0+$0xFFFFFFD0]  }
0x4b3: {  	v12 =	vld [tilespmem:s0+$0xFFFFFFE0]  }
0x4b4: {  	v20 =	vld [tilespmem:s0+$0xFFFFFFF0];
	_ =	sdelay $0x1  }
0x4b5: {  	v19 =	vadd.f32 v19, v4  }
0x4b6: {  	v10 =	vadd.f32 v10, v5  }
0x4b7: {  	v12 =	vadd.f32 v12, v6;
	[tilespmem:v24+s21+$0x0] =	vst.idx.msk $0xffff, v19  }
0x4b8: {  	v19 =	vadd.f32 v20, v7;
	[tilespmem:v25+s21+$0x0] =	vst.idx.msk $0xffff, v10  }
0x4b9: {  	[tilespmem:v26+s21+$0x0] =	vst.idx.msk $0xffff, v12  }
0x4ba: {  	[tilespmem:v22+s21+$0x0] =	vst.idx.msk $0xffff, v19  }
0x4bb: {  	v10 =	vld [tilespmem:s0+$0x0]  }
0x4bc: {  	v12 =	vld [tilespmem:s0+$0x10]  }
0x4bd: {  	v19 =	vld [tilespmem:s0+$0x20]  }
0x4be: {  	v20 =	vld [tilespmem:s0+$0x30];
	_ =	sdelay $0x1  }
0x4bf: {  	v10 =	vadd.f32 v10, v4  }
0x4c0: {  	v12 =	vadd.f32 v12, v5  }
0x4c1: {  	v19 =	vadd.f32 v19, v6;
	[tilespmem:v16+s21+$0x0] =	vst.idx.msk $0xffff, v10  }
0x4c2: {  	v10 =	vadd.f32 v20, v7;
	[tilespmem:v11+s21+$0x0] =	vst.idx.msk $0xffff, v12  }
0x4c3: {  	[tilespmem:v15+s21+$0x0] =	vst.idx.msk $0xffff, v19  }
0x4c4: {  	[tilespmem:v18+s21+$0x0] =	vst.idx.msk $0xffff, v10  }
0x4c5: {  	v10 =	vld [tilespmem:s0+$0x40]  }
0x4c6: {  	v11 =	vld [tilespmem:s0+$0x50]  }
0x4c7: {  	v12 =	vld [tilespmem:s0+$0x60]  }
0x4c8: {  	v15 =	vld [tilespmem:s0+$0x70];
	_ =	sdelay $0x1  }
.Ltmp17:
0x4c9: {  	v10 =	vadd.f32 v10, v4;
	(pc) =	sbr.rel @p1 .LBB2_33-.Ltmp17, $4  }
0x4ca: {  	v11 =	vadd.f32 v11, v5  }
0x4cb: {  	v12 =	vadd.f32 v12, v6;
	[tilespmem:v13+s21+$0x0] =	vst.idx.msk $0xffff, v10  }
0x4cc: {  	v10 =	vadd.f32 v15, v7;
	[tilespmem:v14+s21+$0x0] =	vst.idx.msk $0xffff, v11  }
0x4cd: {  	[tilespmem:v17+s21+$0x0] =	vst.idx.msk $0xffff, v12  }
0x4ce: {  	_ = 	snop  }
0x4cf: {  	s0 =	sshll.u32 s29, $0x12  }
0x4d0: {  	s0 =	sor.u32 s7, s0  }
0x4d1: {  	s0 =	sshrl.u32 s0, $0x3  }
0x4d2: {  	[tilespmem:v9+s21+$0x0] =	vst.idx.msk $0xffff, v10;
	s15 =	simm.s32 $0x10600;
	s1 =	sadd.s32 s2, s0  }
0x4d3: {  	[hbm4b:s1+s3] =	stream.linear.scatter [tilespmem:s15], [sflag:$0x6], $0x80, $0x38;
	[tilespmem:$0x15A00] =	vst v63  }
0x4d4: {  	s29 =	simm.s32 $0x10688;
	s5 =	sadd.s32 $0x10, s1  }
0x4d5: {  	[hbm4b:s5+s3] =	stream.linear.scatter [tilespmem:s29], [sflag:$0x6], $0x80, $0x38;
	[tilespmem:$0x15A00] =	vst v63  }
0x4d6: {  	s30 =	simm.s32 $0x10710;
	s9 =	simm.s32 $0x10820;
	s31 =	sadd.s32 $0x20, s1  }
0x4d7: {  	[hbm4b:s31+s3] =	stream.linear.scatter [tilespmem:s30], [sflag:$0x6], $0x80, $0x38;
	[tilespmem:$0x15A00] =	vst v63  }
0x4d8: {  	s0 =	simm.s32 $0x440;
	s6 =	sadd.s32 $0x30, s1;
	s5 =	simm.s32 $0x10798  }
0x4d9: {  	[hbm4b:s6+s3] =	stream.linear.scatter [tilespmem:s5], [sflag:$0x6], $0x80, $0x38;
	[tilespmem:$0x15A00] =	vst v63  }
0x4da: {  	s11 =	sadd.s32 $0x40, s1;
	s15 =	simm.s32 $0x108A8;
	s29 =	sadd.s32 $0x50, s1  }
0x4db: {  	[hbm4b:s11+s3] =	stream.linear.scatter [tilespmem:s9], [sflag:$0x6], $0x80, $0x38;
	[tilespmem:$0x15A00] =	vst v63  }
0x4dc: {  	s30 =	simm.s32 $0x10930;
	s31 =	sadd.s32 $0x60, s1;
	s9 =	simm.s32 $0x2200  }
0x4dd: {  	[hbm4b:s29+s3] =	stream.linear.scatter [tilespmem:s15], [sflag:$0x6], $0x80, $0x38;
	[tilespmem:$0x15A00] =	vst v63  }
0x4de: {  	s11 =	simm.s32 $0x109B8;
	s15 =	sadd.s32 $0x70, s1;
	s1 =	sadd.s32 $0x1000, s1  }
0x4df: {  	[hbm4b:s31+s3] =	stream.linear.scatter [tilespmem:s30], [sflag:$0x6], $0x80, $0x38;
	[tilespmem:$0x15A00] =	vst v63  }
.LBB2_35:
0x4e0: {  	[hbm4b:s15+s3] =	stream.linear.scatter [tilespmem:s11], [sflag:$0x6], $0x80, $0x38;
	[tilespmem:$0x15A00] =	vst v63  }
0x4e1: {  	s5 =	smov.u32 s0;
	s0 =	smov.u32 s9  }
0x4e2: {  	s6 =	sadd.s32 $0x1100, s9;
	s0 =	sshra.s32 s0, $0x2;
	s11 =	sadd.s32 $0x10600, s5  }
0x4e3: {  	[hbm4b:s1+s3] =	stream.linear.scatter [tilespmem:s11], [sflag:$0x6], $0x80, $0x38;
	[tilespmem:$0x15A00] =	vst v63  }
0x4e4: {  	p1 =	sne.s32 s9, $0x7700;
	s9 =	sadd.s32 $0x10688, s5;
	s11 =	sadd.s32 $0x10, s1  }
0x4e5: {  	[hbm4b:s11+s3] =	stream.linear.scatter [tilespmem:s9], [sflag:$0x6], $0x80, $0x38;
	[tilespmem:$0x15A00] =	vst v63  }
0x4e6: {  	s9 =	sadd.s32 $0x10710, s5;
	s11 =	sadd.s32 $0x20, s1  }
0x4e7: {  	[hbm4b:s11+s3] =	stream.linear.scatter [tilespmem:s9], [sflag:$0x6], $0x80, $0x38;
	[tilespmem:$0x15A00] =	vst v63  }
0x4e8: {  	s9 =	sadd.s32 $0x10798, s5;
	s11 =	sadd.s32 $0x30, s1  }
0x4e9: {  	[hbm4b:s11+s3] =	stream.linear.scatter [tilespmem:s9], [sflag:$0x6], $0x80, $0x38;
	[tilespmem:$0x15A00] =	vst v63  }
0x4ea: {  	s9 =	sadd.s32 $0x10820, s5;
	s11 =	sadd.s32 $0x40, s1  }
0x4eb: {  	[hbm4b:s11+s3] =	stream.linear.scatter [tilespmem:s9], [sflag:$0x6], $0x80, $0x38;
	[tilespmem:$0x15A00] =	vst v63  }
.Ltmp18:
0x4ec: {  	s9 =	sadd.s32 $0x108A8, s5;
	s11 =	sadd.s32 $0x50, s1;
	(pc) =	sbr.rel @p1 .LBB2_35-.Ltmp18, $4  }
0x4ed: {  	[hbm4b:s11+s3] =	stream.linear.scatter [tilespmem:s9], [sflag:$0x6], $0x80, $0x38;
	[tilespmem:$0x15A00] =	vst v63  }
0x4ee: {  	s15 =	sadd.s32 $0x70, s1;
	s9 =	sadd.s32 $0x10930, s5;
	s11 =	sadd.s32 $0x60, s1  }
0x4ef: {  	[hbm4b:s11+s3] =	stream.linear.scatter [tilespmem:s9], [sflag:$0x6], $0x80, $0x38;
	[tilespmem:$0x15A00] =	vst v63  }
0x4f0: {  	s1 =	sadd.s32 $0x1000, s1;
	s11 =	sadd.s32 $0x109B8, s5;
	s9 =	smov.u32 s6  }
0x4f1: {  	[hbm4b:s15+s3] =	stream.linear.scatter [tilespmem:s11], [sflag:$0x6], $0x80, $0x38;
	[tilespmem:$0x15A00] =	vst v63  }
0x4f2: {  	s5 =	sadd.s32 $0x10600, s0  }
0x4f3: {  	[hbm4b:s1+s3] =	stream.linear.scatter [tilespmem:s5], [sflag:$0x6], $0x80, $0x38;
	[tilespmem:$0x15A00] =	vst v63  }
0x4f4: {  	s31 =	sadd.s32 $0x10688, s0;
	s6 =	sadd.s32 $0x10, s1  }
0x4f5: {  	[hbm4b:s6+s3] =	stream.linear.scatter [tilespmem:s31], [sflag:$0x6], $0x80, $0x38;
	[tilespmem:$0x15A00] =	vst v63  }
0x4f6: {  	s9 =	sadd.s32 $0x10710, s0;
	s11 =	sadd.s32 $0x20, s1  }
0x4f7: {  	[hbm4b:s11+s3] =	stream.linear.scatter [tilespmem:s9], [sflag:$0x6], $0x80, $0x38;
	[tilespmem:$0x15A00] =	vst v63  }
0x4f8: {  	s15 =	sadd.s32 $0x10798, s0;
	s29 =	sadd.s32 $0x30, s1  }
0x4f9: {  	[hbm4b:s29+s3] =	stream.linear.scatter [tilespmem:s15], [sflag:$0x6], $0x80, $0x38;
	[tilespmem:$0x15A00] =	vst v63  }
0x4fa: {  	s30 =	sadd.s32 $0x10820, s0;
	s31 =	sadd.s32 $0x40, s1  }
0x4fb: {  	[hbm4b:s31+s3] =	stream.linear.scatter [tilespmem:s30], [sflag:$0x6], $0x80, $0x38;
	[tilespmem:$0x15A00] =	vst v63  }
0x4fc: {  	s9 =	sadd.s32 $0x108A8, s0;
	s11 =	sadd.s32 $0x50, s1  }
0x4fd: {  	[hbm4b:s11+s3] =	stream.linear.scatter [tilespmem:s9], [sflag:$0x6], $0x80, $0x38;
	[tilespmem:$0x15A00] =	vst v63  }
.Ltmp19:
0x4fe: {  	_ = 	snop;
	(pc) =	sbr.rel @p0 .LBB2_38-.Ltmp19, $4  }
0x4ff: {  	s15 =	sadd.s32 $0x10930, s0;
	s29 =	sadd.s32 $0x60, s1  }
0x500: {  	[hbm4b:s29+s3] =	stream.linear.scatter [tilespmem:s15], [sflag:$0x6], $0x80, $0x38;
	[tilespmem:$0x15A00] =	vst v63  }
0x501: {  	s30 =	sadd.s32 $0x109B8, s0;
	s31 =	sadd.s32 $0x70, s1  }
0x502: {  	[hbm4b:s31+s3] =	stream.linear.scatter [tilespmem:s30], [sflag:$0x6], $0x80, $0x38;
	[tilespmem:$0x15A00] =	vst v63  }
.Ltmp20:
0x503: {  	(pc) =	sbr.rel .LBB2_4-.Ltmp20, $4  }
0x504: {  	s0 =	sshll.u32 s28, $0xA  }
0x505: {  	s0 =	sand.u32 $0x3FFFFC00, s0  }
0x506: {  	s28 =	sadd.s32 $0x1, s28;
	s0 =	sadd.s32 $0x500, s0  }
0x507: {  	[tilespmem:s16], [sflag:$0x3] =	stream.indirect.gather [hbm4b:s4+s12], $0x40, s0, s12, $0xb8;
	[tilespmem:$0x15A00] =	vst v63  }
.LBB2_39:
0x508: {  	_ =	sfence.sel $0x180000  }
0x509: {  	[bflag:$0x0] =	sbarrier.arrive $0xFFFF  }
0x50a: {  	_ =	strace $0x90000047  }
0x50b: {  	s0 =	stileid.u32;
	[bflag:$0x2] =	sbarrier.arrive $0xFFFF  }
0x50c: {  	p0 =	sne.s32 s0, $0x0;
	s0 =	rddreg [dreg:$0x2]  }
0x50d: {  	s0 =	sadd.s32 @!p0 $0x100000, s0  }
0x50e: {  	[sflag:s0] =	ssyncadd.tile.s32 @!p0 $0x1;
	_ =	shalt  }
.Lfunc_end2:
_tile_overlayer_lowered:
.L_overlay_start_2:
0x50f: {  	(tag) =	ssettag $0x2  }
0x510: {  	s0 =	rddreg [dreg:$0x0];
	s2 =	stileid.u32  }
0x511: {  	s1 =	rddreg [dreg:$0x1];
	p0 =	sne.s32 s2, $0x0  }
0x512: {  	s3 =	rddreg [dreg:$0x2];
	[bflag:$0x3] =	sbarrier.arrive $0xFFFF;
	s2 =	simm.s32 @!p0 $0x1C07  }
0x513: {  	[timem:s3], [sflag:s2] =	dma.local @!p0 [hbm:s0], s1  }
0x514: {  	s0 =	simm.s32 @!p0 $0x7  }
0x515: {  	_ =	swait.ge @!p0 [sflag:s0], s1  }
0x516: {  	s1 =	ssub.s32 @!p0 $0x0, s1;
	[sflag:s0] =	ssyncset.done @!p0 $0x0  }
0x517: {  	[sflag:s0] =	ssyncadd.s32 @!p0 s1  }
0x518: {  	[bflag:$0x3] =	sbarrier.arrive $0xFFFF  }
0x519: {  	_ =	shalt  }

</sc_bundles>
